<compile_context>
chip_gen: v7x
topology: tpu7x:2x2x1
jax: 0.10.2.dev20260603
libtpu: 0.0.44.dev20260713+nightly
codegen_flags: <defaults>
</compile_context>

<pallas_src>
import functools

import jax
import jax.numpy as jnp
from jax import lax
from jax.experimental import pallas as pl
from jax.experimental.pallas import tpu as pltpu
from jax.experimental.pallas import tpu_sc as plsc

NS = 16
NW = 32
LCAP = 12288
ECH = 2048
GCH = 128
NEG = -1e30


def _lane0():
    return lax.iota(jnp.int32, 16) == 0


def _sget(ref, i):
    return ref[pl.ds(i, 16)][0]


def _sput(ref, i, val):
    plsc.store_scatter(ref, [jnp.full((16,), i, jnp.int32)],
                       jnp.full((16,), val), mask=_lane0())


def _mesh():
    return plsc.VectorSubcoreMesh(core_axis_name="c", subcore_axis_name="s")


def _sc_params():
    return pltpu.CompilerParams(needs_layout_passes=False)


def _make_k1(n, npad, npart, ep):
    g1 = 64

    @functools.partial(
        pl.kernel,
        mesh=_mesh(),
        compiler_params=_sc_params(),
        out_type=[
            jax.ShapeDtypeStruct((npad, 128), jnp.float32),
            jax.ShapeDtypeStruct((NW, LCAP), jnp.int32),
            jax.ShapeDtypeStruct((NW, LCAP), jnp.int32),
            jax.ShapeDtypeStruct((NW, 16), jnp.int32),
        ],
        scratch_types=[
            pltpu.VMEM((LCAP,), jnp.int32),
            pltpu.VMEM((LCAP,), jnp.int32),
            pltpu.VMEM((npart + 1, 128), jnp.float32),
            pltpu.VMEM((npart + 1, 128), jnp.float32),
            pltpu.VMEM((g1, 128), jnp.float32),
            pltpu.VMEM((g1, 128), jnp.float32),
            pltpu.VMEM((ECH,), jnp.int32),
            pltpu.VMEM((ECH,), jnp.int32),
            pltpu.VMEM((16,), jnp.int32),
            pltpu.SemaphoreType.DMA,
            pltpu.SemaphoreType.DMA,
        ],
    )
    def k1(x_hbm, dst_hbm, src_hbm, xq_hbm, srcl_hbm, ldstl_hbm, cnt_hbm,
           srcs_v, ldst_v, acc_a, acc_b, rows_a, rows_b, dstc_v, srcc_v,
           cnt16_v, sem_a, sem_b):
        wid = lax.axis_index("c") * NS + lax.axis_index("s")
        base = wid * npart
        nvalid = jnp.clip(n - base, 0, npart)

        def zbody(i, _):
            srcs_v[pl.ds(i * 16, 16)] = jnp.zeros((16,), jnp.int32)
            ldst_v[pl.ds(i * 16, 16)] = jnp.zeros((16,), jnp.int32)
            return 0
        lax.fori_loop(0, LCAP // 16, zbody, 0)

        def sbody(i, _):
            idx16 = i * 16 + lax.iota(jnp.int32, 16)
            srcs_v[pl.ds(i * 16, 16)] = base + idx16
            ldst_v[pl.ds(i * 16, 16)] = idx16
            return 0
        lax.fori_loop(0, npart // 16, sbody, 0)

        def chunk(ci, off):
            pltpu.sync_copy(dst_hbm.at[pl.ds(ci * ECH, ECH)], dstc_v)
            pltpu.sync_copy(src_hbm.at[pl.ds(ci * ECH, ECH)], srcc_v)

            def inner(j, off):
                ds_ = [pl.ds((j * 4 + k) * 16, 16) for k in range(4)]
                dd = [dstc_v[s] for s in ds_]
                mm = [(d >= base) & (d < base + npart) for d in dd]
                cc = [plsc.all_reduce_population_count(m)[0] for m in mm]
                offs = [off]
                for k in range(3):
                    offs.append(offs[k] + cc[k])
                for k in range(4):
                    offc = jnp.minimum(offs[k], LCAP - 16)
                    plsc.store_compressed(srcs_v.at[pl.ds(offc, 16)],
                                          srcc_v[ds_[k]], mask=mm[k])
                    plsc.store_compressed(ldst_v.at[pl.ds(offc, 16)],
                                          dd[k] - base, mask=mm[k])
                return offs[3] + cc[3]
            return lax.fori_loop(0, ECH // 64, inner, off)
        count = lax.fori_loop(0, ep // ECH, chunk, nvalid)
        count = jnp.minimum(count, LCAP - 384)

        iota16 = lax.iota(jnp.int32, 16)

        def tbody(i, _):
            p16 = (count // 16) * 16 + i * 16 + iota16
            plsc.store_scatter(ldst_v, [p16], jnp.full((16,), npart, jnp.int32),
                               mask=p16 >= count)
            return 0
        lax.fori_loop(0, 17, tbody, 0)

        cnt16_v[pl.ds(0, 16)] = jnp.full((16,), count, jnp.int32)
        pltpu.sync_copy(cnt16_v, cnt_hbm.at[wid])
        pltpu.sync_copy(srcs_v, srcl_hbm.at[wid])
        pltpu.sync_copy(ldst_v, ldstl_hbm.at[wid])

        def ibody(r, _):
            for cb in range(8):
                neg = jnp.full((16,), NEG, jnp.float32)
                acc_a[r, pl.ds(cb * 16, 16)] = neg
                acc_b[r, pl.ds(cb * 16, 16)] = neg
            return 0
        lax.fori_loop(0, npart + 1, ibody, 0)

        nchunks = (count + g1 - 1) // g1
        nch2 = (nchunks + 1) // 2

        def issue(g, buf, s):
            return pltpu.async_copy(x_hbm.at[srcs_v.at[pl.ds(g * g1, g1)]],
                                    buf, s)

        def rmw(g, rows_v):
            def ebody(j, _):
                e = g * g1 + 2 * j
                ld0 = _sget(ldst_v, e)
                ld1 = _sget(ldst_v, e + 1)
                a0 = acc_a.at[ld0]
                a1 = acc_b.at[ld1]
                r0 = rows_v.at[2 * j]
                r1 = rows_v.at[2 * j + 1]
                av0 = [a0[pl.ds(cb * 16, 16)] for cb in range(8)]
                rv0 = [r0[pl.ds(cb * 16, 16)] for cb in range(8)]
                av1 = [a1[pl.ds(cb * 16, 16)] for cb in range(8)]
                rv1 = [r1[pl.ds(cb * 16, 16)] for cb in range(8)]
                for cb in range(8):
                    a0[pl.ds(cb * 16, 16)] = jnp.maximum(av0[cb], rv0[cb])
                    a1[pl.ds(cb * 16, 16)] = jnp.maximum(av1[cb], rv1[cb])
                return 0
            lax.fori_loop(0, g1 // 2, ebody, 0)

        issue(0, rows_a, sem_a)

        def wait_for(buf, s):
            pltpu.make_async_copy(x_hbm.at[pl.ds(0, g1)], buf, s).wait()

        def gbody2(g2, _):
            issue(2 * g2 + 1, rows_b, sem_b)
            wait_for(rows_a, sem_a)
            rmw(2 * g2, rows_a)
            issue(2 * g2 + 2, rows_a, sem_a)
            wait_for(rows_b, sem_b)
            rmw(2 * g2 + 1, rows_b)
            return 0
        lax.fori_loop(0, nch2, gbody2, 0)
        wait_for(rows_a, sem_a)

        def mbody(r, _):
            for cb in range(8):
                sl = pl.ds(cb * 16, 16)
                acc_a[r, sl] = jnp.maximum(acc_a[r, sl], acc_b[r, sl])
            return 0
        lax.fori_loop(0, npart, mbody, 0)

        pltpu.sync_copy(acc_a.at[pl.ds(0, npart)], xq_hbm.at[pl.ds(base, npart)])

    return k1


def _make_k2(npad, npart):
    nacc = npart + 32

    @functools.partial(
        pl.kernel,
        mesh=_mesh(),
        compiler_params=_sc_params(),
        out_type=[
            jax.ShapeDtypeStruct((npad, 128), jnp.float32),
            jax.ShapeDtypeStruct((npad,), jnp.float32),
        ],
        scratch_types=[
            pltpu.VMEM((LCAP,), jnp.int32),
            pltpu.VMEM((LCAP,), jnp.int32),
            pltpu.VMEM((LCAP,), jnp.float32),
            pltpu.VMEM_SHARED((NS * (npart + 1), 128), jnp.float32),
            pltpu.VMEM((LCAP // GCH, GCH), jnp.int32),
            pltpu.VMEM((GCH, 128), jnp.float32),
            pltpu.VMEM((npad,), jnp.float32),
            pltpu.VMEM((npart + 16,), jnp.float32),
            pltpu.VMEM((nacc,), jnp.float32),
            pltpu.VMEM((nacc,), jnp.float32),
            pltpu.VMEM((16,), jnp.int32),
            pltpu.SemaphoreType.DMA,
        ],
    )
    def k2(x_hbm, srcl_hbm, ldstl_hbm, cnt_hbm, ps_hbm, qd_hbm,
           xnew_hbm, deg_hbm,
           srcs_v, ldst_v, t_v, acc_sh, ldsg_v, rows_a, ps_v, qd_v,
           den_v, deg_v, cnt16_v, sem_ga):
        sid = lax.axis_index("s")
        wid = lax.axis_index("c") * NS + sid
        base = wid * npart
        sbase = sid * (npart + 1)

        pltpu.sync_copy(srcl_hbm.at[wid], srcs_v)
        pltpu.sync_copy(ldstl_hbm.at[wid], ldst_v)
        pltpu.sync_copy(cnt_hbm.at[wid], cnt16_v)
        count = cnt16_v[pl.ds(0, 16)][0]
        pltpu.sync_copy(ps_hbm, ps_v)
        pltpu.sync_copy(qd_hbm.at[pl.ds(base, npart)], qd_v.at[pl.ds(0, npart)])

        def initn(i, _):
            sl = pl.ds(i * 16, 16)
            den_v[sl] = jnp.zeros((16,), jnp.float32)
            deg_v[sl] = jnp.zeros((16,), jnp.float32)
            return 0
        lax.fori_loop(0, nacc // 16, initn, 0)

        ng16 = (count + 15) // 16
        ones16 = jnp.ones((16,), jnp.float32)
        iota16 = lax.iota(jnp.int32, 16)

        def pa(i, _):
            sl = pl.ds(i * 16, 16)
            idx = ldst_v[sl]
            q = plsc.load_gather(qd_v, [idx])
            p = plsc.load_gather(ps_v, [srcs_v[sl]])
            t = q + p
            w = jnp.exp(jnp.where(t > 0, t, 0.2 * t))
            t_v[sl] = w
            m = (i * 16 + iota16) < count
            plsc.addupdate_scatter(den_v, [idx], w, mask=m)
            plsc.addupdate_scatter(deg_v, [idx], ones16, mask=m)
            return 0
        lax.fori_loop(0, ng16, pa, 0)

        def pe(i, _):
            sl = pl.ds(i * 16, 16)
            den = plsc.load_gather(den_v, [ldst_v[sl]])
            t_v[sl] = t_v[sl] / (den + 1e-16)
            return 0
        lax.fori_loop(0, ng16, pe, 0)

        nchunks = (count + GCH - 1) // GCH

        def izero(r, _):
            for cb in range(8):
                rows_a[r, pl.ds(cb * 16, 16)] = jnp.zeros((16,), jnp.float32)
            return 0
        lax.fori_loop(0, GCH, izero, 0)
        zoff = 0
        while zoff < npart + 1:
            zlen = min(GCH, npart + 1 - zoff)
            pltpu.sync_copy(rows_a.at[pl.ds(0, zlen)],
                            acc_sh.at[pl.ds(sbase + zoff, zlen)])
            zoff += zlen

        nch2 = (nchunks + 1) // 2
        nchunks_e = 2 * nch2

        gpr = GCH // 16

        def gidx(i, _):
            q = i // gpr
            r = i % gpr
            ldsg_v[q, pl.ds(r * 16, 16)] = ldst_v[pl.ds(i * 16, 16)] + sbase
            return 0
        lax.fori_loop(0, nchunks_e * gpr, gidx, 0)

        def issue_g(g, buf, s):
            pltpu.async_copy(x_hbm.at[srcs_v.at[pl.ds(g * GCH, GCH)]], buf, s)

        def wait_g(buf, s):
            pltpu.make_async_copy(x_hbm.at[pl.ds(0, GCH)], buf, s).wait()

        def issue_s(g, buf, s):
            pltpu.async_copy(buf, acc_sh.at[ldsg_v.at[g]], s, add=True)

        def wait_s(buf, s):
            pltpu.make_async_copy(buf, acc_sh.at[pl.ds(sbase, GCH)], s).wait()

        def scale(g, rows_v):
            def ebody(j, _):
                e = g * GCH + 2 * j
                w0 = _sget(t_v, e)
                w1 = _sget(t_v, e + 1)
                r0 = rows_v.at[2 * j]
                r1 = rows_v.at[2 * j + 1]
                rv0 = [r0[pl.ds(cb * 16, 16)] for cb in range(8)]
                rv1 = [r1[pl.ds(cb * 16, 16)] for cb in range(8)]
                for cb in range(8):
                    r0[pl.ds(cb * 16, 16)] = rv0[cb] * w0
                    r1[pl.ds(cb * 16, 16)] = rv1[cb] * w1
                return 0
            lax.fori_loop(0, GCH // 2, ebody, 0)

        def gbody(g, _):
            issue_g(g, rows_a, sem_ga)
            wait_g(rows_a, sem_ga)
            scale(g, rows_a)
            issue_s(g, rows_a, sem_ga)
            wait_s(rows_a, sem_ga)
            return 0
        lax.fori_loop(0, nchunks, gbody, 0)

        pltpu.sync_copy(acc_sh.at[pl.ds(sbase, npart)],
                        xnew_hbm.at[pl.ds(base, npart)])
        pltpu.sync_copy(deg_v.at[pl.ds(0, npart)], deg_hbm.at[pl.ds(base, npart)])

    return k2


def _make_k3(npad, npart):
    nacc = npart + 32

    @functools.partial(
        pl.kernel,
        mesh=_mesh(),
        compiler_params=_sc_params(),
        out_type=jax.ShapeDtypeStruct((npad,), jnp.float32),
        scratch_types=[
            pltpu.VMEM((LCAP,), jnp.int32),
            pltpu.VMEM((LCAP,), jnp.int32),
            pltpu.VMEM((npad,), jnp.float32),
            pltpu.VMEM((nacc,), jnp.float32),
            pltpu.VMEM((16,), jnp.int32),
        ],
    )
    def k3(a_hbm, srcl_hbm, ldstl_hbm, cnt_hbm, agg_hbm,
           srcs_v, ldst_v, a_v, agg_v, cnt16_v):
        wid = lax.axis_index("c") * NS + lax.axis_index("s")
        base = wid * npart

        pltpu.sync_copy(srcl_hbm.at[wid], srcs_v)
        pltpu.sync_copy(ldstl_hbm.at[wid], ldst_v)
        pltpu.sync_copy(cnt_hbm.at[wid], cnt16_v)
        count = cnt16_v[pl.ds(0, 16)][0]
        pltpu.sync_copy(a_hbm, a_v)

        def initn(i, _):
            agg_v[pl.ds(i * 16, 16)] = jnp.zeros((16,), jnp.float32)
            return 0
        lax.fori_loop(0, nacc // 16, initn, 0)

        ng16 = (count + 15) // 16
        iota16 = lax.iota(jnp.int32, 16)

        def pa(i, _):
            sl = pl.ds(i * 16, 16)
            vals = plsc.load_gather(a_v, [srcs_v[sl]])
            m = (i * 16 + iota16) < count
            plsc.addupdate_scatter(agg_v, [ldst_v[sl]], vals, mask=m)
            return 0
        lax.fori_loop(0, ng16, pa, 0)

        pltpu.sync_copy(agg_v.at[pl.ds(0, npart)], agg_hbm.at[pl.ds(base, npart)])

    return k3


def _tc_ps(x_ref, watt_ref, ps_ref):
    wa2 = watt_ref[0, 128:256]
    ps_ref[...] = jnp.sum(x_ref[...] * wa2[None, :], axis=1)


def _tc_qd(xq_ref, wlin_ref, watt_ref, blin_ref, batt_ref, qd_ref):
    wa1 = watt_ref[0, 0:128]
    u = jnp.sum(wa1[:, None] * wlin_ref[...], axis=0)
    c0 = jnp.sum(blin_ref[...] * wa1) + batt_ref[0]
    qd_ref[...] = jnp.sum(xq_ref[...] * u[None, :], axis=1) + c0


def _tc_abc(xn_ref, deg_ref, w1_ref, b1_ref, w2_ref, w3_ref, b3_ref,
            a_ref, cfit_ref):
    xn = xn_ref[...]
    a_ref[...] = jnp.sum(xn * w1_ref[0][None, :], axis=1) + b1_ref[0]
    bv = jnp.sum(xn * w2_ref[0][None, :], axis=1)
    w3v = jnp.sum(xn * w3_ref[0][None, :], axis=1)
    cfit_ref[...] = w3v + b3_ref[0] - deg_ref[...] * bv


def _tc_fin(xn_ref, agg_ref, cfit_ref, out_ref, s_ref):
    s = jax.nn.sigmoid(agg_ref[...] + cfit_ref[...])
    s_ref[...] = s
    out_ref[...] = xn_ref[...] * s[:, None]


def kernel(x, edge_index, W_lin, b_lin, W_att, b_att, W1, b1, W2, W3, b3):
    n, c = x.shape
    assert c == 128
    npart = ((n + NW - 1) // NW + 7) // 8 * 8
    npad = npart * NW
    e = edge_index.shape[1]
    ep = (e + ECH - 1) // ECH * ECH

    x_pad = jnp.concatenate([x, jnp.zeros((npad - n, c), x.dtype)], axis=0)
    src = edge_index[0].astype(jnp.int32)
    dst = edge_index[1].astype(jnp.int32)
    if ep != e:
        pad = jnp.full((ep - e,), -1, jnp.int32)
        src = jnp.concatenate([src, jnp.zeros((ep - e,), jnp.int32)])
        dst = jnp.concatenate([dst, pad])

    ps = pl.pallas_call(
        _tc_ps,
        out_shape=jax.ShapeDtypeStruct((npad,), jnp.float32),
    )(x_pad, W_att)

    xq, srcl, ldstl, cnts = _make_k1(n, npad, npart, ep)(x_pad, dst, src)

    qd = pl.pallas_call(
        _tc_qd,
        out_shape=jax.ShapeDtypeStruct((npad,), jnp.float32),
    )(xq, W_lin, W_att, b_lin, b_att)

    xnew, deg = _make_k2(npad, npart)(x_pad, srcl, ldstl, cnts, ps, qd)

    a, cfit = pl.pallas_call(
        _tc_abc,
        out_shape=(
            jax.ShapeDtypeStruct((npad,), jnp.float32),
            jax.ShapeDtypeStruct((npad,), jnp.float32),
        ),
    )(xnew, deg, W1, b1, W2, W3, b3)

    agg = _make_k3(npad, npart)(a, srcl, ldstl, cnts)

    out, s = pl.pallas_call(
        _tc_fin,
        out_shape=(
            jax.ShapeDtypeStruct((npad, 128), jnp.float32),
            jax.ShapeDtypeStruct((npad,), jnp.float32),
        ),
    )(xnew, agg, cfit)

    return (out[:n], s[:n])

# --- scband reference (transcript-rebuilt; emitter-appended) ---
"""Pipeline reference for scband-asascorer-14044543057997 (READ-ONLY COPY).

The authoritative reference and input builder live on the scoring server;
editing this copy changes nothing except your own understanding.
"""

import jax, jax.numpy as jnp
import numpy as np

N = 10000
E = 320000
C = 128


def setup_inputs(seed: int = 0) -> dict:
    key = jax.random.key(seed)
    ks = jax.random.split(key, 12)
    x = jax.random.normal(ks[0], (N, C), dtype=jnp.float32)
    # edges guaranteed to have no self loops (matches add_remaining_self_loops semantics)
    src = jax.random.randint(ks[1], (E,), 0, N)
    off = jax.random.randint(ks[2], (E,), 1, N)
    dst = (src + off) % N
    edge_index = jnp.stack([src, dst], axis=0)
    s1 = 1.0 / np.sqrt(C)
    s2 = 1.0 / np.sqrt(2 * C)
    W_lin = jax.random.uniform(ks[3], (C, C), minval=-s1, maxval=s1, dtype=jnp.float32)
    b_lin = jax.random.uniform(ks[4], (C,), minval=-s1, maxval=s1, dtype=jnp.float32)
    W_att = jax.random.uniform(ks[5], (1, 2 * C), minval=-s2, maxval=s2, dtype=jnp.float32)
    b_att = jax.random.uniform(ks[6], (1,), minval=-s2, maxval=s2, dtype=jnp.float32)
    W1 = jax.random.uniform(ks[7], (1, C), minval=-s1, maxval=s1, dtype=jnp.float32)
    b1 = jax.random.uniform(ks[8], (1,), minval=-s1, maxval=s1, dtype=jnp.float32)
    W2 = jax.random.uniform(ks[9], (1, C), minval=-s1, maxval=s1, dtype=jnp.float32)
    W3 = jax.random.uniform(ks[10], (1, C), minval=-s1, maxval=s1, dtype=jnp.float32)
    b3 = jax.random.uniform(ks[11], (1,), minval=-s1, maxval=s1, dtype=jnp.float32)
    return {"x": x, "edge_index": edge_index, "W_lin": W_lin, "b_lin": b_lin,
            "W_att": W_att, "b_att": b_att, "W1": W1, "b1": b1, "W2": W2,
            "W3": W3, "b3": b3}


def reference(x, edge_index, W_lin, b_lin, W_att, b_att, W1, b1, W2, W3, b3):
    num_nodes = x.shape[0]
    loops = jnp.arange(num_nodes, dtype=edge_index.dtype)
    ei = jnp.concatenate([edge_index, jnp.stack([loops, loops], axis=0)], axis=1)
    src, dst = ei[0], ei[1]
    # attention-based pooling score
    x_pool_j = x[src]
    x_q = jax.ops.segment_max(x_pool_j, dst, num_segments=num_nodes)
    x_q = (x_q @ W_lin.T + b_lin)[dst]
    score = (jnp.concatenate([x_q, x_pool_j], axis=-1) @ W_att.T + b_att).reshape(-1)
    score = jnp.where(score > 0, score, 0.2 * score)  # leaky_relu(0.2)
    smax = jax.ops.segment_max(score, dst, num_segments=num_nodes)
    score = jnp.exp(score - smax[dst])
    denom = jax.ops.segment_sum(score, dst, num_segments=num_nodes)
    score = score / (denom[dst] + 1e-16)
    # dropout p=0.0 -> identity
    v_j = x[src] * score[:, None]
    x_new = jax.ops.segment_sum(v_j, dst, num_segments=num_nodes)
    # LEConv(in_channels=C, out_channels=1):
    # out_i = sum_{j->i} (lin1(x_j) - lin2(x_i)) + lin3(x_i)
    a = x_new @ W1.T + b1
    b = x_new @ W2.T
    msg = a[src] - b[dst]
    agg = jax.ops.segment_sum(msg, dst, num_segments=num_nodes)
    fitness = agg + x_new @ W3.T + b3
    s = jax.nn.sigmoid(fitness)
    return (x_new * s, s.reshape(-1))

if __name__ == "__main__":
    import jax
    _d = setup_inputs()
    print(jax.jit(kernel)(*tuple(_d.values())))

</pallas_src>

<mosaic_0001>
#map = affine_map<(d0, d1) -> (0, 0)>
#map1 = affine_map<(d0, d1) -> (0)>
module attributes {stable_mosaic.version = 14 : i64} {
  func.func @k1(%arg0: i32, %arg1: i32, %arg2: memref<10240x128xf32, #tpu.memory_space<hbm>>, %arg3: memref<321536xi32, #tpu.memory_space<hbm>>, %arg4: memref<321536xi32, #tpu.memory_space<hbm>>, %arg5: memref<10240x128xf32, #tpu.memory_space<hbm>>, %arg6: memref<32x12288xi32, #tpu.memory_space<hbm>>, %arg7: memref<32x12288xi32, #tpu.memory_space<hbm>>, %arg8: memref<32x16xi32, #tpu.memory_space<hbm>>, %arg9: memref<12288xi32, #tpu.memory_space<vmem>>, %arg10: memref<12288xi32, #tpu.memory_space<vmem>>, %arg11: memref<321x128xf32, #tpu.memory_space<vmem>>, %arg12: memref<321x128xf32, #tpu.memory_space<vmem>>, %arg13: memref<64x128xf32, #tpu.memory_space<vmem>>, %arg14: memref<64x128xf32, #tpu.memory_space<vmem>>, %arg15: memref<2048xi32, #tpu.memory_space<vmem>>, %arg16: memref<2048xi32, #tpu.memory_space<vmem>>, %arg17: memref<16xi32, #tpu.memory_space<vmem>>, %arg18: memref<!tpu.dma_semaphore, #tpu.memory_space<semaphore_mem>>, %arg19: memref<!tpu.dma_semaphore, #tpu.memory_space<semaphore_mem>>) attributes {dimension_semantics = [#tpu.dimension_semantics<core_parallel>, #tpu.dimension_semantics<subcore_parallel>], iteration_bounds = array<i64: 2, 16>, scalar_prefetch = 0 : i64, scratch_operands = 11 : i64, tpu.core_type = #tpu.core_type<sc_vector_subcore>, window_params = [{transform_indices = #map}, {transform_indices = #map1}, {transform_indices = #map1}, {transform_indices = #map}, {transform_indices = #map}, {transform_indices = #map}, {transform_indices = #map}]} {
    %mul3A = arith.constant 16 : i32
    %mul3A_0 = arith.muli %arg0, %mul3A : i32
    %add3A = arith.addi %mul3A_0, %arg1 : i32
    %mul3A_1 = arith.constant 320 : i32
    %mul3A_2 = arith.muli %add3A, %mul3A_1 : i32
    %sub3A = arith.constant 10000 : i32
    %sub3A_3 = arith.subi %sub3A, %mul3A_2 : i32
    %jit3A = arith.constant 0 : i32
    %jit3A_4 = arith.constant 320 : i32
    %max3A = arith.maxsi %jit3A, %sub3A_3 : i32
    %min3A = arith.minsi %jit3A_4, %max3A : i32
    %scan3A = arith.constant 0 : i32
    %scan3A_5 = arith.constant 0 : i32
    %scan3A_6 = arith.constant 768 : i32
    %scan3A_7 = arith.addi %scan3A_5, %scan3A_6 : i32
    %scan3A_8 = arith.constant 1 : i32
    %scan3A_9 = scf.for %scan3A_116 = %scan3A_5 to %scan3A_7 step %scan3A_8 iter_args(%scan3A_117 = %scan3A) -> (i32)  : i32 {
      %broadcast_in_dim3A_118 = arith.constant 0 : i32
      %broadcast_in_dim3A_119 = vector.broadcast %broadcast_in_dim3A_118 : i32 to vector<16xi32>
      %mul3A_120 = arith.constant 16 : i32
      %mul3A_121 = arith.muli %scan3A_116, %mul3A_120 : i32
      %swap3A_122 = arith.index_cast %mul3A_121 : i32 to index
      %swap3A_123 = tpu.vector_load %arg9[%swap3A_122] {strides = array<i32>} : memref<12288xi32, #tpu.memory_space<vmem>>, vector<16xi32>,
      tpu.vector_store %arg9[%swap3A_122], %broadcast_in_dim3A_119 {strides = array<i32>} : memref<12288xi32, #tpu.memory_space<vmem>>, vector<16xi32>,
      %broadcast_in_dim3A_124 = arith.constant 0 : i32
      %broadcast_in_dim3A_125 = vector.broadcast %broadcast_in_dim3A_124 : i32 to vector<16xi32>
      %mul3A_126 = arith.constant 16 : i32
      %mul3A_127 = arith.muli %scan3A_116, %mul3A_126 : i32
      %swap3A_128 = arith.index_cast %mul3A_127 : i32 to index
      %swap3A_129 = tpu.vector_load %arg10[%swap3A_128] {strides = array<i32>} : memref<12288xi32, #tpu.memory_space<vmem>>, vector<16xi32>,
      tpu.vector_store %arg10[%swap3A_128], %broadcast_in_dim3A_125 {strides = array<i32>} : memref<12288xi32, #tpu.memory_space<vmem>>, vector<16xi32>,
      %scan3A_130 = arith.constant 0 : i32
      scf.yield %scan3A_130 : i32
    }
    %scan3A_10 = arith.constant 768 : i32
    %scan3A_11 = arith.constant 0 : i32
    %scan3A_12 = arith.constant 0 : i32
    %scan3A_13 = arith.constant 20 : i32
    %scan3A_14 = arith.addi %scan3A_12, %scan3A_13 : i32
    %scan3A_15 = arith.constant 1 : i32
    %scan3A_16 = scf.for %scan3A_116 = %scan3A_12 to %scan3A_14 step %scan3A_15 iter_args(%scan3A_117 = %scan3A_11) -> (i32)  : i32 {
      %mul3A_118 = arith.constant 16 : i32
      %mul3A_119 = arith.muli %scan3A_116, %mul3A_118 : i32
      %iota3A_120 = tpu.iota {dimensions = array<i32: 0>} : vector<16xi32>
      %add3A_121 = vector.broadcast %mul3A_119 : i32 to vector<16xi32>
      %add3A_122 = arith.addi %add3A_121, %iota3A_120 : vector<16xi32>
      %add3A_123 = vector.broadcast %mul3A_2 : i32 to vector<16xi32>
      %add3A_124 = arith.addi %add3A_123, %add3A_122 : vector<16xi32>
      %mul3A_125 = arith.constant 16 : i32
      %mul3A_126 = arith.muli %scan3A_116, %mul3A_125 : i32
      %swap3A_127 = arith.index_cast %mul3A_126 : i32 to index
      %swap3A_128 = tpu.vector_load %arg9[%swap3A_127] {strides = array<i32>} : memref<12288xi32, #tpu.memory_space<vmem>>, vector<16xi32>,
      tpu.vector_store %arg9[%swap3A_127], %add3A_124 {strides = array<i32>} : memref<12288xi32, #tpu.memory_space<vmem>>, vector<16xi32>,
      %mul3A_129 = arith.constant 16 : i32
      %mul3A_130 = arith.muli %scan3A_116, %mul3A_129 : i32
      %swap3A_131 = arith.index_cast %mul3A_130 : i32 to index
      %swap3A_132 = tpu.vector_load %arg10[%swap3A_131] {strides = array<i32>} : memref<12288xi32, #tpu.memory_space<vmem>>, vector<16xi32>,
      tpu.vector_store %arg10[%swap3A_131], %add3A_122 {strides = array<i32>} : memref<12288xi32, #tpu.memory_space<vmem>>, vector<16xi32>,
      %scan3A_133 = arith.constant 0 : i32
      scf.yield %scan3A_133 : i32
    }
    %scan3A_17 = arith.constant 20 : i32
    %scan3A_18 = arith.constant 0 : i32
    %scan3A_19 = arith.constant 157 : i32
    %scan3A_20 = arith.addi %scan3A_18, %scan3A_19 : i32
    %scan3A_21 = arith.constant 1 : i32
    %scan3A_22 = scf.for %scan3A_116 = %scan3A_18 to %scan3A_20 step %scan3A_21 iter_args(%scan3A_117 = %min3A) -> (i32)  : i32 {
      %mul3A_118 = arith.constant 2048 : i32
      %mul3A_119 = arith.muli %scan3A_116, %mul3A_118 : i32
      "tpu.region"() ({
        %run_scoped3A = tpu.sem_alloc : memref<!tpu.dma_semaphore, #tpu.memory_space<semaphore_mem>>
        %dma_start3A_128 = tpu.memref_slice %arg3[%mul3A_119] : memref<321536xi32, #tpu.memory_space<hbm>> -> memref<2048xi32, #tpu.memory_space<hbm>>
        %dma_start3A_129 = tpu.memref_slice %arg3[%mul3A_119] : memref<321536xi32, #tpu.memory_space<hbm>> -> memref<2048xi32, #tpu.memory_space<hbm>>
        tpu.enqueue_dma source(%dma_start3A_129 : memref<2048xi32, #tpu.memory_space<hbm>>) target(%arg15 : memref<2048xi32, #tpu.memory_space<vmem>>) target_semaphore(%run_scoped3A : memref<!tpu.dma_semaphore, #tpu.memory_space<semaphore_mem>>)
        %dma_wait3A_130 = tpu.memref_slice %arg3[%mul3A_119] : memref<321536xi32, #tpu.memory_space<hbm>> -> memref<2048xi32, #tpu.memory_space<hbm>>
        %dma_wait3A_131 = tpu.memref_slice %arg3[%mul3A_119] : memref<321536xi32, #tpu.memory_space<hbm>> -> memref<2048xi32, #tpu.memory_space<hbm>>
        tpu.wait_dma2 semaphore(%run_scoped3A : memref<!tpu.dma_semaphore, #tpu.memory_space<semaphore_mem>>) src(%dma_wait3A_131 : memref<2048xi32, #tpu.memory_space<hbm>>) dst(%arg15 : memref<2048xi32, #tpu.memory_space<vmem>>)
        tpu.yield
      }) : () -> ()
      %mul3A_120 = arith.constant 2048 : i32
      %mul3A_121 = arith.muli %scan3A_116, %mul3A_120 : i32
      "tpu.region"() ({
        %run_scoped3A = tpu.sem_alloc : memref<!tpu.dma_semaphore, #tpu.memory_space<semaphore_mem>>
        %dma_start3A_128 = tpu.memref_slice %arg4[%mul3A_121] : memref<321536xi32, #tpu.memory_space<hbm>> -> memref<2048xi32, #tpu.memory_space<hbm>>
        %dma_start3A_129 = tpu.memref_slice %arg4[%mul3A_121] : memref<321536xi32, #tpu.memory_space<hbm>> -> memref<2048xi32, #tpu.memory_space<hbm>>
        tpu.enqueue_dma source(%dma_start3A_129 : memref<2048xi32, #tpu.memory_space<hbm>>) target(%arg16 : memref<2048xi32, #tpu.memory_space<vmem>>) target_semaphore(%run_scoped3A : memref<!tpu.dma_semaphore, #tpu.memory_space<semaphore_mem>>)
        %dma_wait3A_130 = tpu.memref_slice %arg4[%mul3A_121] : memref<321536xi32, #tpu.memory_space<hbm>> -> memref<2048xi32, #tpu.memory_space<hbm>>
        %dma_wait3A_131 = tpu.memref_slice %arg4[%mul3A_121] : memref<321536xi32, #tpu.memory_space<hbm>> -> memref<2048xi32, #tpu.memory_space<hbm>>
        tpu.wait_dma2 semaphore(%run_scoped3A : memref<!tpu.dma_semaphore, #tpu.memory_space<semaphore_mem>>) src(%dma_wait3A_131 : memref<2048xi32, #tpu.memory_space<hbm>>) dst(%arg16 : memref<2048xi32, #tpu.memory_space<vmem>>)
        tpu.yield
      }) : () -> ()
      %scan3A_122 = arith.constant 0 : i32
      %scan3A_123 = arith.constant 32 : i32
      %scan3A_124 = arith.addi %scan3A_122, %scan3A_123 : i32
      %scan3A_125 = arith.constant 1 : i32
      %scan3A_126 = scf.for %scan3A_128 = %scan3A_122 to %scan3A_124 step %scan3A_125 iter_args(%scan3A_129 = %scan3A_117) -> (i32)  : i32 {
        %mul3A_130 = arith.constant 4 : i32
        %mul3A_131 = arith.muli %scan3A_128, %mul3A_130 : i32
        %add3A_132 = arith.constant 0 : i32
        %add3A_133 = arith.addi %mul3A_131, %add3A_132 : i32
        %mul3A_134 = arith.constant 16 : i32
        %mul3A_135 = arith.muli %add3A_133, %mul3A_134 : i32
        %mul3A_136 = arith.constant 4 : i32
        %mul3A_137 = arith.muli %scan3A_128, %mul3A_136 : i32
        %add3A_138 = arith.constant 1 : i32
        %add3A_139 = arith.addi %mul3A_137, %add3A_138 : i32
        %mul3A_140 = arith.constant 16 : i32
        %mul3A_141 = arith.muli %add3A_139, %mul3A_140 : i32
        %mul3A_142 = arith.constant 4 : i32
        %mul3A_143 = arith.muli %scan3A_128, %mul3A_142 : i32
        %add3A_144 = arith.constant 2 : i32
        %add3A_145 = arith.addi %mul3A_143, %add3A_144 : i32
        %mul3A_146 = arith.constant 16 : i32
        %mul3A_147 = arith.muli %add3A_145, %mul3A_146 : i32
        %mul3A_148 = arith.constant 4 : i32
        %mul3A_149 = arith.muli %scan3A_128, %mul3A_148 : i32
        %add3A_150 = arith.constant 3 : i32
        %add3A_151 = arith.addi %mul3A_149, %add3A_150 : i32
        %mul3A_152 = arith.constant 16 : i32
        %mul3A_153 = arith.muli %add3A_151, %mul3A_152 : i32
        %get3A = arith.index_cast %mul3A_135 : i32 to index
        %get3A_154 = tpu.vector_load %arg15[%get3A] {strides = array<i32>} : memref<2048xi32, #tpu.memory_space<vmem>>, vector<16xi32>,
        %get3A_155 = arith.index_cast %mul3A_141 : i32 to index
        %get3A_156 = tpu.vector_load %arg15[%get3A_155] {strides = array<i32>} : memref<2048xi32, #tpu.memory_space<vmem>>, vector<16xi32>,
        %get3A_157 = arith.index_cast %mul3A_147 : i32 to index
        %get3A_158 = tpu.vector_load %arg15[%get3A_157] {strides = array<i32>} : memref<2048xi32, #tpu.memory_space<vmem>>, vector<16xi32>,
        %get3A_159 = arith.index_cast %mul3A_153 : i32 to index
        %get3A_160 = tpu.vector_load %arg15[%get3A_159] {strides = array<i32>} : memref<2048xi32, #tpu.memory_space<vmem>>, vector<16xi32>,
        %ge3A = vector.broadcast %mul3A_2 : i32 to vector<16xi32>
        %ge3A_161 = arith.cmpi sge, %get3A_154, %ge3A : vector<16xi32>
        %add3A_162 = arith.constant 320 : i32
        %add3A_163 = arith.addi %mul3A_2, %add3A_162 : i32
        %lt3A = vector.broadcast %add3A_163 : i32 to vector<16xi32>
        %lt3A_164 = arith.cmpi slt, %get3A_154, %lt3A : vector<16xi32>
        %and3A_165 = arith.andi %ge3A_161, %lt3A_164 : vector<16xi1>
        %ge3A_166 = vector.broadcast %mul3A_2 : i32 to vector<16xi32>
        %ge3A_167 = arith.cmpi sge, %get3A_156, %ge3A_166 : vector<16xi32>
        %add3A_168 = arith.constant 320 : i32
        %add3A_169 = arith.addi %mul3A_2, %add3A_168 : i32
        %lt3A_170 = vector.broadcast %add3A_169 : i32 to vector<16xi32>
        %lt3A_171 = arith.cmpi slt, %get3A_156, %lt3A_170 : vector<16xi32>
        %and3A_172 = arith.andi %ge3A_167, %lt3A_171 : vector<16xi1>
        %ge3A_173 = vector.broadcast %mul3A_2 : i32 to vector<16xi32>
        %ge3A_174 = arith.cmpi sge, %get3A_158, %ge3A_173 : vector<16xi32>
        %add3A_175 = arith.constant 320 : i32
        %add3A_176 = arith.addi %mul3A_2, %add3A_175 : i32
        %lt3A_177 = vector.broadcast %add3A_176 : i32 to vector<16xi32>
        %lt3A_178 = arith.cmpi slt, %get3A_158, %lt3A_177 : vector<16xi32>
        %and3A_179 = arith.andi %ge3A_174, %lt3A_178 : vector<16xi1>
        %ge3A_180 = vector.broadcast %mul3A_2 : i32 to vector<16xi32>
        %ge3A_181 = arith.cmpi sge, %get3A_160, %ge3A_180 : vector<16xi32>
        %add3A_182 = arith.constant 320 : i32
        %add3A_183 = arith.addi %mul3A_2, %add3A_182 : i32
        %lt3A_184 = vector.broadcast %add3A_183 : i32 to vector<16xi32>
        %lt3A_185 = arith.cmpi slt, %get3A_160, %lt3A_184 : vector<16xi32>
        %and3A_186 = arith.andi %ge3A_181, %lt3A_185 : vector<16xi1>
        %all_reduce_population_count3A = tpu.all_reduce %and3A_165 {dim = 0 : i64, kind = #tpu.reduction_kind<sum>} : vector<16xi1> -> vector<16xi32>
        %slice3A = vector.extract_strided_slice %all_reduce_population_count3A {offsets = [0], sizes = [1], strides = [1]} : vector<16xi32> to vector<1xi32>
        %squeeze3A = vector.extract %slice3A[0] : i32 from vector<1xi32>
        %all_reduce_population_count3A_187 = tpu.all_reduce %and3A_172 {dim = 0 : i64, kind = #tpu.reduction_kind<sum>} : vector<16xi1> -> vector<16xi32>
        %slice3A_188 = vector.extract_strided_slice %all_reduce_population_count3A_187 {offsets = [0], sizes = [1], strides = [1]} : vector<16xi32> to vector<1xi32>
        %squeeze3A_189 = vector.extract %slice3A_188[0] : i32 from vector<1xi32>
        %all_reduce_population_count3A_190 = tpu.all_reduce %and3A_179 {dim = 0 : i64, kind = #tpu.reduction_kind<sum>} : vector<16xi1> -> vector<16xi32>
        %slice3A_191 = vector.extract_strided_slice %all_reduce_population_count3A_190 {offsets = [0], sizes = [1], strides = [1]} : vector<16xi32> to vector<1xi32>
        %squeeze3A_192 = vector.extract %slice3A_191[0] : i32 from vector<1xi32>
        %all_reduce_population_count3A_193 = tpu.all_reduce %and3A_186 {dim = 0 : i64, kind = #tpu.reduction_kind<sum>} : vector<16xi1> -> vector<16xi32>
        %slice3A_194 = vector.extract_strided_slice %all_reduce_population_count3A_193 {offsets = [0], sizes = [1], strides = [1]} : vector<16xi32> to vector<1xi32>
        %squeeze3A_195 = vector.extract %slice3A_194[0] : i32 from vector<1xi32>
        %add3A_196 = arith.addi %scan3A_129, %squeeze3A : i32
        %add3A_197 = arith.addi %add3A_196, %squeeze3A_189 : i32
        %add3A_198 = arith.addi %add3A_197, %squeeze3A_192 : i32
        %min3A_199 = arith.constant 12272 : i32
        %min3A_200 = arith.minsi %scan3A_129, %min3A_199 : i32
        %get3A_201 = arith.index_cast %mul3A_135 : i32 to index
        %get3A_202 = tpu.vector_load %arg16[%get3A_201] {strides = array<i32>} : memref<2048xi32, #tpu.memory_space<vmem>>, vector<16xi32>,
        %swap3A_203 = arith.index_cast %min3A_200 : i32 to index
        %swap3A_204 = tpu.vector_load %arg9[%swap3A_203] masked %and3A_165 {strides = array<i32>} : memref<12288xi32, #tpu.memory_space<vmem>>, vector<16xi32>, vector<16xi1>
        tpu.vector_store %arg9[%swap3A_203], %get3A_202 masked %and3A_165 {strides = array<i32>} : memref<12288xi32, #tpu.memory_space<vmem>>, vector<16xi32>, vector<16xi1>
        %sub3A_205 = vector.broadcast %mul3A_2 : i32 to vector<16xi32>
        %sub3A_206 = arith.subi %get3A_154, %sub3A_205 : vector<16xi32>
        %swap3A_207 = arith.index_cast %min3A_200 : i32 to index
        %swap3A_208 = tpu.vector_load %arg10[%swap3A_207] masked %and3A_165 {strides = array<i32>} : memref<12288xi32, #tpu.memory_space<vmem>>, vector<16xi32>, vector<16xi1>
        tpu.vector_store %arg10[%swap3A_207], %sub3A_206 masked %and3A_165 {strides = array<i32>} : memref<12288xi32, #tpu.memory_space<vmem>>, vector<16xi32>, vector<16xi1>
        %min3A_209 = arith.constant 12272 : i32
        %min3A_210 = arith.minsi %add3A_196, %min3A_209 : i32
        %get3A_211 = arith.index_cast %mul3A_141 : i32 to index
        %get3A_212 = tpu.vector_load %arg16[%get3A_211] {strides = array<i32>} : memref<2048xi32, #tpu.memory_space<vmem>>, vector<16xi32>,
        %swap3A_213 = arith.index_cast %min3A_210 : i32 to index
        %swap3A_214 = tpu.vector_load %arg9[%swap3A_213] masked %and3A_172 {strides = array<i32>} : memref<12288xi32, #tpu.memory_space<vmem>>, vector<16xi32>, vector<16xi1>
        tpu.vector_store %arg9[%swap3A_213], %get3A_212 masked %and3A_172 {strides = array<i32>} : memref<12288xi32, #tpu.memory_space<vmem>>, vector<16xi32>, vector<16xi1>
        %sub3A_215 = vector.broadcast %mul3A_2 : i32 to vector<16xi32>
        %sub3A_216 = arith.subi %get3A_156, %sub3A_215 : vector<16xi32>
        %swap3A_217 = arith.index_cast %min3A_210 : i32 to index
        %swap3A_218 = tpu.vector_load %arg10[%swap3A_217] masked %and3A_172 {strides = array<i32>} : memref<12288xi32, #tpu.memory_space<vmem>>, vector<16xi32>, vector<16xi1>
        tpu.vector_store %arg10[%swap3A_217], %sub3A_216 masked %and3A_172 {strides = array<i32>} : memref<12288xi32, #tpu.memory_space<vmem>>, vector<16xi32>, vector<16xi1>
        %min3A_219 = arith.constant 12272 : i32
        %min3A_220 = arith.minsi %add3A_197, %min3A_219 : i32
        %get3A_221 = arith.index_cast %mul3A_147 : i32 to index
        %get3A_222 = tpu.vector_load %arg16[%get3A_221] {strides = array<i32>} : memref<2048xi32, #tpu.memory_space<vmem>>, vector<16xi32>,
        %swap3A_223 = arith.index_cast %min3A_220 : i32 to index
        %swap3A_224 = tpu.vector_load %arg9[%swap3A_223] masked %and3A_179 {strides = array<i32>} : memref<12288xi32, #tpu.memory_space<vmem>>, vector<16xi32>, vector<16xi1>
        tpu.vector_store %arg9[%swap3A_223], %get3A_222 masked %and3A_179 {strides = array<i32>} : memref<12288xi32, #tpu.memory_space<vmem>>, vector<16xi32>, vector<16xi1>
        %sub3A_225 = vector.broadcast %mul3A_2 : i32 to vector<16xi32>
        %sub3A_226 = arith.subi %get3A_158, %sub3A_225 : vector<16xi32>
        %swap3A_227 = arith.index_cast %min3A_220 : i32 to index
        %swap3A_228 = tpu.vector_load %arg10[%swap3A_227] masked %and3A_179 {strides = array<i32>} : memref<12288xi32, #tpu.memory_space<vmem>>, vector<16xi32>, vector<16xi1>
        tpu.vector_store %arg10[%swap3A_227], %sub3A_226 masked %and3A_179 {strides = array<i32>} : memref<12288xi32, #tpu.memory_space<vmem>>, vector<16xi32>, vector<16xi1>
        %min3A_229 = arith.constant 12272 : i32
        %min3A_230 = arith.minsi %add3A_198, %min3A_229 : i32
        %get3A_231 = arith.index_cast %mul3A_153 : i32 to index
        %get3A_232 = tpu.vector_load %arg16[%get3A_231] {strides = array<i32>} : memref<2048xi32, #tpu.memory_space<vmem>>, vector<16xi32>,
        %swap3A_233 = arith.index_cast %min3A_230 : i32 to index
        %swap3A_234 = tpu.vector_load %arg9[%swap3A_233] masked %and3A_186 {strides = array<i32>} : memref<12288xi32, #tpu.memory_space<vmem>>, vector<16xi32>, vector<16xi1>
        tpu.vector_store %arg9[%swap3A_233], %get3A_232 masked %and3A_186 {strides = array<i32>} : memref<12288xi32, #tpu.memory_space<vmem>>, vector<16xi32>, vector<16xi1>
        %sub3A_235 = vector.broadcast %mul3A_2 : i32 to vector<16xi32>
        %sub3A_236 = arith.subi %get3A_160, %sub3A_235 : vector<16xi32>
        %swap3A_237 = arith.index_cast %min3A_230 : i32 to index
        %swap3A_238 = tpu.vector_load %arg10[%swap3A_237] masked %and3A_186 {strides = array<i32>} : memref<12288xi32, #tpu.memory_space<vmem>>, vector<16xi32>, vector<16xi1>
        tpu.vector_store %arg10[%swap3A_237], %sub3A_236 masked %and3A_186 {strides = array<i32>} : memref<12288xi32, #tpu.memory_space<vmem>>, vector<16xi32>, vector<16xi1>
        %add3A_239 = arith.addi %add3A_198, %squeeze3A_195 : i32
        scf.yield %add3A_239 : i32
      }
      %scan3A_127 = arith.constant 32 : i32
      scf.yield %scan3A_126 : i32
    }
    %scan3A_23 = arith.constant 157 : i32
    %min3A_24 = arith.constant 11904 : i32
    %min3A_25 = arith.minsi %scan3A_22, %min3A_24 : i32
    %iota3A = tpu.iota {dimensions = array<i32: 0>} : vector<16xi32>
    %scan3A_26 = arith.constant 0 : i32
    %scan3A_27 = arith.constant 0 : i32
    %scan3A_28 = arith.constant 17 : i32
    %scan3A_29 = arith.addi %scan3A_27, %scan3A_28 : i32
    %scan3A_30 = arith.constant 1 : i32
    %scan3A_31 = scf.for %scan3A_116 = %scan3A_27 to %scan3A_29 step %scan3A_30 iter_args(%scan3A_117 = %scan3A_26) -> (i32)  : i32 {
      %jit3A_118 = arith.constant 16 : i32
      %div3A_119 = arith.divsi %min3A_25, %jit3A_118 : i32
      %sign3A_120 = arith.constant 0 : i32
      %sign3A_121 = arith.cmpi sgt, %min3A_25, %sign3A_120 : i32
      %sign3A_122 = arith.extui %sign3A_121 : i1 to i32
      %sign3A_123 = arith.constant 0 : i32
      %sign3A_124 = arith.cmpi slt, %min3A_25, %sign3A_123 : i32
      %sign3A_125 = arith.extui %sign3A_124 : i1 to i32
      %sign3A_126 = arith.subi %sign3A_122, %sign3A_125 : i32
      %sign3A_127 = arith.constant 0 : i32
      %sign3A_128 = arith.cmpi sgt, %jit3A_118, %sign3A_127 : i32
      %sign3A_129 = arith.extui %sign3A_128 : i1 to i32
      %sign3A_130 = arith.constant 0 : i32
      %sign3A_131 = arith.cmpi slt, %jit3A_118, %sign3A_130 : i32
      %sign3A_132 = arith.extui %sign3A_131 : i1 to i32
      %sign3A_133 = arith.subi %sign3A_129, %sign3A_132 : i32
      %ne3A_134 = arith.cmpi ne, %sign3A_126, %sign3A_133 : i32
      %rem3A_135 = arith.remsi %min3A_25, %jit3A_118 : i32
      %ne3A_136 = arith.constant 0 : i32
      %ne3A_137 = arith.cmpi ne, %rem3A_135, %ne3A_136 : i32
      %and3A_138 = arith.andi %ne3A_134, %ne3A_137 : i1
      %sub3A_139 = arith.constant 1 : i32
      %sub3A_140 = arith.subi %div3A_119, %sub3A_139 : i32
      %select_n3A_141 = arith.select %and3A_138, %sub3A_140, %div3A_119 : i32
      %mul3A_142 = arith.constant 16 : i32
      %mul3A_143 = arith.muli %select_n3A_141, %mul3A_142 : i32
      %mul3A_144 = arith.constant 16 : i32
      %mul3A_145 = arith.muli %scan3A_116, %mul3A_144 : i32
      %add3A_146 = arith.addi %mul3A_143, %mul3A_145 : i32
      %add3A_147 = vector.broadcast %add3A_146 : i32 to vector<16xi32>
      %add3A_148 = arith.addi %add3A_147, %iota3A : vector<16xi32>
      %broadcast_in_dim3A_149 = arith.constant 320 : i32
      %broadcast_in_dim3A_150 = vector.broadcast %broadcast_in_dim3A_149 : i32 to vector<16xi32>
      %ge3A = vector.broadcast %min3A_25 : i32 to vector<16xi32>
      %ge3A_151 = arith.cmpi sge, %add3A_148, %ge3A : vector<16xi32>
      tpu.vector_store_idx %arg10[%add3A_148], %broadcast_in_dim3A_150 masked %ge3A_151 : memref<12288xi32, #tpu.memory_space<vmem>>[vector<16xi32>], vector<16xi32>, vector<16xi1>
      %scan3A_152 = arith.constant 0 : i32
      scf.yield %scan3A_152 : i32
    }
    %scan3A_32 = arith.constant 17 : i32
    %broadcast_in_dim3A = vector.broadcast %min3A_25 : i32 to vector<16xi32>
    %swap3A = arith.constant 0 : index
    %swap3A_33 = tpu.vector_load %arg17[%swap3A] {strides = array<i32>} : memref<16xi32, #tpu.memory_space<vmem>>, vector<16xi32>,
    tpu.vector_store %arg17[%swap3A], %broadcast_in_dim3A {strides = array<i32>} : memref<16xi32, #tpu.memory_space<vmem>>, vector<16xi32>,
    "tpu.region"() ({
      %run_scoped3A = tpu.sem_alloc : memref<!tpu.dma_semaphore, #tpu.memory_space<semaphore_mem>>
      %dma_start3A_116 = arith.constant 0 : i32
      %dma_start3A_117 = tpu.memref_slice %arg8[%add3A, %dma_start3A_116] : memref<32x16xi32, #tpu.memory_space<hbm>> -> memref<1x16xi32, #tpu.memory_space<hbm>>
      %dma_start3A_118 = tpu.memref_squeeze %dma_start3A_117 : memref<1x16xi32, #tpu.memory_space<hbm>> -> memref<16xi32, #tpu.memory_space<hbm>>
      %dma_start3A_119 = arith.constant 0 : i32
      %dma_start3A_120 = tpu.memref_slice %arg8[%add3A, %dma_start3A_119] : memref<32x16xi32, #tpu.memory_space<hbm>> -> memref<1x16xi32, #tpu.memory_space<hbm>>
      %dma_start3A_121 = tpu.memref_squeeze %dma_start3A_120 : memref<1x16xi32, #tpu.memory_space<hbm>> -> memref<16xi32, #tpu.memory_space<hbm>>
      tpu.enqueue_dma source(%arg17 : memref<16xi32, #tpu.memory_space<vmem>>) target(%dma_start3A_121 : memref<16xi32, #tpu.memory_space<hbm>>) target_semaphore(%run_scoped3A : memref<!tpu.dma_semaphore, #tpu.memory_space<semaphore_mem>>)
      %dma_wait3A_122 = arith.constant 0 : i32
      %dma_wait3A_123 = tpu.memref_slice %arg8[%add3A, %dma_wait3A_122] : memref<32x16xi32, #tpu.memory_space<hbm>> -> memref<1x16xi32, #tpu.memory_space<hbm>>
      %dma_wait3A_124 = tpu.memref_squeeze %dma_wait3A_123 : memref<1x16xi32, #tpu.memory_space<hbm>> -> memref<16xi32, #tpu.memory_space<hbm>>
      %dma_wait3A_125 = arith.constant 0 : i32
      %dma_wait3A_126 = tpu.memref_slice %arg8[%add3A, %dma_wait3A_125] : memref<32x16xi32, #tpu.memory_space<hbm>> -> memref<1x16xi32, #tpu.memory_space<hbm>>
      %dma_wait3A_127 = tpu.memref_squeeze %dma_wait3A_126 : memref<1x16xi32, #tpu.memory_space<hbm>> -> memref<16xi32, #tpu.memory_space<hbm>>
      tpu.wait_dma2 semaphore(%run_scoped3A : memref<!tpu.dma_semaphore, #tpu.memory_space<semaphore_mem>>) src(%arg17 : memref<16xi32, #tpu.memory_space<vmem>>) dst(%dma_wait3A_127 : memref<16xi32, #tpu.memory_space<hbm>>)
      tpu.yield
    }) : () -> ()
    "tpu.region"() ({
      %run_scoped3A = tpu.sem_alloc : memref<!tpu.dma_semaphore, #tpu.memory_space<semaphore_mem>>
      %dma_start3A_116 = arith.constant 0 : i32
      %dma_start3A_117 = tpu.memref_slice %arg6[%add3A, %dma_start3A_116] : memref<32x12288xi32, #tpu.memory_space<hbm>> -> memref<1x12288xi32, #tpu.memory_space<hbm>>
      %dma_start3A_118 = tpu.memref_squeeze %dma_start3A_117 : memref<1x12288xi32, #tpu.memory_space<hbm>> -> memref<12288xi32, #tpu.memory_space<hbm>>
      %dma_start3A_119 = arith.constant 0 : i32
      %dma_start3A_120 = tpu.memref_slice %arg6[%add3A, %dma_start3A_119] : memref<32x12288xi32, #tpu.memory_space<hbm>> -> memref<1x12288xi32, #tpu.memory_space<hbm>>
      %dma_start3A_121 = tpu.memref_squeeze %dma_start3A_120 : memref<1x12288xi32, #tpu.memory_space<hbm>> -> memref<12288xi32, #tpu.memory_space<hbm>>
      tpu.enqueue_dma source(%arg9 : memref<12288xi32, #tpu.memory_space<vmem>>) target(%dma_start3A_121 : memref<12288xi32, #tpu.memory_space<hbm>>) target_semaphore(%run_scoped3A : memref<!tpu.dma_semaphore, #tpu.memory_space<semaphore_mem>>)
      %dma_wait3A_122 = arith.constant 0 : i32
      %dma_wait3A_123 = tpu.memref_slice %arg6[%add3A, %dma_wait3A_122] : memref<32x12288xi32, #tpu.memory_space<hbm>> -> memref<1x12288xi32, #tpu.memory_space<hbm>>
      %dma_wait3A_124 = tpu.memref_squeeze %dma_wait3A_123 : memref<1x12288xi32, #tpu.memory_space<hbm>> -> memref<12288xi32, #tpu.memory_space<hbm>>
      %dma_wait3A_125 = arith.constant 0 : i32
      %dma_wait3A_126 = tpu.memref_slice %arg6[%add3A, %dma_wait3A_125] : memref<32x12288xi32, #tpu.memory_space<hbm>> -> memref<1x12288xi32, #tpu.memory_space<hbm>>
      %dma_wait3A_127 = tpu.memref_squeeze %dma_wait3A_126 : memref<1x12288xi32, #tpu.memory_space<hbm>> -> memref<12288xi32, #tpu.memory_space<hbm>>
      tpu.wait_dma2 semaphore(%run_scoped3A : memref<!tpu.dma_semaphore, #tpu.memory_space<semaphore_mem>>) src(%arg9 : memref<12288xi32, #tpu.memory_space<vmem>>) dst(%dma_wait3A_127 : memref<12288xi32, #tpu.memory_space<hbm>>)
      tpu.yield
    }) : () -> ()
    "tpu.region"() ({
      %run_scoped3A = tpu.sem_alloc : memref<!tpu.dma_semaphore, #tpu.memory_space<semaphore_mem>>
      %dma_start3A_116 = arith.constant 0 : i32
      %dma_start3A_117 = tpu.memref_slice %arg7[%add3A, %dma_start3A_116] : memref<32x12288xi32, #tpu.memory_space<hbm>> -> memref<1x12288xi32, #tpu.memory_space<hbm>>
      %dma_start3A_118 = tpu.memref_squeeze %dma_start3A_117 : memref<1x12288xi32, #tpu.memory_space<hbm>> -> memref<12288xi32, #tpu.memory_space<hbm>>
      %dma_start3A_119 = arith.constant 0 : i32
      %dma_start3A_120 = tpu.memref_slice %arg7[%add3A, %dma_start3A_119] : memref<32x12288xi32, #tpu.memory_space<hbm>> -> memref<1x12288xi32, #tpu.memory_space<hbm>>
      %dma_start3A_121 = tpu.memref_squeeze %dma_start3A_120 : memref<1x12288xi32, #tpu.memory_space<hbm>> -> memref<12288xi32, #tpu.memory_space<hbm>>
      tpu.enqueue_dma source(%arg10 : memref<12288xi32, #tpu.memory_space<vmem>>) target(%dma_start3A_121 : memref<12288xi32, #tpu.memory_space<hbm>>) target_semaphore(%run_scoped3A : memref<!tpu.dma_semaphore, #tpu.memory_space<semaphore_mem>>)
      %dma_wait3A_122 = arith.constant 0 : i32
      %dma_wait3A_123 = tpu.memref_slice %arg7[%add3A, %dma_wait3A_122] : memref<32x12288xi32, #tpu.memory_space<hbm>> -> memref<1x12288xi32, #tpu.memory_space<hbm>>
      %dma_wait3A_124 = tpu.memref_squeeze %dma_wait3A_123 : memref<1x12288xi32, #tpu.memory_space<hbm>> -> memref<12288xi32, #tpu.memory_space<hbm>>
      %dma_wait3A_125 = arith.constant 0 : i32
      %dma_wait3A_126 = tpu.memref_slice %arg7[%add3A, %dma_wait3A_125] : memref<32x12288xi32, #tpu.memory_space<hbm>> -> memref<1x12288xi32, #tpu.memory_space<hbm>>
      %dma_wait3A_127 = tpu.memref_squeeze %dma_wait3A_126 : memref<1x12288xi32, #tpu.memory_space<hbm>> -> memref<12288xi32, #tpu.memory_space<hbm>>
      tpu.wait_dma2 semaphore(%run_scoped3A : memref<!tpu.dma_semaphore, #tpu.memory_space<semaphore_mem>>) src(%arg10 : memref<12288xi32, #tpu.memory_space<vmem>>) dst(%dma_wait3A_127 : memref<12288xi32, #tpu.memory_space<hbm>>)
      tpu.yield
    }) : () -> ()
    %scan3A_34 = arith.constant 0 : i32
    %scan3A_35 = arith.constant 0 : i32
    %scan3A_36 = arith.constant 321 : i32
    %scan3A_37 = arith.addi %scan3A_35, %scan3A_36 : i32
    %scan3A_38 = arith.constant 1 : i32
    %scan3A_39 = scf.for %scan3A_116 = %scan3A_35 to %scan3A_37 step %scan3A_38 iter_args(%scan3A_117 = %scan3A_34) -> (i32)  : i32 {
      %broadcast_in_dim3A_118 = arith.constant -1.000000e+30 : f32
      %broadcast_in_dim3A_119 = vector.broadcast %broadcast_in_dim3A_118 : f32 to vector<16xf32>
      %swap3A_120 = arith.index_cast %scan3A_116 : i32 to index
      %swap3A_121 = arith.constant 0 : index
      %swap3A_122 = tpu.vector_load %arg11[%swap3A_120, %swap3A_121] {strides = array<i32>} : memref<321x128xf32, #tpu.memory_space<vmem>>, vector<16xf32>,
      tpu.vector_store %arg11[%swap3A_120, %swap3A_121], %broadcast_in_dim3A_119 {strides = array<i32>} : memref<321x128xf32, #tpu.memory_space<vmem>>, vector<16xf32>,
      %swap3A_123 = arith.index_cast %scan3A_116 : i32 to index
      %swap3A_124 = arith.constant 0 : index
      %swap3A_125 = tpu.vector_load %arg12[%swap3A_123, %swap3A_124] {strides = array<i32>} : memref<321x128xf32, #tpu.memory_space<vmem>>, vector<16xf32>,
      tpu.vector_store %arg12[%swap3A_123, %swap3A_124], %broadcast_in_dim3A_119 {strides = array<i32>} : memref<321x128xf32, #tpu.memory_space<vmem>>, vector<16xf32>,
      %broadcast_in_dim3A_126 = arith.constant -1.000000e+30 : f32
      %broadcast_in_dim3A_127 = vector.broadcast %broadcast_in_dim3A_126 : f32 to vector<16xf32>
      %swap3A_128 = arith.index_cast %scan3A_116 : i32 to index
      %swap3A_129 = arith.constant 16 : index
      %swap3A_130 = tpu.vector_load %arg11[%swap3A_128, %swap3A_129] {strides = array<i32>} : memref<321x128xf32, #tpu.memory_space<vmem>>, vector<16xf32>,
      tpu.vector_store %arg11[%swap3A_128, %swap3A_129], %broadcast_in_dim3A_127 {strides = array<i32>} : memref<321x128xf32, #tpu.memory_space<vmem>>, vector<16xf32>,
      %swap3A_131 = arith.index_cast %scan3A_116 : i32 to index
      %swap3A_132 = arith.constant 16 : index
      %swap3A_133 = tpu.vector_load %arg12[%swap3A_131, %swap3A_132] {strides = array<i32>} : memref<321x128xf32, #tpu.memory_space<vmem>>, vector<16xf32>,
      tpu.vector_store %arg12[%swap3A_131, %swap3A_132], %broadcast_in_dim3A_127 {strides = array<i32>} : memref<321x128xf32, #tpu.memory_space<vmem>>, vector<16xf32>,
      %broadcast_in_dim3A_134 = arith.constant -1.000000e+30 : f32
      %broadcast_in_dim3A_135 = vector.broadcast %broadcast_in_dim3A_134 : f32 to vector<16xf32>
      %swap3A_136 = arith.index_cast %scan3A_116 : i32 to index
      %swap3A_137 = arith.constant 32 : index
      %swap3A_138 = tpu.vector_load %arg11[%swap3A_136, %swap3A_137] {strides = array<i32>} : memref<321x128xf32, #tpu.memory_space<vmem>>, vector<16xf32>,
      tpu.vector_store %arg11[%swap3A_136, %swap3A_137], %broadcast_in_dim3A_135 {strides = array<i32>} : memref<321x128xf32, #tpu.memory_space<vmem>>, vector<16xf32>,
      %swap3A_139 = arith.index_cast %scan3A_116 : i32 to index
      %swap3A_140 = arith.constant 32 : index
      %swap3A_141 = tpu.vector_load %arg12[%swap3A_139, %swap3A_140] {strides = array<i32>} : memref<321x128xf32, #tpu.memory_space<vmem>>, vector<16xf32>,
      tpu.vector_store %arg12[%swap3A_139, %swap3A_140], %broadcast_in_dim3A_135 {strides = array<i32>} : memref<321x128xf32, #tpu.memory_space<vmem>>, vector<16xf32>,
      %broadcast_in_dim3A_142 = arith.constant -1.000000e+30 : f32
      %broadcast_in_dim3A_143 = vector.broadcast %broadcast_in_dim3A_142 : f32 to vector<16xf32>
      %swap3A_144 = arith.index_cast %scan3A_116 : i32 to index
      %swap3A_145 = arith.constant 48 : index
      %swap3A_146 = tpu.vector_load %arg11[%swap3A_144, %swap3A_145] {strides = array<i32>} : memref<321x128xf32, #tpu.memory_space<vmem>>, vector<16xf32>,
      tpu.vector_store %arg11[%swap3A_144, %swap3A_145], %broadcast_in_dim3A_143 {strides = array<i32>} : memref<321x128xf32, #tpu.memory_space<vmem>>, vector<16xf32>,
      %swap3A_147 = arith.index_cast %scan3A_116 : i32 to index
      %swap3A_148 = arith.constant 48 : index
      %swap3A_149 = tpu.vector_load %arg12[%swap3A_147, %swap3A_148] {strides = array<i32>} : memref<321x128xf32, #tpu.memory_space<vmem>>, vector<16xf32>,
      tpu.vector_store %arg12[%swap3A_147, %swap3A_148], %broadcast_in_dim3A_143 {strides = array<i32>} : memref<321x128xf32, #tpu.memory_space<vmem>>, vector<16xf32>,
      %broadcast_in_dim3A_150 = arith.constant -1.000000e+30 : f32
      %broadcast_in_dim3A_151 = vector.broadcast %broadcast_in_dim3A_150 : f32 to vector<16xf32>
      %swap3A_152 = arith.index_cast %scan3A_116 : i32 to index
      %swap3A_153 = arith.constant 64 : index
      %swap3A_154 = tpu.vector_load %arg11[%swap3A_152, %swap3A_153] {strides = array<i32>} : memref<321x128xf32, #tpu.memory_space<vmem>>, vector<16xf32>,
      tpu.vector_store %arg11[%swap3A_152, %swap3A_153], %broadcast_in_dim3A_151 {strides = array<i32>} : memref<321x128xf32, #tpu.memory_space<vmem>>, vector<16xf32>,
      %swap3A_155 = arith.index_cast %scan3A_116 : i32 to index
      %swap3A_156 = arith.constant 64 : index
      %swap3A_157 = tpu.vector_load %arg12[%swap3A_155, %swap3A_156] {strides = array<i32>} : memref<321x128xf32, #tpu.memory_space<vmem>>, vector<16xf32>,
      tpu.vector_store %arg12[%swap3A_155, %swap3A_156], %broadcast_in_dim3A_151 {strides = array<i32>} : memref<321x128xf32, #tpu.memory_space<vmem>>, vector<16xf32>,
      %broadcast_in_dim3A_158 = arith.constant -1.000000e+30 : f32
      %broadcast_in_dim3A_159 = vector.broadcast %broadcast_in_dim3A_158 : f32 to vector<16xf32>
      %swap3A_160 = arith.index_cast %scan3A_116 : i32 to index
      %swap3A_161 = arith.constant 80 : index
      %swap3A_162 = tpu.vector_load %arg11[%swap3A_160, %swap3A_161] {strides = array<i32>} : memref<321x128xf32, #tpu.memory_space<vmem>>, vector<16xf32>,
      tpu.vector_store %arg11[%swap3A_160, %swap3A_161], %broadcast_in_dim3A_159 {strides = array<i32>} : memref<321x128xf32, #tpu.memory_space<vmem>>, vector<16xf32>,
      %swap3A_163 = arith.index_cast %scan3A_116 : i32 to index
      %swap3A_164 = arith.constant 80 : index
      %swap3A_165 = tpu.vector_load %arg12[%swap3A_163, %swap3A_164] {strides = array<i32>} : memref<321x128xf32, #tpu.memory_space<vmem>>, vector<16xf32>,
      tpu.vector_store %arg12[%swap3A_163, %swap3A_164], %broadcast_in_dim3A_159 {strides = array<i32>} : memref<321x128xf32, #tpu.memory_space<vmem>>, vector<16xf32>,
      %broadcast_in_dim3A_166 = arith.constant -1.000000e+30 : f32
      %broadcast_in_dim3A_167 = vector.broadcast %broadcast_in_dim3A_166 : f32 to vector<16xf32>
      %swap3A_168 = arith.index_cast %scan3A_116 : i32 to index
      %swap3A_169 = arith.constant 96 : index
      %swap3A_170 = tpu.vector_load %arg11[%swap3A_168, %swap3A_169] {strides = array<i32>} : memref<321x128xf32, #tpu.memory_space<vmem>>, vector<16xf32>,
      tpu.vector_store %arg11[%swap3A_168, %swap3A_169], %broadcast_in_dim3A_167 {strides = array<i32>} : memref<321x128xf32, #tpu.memory_space<vmem>>, vector<16xf32>,
      %swap3A_171 = arith.index_cast %scan3A_116 : i32 to index
      %swap3A_172 = arith.constant 96 : index
      %swap3A_173 = tpu.vector_load %arg12[%swap3A_171, %swap3A_172] {strides = array<i32>} : memref<321x128xf32, #tpu.memory_space<vmem>>, vector<16xf32>,
      tpu.vector_store %arg12[%swap3A_171, %swap3A_172], %broadcast_in_dim3A_167 {strides = array<i32>} : memref<321x128xf32, #tpu.memory_space<vmem>>, vector<16xf32>,
      %broadcast_in_dim3A_174 = arith.constant -1.000000e+30 : f32
      %broadcast_in_dim3A_175 = vector.broadcast %broadcast_in_dim3A_174 : f32 to vector<16xf32>
      %swap3A_176 = arith.index_cast %scan3A_116 : i32 to index
      %swap3A_177 = arith.constant 112 : index
      %swap3A_178 = tpu.vector_load %arg11[%swap3A_176, %swap3A_177] {strides = array<i32>} : memref<321x128xf32, #tpu.memory_space<vmem>>, vector<16xf32>,
      tpu.vector_store %arg11[%swap3A_176, %swap3A_177], %broadcast_in_dim3A_175 {strides = array<i32>} : memref<321x128xf32, #tpu.memory_space<vmem>>, vector<16xf32>,
      %swap3A_179 = arith.index_cast %scan3A_116 : i32 to index
      %swap3A_180 = arith.constant 112 : index
      %swap3A_181 = tpu.vector_load %arg12[%swap3A_179, %swap3A_180] {strides = array<i32>} : memref<321x128xf32, #tpu.memory_space<vmem>>, vector<16xf32>,
      tpu.vector_store %arg12[%swap3A_179, %swap3A_180], %broadcast_in_dim3A_175 {strides = array<i32>} : memref<321x128xf32, #tpu.memory_space<vmem>>, vector<16xf32>,
      %scan3A_182 = arith.constant 0 : i32
      scf.yield %scan3A_182 : i32
    }
    %scan3A_40 = arith.constant 321 : i32
    %add3A_41 = arith.constant 64 : i32
    %add3A_42 = arith.addi %min3A_25, %add3A_41 : i32
    %sub3A_43 = arith.constant 1 : i32
    %sub3A_44 = arith.subi %add3A_42, %sub3A_43 : i32
    %jit3A_45 = arith.constant 64 : i32
    %div3A = arith.divsi %sub3A_44, %jit3A_45 : i32
    %sign3A = arith.constant 0 : i32
    %sign3A_46 = arith.cmpi sgt, %sub3A_44, %sign3A : i32
    %sign3A_47 = arith.extui %sign3A_46 : i1 to i32
    %sign3A_48 = arith.constant 0 : i32
    %sign3A_49 = arith.cmpi slt, %sub3A_44, %sign3A_48 : i32
    %sign3A_50 = arith.extui %sign3A_49 : i1 to i32
    %sign3A_51 = arith.subi %sign3A_47, %sign3A_50 : i32
    %sign3A_52 = arith.constant 0 : i32
    %sign3A_53 = arith.cmpi sgt, %jit3A_45, %sign3A_52 : i32
    %sign3A_54 = arith.extui %sign3A_53 : i1 to i32
    %sign3A_55 = arith.constant 0 : i32
    %sign3A_56 = arith.cmpi slt, %jit3A_45, %sign3A_55 : i32
    %sign3A_57 = arith.extui %sign3A_56 : i1 to i32
    %sign3A_58 = arith.subi %sign3A_54, %sign3A_57 : i32
    %ne3A = arith.cmpi ne, %sign3A_51, %sign3A_58 : i32
    %rem3A = arith.remsi %sub3A_44, %jit3A_45 : i32
    %ne3A_59 = arith.constant 0 : i32
    %ne3A_60 = arith.cmpi ne, %rem3A, %ne3A_59 : i32
    %and3A = arith.andi %ne3A, %ne3A_60 : i1
    %sub3A_61 = arith.constant 1 : i32
    %sub3A_62 = arith.subi %div3A, %sub3A_61 : i32
    %select_n3A = arith.select %and3A, %sub3A_62, %div3A : i32
    %add3A_63 = arith.constant 1 : i32
    %add3A_64 = arith.addi %select_n3A, %add3A_63 : i32
    %jit3A_65 = arith.constant 2 : i32
    %div3A_66 = arith.divsi %add3A_64, %jit3A_65 : i32
    %sign3A_67 = arith.constant 0 : i32
    %sign3A_68 = arith.cmpi sgt, %add3A_64, %sign3A_67 : i32
    %sign3A_69 = arith.extui %sign3A_68 : i1 to i32
    %sign3A_70 = arith.constant 0 : i32
    %sign3A_71 = arith.cmpi slt, %add3A_64, %sign3A_70 : i32
    %sign3A_72 = arith.extui %sign3A_71 : i1 to i32
    %sign3A_73 = arith.subi %sign3A_69, %sign3A_72 : i32
    %sign3A_74 = arith.constant 0 : i32
    %sign3A_75 = arith.cmpi sgt, %jit3A_65, %sign3A_74 : i32
    %sign3A_76 = arith.extui %sign3A_75 : i1 to i32
    %sign3A_77 = arith.constant 0 : i32
    %sign3A_78 = arith.cmpi slt, %jit3A_65, %sign3A_77 : i32
    %sign3A_79 = arith.extui %sign3A_78 : i1 to i32
    %sign3A_80 = arith.subi %sign3A_76, %sign3A_79 : i32
    %ne3A_81 = arith.cmpi ne, %sign3A_73, %sign3A_80 : i32
    %rem3A_82 = arith.remsi %add3A_64, %jit3A_65 : i32
    %ne3A_83 = arith.constant 0 : i32
    %ne3A_84 = arith.cmpi ne, %rem3A_82, %ne3A_83 : i32
    %and3A_85 = arith.andi %ne3A_81, %ne3A_84 : i1
    %sub3A_86 = arith.constant 1 : i32
    %sub3A_87 = arith.subi %div3A_66, %sub3A_86 : i32
    %select_n3A_88 = arith.select %and3A_85, %sub3A_87, %div3A_66 : i32
    %dma_start3A = arith.constant 0 : i32
    %dma_start3A_89 = tpu.memref_slice %arg9[%dma_start3A] : memref<12288xi32, #tpu.memory_space<vmem>> -> memref<64xi32, #tpu.memory_space<vmem>>
    %dma_start3A_90 = arith.constant 0 : i32
    %dma_start3A_91 = arith.constant 0 : i32
    %dma_start3A_92 = tpu.memref_slice %arg2[%dma_start3A_90, %dma_start3A_91] : memref<10240x128xf32, #tpu.memory_space<hbm>> -> memref<10240x128xf32, #tpu.memory_space<hbm>>
    tpu.enqueue_indirect_dma source(%dma_start3A_92 : memref<10240x128xf32, #tpu.memory_space<hbm>>) target(%arg13 : memref<64x128xf32, #tpu.memory_space<vmem>>) offsets(%dma_start3A_89 : memref<64xi32, #tpu.memory_space<vmem>>) semaphore(%arg18 : memref<!tpu.dma_semaphore, #tpu.memory_space<semaphore_mem>>)
    %while3A = arith.constant 0 : i32
    %while3A_93 = arith.constant 0 : i32
    %while3A_94 = arith.subi %select_n3A_88, %while3A : i32
    %while3A_95 = arith.addi %while3A, %while3A_94 : i32
    %while3A_96 = arith.constant 1 : i32
    %while3A_97 = arith.divsi %while3A_94, %while3A_96 : i32
    %while3A_98 = arith.muli %while3A_97, %while3A_96 : i32
    %while3A_99 = arith.addi %while3A, %while3A_98 : i32
    %while3A_100 = arith.constant 1 : i32
    %while3A_101 = scf.for %while3A_116 = %while3A to %while3A_99 step %while3A_100 iter_args(%while3A_117 = %while3A_93) -> (i32)  : i32 {
      %mul3A_118 = arith.constant 2 : i32
      %mul3A_119 = arith.muli %mul3A_118, %while3A_116 : i32
      %add3A_120 = arith.constant 1 : i32
      %add3A_121 = arith.addi %mul3A_119, %add3A_120 : i32
      %mul3A_122 = arith.constant 64 : i32
      %mul3A_123 = arith.muli %add3A_121, %mul3A_122 : i32
      %dma_start3A_124 = tpu.memref_slice %arg9[%mul3A_123] : memref<12288xi32, #tpu.memory_space<vmem>> -> memref<64xi32, #tpu.memory_space<vmem>>
      %dma_start3A_125 = arith.constant 0 : i32
      %dma_start3A_126 = arith.constant 0 : i32
      %dma_start3A_127 = tpu.memref_slice %arg2[%dma_start3A_125, %dma_start3A_126] : memref<10240x128xf32, #tpu.memory_space<hbm>> -> memref<10240x128xf32, #tpu.memory_space<hbm>>
      tpu.enqueue_indirect_dma source(%dma_start3A_127 : memref<10240x128xf32, #tpu.memory_space<hbm>>) target(%arg14 : memref<64x128xf32, #tpu.memory_space<vmem>>) offsets(%dma_start3A_124 : memref<64xi32, #tpu.memory_space<vmem>>) semaphore(%arg19 : memref<!tpu.dma_semaphore, #tpu.memory_space<semaphore_mem>>)
      %dma_wait3A_128 = arith.constant 0 : i32
      %dma_wait3A_129 = arith.constant 0 : i32
      %dma_wait3A_130 = tpu.memref_slice %arg2[%dma_wait3A_128, %dma_wait3A_129] : memref<10240x128xf32, #tpu.memory_space<hbm>> -> memref<64x128xf32, #tpu.memory_space<hbm>>
      %dma_wait3A_131 = arith.constant 0 : i32
      %dma_wait3A_132 = arith.constant 0 : i32
      %dma_wait3A_133 = tpu.memref_slice %arg2[%dma_wait3A_131, %dma_wait3A_132] : memref<10240x128xf32, #tpu.memory_space<hbm>> -> memref<64x128xf32, #tpu.memory_space<hbm>>
      tpu.wait_dma2 semaphore(%arg18 : memref<!tpu.dma_semaphore, #tpu.memory_space<semaphore_mem>>) src(%dma_wait3A_133 : memref<64x128xf32, #tpu.memory_space<hbm>>) dst(%arg13 : memref<64x128xf32, #tpu.memory_space<vmem>>)
      %mul3A_134 = arith.constant 2 : i32
      %mul3A_135 = arith.muli %mul3A_134, %while3A_116 : i32
      %scan3A_136 = arith.constant 0 : i32
      %scan3A_137 = arith.constant 0 : i32
      %scan3A_138 = arith.constant 32 : i32
      %scan3A_139 = arith.addi %scan3A_137, %scan3A_138 : i32
      %scan3A_140 = arith.constant 1 : i32
      %scan3A_141 = scf.for %scan3A_171 = %scan3A_137 to %scan3A_139 step %scan3A_140 iter_args(%scan3A_172 = %scan3A_136) -> (i32)  : i32 {
        %mul3A_173 = arith.constant 64 : i32
        %mul3A_174 = arith.muli %mul3A_135, %mul3A_173 : i32
        %mul3A_175 = arith.constant 2 : i32
        %mul3A_176 = arith.muli %mul3A_175, %scan3A_171 : i32
        %add3A_177 = arith.addi %mul3A_174, %mul3A_176 : i32
        %get3A = arith.index_cast %add3A_177 : i32 to index
        %get3A_178 = tpu.vector_load %arg10[%get3A] {strides = array<i32>} : memref<12288xi32, #tpu.memory_space<vmem>>, vector<16xi32>,
        %slice3A = vector.extract_strided_slice %get3A_178 {offsets = [0], sizes = [1], strides = [1]} : vector<16xi32> to vector<1xi32>
        %squeeze3A = vector.extract %slice3A[0] : i32 from vector<1xi32>
        %add3A_179 = arith.constant 1 : i32
        %add3A_180 = arith.addi %add3A_177, %add3A_179 : i32
        %get3A_181 = arith.index_cast %add3A_180 : i32 to index
        %get3A_182 = tpu.vector_load %arg10[%get3A_181] {strides = array<i32>} : memref<12288xi32, #tpu.memory_space<vmem>>, vector<16xi32>,
        %slice3A_183 = vector.extract_strided_slice %get3A_182 {offsets = [0], sizes = [1], strides = [1]} : vector<16xi32> to vector<1xi32>
        %squeeze3A_184 = vector.extract %slice3A_183[0] : i32 from vector<1xi32>
        %mul3A_185 = arith.constant 2 : i32
        %mul3A_186 = arith.muli %mul3A_185, %scan3A_171 : i32
        %mul3A_187 = arith.constant 2 : i32
        %mul3A_188 = arith.muli %mul3A_187, %scan3A_171 : i32
        %add3A_189 = arith.constant 1 : i32
        %add3A_190 = arith.addi %mul3A_188, %add3A_189 : i32
        %get3A_191 = arith.constant 0 : i32
        %get3A_192 = tpu.memref_slice %arg11[%squeeze3A, %get3A_191] : memref<321x128xf32, #tpu.memory_space<vmem>> -> memref<1x128xf32, #tpu.memory_space<vmem>>
        %get3A_193 = tpu.memref_squeeze %get3A_192 : memref<1x128xf32, #tpu.memory_space<vmem>> -> memref<128xf32, #tpu.memory_space<vmem>>
        %get3A_194 = arith.constant 0 : index
        %get3A_195 = tpu.vector_load %get3A_193[%get3A_194] {strides = array<i32>} : memref<128xf32, #tpu.memory_space<vmem>>, vector<16xf32>,
        %get3A_196 = arith.constant 0 : i32
        %get3A_197 = tpu.memref_slice %arg11[%squeeze3A, %get3A_196] : memref<321x128xf32, #tpu.memory_space<vmem>> -> memref<1x128xf32, #tpu.memory_space<vmem>>
        %get3A_198 = tpu.memref_squeeze %get3A_197 : memref<1x128xf32, #tpu.memory_space<vmem>> -> memref<128xf32, #tpu.memory_space<vmem>>
        %get3A_199 = arith.constant 16 : index
        %get3A_200 = tpu.vector_load %get3A_198[%get3A_199] {strides = array<i32>} : memref<128xf32, #tpu.memory_space<vmem>>, vector<16xf32>,
        %get3A_201 = arith.constant 0 : i32
        %get3A_202 = tpu.memref_slice %arg11[%squeeze3A, %get3A_201] : memref<321x128xf32, #tpu.memory_space<vmem>> -> memref<1x128xf32, #tpu.memory_space<vmem>>
        %get3A_203 = tpu.memref_squeeze %get3A_202 : memref<1x128xf32, #tpu.memory_space<vmem>> -> memref<128xf32, #tpu.memory_space<vmem>>
        %get3A_204 = arith.constant 32 : index
        %get3A_205 = tpu.vector_load %get3A_203[%get3A_204] {strides = array<i32>} : memref<128xf32, #tpu.memory_space<vmem>>, vector<16xf32>,
        %get3A_206 = arith.constant 0 : i32
        %get3A_207 = tpu.memref_slice %arg11[%squeeze3A, %get3A_206] : memref<321x128xf32, #tpu.memory_space<vmem>> -> memref<1x128xf32, #tpu.memory_space<vmem>>
        %get3A_208 = tpu.memref_squeeze %get3A_207 : memref<1x128xf32, #tpu.memory_space<vmem>> -> memref<128xf32, #tpu.memory_space<vmem>>
        %get3A_209 = arith.constant 48 : index
        %get3A_210 = tpu.vector_load %get3A_208[%get3A_209] {strides = array<i32>} : memref<128xf32, #tpu.memory_space<vmem>>, vector<16xf32>,
        %get3A_211 = arith.constant 0 : i32
        %get3A_212 = tpu.memref_slice %arg11[%squeeze3A, %get3A_211] : memref<321x128xf32, #tpu.memory_space<vmem>> -> memref<1x128xf32, #tpu.memory_space<vmem>>
        %get3A_213 = tpu.memref_squeeze %get3A_212 : memref<1x128xf32, #tpu.memory_space<vmem>> -> memref<128xf32, #tpu.memory_space<vmem>>
        %get3A_214 = arith.constant 64 : index
        %get3A_215 = tpu.vector_load %get3A_213[%get3A_214] {strides = array<i32>} : memref<128xf32, #tpu.memory_space<vmem>>, vector<16xf32>,
        %get3A_216 = arith.constant 0 : i32
        %get3A_217 = tpu.memref_slice %arg11[%squeeze3A, %get3A_216] : memref<321x128xf32, #tpu.memory_space<vmem>> -> memref<1x128xf32, #tpu.memory_space<vmem>>
        %get3A_218 = tpu.memref_squeeze %get3A_217 : memref<1x128xf32, #tpu.memory_space<vmem>> -> memref<128xf32, #tpu.memory_space<vmem>>
        %get3A_219 = arith.constant 80 : index
        %get3A_220 = tpu.vector_load %get3A_218[%get3A_219] {strides = array<i32>} : memref<128xf32, #tpu.memory_space<vmem>>, vector<16xf32>,
        %get3A_221 = arith.constant 0 : i32
        %get3A_222 = tpu.memref_slice %arg11[%squeeze3A, %get3A_221] : memref<321x128xf32, #tpu.memory_space<vmem>> -> memref<1x128xf32, #tpu.memory_space<vmem>>
        %get3A_223 = tpu.memref_squeeze %get3A_222 : memref<1x128xf32, #tpu.memory_space<vmem>> -> memref<128xf32, #tpu.memory_space<vmem>>
        %get3A_224 = arith.constant 96 : index
        %get3A_225 = tpu.vector_load %get3A_223[%get3A_224] {strides = array<i32>} : memref<128xf32, #tpu.memory_space<vmem>>, vector<16xf32>,
        %get3A_226 = arith.constant 0 : i32
        %get3A_227 = tpu.memref_slice %arg11[%squeeze3A, %get3A_226] : memref<321x128xf32, #tpu.memory_space<vmem>> -> memref<1x128xf32, #tpu.memory_space<vmem>>
        %get3A_228 = tpu.memref_squeeze %get3A_227 : memref<1x128xf32, #tpu.memory_space<vmem>> -> memref<128xf32, #tpu.memory_space<vmem>>
        %get3A_229 = arith.constant 112 : index
        %get3A_230 = tpu.vector_load %get3A_228[%get3A_229] {strides = array<i32>} : memref<128xf32, #tpu.memory_space<vmem>>, vector<16xf32>,
        %get3A_231 = arith.constant 0 : i32
        %get3A_232 = tpu.memref_slice %arg13[%mul3A_186, %get3A_231] : memref<64x128xf32, #tpu.memory_space<vmem>> -> memref<1x128xf32, #tpu.memory_space<vmem>>
        %get3A_233 = tpu.memref_squeeze %get3A_232 : memref<1x128xf32, #tpu.memory_space<vmem>> -> memref<128xf32, #tpu.memory_space<vmem>>
        %get3A_234 = arith.constant 0 : index
        %get3A_235 = tpu.vector_load %get3A_233[%get3A_234] {strides = array<i32>} : memref<128xf32, #tpu.memory_space<vmem>>, vector<16xf32>,
        %get3A_236 = arith.constant 0 : i32
        %get3A_237 = tpu.memref_slice %arg13[%mul3A_186, %get3A_236] : memref<64x128xf32, #tpu.memory_space<vmem>> -> memref<1x128xf32, #tpu.memory_space<vmem>>
        %get3A_238 = tpu.memref_squeeze %get3A_237 : memref<1x128xf32, #tpu.memory_space<vmem>> -> memref<128xf32, #tpu.memory_space<vmem>>
        %get3A_239 = arith.constant 16 : index
        %get3A_240 = tpu.vector_load %get3A_238[%get3A_239] {strides = array<i32>} : memref<128xf32, #tpu.memory_space<vmem>>, vector<16xf32>,
        %get3A_241 = arith.constant 0 : i32
        %get3A_242 = tpu.memref_slice %arg13[%mul3A_186, %get3A_241] : memref<64x128xf32, #tpu.memory_space<vmem>> -> memref<1x128xf32, #tpu.memory_space<vmem>>
        %get3A_243 = tpu.memref_squeeze %get3A_242 : memref<1x128xf32, #tpu.memory_space<vmem>> -> memref<128xf32, #tpu.memory_space<vmem>>
        %get3A_244 = arith.constant 32 : index
        %get3A_245 = tpu.vector_load %get3A_243[%get3A_244] {strides = array<i32>} : memref<128xf32, #tpu.memory_space<vmem>>, vector<16xf32>,
        %get3A_246 = arith.constant 0 : i32
        %get3A_247 = tpu.memref_slice %arg13[%mul3A_186, %get3A_246] : memref<64x128xf32, #tpu.memory_space<vmem>> -> memref<1x128xf32, #tpu.memory_space<vmem>>
        %get3A_248 = tpu.memref_squeeze %get3A_247 : memref<1x128xf32, #tpu.memory_space<vmem>> -> memref<128xf32, #tpu.memory_space<vmem>>
        %get3A_249 = arith.constant 48 : index
        %get3A_250 = tpu.vector_load %get3A_248[%get3A_249] {strides = array<i32>} : memref<128xf32, #tpu.memory_space<vmem>>, vector<16xf32>,
        %get3A_251 = arith.constant 0 : i32
        %get3A_252 = tpu.memref_slice %arg13[%mul3A_186, %get3A_251] : memref<64x128xf32, #tpu.memory_space<vmem>> -> memref<1x128xf32, #tpu.memory_space<vmem>>
        %get3A_253 = tpu.memref_squeeze %get3A_252 : memref<1x128xf32, #tpu.memory_space<vmem>> -> memref<128xf32, #tpu.memory_space<vmem>>
        %get3A_254 = arith.constant 64 : index
        %get3A_255 = tpu.vector_load %get3A_253[%get3A_254] {strides = array<i32>} : memref<128xf32, #tpu.memory_space<vmem>>, vector<16xf32>,
        %get3A_256 = arith.constant 0 : i32
        %get3A_257 = tpu.memref_slice %arg13[%mul3A_186, %get3A_256] : memref<64x128xf32, #tpu.memory_space<vmem>> -> memref<1x128xf32, #tpu.memory_space<vmem>>
        %get3A_258 = tpu.memref_squeeze %get3A_257 : memref<1x128xf32, #tpu.memory_space<vmem>> -> memref<128xf32, #tpu.memory_space<vmem>>
        %get3A_259 = arith.constant 80 : index
        %get3A_260 = tpu.vector_load %get3A_258[%get3A_259] {strides = array<i32>} : memref<128xf32, #tpu.memory_space<vmem>>, vector<16xf32>,
        %get3A_261 = arith.constant 0 : i32
        %get3A_262 = tpu.memref_slice %arg13[%mul3A_186, %get3A_261] : memref<64x128xf32, #tpu.memory_space<vmem>> -> memref<1x128xf32, #tpu.memory_space<vmem>>
        %get3A_263 = tpu.memref_squeeze %get3A_262 : memref<1x128xf32, #tpu.memory_space<vmem>> -> memref<128xf32, #tpu.memory_space<vmem>>
        %get3A_264 = arith.constant 96 : index
        %get3A_265 = tpu.vector_load %get3A_263[%get3A_264] {strides = array<i32>} : memref<128xf32, #tpu.memory_space<vmem>>, vector<16xf32>,
        %get3A_266 = arith.constant 0 : i32
        %get3A_267 = tpu.memref_slice %arg13[%mul3A_186, %get3A_266] : memref<64x128xf32, #tpu.memory_space<vmem>> -> memref<1x128xf32, #tpu.memory_space<vmem>>
        %get3A_268 = tpu.memref_squeeze %get3A_267 : memref<1x128xf32, #tpu.memory_space<vmem>> -> memref<128xf32, #tpu.memory_space<vmem>>
        %get3A_269 = arith.constant 112 : index
        %get3A_270 = tpu.vector_load %get3A_268[%get3A_269] {strides = array<i32>} : memref<128xf32, #tpu.memory_space<vmem>>, vector<16xf32>,
        %get3A_271 = arith.constant 0 : i32
        %get3A_272 = tpu.memref_slice %arg12[%squeeze3A_184, %get3A_271] : memref<321x128xf32, #tpu.memory_space<vmem>> -> memref<1x128xf32, #tpu.memory_space<vmem>>
        %get3A_273 = tpu.memref_squeeze %get3A_272 : memref<1x128xf32, #tpu.memory_space<vmem>> -> memref<128xf32, #tpu.memory_space<vmem>>
        %get3A_274 = arith.constant 0 : index
        %get3A_275 = tpu.vector_load %get3A_273[%get3A_274] {strides = array<i32>} : memref<128xf32, #tpu.memory_space<vmem>>, vector<16xf32>,
        %get3A_276 = arith.constant 0 : i32
        %get3A_277 = tpu.memref_slice %arg12[%squeeze3A_184, %get3A_276] : memref<321x128xf32, #tpu.memory_space<vmem>> -> memref<1x128xf32, #tpu.memory_space<vmem>>
        %get3A_278 = tpu.memref_squeeze %get3A_277 : memref<1x128xf32, #tpu.memory_space<vmem>> -> memref<128xf32, #tpu.memory_space<vmem>>
        %get3A_279 = arith.constant 16 : index
        %get3A_280 = tpu.vector_load %get3A_278[%get3A_279] {strides = array<i32>} : memref<128xf32, #tpu.memory_space<vmem>>, vector<16xf32>,
        %get3A_281 = arith.constant 0 : i32
        %get3A_282 = tpu.memref_slice %arg12[%squeeze3A_184, %get3A_281] : memref<321x128xf32, #tpu.memory_space<vmem>> -> memref<1x128xf32, #tpu.memory_space<vmem>>
        %get3A_283 = tpu.memref_squeeze %get3A_282 : memref<1x128xf32, #tpu.memory_space<vmem>> -> memref<128xf32, #tpu.memory_space<vmem>>
        %get3A_284 = arith.constant 32 : index
        %get3A_285 = tpu.vector_load %get3A_283[%get3A_284] {strides = array<i32>} : memref<128xf32, #tpu.memory_space<vmem>>, vector<16xf32>,
        %get3A_286 = arith.constant 0 : i32
        %get3A_287 = tpu.memref_slice %arg12[%squeeze3A_184, %get3A_286] : memref<321x128xf32, #tpu.memory_space<vmem>> -> memref<1x128xf32, #tpu.memory_space<vmem>>
        %get3A_288 = tpu.memref_squeeze %get3A_287 : memref<1x128xf32, #tpu.memory_space<vmem>> -> memref<128xf32, #tpu.memory_space<vmem>>
        %get3A_289 = arith.constant 48 : index
        %get3A_290 = tpu.vector_load %get3A_288[%get3A_289] {strides = array<i32>} : memref<128xf32, #tpu.memory_space<vmem>>, vector<16xf32>,
        %get3A_291 = arith.constant 0 : i32
        %get3A_292 = tpu.memref_slice %arg12[%squeeze3A_184, %get3A_291] : memref<321x128xf32, #tpu.memory_space<vmem>> -> memref<1x128xf32, #tpu.memory_space<vmem>>
        %get3A_293 = tpu.memref_squeeze %get3A_292 : memref<1x128xf32, #tpu.memory_space<vmem>> -> memref<128xf32, #tpu.memory_space<vmem>>
        %get3A_294 = arith.constant 64 : index
        %get3A_295 = tpu.vector_load %get3A_293[%get3A_294] {strides = array<i32>} : memref<128xf32, #tpu.memory_space<vmem>>, vector<16xf32>,
        %get3A_296 = arith.constant 0 : i32
        %get3A_297 = tpu.memref_slice %arg12[%squeeze3A_184, %get3A_296] : memref<321x128xf32, #tpu.memory_space<vmem>> -> memref<1x128xf32, #tpu.memory_space<vmem>>
        %get3A_298 = tpu.memref_squeeze %get3A_297 : memref<1x128xf32, #tpu.memory_space<vmem>> -> memref<128xf32, #tpu.memory_space<vmem>>
        %get3A_299 = arith.constant 80 : index
        %get3A_300 = tpu.vector_load %get3A_298[%get3A_299] {strides = array<i32>} : memref<128xf32, #tpu.memory_space<vmem>>, vector<16xf32>,
        %get3A_301 = arith.constant 0 : i32
        %get3A_302 = tpu.memref_slice %arg12[%squeeze3A_184, %get3A_301] : memref<321x128xf32, #tpu.memory_space<vmem>> -> memref<1x128xf32, #tpu.memory_space<vmem>>
        %get3A_303 = tpu.memref_squeeze %get3A_302 : memref<1x128xf32, #tpu.memory_space<vmem>> -> memref<128xf32, #tpu.memory_space<vmem>>
        %get3A_304 = arith.constant 96 : index
        %get3A_305 = tpu.vector_load %get3A_303[%get3A_304] {strides = array<i32>} : memref<128xf32, #tpu.memory_space<vmem>>, vector<16xf32>,
        %get3A_306 = arith.constant 0 : i32
        %get3A_307 = tpu.memref_slice %arg12[%squeeze3A_184, %get3A_306] : memref<321x128xf32, #tpu.memory_space<vmem>> -> memref<1x128xf32, #tpu.memory_space<vmem>>
        %get3A_308 = tpu.memref_squeeze %get3A_307 : memref<1x128xf32, #tpu.memory_space<vmem>> -> memref<128xf32, #tpu.memory_space<vmem>>
        %get3A_309 = arith.constant 112 : index
        %get3A_310 = tpu.vector_load %get3A_308[%get3A_309] {strides = array<i32>} : memref<128xf32, #tpu.memory_space<vmem>>, vector<16xf32>,
        %get3A_311 = arith.constant 0 : i32
        %get3A_312 = tpu.memref_slice %arg13[%add3A_190, %get3A_311] : memref<64x128xf32, #tpu.memory_space<vmem>> -> memref<1x128xf32, #tpu.memory_space<vmem>>
        %get3A_313 = tpu.memref_squeeze %get3A_312 : memref<1x128xf32, #tpu.memory_space<vmem>> -> memref<128xf32, #tpu.memory_space<vmem>>
        %get3A_314 = arith.constant 0 : index
        %get3A_315 = tpu.vector_load %get3A_313[%get3A_314] {strides = array<i32>} : memref<128xf32, #tpu.memory_space<vmem>>, vector<16xf32>,
        %get3A_316 = arith.constant 0 : i32
        %get3A_317 = tpu.memref_slice %arg13[%add3A_190, %get3A_316] : memref<64x128xf32, #tpu.memory_space<vmem>> -> memref<1x128xf32, #tpu.memory_space<vmem>>
        %get3A_318 = tpu.memref_squeeze %get3A_317 : memref<1x128xf32, #tpu.memory_space<vmem>> -> memref<128xf32, #tpu.memory_space<vmem>>
        %get3A_319 = arith.constant 16 : index
        %get3A_320 = tpu.vector_load %get3A_318[%get3A_319] {strides = array<i32>} : memref<128xf32, #tpu.memory_space<vmem>>, vector<16xf32>,
        %get3A_321 = arith.constant 0 : i32
        %get3A_322 = tpu.memref_slice %arg13[%add3A_190, %get3A_321] : memref<64x128xf32, #tpu.memory_space<vmem>> -> memref<1x128xf32, #tpu.memory_space<vmem>>
        %get3A_323 = tpu.memref_squeeze %get3A_322 : memref<1x128xf32, #tpu.memory_space<vmem>> -> memref<128xf32, #tpu.memory_space<vmem>>
        %get3A_324 = arith.constant 32 : index
        %get3A_325 = tpu.vector_load %get3A_323[%get3A_324] {strides = array<i32>} : memref<128xf32, #tpu.memory_space<vmem>>, vector<16xf32>,
        %get3A_326 = arith.constant 0 : i32
        %get3A_327 = tpu.memref_slice %arg13[%add3A_190, %get3A_326] : memref<64x128xf32, #tpu.memory_space<vmem>> -> memref<1x128xf32, #tpu.memory_space<vmem>>
        %get3A_328 = tpu.memref_squeeze %get3A_327 : memref<1x128xf32, #tpu.memory_space<vmem>> -> memref<128xf32, #tpu.memory_space<vmem>>
        %get3A_329 = arith.constant 48 : index
        %get3A_330 = tpu.vector_load %get3A_328[%get3A_329] {strides = array<i32>} : memref<128xf32, #tpu.memory_space<vmem>>, vector<16xf32>,
        %get3A_331 = arith.constant 0 : i32
        %get3A_332 = tpu.memref_slice %arg13[%add3A_190, %get3A_331] : memref<64x128xf32, #tpu.memory_space<vmem>> -> memref<1x128xf32, #tpu.memory_space<vmem>>
        %get3A_333 = tpu.memref_squeeze %get3A_332 : memref<1x128xf32, #tpu.memory_space<vmem>> -> memref<128xf32, #tpu.memory_space<vmem>>
        %get3A_334 = arith.constant 64 : index
        %get3A_335 = tpu.vector_load %get3A_333[%get3A_334] {strides = array<i32>} : memref<128xf32, #tpu.memory_space<vmem>>, vector<16xf32>,
        %get3A_336 = arith.constant 0 : i32
        %get3A_337 = tpu.memref_slice %arg13[%add3A_190, %get3A_336] : memref<64x128xf32, #tpu.memory_space<vmem>> -> memref<1x128xf32, #tpu.memory_space<vmem>>
        %get3A_338 = tpu.memref_squeeze %get3A_337 : memref<1x128xf32, #tpu.memory_space<vmem>> -> memref<128xf32, #tpu.memory_space<vmem>>
        %get3A_339 = arith.constant 80 : index
        %get3A_340 = tpu.vector_load %get3A_338[%get3A_339] {strides = array<i32>} : memref<128xf32, #tpu.memory_space<vmem>>, vector<16xf32>,
        %get3A_341 = arith.constant 0 : i32
        %get3A_342 = tpu.memref_slice %arg13[%add3A_190, %get3A_341] : memref<64x128xf32, #tpu.memory_space<vmem>> -> memref<1x128xf32, #tpu.memory_space<vmem>>
        %get3A_343 = tpu.memref_squeeze %get3A_342 : memref<1x128xf32, #tpu.memory_space<vmem>> -> memref<128xf32, #tpu.memory_space<vmem>>
        %get3A_344 = arith.constant 96 : index
        %get3A_345 = tpu.vector_load %get3A_343[%get3A_344] {strides = array<i32>} : memref<128xf32, #tpu.memory_space<vmem>>, vector<16xf32>,
        %get3A_346 = arith.constant 0 : i32
        %get3A_347 = tpu.memref_slice %arg13[%add3A_190, %get3A_346] : memref<64x128xf32, #tpu.memory_space<vmem>> -> memref<1x128xf32, #tpu.memory_space<vmem>>
        %get3A_348 = tpu.memref_squeeze %get3A_347 : memref<1x128xf32, #tpu.memory_space<vmem>> -> memref<128xf32, #tpu.memory_space<vmem>>
        %get3A_349 = arith.constant 112 : index
        %get3A_350 = tpu.vector_load %get3A_348[%get3A_349] {strides = array<i32>} : memref<128xf32, #tpu.memory_space<vmem>>, vector<16xf32>,
        %max3A_351 = arith.maximumf %get3A_195, %get3A_235 : vector<16xf32>
        %swap3A_352 = arith.constant 0 : i32
        %swap3A_353 = tpu.memref_slice %arg11[%squeeze3A, %swap3A_352] : memref<321x128xf32, #tpu.memory_space<vmem>> -> memref<1x128xf32, #tpu.memory_space<vmem>>
        %swap3A_354 = tpu.memref_squeeze %swap3A_353 : memref<1x128xf32, #tpu.memory_space<vmem>> -> memref<128xf32, #tpu.memory_space<vmem>>
        %swap3A_355 = arith.constant 0 : index
        %swap3A_356 = tpu.vector_load %swap3A_354[%swap3A_355] {strides = array<i32>} : memref<128xf32, #tpu.memory_space<vmem>>, vector<16xf32>,
        tpu.vector_store %swap3A_354[%swap3A_355], %max3A_351 {strides = array<i32>} : memref<128xf32, #tpu.memory_space<vmem>>, vector<16xf32>,
        %max3A_357 = arith.maximumf %get3A_275, %get3A_315 : vector<16xf32>
        %swap3A_358 = arith.constant 0 : i32
        %swap3A_359 = tpu.memref_slice %arg12[%squeeze3A_184, %swap3A_358] : memref<321x128xf32, #tpu.memory_space<vmem>> -> memref<1x128xf32, #tpu.memory_space<vmem>>
        %swap3A_360 = tpu.memref_squeeze %swap3A_359 : memref<1x128xf32, #tpu.memory_space<vmem>> -> memref<128xf32, #tpu.memory_space<vmem>>
        %swap3A_361 = arith.constant 0 : index
        %swap3A_362 = tpu.vector_load %swap3A_360[%swap3A_361] {strides = array<i32>} : memref<128xf32, #tpu.memory_space<vmem>>, vector<16xf32>,
        tpu.vector_store %swap3A_360[%swap3A_361], %max3A_357 {strides = array<i32>} : memref<128xf32, #tpu.memory_space<vmem>>, vector<16xf32>,
        %max3A_363 = arith.maximumf %get3A_200, %get3A_240 : vector<16xf32>
        %swap3A_364 = arith.constant 0 : i32
        %swap3A_365 = tpu.memref_slice %arg11[%squeeze3A, %swap3A_364] : memref<321x128xf32, #tpu.memory_space<vmem>> -> memref<1x128xf32, #tpu.memory_space<vmem>>
        %swap3A_366 = tpu.memref_squeeze %swap3A_365 : memref<1x128xf32, #tpu.memory_space<vmem>> -> memref<128xf32, #tpu.memory_space<vmem>>
        %swap3A_367 = arith.constant 16 : index
        %swap3A_368 = tpu.vector_load %swap3A_366[%swap3A_367] {strides = array<i32>} : memref<128xf32, #tpu.memory_space<vmem>>, vector<16xf32>,
        tpu.vector_store %swap3A_366[%swap3A_367], %max3A_363 {strides = array<i32>} : memref<128xf32, #tpu.memory_space<vmem>>, vector<16xf32>,
        %max3A_369 = arith.maximumf %get3A_280, %get3A_320 : vector<16xf32>
        %swap3A_370 = arith.constant 0 : i32
        %swap3A_371 = tpu.memref_slice %arg12[%squeeze3A_184, %swap3A_370] : memref<321x128xf32, #tpu.memory_space<vmem>> -> memref<1x128xf32, #tpu.memory_space<vmem>>
        %swap3A_372 = tpu.memref_squeeze %swap3A_371 : memref<1x128xf32, #tpu.memory_space<vmem>> -> memref<128xf32, #tpu.memory_space<vmem>>
        %swap3A_373 = arith.constant 16 : index
        %swap3A_374 = tpu.vector_load %swap3A_372[%swap3A_373] {strides = array<i32>} : memref<128xf32, #tpu.memory_space<vmem>>, vector<16xf32>,
        tpu.vector_store %swap3A_372[%swap3A_373], %max3A_369 {strides = array<i32>} : memref<128xf32, #tpu.memory_space<vmem>>, vector<16xf32>,
        %max3A_375 = arith.maximumf %get3A_205, %get3A_245 : vector<16xf32>
        %swap3A_376 = arith.constant 0 : i32
        %swap3A_377 = tpu.memref_slice %arg11[%squeeze3A, %swap3A_376] : memref<321x128xf32, #tpu.memory_space<vmem>> -> memref<1x128xf32, #tpu.memory_space<vmem>>
        %swap3A_378 = tpu.memref_squeeze %swap3A_377 : memref<1x128xf32, #tpu.memory_space<vmem>> -> memref<128xf32, #tpu.memory_space<vmem>>
        %swap3A_379 = arith.constant 32 : index
        %swap3A_380 = tpu.vector_load %swap3A_378[%swap3A_379] {strides = array<i32>} : memref<128xf32, #tpu.memory_space<vmem>>, vector<16xf32>,
        tpu.vector_store %swap3A_378[%swap3A_379], %max3A_375 {strides = array<i32>} : memref<128xf32, #tpu.memory_space<vmem>>, vector<16xf32>,
        %max3A_381 = arith.maximumf %get3A_285, %get3A_325 : vector<16xf32>
        %swap3A_382 = arith.constant 0 : i32
        %swap3A_383 = tpu.memref_slice %arg12[%squeeze3A_184, %swap3A_382] : memref<321x128xf32, #tpu.memory_space<vmem>> -> memref<1x128xf32, #tpu.memory_space<vmem>>
        %swap3A_384 = tpu.memref_squeeze %swap3A_383 : memref<1x128xf32, #tpu.memory_space<vmem>> -> memref<128xf32, #tpu.memory_space<vmem>>
        %swap3A_385 = arith.constant 32 : index
        %swap3A_386 = tpu.vector_load %swap3A_384[%swap3A_385] {strides = array<i32>} : memref<128xf32, #tpu.memory_space<vmem>>, vector<16xf32>,
        tpu.vector_store %swap3A_384[%swap3A_385], %max3A_381 {strides = array<i32>} : memref<128xf32, #tpu.memory_space<vmem>>, vector<16xf32>,
        %max3A_387 = arith.maximumf %get3A_210, %get3A_250 : vector<16xf32>
        %swap3A_388 = arith.constant 0 : i32
        %swap3A_389 = tpu.memref_slice %arg11[%squeeze3A, %swap3A_388] : memref<321x128xf32, #tpu.memory_space<vmem>> -> memref<1x128xf32, #tpu.memory_space<vmem>>
        %swap3A_390 = tpu.memref_squeeze %swap3A_389 : memref<1x128xf32, #tpu.memory_space<vmem>> -> memref<128xf32, #tpu.memory_space<vmem>>
        %swap3A_391 = arith.constant 48 : index
        %swap3A_392 = tpu.vector_load %swap3A_390[%swap3A_391] {strides = array<i32>} : memref<128xf32, #tpu.memory_space<vmem>>, vector<16xf32>,
        tpu.vector_store %swap3A_390[%swap3A_391], %max3A_387 {strides = array<i32>} : memref<128xf32, #tpu.memory_space<vmem>>, vector<16xf32>,
        %max3A_393 = arith.maximumf %get3A_290, %get3A_330 : vector<16xf32>
        %swap3A_394 = arith.constant 0 : i32
        %swap3A_395 = tpu.memref_slice %arg12[%squeeze3A_184, %swap3A_394] : memref<321x128xf32, #tpu.memory_space<vmem>> -> memref<1x128xf32, #tpu.memory_space<vmem>>
        %swap3A_396 = tpu.memref_squeeze %swap3A_395 : memref<1x128xf32, #tpu.memory_space<vmem>> -> memref<128xf32, #tpu.memory_space<vmem>>
        %swap3A_397 = arith.constant 48 : index
        %swap3A_398 = tpu.vector_load %swap3A_396[%swap3A_397] {strides = array<i32>} : memref<128xf32, #tpu.memory_space<vmem>>, vector<16xf32>,
        tpu.vector_store %swap3A_396[%swap3A_397], %max3A_393 {strides = array<i32>} : memref<128xf32, #tpu.memory_space<vmem>>, vector<16xf32>,
        %max3A_399 = arith.maximumf %get3A_215, %get3A_255 : vector<16xf32>
        %swap3A_400 = arith.constant 0 : i32
        %swap3A_401 = tpu.memref_slice %arg11[%squeeze3A, %swap3A_400] : memref<321x128xf32, #tpu.memory_space<vmem>> -> memref<1x128xf32, #tpu.memory_space<vmem>>
        %swap3A_402 = tpu.memref_squeeze %swap3A_401 : memref<1x128xf32, #tpu.memory_space<vmem>> -> memref<128xf32, #tpu.memory_space<vmem>>
        %swap3A_403 = arith.constant 64 : index
        %swap3A_404 = tpu.vector_load %swap3A_402[%swap3A_403] {strides = array<i32>} : memref<128xf32, #tpu.memory_space<vmem>>, vector<16xf32>,
        tpu.vector_store %swap3A_402[%swap3A_403], %max3A_399 {strides = array<i32>} : memref<128xf32, #tpu.memory_space<vmem>>, vector<16xf32>,
        %max3A_405 = arith.maximumf %get3A_295, %get3A_335 : vector<16xf32>
        %swap3A_406 = arith.constant 0 : i32
        %swap3A_407 = tpu.memref_slice %arg12[%squeeze3A_184, %swap3A_406] : memref<321x128xf32, #tpu.memory_space<vmem>> -> memref<1x128xf32, #tpu.memory_space<vmem>>
        %swap3A_408 = tpu.memref_squeeze %swap3A_407 : memref<1x128xf32, #tpu.memory_space<vmem>> -> memref<128xf32, #tpu.memory_space<vmem>>
        %swap3A_409 = arith.constant 64 : index
        %swap3A_410 = tpu.vector_load %swap3A_408[%swap3A_409] {strides = array<i32>} : memref<128xf32, #tpu.memory_space<vmem>>, vector<16xf32>,
        tpu.vector_store %swap3A_408[%swap3A_409], %max3A_405 {strides = array<i32>} : memref<128xf32, #tpu.memory_space<vmem>>, vector<16xf32>,
        %max3A_411 = arith.maximumf %get3A_220, %get3A_260 : vector<16xf32>
        %swap3A_412 = arith.constant 0 : i32
        %swap3A_413 = tpu.memref_slice %arg11[%squeeze3A, %swap3A_412] : memref<321x128xf32, #tpu.memory_space<vmem>> -> memref<1x128xf32, #tpu.memory_space<vmem>>
        %swap3A_414 = tpu.memref_squeeze %swap3A_413 : memref<1x128xf32, #tpu.memory_space<vmem>> -> memref<128xf32, #tpu.memory_space<vmem>>
        %swap3A_415 = arith.constant 80 : index
        %swap3A_416 = tpu.vector_load %swap3A_414[%swap3A_415] {strides = array<i32>} : memref<128xf32, #tpu.memory_space<vmem>>, vector<16xf32>,
        tpu.vector_store %swap3A_414[%swap3A_415], %max3A_411 {strides = array<i32>} : memref<128xf32, #tpu.memory_space<vmem>>, vector<16xf32>,
        %max3A_417 = arith.maximumf %get3A_300, %get3A_340 : vector<16xf32>
        %swap3A_418 = arith.constant 0 : i32
        %swap3A_419 = tpu.memref_slice %arg12[%squeeze3A_184, %swap3A_418] : memref<321x128xf32, #tpu.memory_space<vmem>> -> memref<1x128xf32, #tpu.memory_space<vmem>>
        %swap3A_420 = tpu.memref_squeeze %swap3A_419 : memref<1x128xf32, #tpu.memory_space<vmem>> -> memref<128xf32, #tpu.memory_space<vmem>>
        %swap3A_421 = arith.constant 80 : index
        %swap3A_422 = tpu.vector_load %swap3A_420[%swap3A_421] {strides = array<i32>} : memref<128xf32, #tpu.memory_space<vmem>>, vector<16xf32>,
        tpu.vector_store %swap3A_420[%swap3A_421], %max3A_417 {strides = array<i32>} : memref<128xf32, #tpu.memory_space<vmem>>, vector<16xf32>,
        %max3A_423 = arith.maximumf %get3A_225, %get3A_265 : vector<16xf32>
        %swap3A_424 = arith.constant 0 : i32
        %swap3A_425 = tpu.memref_slice %arg11[%squeeze3A, %swap3A_424] : memref<321x128xf32, #tpu.memory_space<vmem>> -> memref<1x128xf32, #tpu.memory_space<vmem>>
        %swap3A_426 = tpu.memref_squeeze %swap3A_425 : memref<1x128xf32, #tpu.memory_space<vmem>> -> memref<128xf32, #tpu.memory_space<vmem>>
        %swap3A_427 = arith.constant 96 : index
        %swap3A_428 = tpu.vector_load %swap3A_426[%swap3A_427] {strides = array<i32>} : memref<128xf32, #tpu.memory_space<vmem>>, vector<16xf32>,
        tpu.vector_store %swap3A_426[%swap3A_427], %max3A_423 {strides = array<i32>} : memref<128xf32, #tpu.memory_space<vmem>>, vector<16xf32>,
        %max3A_429 = arith.maximumf %get3A_305, %get3A_345 : vector<16xf32>
        %swap3A_430 = arith.constant 0 : i32
        %swap3A_431 = tpu.memref_slice %arg12[%squeeze3A_184, %swap3A_430] : memref<321x128xf32, #tpu.memory_space<vmem>> -> memref<1x128xf32, #tpu.memory_space<vmem>>
        %swap3A_432 = tpu.memref_squeeze %swap3A_431 : memref<1x128xf32, #tpu.memory_space<vmem>> -> memref<128xf32, #tpu.memory_space<vmem>>
        %swap3A_433 = arith.constant 96 : index
        %swap3A_434 = tpu.vector_load %swap3A_432[%swap3A_433] {strides = array<i32>} : memref<128xf32, #tpu.memory_space<vmem>>, vector<16xf32>,
        tpu.vector_store %swap3A_432[%swap3A_433], %max3A_429 {strides = array<i32>} : memref<128xf32, #tpu.memory_space<vmem>>, vector<16xf32>,
        %max3A_435 = arith.maximumf %get3A_230, %get3A_270 : vector<16xf32>
        %swap3A_436 = arith.constant 0 : i32
        %swap3A_437 = tpu.memref_slice %arg11[%squeeze3A, %swap3A_436] : memref<321x128xf32, #tpu.memory_space<vmem>> -> memref<1x128xf32, #tpu.memory_space<vmem>>
        %swap3A_438 = tpu.memref_squeeze %swap3A_437 : memref<1x128xf32, #tpu.memory_space<vmem>> -> memref<128xf32, #tpu.memory_space<vmem>>
        %swap3A_439 = arith.constant 112 : index
        %swap3A_440 = tpu.vector_load %swap3A_438[%swap3A_439] {strides = array<i32>} : memref<128xf32, #tpu.memory_space<vmem>>, vector<16xf32>,
        tpu.vector_store %swap3A_438[%swap3A_439], %max3A_435 {strides = array<i32>} : memref<128xf32, #tpu.memory_space<vmem>>, vector<16xf32>,
        %max3A_441 = arith.maximumf %get3A_310, %get3A_350 : vector<16xf32>
        %swap3A_442 = arith.constant 0 : i32
        %swap3A_443 = tpu.memref_slice %arg12[%squeeze3A_184, %swap3A_442] : memref<321x128xf32, #tpu.memory_space<vmem>> -> memref<1x128xf32, #tpu.memory_space<vmem>>
        %swap3A_444 = tpu.memref_squeeze %swap3A_443 : memref<1x128xf32, #tpu.memory_space<vmem>> -> memref<128xf32, #tpu.memory_space<vmem>>
        %swap3A_445 = arith.constant 112 : index
        %swap3A_446 = tpu.vector_load %swap3A_444[%swap3A_445] {strides = array<i32>} : memref<128xf32, #tpu.memory_space<vmem>>, vector<16xf32>,
        tpu.vector_store %swap3A_444[%swap3A_445], %max3A_441 {strides = array<i32>} : memref<128xf32, #tpu.memory_space<vmem>>, vector<16xf32>,
        %scan3A_447 = arith.constant 0 : i32
        scf.yield %scan3A_447 : i32
      }
      %scan3A_142 = arith.constant 32 : i32
      %mul3A_143 = arith.constant 2 : i32
      %mul3A_144 = arith.muli %mul3A_143, %while3A_116 : i32
      %add3A_145 = arith.constant 2 : i32
      %add3A_146 = arith.addi %mul3A_144, %add3A_145 : i32
      %mul3A_147 = arith.constant 64 : i32
      %mul3A_148 = arith.muli %add3A_146, %mul3A_147 : i32
      %dma_start3A_149 = tpu.memref_slice %arg9[%mul3A_148] : memref<12288xi32, #tpu.memory_space<vmem>> -> memref<64xi32, #tpu.memory_space<vmem>>
      %dma_start3A_150 = arith.constant 0 : i32
      %dma_start3A_151 = arith.constant 0 : i32
      %dma_start3A_152 = tpu.memref_slice %arg2[%dma_start3A_150, %dma_start3A_151] : memref<10240x128xf32, #tpu.memory_space<hbm>> -> memref<10240x128xf32, #tpu.memory_space<hbm>>
      tpu.enqueue_indirect_dma source(%dma_start3A_152 : memref<10240x128xf32, #tpu.memory_space<hbm>>) target(%arg13 : memref<64x128xf32, #tpu.memory_space<vmem>>) offsets(%dma_start3A_149 : memref<64xi32, #tpu.memory_space<vmem>>) semaphore(%arg18 : memref<!tpu.dma_semaphore, #tpu.memory_space<semaphore_mem>>)
      %dma_wait3A_153 = arith.constant 0 : i32
      %dma_wait3A_154 = arith.constant 0 : i32
      %dma_wait3A_155 = tpu.memref_slice %arg2[%dma_wait3A_153, %dma_wait3A_154] : memref<10240x128xf32, #tpu.memory_space<hbm>> -> memref<64x128xf32, #tpu.memory_space<hbm>>
      %dma_wait3A_156 = arith.constant 0 : i32
      %dma_wait3A_157 = arith.constant 0 : i32
      %dma_wait3A_158 = tpu.memref_slice %arg2[%dma_wait3A_156, %dma_wait3A_157] : memref<10240x128xf32, #tpu.memory_space<hbm>> -> memref<64x128xf32, #tpu.memory_space<hbm>>
      tpu.wait_dma2 semaphore(%arg19 : memref<!tpu.dma_semaphore, #tpu.memory_space<semaphore_mem>>) src(%dma_wait3A_158 : memref<64x128xf32, #tpu.memory_space<hbm>>) dst(%arg14 : memref<64x128xf32, #tpu.memory_space<vmem>>)
      %mul3A_159 = arith.constant 2 : i32
      %mul3A_160 = arith.muli %mul3A_159, %while3A_116 : i32
      %add3A_161 = arith.constant 1 : i32
      %add3A_162 = arith.addi %mul3A_160, %add3A_161 : i32
      %scan3A_163 = arith.constant 0 : i32
      %scan3A_164 = arith.constant 0 : i32
      %scan3A_165 = arith.constant 32 : i32
      %scan3A_166 = arith.addi %scan3A_164, %scan3A_165 : i32
      %scan3A_167 = arith.constant 1 : i32
      %scan3A_168 = scf.for %scan3A_171 = %scan3A_164 to %scan3A_166 step %scan3A_167 iter_args(%scan3A_172 = %scan3A_163) -> (i32)  : i32 {
        %mul3A_173 = arith.constant 64 : i32
        %mul3A_174 = arith.muli %add3A_162, %mul3A_173 : i32
        %mul3A_175 = arith.constant 2 : i32
        %mul3A_176 = arith.muli %mul3A_175, %scan3A_171 : i32
        %add3A_177 = arith.addi %mul3A_174, %mul3A_176 : i32
        %get3A = arith.index_cast %add3A_177 : i32 to index
        %get3A_178 = tpu.vector_load %arg10[%get3A] {strides = array<i32>} : memref<12288xi32, #tpu.memory_space<vmem>>, vector<16xi32>,
        %slice3A = vector.extract_strided_slice %get3A_178 {offsets = [0], sizes = [1], strides = [1]} : vector<16xi32> to vector<1xi32>
        %squeeze3A = vector.extract %slice3A[0] : i32 from vector<1xi32>
        %add3A_179 = arith.constant 1 : i32
        %add3A_180 = arith.addi %add3A_177, %add3A_179 : i32
        %get3A_181 = arith.index_cast %add3A_180 : i32 to index
        %get3A_182 = tpu.vector_load %arg10[%get3A_181] {strides = array<i32>} : memref<12288xi32, #tpu.memory_space<vmem>>, vector<16xi32>,
        %slice3A_183 = vector.extract_strided_slice %get3A_182 {offsets = [0], sizes = [1], strides = [1]} : vector<16xi32> to vector<1xi32>
        %squeeze3A_184 = vector.extract %slice3A_183[0] : i32 from vector<1xi32>
        %mul3A_185 = arith.constant 2 : i32
        %mul3A_186 = arith.muli %mul3A_185, %scan3A_171 : i32
        %mul3A_187 = arith.constant 2 : i32
        %mul3A_188 = arith.muli %mul3A_187, %scan3A_171 : i32
        %add3A_189 = arith.constant 1 : i32
        %add3A_190 = arith.addi %mul3A_188, %add3A_189 : i32
        %get3A_191 = arith.constant 0 : i32
        %get3A_192 = tpu.memref_slice %arg11[%squeeze3A, %get3A_191] : memref<321x128xf32, #tpu.memory_space<vmem>> -> memref<1x128xf32, #tpu.memory_space<vmem>>
        %get3A_193 = tpu.memref_squeeze %get3A_192 : memref<1x128xf32, #tpu.memory_space<vmem>> -> memref<128xf32, #tpu.memory_space<vmem>>
        %get3A_194 = arith.constant 0 : index
        %get3A_195 = tpu.vector_load %get3A_193[%get3A_194] {strides = array<i32>} : memref<128xf32, #tpu.memory_space<vmem>>, vector<16xf32>,
        %get3A_196 = arith.constant 0 : i32
        %get3A_197 = tpu.memref_slice %arg11[%squeeze3A, %get3A_196] : memref<321x128xf32, #tpu.memory_space<vmem>> -> memref<1x128xf32, #tpu.memory_space<vmem>>
        %get3A_198 = tpu.memref_squeeze %get3A_197 : memref<1x128xf32, #tpu.memory_space<vmem>> -> memref<128xf32, #tpu.memory_space<vmem>>
        %get3A_199 = arith.constant 16 : index
        %get3A_200 = tpu.vector_load %get3A_198[%get3A_199] {strides = array<i32>} : memref<128xf32, #tpu.memory_space<vmem>>, vector<16xf32>,
        %get3A_201 = arith.constant 0 : i32
        %get3A_202 = tpu.memref_slice %arg11[%squeeze3A, %get3A_201] : memref<321x128xf32, #tpu.memory_space<vmem>> -> memref<1x128xf32, #tpu.memory_space<vmem>>
        %get3A_203 = tpu.memref_squeeze %get3A_202 : memref<1x128xf32, #tpu.memory_space<vmem>> -> memref<128xf32, #tpu.memory_space<vmem>>
        %get3A_204 = arith.constant 32 : index
        %get3A_205 = tpu.vector_load %get3A_203[%get3A_204] {strides = array<i32>} : memref<128xf32, #tpu.memory_space<vmem>>, vector<16xf32>,
        %get3A_206 = arith.constant 0 : i32
        %get3A_207 = tpu.memref_slice %arg11[%squeeze3A, %get3A_206] : memref<321x128xf32, #tpu.memory_space<vmem>> -> memref<1x128xf32, #tpu.memory_space<vmem>>
        %get3A_208 = tpu.memref_squeeze %get3A_207 : memref<1x128xf32, #tpu.memory_space<vmem>> -> memref<128xf32, #tpu.memory_space<vmem>>
        %get3A_209 = arith.constant 48 : index
        %get3A_210 = tpu.vector_load %get3A_208[%get3A_209] {strides = array<i32>} : memref<128xf32, #tpu.memory_space<vmem>>, vector<16xf32>,
        %get3A_211 = arith.constant 0 : i32
        %get3A_212 = tpu.memref_slice %arg11[%squeeze3A, %get3A_211] : memref<321x128xf32, #tpu.memory_space<vmem>> -> memref<1x128xf32, #tpu.memory_space<vmem>>
        %get3A_213 = tpu.memref_squeeze %get3A_212 : memref<1x128xf32, #tpu.memory_space<vmem>> -> memref<128xf32, #tpu.memory_space<vmem>>
        %get3A_214 = arith.constant 64 : index
        %get3A_215 = tpu.vector_load %get3A_213[%get3A_214] {strides = array<i32>} : memref<128xf32, #tpu.memory_space<vmem>>, vector<16xf32>,
        %get3A_216 = arith.constant 0 : i32
        %get3A_217 = tpu.memref_slice %arg11[%squeeze3A, %get3A_216] : memref<321x128xf32, #tpu.memory_space<vmem>> -> memref<1x128xf32, #tpu.memory_space<vmem>>
        %get3A_218 = tpu.memref_squeeze %get3A_217 : memref<1x128xf32, #tpu.memory_space<vmem>> -> memref<128xf32, #tpu.memory_space<vmem>>
        %get3A_219 = arith.constant 80 : index
        %get3A_220 = tpu.vector_load %get3A_218[%get3A_219] {strides = array<i32>} : memref<128xf32, #tpu.memory_space<vmem>>, vector<16xf32>,
        %get3A_221 = arith.constant 0 : i32
        %get3A_222 = tpu.memref_slice %arg11[%squeeze3A, %get3A_221] : memref<321x128xf32, #tpu.memory_space<vmem>> -> memref<1x128xf32, #tpu.memory_space<vmem>>
        %get3A_223 = tpu.memref_squeeze %get3A_222 : memref<1x128xf32, #tpu.memory_space<vmem>> -> memref<128xf32, #tpu.memory_space<vmem>>
        %get3A_224 = arith.constant 96 : index
        %get3A_225 = tpu.vector_load %get3A_223[%get3A_224] {strides = array<i32>} : memref<128xf32, #tpu.memory_space<vmem>>, vector<16xf32>,
        %get3A_226 = arith.constant 0 : i32
        %get3A_227 = tpu.memref_slice %arg11[%squeeze3A, %get3A_226] : memref<321x128xf32, #tpu.memory_space<vmem>> -> memref<1x128xf32, #tpu.memory_space<vmem>>
        %get3A_228 = tpu.memref_squeeze %get3A_227 : memref<1x128xf32, #tpu.memory_space<vmem>> -> memref<128xf32, #tpu.memory_space<vmem>>
        %get3A_229 = arith.constant 112 : index
        %get3A_230 = tpu.vector_load %get3A_228[%get3A_229] {strides = array<i32>} : memref<128xf32, #tpu.memory_space<vmem>>, vector<16xf32>,
        %get3A_231 = arith.constant 0 : i32
        %get3A_232 = tpu.memref_slice %arg14[%mul3A_186, %get3A_231] : memref<64x128xf32, #tpu.memory_space<vmem>> -> memref<1x128xf32, #tpu.memory_space<vmem>>
        %get3A_233 = tpu.memref_squeeze %get3A_232 : memref<1x128xf32, #tpu.memory_space<vmem>> -> memref<128xf32, #tpu.memory_space<vmem>>
        %get3A_234 = arith.constant 0 : index
        %get3A_235 = tpu.vector_load %get3A_233[%get3A_234] {strides = array<i32>} : memref<128xf32, #tpu.memory_space<vmem>>, vector<16xf32>,
        %get3A_236 = arith.constant 0 : i32
        %get3A_237 = tpu.memref_slice %arg14[%mul3A_186, %get3A_236] : memref<64x128xf32, #tpu.memory_space<vmem>> -> memref<1x128xf32, #tpu.memory_space<vmem>>
        %get3A_238 = tpu.memref_squeeze %get3A_237 : memref<1x128xf32, #tpu.memory_space<vmem>> -> memref<128xf32, #tpu.memory_space<vmem>>
        %get3A_239 = arith.constant 16 : index
        %get3A_240 = tpu.vector_load %get3A_238[%get3A_239] {strides = array<i32>} : memref<128xf32, #tpu.memory_space<vmem>>, vector<16xf32>,
        %get3A_241 = arith.constant 0 : i32
        %get3A_242 = tpu.memref_slice %arg14[%mul3A_186, %get3A_241] : memref<64x128xf32, #tpu.memory_space<vmem>> -> memref<1x128xf32, #tpu.memory_space<vmem>>
        %get3A_243 = tpu.memref_squeeze %get3A_242 : memref<1x128xf32, #tpu.memory_space<vmem>> -> memref<128xf32, #tpu.memory_space<vmem>>
        %get3A_244 = arith.constant 32 : index
        %get3A_245 = tpu.vector_load %get3A_243[%get3A_244] {strides = array<i32>} : memref<128xf32, #tpu.memory_space<vmem>>, vector<16xf32>,
        %get3A_246 = arith.constant 0 : i32
        %get3A_247 = tpu.memref_slice %arg14[%mul3A_186, %get3A_246] : memref<64x128xf32, #tpu.memory_space<vmem>> -> memref<1x128xf32, #tpu.memory_space<vmem>>
        %get3A_248 = tpu.memref_squeeze %get3A_247 : memref<1x128xf32, #tpu.memory_space<vmem>> -> memref<128xf32, #tpu.memory_space<vmem>>
        %get3A_249 = arith.constant 48 : index
        %get3A_250 = tpu.vector_load %get3A_248[%get3A_249] {strides = array<i32>} : memref<128xf32, #tpu.memory_space<vmem>>, vector<16xf32>,
        %get3A_251 = arith.constant 0 : i32
        %get3A_252 = tpu.memref_slice %arg14[%mul3A_186, %get3A_251] : memref<64x128xf32, #tpu.memory_space<vmem>> -> memref<1x128xf32, #tpu.memory_space<vmem>>
        %get3A_253 = tpu.memref_squeeze %get3A_252 : memref<1x128xf32, #tpu.memory_space<vmem>> -> memref<128xf32, #tpu.memory_space<vmem>>
        %get3A_254 = arith.constant 64 : index
        %get3A_255 = tpu.vector_load %get3A_253[%get3A_254] {strides = array<i32>} : memref<128xf32, #tpu.memory_space<vmem>>, vector<16xf32>,
        %get3A_256 = arith.constant 0 : i32
        %get3A_257 = tpu.memref_slice %arg14[%mul3A_186, %get3A_256] : memref<64x128xf32, #tpu.memory_space<vmem>> -> memref<1x128xf32, #tpu.memory_space<vmem>>
        %get3A_258 = tpu.memref_squeeze %get3A_257 : memref<1x128xf32, #tpu.memory_space<vmem>> -> memref<128xf32, #tpu.memory_space<vmem>>
        %get3A_259 = arith.constant 80 : index
        %get3A_260 = tpu.vector_load %get3A_258[%get3A_259] {strides = array<i32>} : memref<128xf32, #tpu.memory_space<vmem>>, vector<16xf32>,
        %get3A_261 = arith.constant 0 : i32
        %get3A_262 = tpu.memref_slice %arg14[%mul3A_186, %get3A_261] : memref<64x128xf32, #tpu.memory_space<vmem>> -> memref<1x128xf32, #tpu.memory_space<vmem>>
        %get3A_263 = tpu.memref_squeeze %get3A_262 : memref<1x128xf32, #tpu.memory_space<vmem>> -> memref<128xf32, #tpu.memory_space<vmem>>
        %get3A_264 = arith.constant 96 : index
        %get3A_265 = tpu.vector_load %get3A_263[%get3A_264] {strides = array<i32>} : memref<128xf32, #tpu.memory_space<vmem>>, vector<16xf32>,
        %get3A_266 = arith.constant 0 : i32
        %get3A_267 = tpu.memref_slice %arg14[%mul3A_186, %get3A_266] : memref<64x128xf32, #tpu.memory_space<vmem>> -> memref<1x128xf32, #tpu.memory_space<vmem>>
        %get3A_268 = tpu.memref_squeeze %get3A_267 : memref<1x128xf32, #tpu.memory_space<vmem>> -> memref<128xf32, #tpu.memory_space<vmem>>
        %get3A_269 = arith.constant 112 : index
        %get3A_270 = tpu.vector_load %get3A_268[%get3A_269] {strides = array<i32>} : memref<128xf32, #tpu.memory_space<vmem>>, vector<16xf32>,
        %get3A_271 = arith.constant 0 : i32
        %get3A_272 = tpu.memref_slice %arg12[%squeeze3A_184, %get3A_271] : memref<321x128xf32, #tpu.memory_space<vmem>> -> memref<1x128xf32, #tpu.memory_space<vmem>>
        %get3A_273 = tpu.memref_squeeze %get3A_272 : memref<1x128xf32, #tpu.memory_space<vmem>> -> memref<128xf32, #tpu.memory_space<vmem>>
        %get3A_274 = arith.constant 0 : index
        %get3A_275 = tpu.vector_load %get3A_273[%get3A_274] {strides = array<i32>} : memref<128xf32, #tpu.memory_space<vmem>>, vector<16xf32>,
        %get3A_276 = arith.constant 0 : i32
        %get3A_277 = tpu.memref_slice %arg12[%squeeze3A_184, %get3A_276] : memref<321x128xf32, #tpu.memory_space<vmem>> -> memref<1x128xf32, #tpu.memory_space<vmem>>
        %get3A_278 = tpu.memref_squeeze %get3A_277 : memref<1x128xf32, #tpu.memory_space<vmem>> -> memref<128xf32, #tpu.memory_space<vmem>>
        %get3A_279 = arith.constant 16 : index
        %get3A_280 = tpu.vector_load %get3A_278[%get3A_279] {strides = array<i32>} : memref<128xf32, #tpu.memory_space<vmem>>, vector<16xf32>,
        %get3A_281 = arith.constant 0 : i32
        %get3A_282 = tpu.memref_slice %arg12[%squeeze3A_184, %get3A_281] : memref<321x128xf32, #tpu.memory_space<vmem>> -> memref<1x128xf32, #tpu.memory_space<vmem>>
        %get3A_283 = tpu.memref_squeeze %get3A_282 : memref<1x128xf32, #tpu.memory_space<vmem>> -> memref<128xf32, #tpu.memory_space<vmem>>
        %get3A_284 = arith.constant 32 : index
        %get3A_285 = tpu.vector_load %get3A_283[%get3A_284] {strides = array<i32>} : memref<128xf32, #tpu.memory_space<vmem>>, vector<16xf32>,
        %get3A_286 = arith.constant 0 : i32
        %get3A_287 = tpu.memref_slice %arg12[%squeeze3A_184, %get3A_286] : memref<321x128xf32, #tpu.memory_space<vmem>> -> memref<1x128xf32, #tpu.memory_space<vmem>>
        %get3A_288 = tpu.memref_squeeze %get3A_287 : memref<1x128xf32, #tpu.memory_space<vmem>> -> memref<128xf32, #tpu.memory_space<vmem>>
        %get3A_289 = arith.constant 48 : index
        %get3A_290 = tpu.vector_load %get3A_288[%get3A_289] {strides = array<i32>} : memref<128xf32, #tpu.memory_space<vmem>>, vector<16xf32>,
        %get3A_291 = arith.constant 0 : i32
        %get3A_292 = tpu.memref_slice %arg12[%squeeze3A_184, %get3A_291] : memref<321x128xf32, #tpu.memory_space<vmem>> -> memref<1x128xf32, #tpu.memory_space<vmem>>
        %get3A_293 = tpu.memref_squeeze %get3A_292 : memref<1x128xf32, #tpu.memory_space<vmem>> -> memref<128xf32, #tpu.memory_space<vmem>>
        %get3A_294 = arith.constant 64 : index
        %get3A_295 = tpu.vector_load %get3A_293[%get3A_294] {strides = array<i32>} : memref<128xf32, #tpu.memory_space<vmem>>, vector<16xf32>,
        %get3A_296 = arith.constant 0 : i32
        %get3A_297 = tpu.memref_slice %arg12[%squeeze3A_184, %get3A_296] : memref<321x128xf32, #tpu.memory_space<vmem>> -> memref<1x128xf32, #tpu.memory_space<vmem>>
        %get3A_298 = tpu.memref_squeeze %get3A_297 : memref<1x128xf32, #tpu.memory_space<vmem>> -> memref<128xf32, #tpu.memory_space<vmem>>
        %get3A_299 = arith.constant 80 : index
        %get3A_300 = tpu.vector_load %get3A_298[%get3A_299] {strides = array<i32>} : memref<128xf32, #tpu.memory_space<vmem>>, vector<16xf32>,
        %get3A_301 = arith.constant 0 : i32
        %get3A_302 = tpu.memref_slice %arg12[%squeeze3A_184, %get3A_301] : memref<321x128xf32, #tpu.memory_space<vmem>> -> memref<1x128xf32, #tpu.memory_space<vmem>>
        %get3A_303 = tpu.memref_squeeze %get3A_302 : memref<1x128xf32, #tpu.memory_space<vmem>> -> memref<128xf32, #tpu.memory_space<vmem>>
        %get3A_304 = arith.constant 96 : index
        %get3A_305 = tpu.vector_load %get3A_303[%get3A_304] {strides = array<i32>} : memref<128xf32, #tpu.memory_space<vmem>>, vector<16xf32>,
        %get3A_306 = arith.constant 0 : i32
        %get3A_307 = tpu.memref_slice %arg12[%squeeze3A_184, %get3A_306] : memref<321x128xf32, #tpu.memory_space<vmem>> -> memref<1x128xf32, #tpu.memory_space<vmem>>
        %get3A_308 = tpu.memref_squeeze %get3A_307 : memref<1x128xf32, #tpu.memory_space<vmem>> -> memref<128xf32, #tpu.memory_space<vmem>>
        %get3A_309 = arith.constant 112 : index
        %get3A_310 = tpu.vector_load %get3A_308[%get3A_309] {strides = array<i32>} : memref<128xf32, #tpu.memory_space<vmem>>, vector<16xf32>,
        %get3A_311 = arith.constant 0 : i32
        %get3A_312 = tpu.memref_slice %arg14[%add3A_190, %get3A_311] : memref<64x128xf32, #tpu.memory_space<vmem>> -> memref<1x128xf32, #tpu.memory_space<vmem>>
        %get3A_313 = tpu.memref_squeeze %get3A_312 : memref<1x128xf32, #tpu.memory_space<vmem>> -> memref<128xf32, #tpu.memory_space<vmem>>
        %get3A_314 = arith.constant 0 : index
        %get3A_315 = tpu.vector_load %get3A_313[%get3A_314] {strides = array<i32>} : memref<128xf32, #tpu.memory_space<vmem>>, vector<16xf32>,
        %get3A_316 = arith.constant 0 : i32
        %get3A_317 = tpu.memref_slice %arg14[%add3A_190, %get3A_316] : memref<64x128xf32, #tpu.memory_space<vmem>> -> memref<1x128xf32, #tpu.memory_space<vmem>>
        %get3A_318 = tpu.memref_squeeze %get3A_317 : memref<1x128xf32, #tpu.memory_space<vmem>> -> memref<128xf32, #tpu.memory_space<vmem>>
        %get3A_319 = arith.constant 16 : index
        %get3A_320 = tpu.vector_load %get3A_318[%get3A_319] {strides = array<i32>} : memref<128xf32, #tpu.memory_space<vmem>>, vector<16xf32>,
        %get3A_321 = arith.constant 0 : i32
        %get3A_322 = tpu.memref_slice %arg14[%add3A_190, %get3A_321] : memref<64x128xf32, #tpu.memory_space<vmem>> -> memref<1x128xf32, #tpu.memory_space<vmem>>
        %get3A_323 = tpu.memref_squeeze %get3A_322 : memref<1x128xf32, #tpu.memory_space<vmem>> -> memref<128xf32, #tpu.memory_space<vmem>>
        %get3A_324 = arith.constant 32 : index
        %get3A_325 = tpu.vector_load %get3A_323[%get3A_324] {strides = array<i32>} : memref<128xf32, #tpu.memory_space<vmem>>, vector<16xf32>,
        %get3A_326 = arith.constant 0 : i32
        %get3A_327 = tpu.memref_slice %arg14[%add3A_190, %get3A_326] : memref<64x128xf32, #tpu.memory_space<vmem>> -> memref<1x128xf32, #tpu.memory_space<vmem>>
        %get3A_328 = tpu.memref_squeeze %get3A_327 : memref<1x128xf32, #tpu.memory_space<vmem>> -> memref<128xf32, #tpu.memory_space<vmem>>
        %get3A_329 = arith.constant 48 : index
        %get3A_330 = tpu.vector_load %get3A_328[%get3A_329] {strides = array<i32>} : memref<128xf32, #tpu.memory_space<vmem>>, vector<16xf32>,
        %get3A_331 = arith.constant 0 : i32
        %get3A_332 = tpu.memref_slice %arg14[%add3A_190, %get3A_331] : memref<64x128xf32, #tpu.memory_space<vmem>> -> memref<1x128xf32, #tpu.memory_space<vmem>>
        %get3A_333 = tpu.memref_squeeze %get3A_332 : memref<1x128xf32, #tpu.memory_space<vmem>> -> memref<128xf32, #tpu.memory_space<vmem>>
        %get3A_334 = arith.constant 64 : index
        %get3A_335 = tpu.vector_load %get3A_333[%get3A_334] {strides = array<i32>} : memref<128xf32, #tpu.memory_space<vmem>>, vector<16xf32>,
        %get3A_336 = arith.constant 0 : i32
        %get3A_337 = tpu.memref_slice %arg14[%add3A_190, %get3A_336] : memref<64x128xf32, #tpu.memory_space<vmem>> -> memref<1x128xf32, #tpu.memory_space<vmem>>
        %get3A_338 = tpu.memref_squeeze %get3A_337 : memref<1x128xf32, #tpu.memory_space<vmem>> -> memref<128xf32, #tpu.memory_space<vmem>>
        %get3A_339 = arith.constant 80 : index
        %get3A_340 = tpu.vector_load %get3A_338[%get3A_339] {strides = array<i32>} : memref<128xf32, #tpu.memory_space<vmem>>, vector<16xf32>,
        %get3A_341 = arith.constant 0 : i32
        %get3A_342 = tpu.memref_slice %arg14[%add3A_190, %get3A_341] : memref<64x128xf32, #tpu.memory_space<vmem>> -> memref<1x128xf32, #tpu.memory_space<vmem>>
        %get3A_343 = tpu.memref_squeeze %get3A_342 : memref<1x128xf32, #tpu.memory_space<vmem>> -> memref<128xf32, #tpu.memory_space<vmem>>
        %get3A_344 = arith.constant 96 : index
        %get3A_345 = tpu.vector_load %get3A_343[%get3A_344] {strides = array<i32>} : memref<128xf32, #tpu.memory_space<vmem>>, vector<16xf32>,
        %get3A_346 = arith.constant 0 : i32
        %get3A_347 = tpu.memref_slice %arg14[%add3A_190, %get3A_346] : memref<64x128xf32, #tpu.memory_space<vmem>> -> memref<1x128xf32, #tpu.memory_space<vmem>>
        %get3A_348 = tpu.memref_squeeze %get3A_347 : memref<1x128xf32, #tpu.memory_space<vmem>> -> memref<128xf32, #tpu.memory_space<vmem>>
        %get3A_349 = arith.constant 112 : index
        %get3A_350 = tpu.vector_load %get3A_348[%get3A_349] {strides = array<i32>} : memref<128xf32, #tpu.memory_space<vmem>>, vector<16xf32>,
        %max3A_351 = arith.maximumf %get3A_195, %get3A_235 : vector<16xf32>
        %swap3A_352 = arith.constant 0 : i32
        %swap3A_353 = tpu.memref_slice %arg11[%squeeze3A, %swap3A_352] : memref<321x128xf32, #tpu.memory_space<vmem>> -> memref<1x128xf32, #tpu.memory_space<vmem>>
        %swap3A_354 = tpu.memref_squeeze %swap3A_353 : memref<1x128xf32, #tpu.memory_space<vmem>> -> memref<128xf32, #tpu.memory_space<vmem>>
        %swap3A_355 = arith.constant 0 : index
        %swap3A_356 = tpu.vector_load %swap3A_354[%swap3A_355] {strides = array<i32>} : memref<128xf32, #tpu.memory_space<vmem>>, vector<16xf32>,
        tpu.vector_store %swap3A_354[%swap3A_355], %max3A_351 {strides = array<i32>} : memref<128xf32, #tpu.memory_space<vmem>>, vector<16xf32>,
        %max3A_357 = arith.maximumf %get3A_275, %get3A_315 : vector<16xf32>
        %swap3A_358 = arith.constant 0 : i32
        %swap3A_359 = tpu.memref_slice %arg12[%squeeze3A_184, %swap3A_358] : memref<321x128xf32, #tpu.memory_space<vmem>> -> memref<1x128xf32, #tpu.memory_space<vmem>>
        %swap3A_360 = tpu.memref_squeeze %swap3A_359 : memref<1x128xf32, #tpu.memory_space<vmem>> -> memref<128xf32, #tpu.memory_space<vmem>>
        %swap3A_361 = arith.constant 0 : index
        %swap3A_362 = tpu.vector_load %swap3A_360[%swap3A_361] {strides = array<i32>} : memref<128xf32, #tpu.memory_space<vmem>>, vector<16xf32>,
        tpu.vector_store %swap3A_360[%swap3A_361], %max3A_357 {strides = array<i32>} : memref<128xf32, #tpu.memory_space<vmem>>, vector<16xf32>,
        %max3A_363 = arith.maximumf %get3A_200, %get3A_240 : vector<16xf32>
        %swap3A_364 = arith.constant 0 : i32
        %swap3A_365 = tpu.memref_slice %arg11[%squeeze3A, %swap3A_364] : memref<321x128xf32, #tpu.memory_space<vmem>> -> memref<1x128xf32, #tpu.memory_space<vmem>>
        %swap3A_366 = tpu.memref_squeeze %swap3A_365 : memref<1x128xf32, #tpu.memory_space<vmem>> -> memref<128xf32, #tpu.memory_space<vmem>>
        %swap3A_367 = arith.constant 16 : index
        %swap3A_368 = tpu.vector_load %swap3A_366[%swap3A_367] {strides = array<i32>} : memref<128xf32, #tpu.memory_space<vmem>>, vector<16xf32>,
        tpu.vector_store %swap3A_366[%swap3A_367], %max3A_363 {strides = array<i32>} : memref<128xf32, #tpu.memory_space<vmem>>, vector<16xf32>,
        %max3A_369 = arith.maximumf %get3A_280, %get3A_320 : vector<16xf32>
        %swap3A_370 = arith.constant 0 : i32
        %swap3A_371 = tpu.memref_slice %arg12[%squeeze3A_184, %swap3A_370] : memref<321x128xf32, #tpu.memory_space<vmem>> -> memref<1x128xf32, #tpu.memory_space<vmem>>
        %swap3A_372 = tpu.memref_squeeze %swap3A_371 : memref<1x128xf32, #tpu.memory_space<vmem>> -> memref<128xf32, #tpu.memory_space<vmem>>
        %swap3A_373 = arith.constant 16 : index
        %swap3A_374 = tpu.vector_load %swap3A_372[%swap3A_373] {strides = array<i32>} : memref<128xf32, #tpu.memory_space<vmem>>, vector<16xf32>,
        tpu.vector_store %swap3A_372[%swap3A_373], %max3A_369 {strides = array<i32>} : memref<128xf32, #tpu.memory_space<vmem>>, vector<16xf32>,
        %max3A_375 = arith.maximumf %get3A_205, %get3A_245 : vector<16xf32>
        %swap3A_376 = arith.constant 0 : i32
        %swap3A_377 = tpu.memref_slice %arg11[%squeeze3A, %swap3A_376] : memref<321x128xf32, #tpu.memory_space<vmem>> -> memref<1x128xf32, #tpu.memory_space<vmem>>
        %swap3A_378 = tpu.memref_squeeze %swap3A_377 : memref<1x128xf32, #tpu.memory_space<vmem>> -> memref<128xf32, #tpu.memory_space<vmem>>
        %swap3A_379 = arith.constant 32 : index
        %swap3A_380 = tpu.vector_load %swap3A_378[%swap3A_379] {strides = array<i32>} : memref<128xf32, #tpu.memory_space<vmem>>, vector<16xf32>,
        tpu.vector_store %swap3A_378[%swap3A_379], %max3A_375 {strides = array<i32>} : memref<128xf32, #tpu.memory_space<vmem>>, vector<16xf32>,
        %max3A_381 = arith.maximumf %get3A_285, %get3A_325 : vector<16xf32>
        %swap3A_382 = arith.constant 0 : i32
        %swap3A_383 = tpu.memref_slice %arg12[%squeeze3A_184, %swap3A_382] : memref<321x128xf32, #tpu.memory_space<vmem>> -> memref<1x128xf32, #tpu.memory_space<vmem>>
        %swap3A_384 = tpu.memref_squeeze %swap3A_383 : memref<1x128xf32, #tpu.memory_space<vmem>> -> memref<128xf32, #tpu.memory_space<vmem>>
        %swap3A_385 = arith.constant 32 : index
        %swap3A_386 = tpu.vector_load %swap3A_384[%swap3A_385] {strides = array<i32>} : memref<128xf32, #tpu.memory_space<vmem>>, vector<16xf32>,
        tpu.vector_store %swap3A_384[%swap3A_385], %max3A_381 {strides = array<i32>} : memref<128xf32, #tpu.memory_space<vmem>>, vector<16xf32>,
        %max3A_387 = arith.maximumf %get3A_210, %get3A_250 : vector<16xf32>
        %swap3A_388 = arith.constant 0 : i32
        %swap3A_389 = tpu.memref_slice %arg11[%squeeze3A, %swap3A_388] : memref<321x128xf32, #tpu.memory_space<vmem>> -> memref<1x128xf32, #tpu.memory_space<vmem>>
        %swap3A_390 = tpu.memref_squeeze %swap3A_389 : memref<1x128xf32, #tpu.memory_space<vmem>> -> memref<128xf32, #tpu.memory_space<vmem>>
        %swap3A_391 = arith.constant 48 : index
        %swap3A_392 = tpu.vector_load %swap3A_390[%swap3A_391] {strides = array<i32>} : memref<128xf32, #tpu.memory_space<vmem>>, vector<16xf32>,
        tpu.vector_store %swap3A_390[%swap3A_391], %max3A_387 {strides = array<i32>} : memref<128xf32, #tpu.memory_space<vmem>>, vector<16xf32>,
        %max3A_393 = arith.maximumf %get3A_290, %get3A_330 : vector<16xf32>
        %swap3A_394 = arith.constant 0 : i32
        %swap3A_395 = tpu.memref_slice %arg12[%squeeze3A_184, %swap3A_394] : memref<321x128xf32, #tpu.memory_space<vmem>> -> memref<1x128xf32, #tpu.memory_space<vmem>>
        %swap3A_396 = tpu.memref_squeeze %swap3A_395 : memref<1x128xf32, #tpu.memory_space<vmem>> -> memref<128xf32, #tpu.memory_space<vmem>>
        %swap3A_397 = arith.constant 48 : index
        %swap3A_398 = tpu.vector_load %swap3A_396[%swap3A_397] {strides = array<i32>} : memref<128xf32, #tpu.memory_space<vmem>>, vector<16xf32>,
        tpu.vector_store %swap3A_396[%swap3A_397], %max3A_393 {strides = array<i32>} : memref<128xf32, #tpu.memory_space<vmem>>, vector<16xf32>,
        %max3A_399 = arith.maximumf %get3A_215, %get3A_255 : vector<16xf32>
        %swap3A_400 = arith.constant 0 : i32
        %swap3A_401 = tpu.memref_slice %arg11[%squeeze3A, %swap3A_400] : memref<321x128xf32, #tpu.memory_space<vmem>> -> memref<1x128xf32, #tpu.memory_space<vmem>>
        %swap3A_402 = tpu.memref_squeeze %swap3A_401 : memref<1x128xf32, #tpu.memory_space<vmem>> -> memref<128xf32, #tpu.memory_space<vmem>>
        %swap3A_403 = arith.constant 64 : index
        %swap3A_404 = tpu.vector_load %swap3A_402[%swap3A_403] {strides = array<i32>} : memref<128xf32, #tpu.memory_space<vmem>>, vector<16xf32>,
        tpu.vector_store %swap3A_402[%swap3A_403], %max3A_399 {strides = array<i32>} : memref<128xf32, #tpu.memory_space<vmem>>, vector<16xf32>,
        %max3A_405 = arith.maximumf %get3A_295, %get3A_335 : vector<16xf32>
        %swap3A_406 = arith.constant 0 : i32
        %swap3A_407 = tpu.memref_slice %arg12[%squeeze3A_184, %swap3A_406] : memref<321x128xf32, #tpu.memory_space<vmem>> -> memref<1x128xf32, #tpu.memory_space<vmem>>
        %swap3A_408 = tpu.memref_squeeze %swap3A_407 : memref<1x128xf32, #tpu.memory_space<vmem>> -> memref<128xf32, #tpu.memory_space<vmem>>
        %swap3A_409 = arith.constant 64 : index
        %swap3A_410 = tpu.vector_load %swap3A_408[%swap3A_409] {strides = array<i32>} : memref<128xf32, #tpu.memory_space<vmem>>, vector<16xf32>,
        tpu.vector_store %swap3A_408[%swap3A_409], %max3A_405 {strides = array<i32>} : memref<128xf32, #tpu.memory_space<vmem>>, vector<16xf32>,
        %max3A_411 = arith.maximumf %get3A_220, %get3A_260 : vector<16xf32>
        %swap3A_412 = arith.constant 0 : i32
        %swap3A_413 = tpu.memref_slice %arg11[%squeeze3A, %swap3A_412] : memref<321x128xf32, #tpu.memory_space<vmem>> -> memref<1x128xf32, #tpu.memory_space<vmem>>
        %swap3A_414 = tpu.memref_squeeze %swap3A_413 : memref<1x128xf32, #tpu.memory_space<vmem>> -> memref<128xf32, #tpu.memory_space<vmem>>
        %swap3A_415 = arith.constant 80 : index
        %swap3A_416 = tpu.vector_load %swap3A_414[%swap3A_415] {strides = array<i32>} : memref<128xf32, #tpu.memory_space<vmem>>, vector<16xf32>,
        tpu.vector_store %swap3A_414[%swap3A_415], %max3A_411 {strides = array<i32>} : memref<128xf32, #tpu.memory_space<vmem>>, vector<16xf32>,
        %max3A_417 = arith.maximumf %get3A_300, %get3A_340 : vector<16xf32>
        %swap3A_418 = arith.constant 0 : i32
        %swap3A_419 = tpu.memref_slice %arg12[%squeeze3A_184, %swap3A_418] : memref<321x128xf32, #tpu.memory_space<vmem>> -> memref<1x128xf32, #tpu.memory_space<vmem>>
        %swap3A_420 = tpu.memref_squeeze %swap3A_419 : memref<1x128xf32, #tpu.memory_space<vmem>> -> memref<128xf32, #tpu.memory_space<vmem>>
        %swap3A_421 = arith.constant 80 : index
        %swap3A_422 = tpu.vector_load %swap3A_420[%swap3A_421] {strides = array<i32>} : memref<128xf32, #tpu.memory_space<vmem>>, vector<16xf32>,
        tpu.vector_store %swap3A_420[%swap3A_421], %max3A_417 {strides = array<i32>} : memref<128xf32, #tpu.memory_space<vmem>>, vector<16xf32>,
        %max3A_423 = arith.maximumf %get3A_225, %get3A_265 : vector<16xf32>
        %swap3A_424 = arith.constant 0 : i32
        %swap3A_425 = tpu.memref_slice %arg11[%squeeze3A, %swap3A_424] : memref<321x128xf32, #tpu.memory_space<vmem>> -> memref<1x128xf32, #tpu.memory_space<vmem>>
        %swap3A_426 = tpu.memref_squeeze %swap3A_425 : memref<1x128xf32, #tpu.memory_space<vmem>> -> memref<128xf32, #tpu.memory_space<vmem>>
        %swap3A_427 = arith.constant 96 : index
        %swap3A_428 = tpu.vector_load %swap3A_426[%swap3A_427] {strides = array<i32>} : memref<128xf32, #tpu.memory_space<vmem>>, vector<16xf32>,
        tpu.vector_store %swap3A_426[%swap3A_427], %max3A_423 {strides = array<i32>} : memref<128xf32, #tpu.memory_space<vmem>>, vector<16xf32>,
        %max3A_429 = arith.maximumf %get3A_305, %get3A_345 : vector<16xf32>
        %swap3A_430 = arith.constant 0 : i32
        %swap3A_431 = tpu.memref_slice %arg12[%squeeze3A_184, %swap3A_430] : memref<321x128xf32, #tpu.memory_space<vmem>> -> memref<1x128xf32, #tpu.memory_space<vmem>>
        %swap3A_432 = tpu.memref_squeeze %swap3A_431 : memref<1x128xf32, #tpu.memory_space<vmem>> -> memref<128xf32, #tpu.memory_space<vmem>>
        %swap3A_433 = arith.constant 96 : index
        %swap3A_434 = tpu.vector_load %swap3A_432[%swap3A_433] {strides = array<i32>} : memref<128xf32, #tpu.memory_space<vmem>>, vector<16xf32>,
        tpu.vector_store %swap3A_432[%swap3A_433], %max3A_429 {strides = array<i32>} : memref<128xf32, #tpu.memory_space<vmem>>, vector<16xf32>,
        %max3A_435 = arith.maximumf %get3A_230, %get3A_270 : vector<16xf32>
        %swap3A_436 = arith.constant 0 : i32
        %swap3A_437 = tpu.memref_slice %arg11[%squeeze3A, %swap3A_436] : memref<321x128xf32, #tpu.memory_space<vmem>> -> memref<1x128xf32, #tpu.memory_space<vmem>>
        %swap3A_438 = tpu.memref_squeeze %swap3A_437 : memref<1x128xf32, #tpu.memory_space<vmem>> -> memref<128xf32, #tpu.memory_space<vmem>>
        %swap3A_439 = arith.constant 112 : index
        %swap3A_440 = tpu.vector_load %swap3A_438[%swap3A_439] {strides = array<i32>} : memref<128xf32, #tpu.memory_space<vmem>>, vector<16xf32>,
        tpu.vector_store %swap3A_438[%swap3A_439], %max3A_435 {strides = array<i32>} : memref<128xf32, #tpu.memory_space<vmem>>, vector<16xf32>,
        %max3A_441 = arith.maximumf %get3A_310, %get3A_350 : vector<16xf32>
        %swap3A_442 = arith.constant 0 : i32
        %swap3A_443 = tpu.memref_slice %arg12[%squeeze3A_184, %swap3A_442] : memref<321x128xf32, #tpu.memory_space<vmem>> -> memref<1x128xf32, #tpu.memory_space<vmem>>
        %swap3A_444 = tpu.memref_squeeze %swap3A_443 : memref<1x128xf32, #tpu.memory_space<vmem>> -> memref<128xf32, #tpu.memory_space<vmem>>
        %swap3A_445 = arith.constant 112 : index
        %swap3A_446 = tpu.vector_load %swap3A_444[%swap3A_445] {strides = array<i32>} : memref<128xf32, #tpu.memory_space<vmem>>, vector<16xf32>,
        tpu.vector_store %swap3A_444[%swap3A_445], %max3A_441 {strides = array<i32>} : memref<128xf32, #tpu.memory_space<vmem>>, vector<16xf32>,
        %scan3A_447 = arith.constant 0 : i32
        scf.yield %scan3A_447 : i32
      }
      %scan3A_169 = arith.constant 32 : i32
      %while3A_170 = arith.constant 0 : i32
      scf.yield %while3A_170 : i32
    }
    %while3A_102 = arith.constant 1 : i32
    %while3A_103 = scf.for %while3A_116 = %while3A_99 to %while3A_95 step %while3A_102 iter_args(%while3A_117 = %while3A_101) -> (i32)  : i32 {
      %mul3A_118 = arith.constant 2 : i32
      %mul3A_119 = arith.muli %mul3A_118, %while3A_116 : i32
      %add3A_120 = arith.constant 1 : i32
      %add3A_121 = arith.addi %mul3A_119, %add3A_120 : i32
      %mul3A_122 = arith.constant 64 : i32
      %mul3A_123 = arith.muli %add3A_121, %mul3A_122 : i32
      %dma_start3A_124 = tpu.memref_slice %arg9[%mul3A_123] : memref<12288xi32, #tpu.memory_space<vmem>> -> memref<64xi32, #tpu.memory_space<vmem>>
      %dma_start3A_125 = arith.constant 0 : i32
      %dma_start3A_126 = arith.constant 0 : i32
      %dma_start3A_127 = tpu.memref_slice %arg2[%dma_start3A_125, %dma_start3A_126] : memref<10240x128xf32, #tpu.memory_space<hbm>> -> memref<10240x128xf32, #tpu.memory_space<hbm>>
      tpu.enqueue_indirect_dma source(%dma_start3A_127 : memref<10240x128xf32, #tpu.memory_space<hbm>>) target(%arg14 : memref<64x128xf32, #tpu.memory_space<vmem>>) offsets(%dma_start3A_124 : memref<64xi32, #tpu.memory_space<vmem>>) semaphore(%arg19 : memref<!tpu.dma_semaphore, #tpu.memory_space<semaphore_mem>>)
      %dma_wait3A_128 = arith.constant 0 : i32
      %dma_wait3A_129 = arith.constant 0 : i32
      %dma_wait3A_130 = tpu.memref_slice %arg2[%dma_wait3A_128, %dma_wait3A_129] : memref<10240x128xf32, #tpu.memory_space<hbm>> -> memref<64x128xf32, #tpu.memory_space<hbm>>
      %dma_wait3A_131 = arith.constant 0 : i32
      %dma_wait3A_132 = arith.constant 0 : i32
      %dma_wait3A_133 = tpu.memref_slice %arg2[%dma_wait3A_131, %dma_wait3A_132] : memref<10240x128xf32, #tpu.memory_space<hbm>> -> memref<64x128xf32, #tpu.memory_space<hbm>>
      tpu.wait_dma2 semaphore(%arg18 : memref<!tpu.dma_semaphore, #tpu.memory_space<semaphore_mem>>) src(%dma_wait3A_133 : memref<64x128xf32, #tpu.memory_space<hbm>>) dst(%arg13 : memref<64x128xf32, #tpu.memory_space<vmem>>)
      %mul3A_134 = arith.constant 2 : i32
      %mul3A_135 = arith.muli %mul3A_134, %while3A_116 : i32
      %scan3A_136 = arith.constant 0 : i32
      %scan3A_137 = arith.constant 0 : i32
      %scan3A_138 = arith.constant 32 : i32
      %scan3A_139 = arith.addi %scan3A_137, %scan3A_138 : i32
      %scan3A_140 = arith.constant 1 : i32
      %scan3A_141 = scf.for %scan3A_171 = %scan3A_137 to %scan3A_139 step %scan3A_140 iter_args(%scan3A_172 = %scan3A_136) -> (i32)  : i32 {
        %mul3A_173 = arith.constant 64 : i32
        %mul3A_174 = arith.muli %mul3A_135, %mul3A_173 : i32
        %mul3A_175 = arith.constant 2 : i32
        %mul3A_176 = arith.muli %mul3A_175, %scan3A_171 : i32
        %add3A_177 = arith.addi %mul3A_174, %mul3A_176 : i32
        %get3A = arith.index_cast %add3A_177 : i32 to index
        %get3A_178 = tpu.vector_load %arg10[%get3A] {strides = array<i32>} : memref<12288xi32, #tpu.memory_space<vmem>>, vector<16xi32>,
        %slice3A = vector.extract_strided_slice %get3A_178 {offsets = [0], sizes = [1], strides = [1]} : vector<16xi32> to vector<1xi32>
        %squeeze3A = vector.extract %slice3A[0] : i32 from vector<1xi32>
        %add3A_179 = arith.constant 1 : i32
        %add3A_180 = arith.addi %add3A_177, %add3A_179 : i32
        %get3A_181 = arith.index_cast %add3A_180 : i32 to index
        %get3A_182 = tpu.vector_load %arg10[%get3A_181] {strides = array<i32>} : memref<12288xi32, #tpu.memory_space<vmem>>, vector<16xi32>,
        %slice3A_183 = vector.extract_strided_slice %get3A_182 {offsets = [0], sizes = [1], strides = [1]} : vector<16xi32> to vector<1xi32>
        %squeeze3A_184 = vector.extract %slice3A_183[0] : i32 from vector<1xi32>
        %mul3A_185 = arith.constant 2 : i32
        %mul3A_186 = arith.muli %mul3A_185, %scan3A_171 : i32
        %mul3A_187 = arith.constant 2 : i32
        %mul3A_188 = arith.muli %mul3A_187, %scan3A_171 : i32
        %add3A_189 = arith.constant 1 : i32
        %add3A_190 = arith.addi %mul3A_188, %add3A_189 : i32
        %get3A_191 = arith.constant 0 : i32
        %get3A_192 = tpu.memref_slice %arg11[%squeeze3A, %get3A_191] : memref<321x128xf32, #tpu.memory_space<vmem>> -> memref<1x128xf32, #tpu.memory_space<vmem>>
        %get3A_193 = tpu.memref_squeeze %get3A_192 : memref<1x128xf32, #tpu.memory_space<vmem>> -> memref<128xf32, #tpu.memory_space<vmem>>
        %get3A_194 = arith.constant 0 : index
        %get3A_195 = tpu.vector_load %get3A_193[%get3A_194] {strides = array<i32>} : memref<128xf32, #tpu.memory_space<vmem>>, vector<16xf32>,
        %get3A_196 = arith.constant 0 : i32
        %get3A_197 = tpu.memref_slice %arg11[%squeeze3A, %get3A_196] : memref<321x128xf32, #tpu.memory_space<vmem>> -> memref<1x128xf32, #tpu.memory_space<vmem>>
        %get3A_198 = tpu.memref_squeeze %get3A_197 : memref<1x128xf32, #tpu.memory_space<vmem>> -> memref<128xf32, #tpu.memory_space<vmem>>
        %get3A_199 = arith.constant 16 : index
        %get3A_200 = tpu.vector_load %get3A_198[%get3A_199] {strides = array<i32>} : memref<128xf32, #tpu.memory_space<vmem>>, vector<16xf32>,
        %get3A_201 = arith.constant 0 : i32
        %get3A_202 = tpu.memref_slice %arg11[%squeeze3A, %get3A_201] : memref<321x128xf32, #tpu.memory_space<vmem>> -> memref<1x128xf32, #tpu.memory_space<vmem>>
        %get3A_203 = tpu.memref_squeeze %get3A_202 : memref<1x128xf32, #tpu.memory_space<vmem>> -> memref<128xf32, #tpu.memory_space<vmem>>
        %get3A_204 = arith.constant 32 : index
        %get3A_205 = tpu.vector_load %get3A_203[%get3A_204] {strides = array<i32>} : memref<128xf32, #tpu.memory_space<vmem>>, vector<16xf32>,
        %get3A_206 = arith.constant 0 : i32
        %get3A_207 = tpu.memref_slice %arg11[%squeeze3A, %get3A_206] : memref<321x128xf32, #tpu.memory_space<vmem>> -> memref<1x128xf32, #tpu.memory_space<vmem>>
        %get3A_208 = tpu.memref_squeeze %get3A_207 : memref<1x128xf32, #tpu.memory_space<vmem>> -> memref<128xf32, #tpu.memory_space<vmem>>
        %get3A_209 = arith.constant 48 : index
        %get3A_210 = tpu.vector_load %get3A_208[%get3A_209] {strides = array<i32>} : memref<128xf32, #tpu.memory_space<vmem>>, vector<16xf32>,
        %get3A_211 = arith.constant 0 : i32
        %get3A_212 = tpu.memref_slice %arg11[%squeeze3A, %get3A_211] : memref<321x128xf32, #tpu.memory_space<vmem>> -> memref<1x128xf32, #tpu.memory_space<vmem>>
        %get3A_213 = tpu.memref_squeeze %get3A_212 : memref<1x128xf32, #tpu.memory_space<vmem>> -> memref<128xf32, #tpu.memory_space<vmem>>
        %get3A_214 = arith.constant 64 : index
        %get3A_215 = tpu.vector_load %get3A_213[%get3A_214] {strides = array<i32>} : memref<128xf32, #tpu.memory_space<vmem>>, vector<16xf32>,
        %get3A_216 = arith.constant 0 : i32
        %get3A_217 = tpu.memref_slice %arg11[%squeeze3A, %get3A_216] : memref<321x128xf32, #tpu.memory_space<vmem>> -> memref<1x128xf32, #tpu.memory_space<vmem>>
        %get3A_218 = tpu.memref_squeeze %get3A_217 : memref<1x128xf32, #tpu.memory_space<vmem>> -> memref<128xf32, #tpu.memory_space<vmem>>
        %get3A_219 = arith.constant 80 : index
        %get3A_220 = tpu.vector_load %get3A_218[%get3A_219] {strides = array<i32>} : memref<128xf32, #tpu.memory_space<vmem>>, vector<16xf32>,
        %get3A_221 = arith.constant 0 : i32
        %get3A_222 = tpu.memref_slice %arg11[%squeeze3A, %get3A_221] : memref<321x128xf32, #tpu.memory_space<vmem>> -> memref<1x128xf32, #tpu.memory_space<vmem>>
        %get3A_223 = tpu.memref_squeeze %get3A_222 : memref<1x128xf32, #tpu.memory_space<vmem>> -> memref<128xf32, #tpu.memory_space<vmem>>
        %get3A_224 = arith.constant 96 : index
        %get3A_225 = tpu.vector_load %get3A_223[%get3A_224] {strides = array<i32>} : memref<128xf32, #tpu.memory_space<vmem>>, vector<16xf32>,
        %get3A_226 = arith.constant 0 : i32
        %get3A_227 = tpu.memref_slice %arg11[%squeeze3A, %get3A_226] : memref<321x128xf32, #tpu.memory_space<vmem>> -> memref<1x128xf32, #tpu.memory_space<vmem>>
        %get3A_228 = tpu.memref_squeeze %get3A_227 : memref<1x128xf32, #tpu.memory_space<vmem>> -> memref<128xf32, #tpu.memory_space<vmem>>
        %get3A_229 = arith.constant 112 : index
        %get3A_230 = tpu.vector_load %get3A_228[%get3A_229] {strides = array<i32>} : memref<128xf32, #tpu.memory_space<vmem>>, vector<16xf32>,
        %get3A_231 = arith.constant 0 : i32
        %get3A_232 = tpu.memref_slice %arg13[%mul3A_186, %get3A_231] : memref<64x128xf32, #tpu.memory_space<vmem>> -> memref<1x128xf32, #tpu.memory_space<vmem>>
        %get3A_233 = tpu.memref_squeeze %get3A_232 : memref<1x128xf32, #tpu.memory_space<vmem>> -> memref<128xf32, #tpu.memory_space<vmem>>
        %get3A_234 = arith.constant 0 : index
        %get3A_235 = tpu.vector_load %get3A_233[%get3A_234] {strides = array<i32>} : memref<128xf32, #tpu.memory_space<vmem>>, vector<16xf32>,
        %get3A_236 = arith.constant 0 : i32
        %get3A_237 = tpu.memref_slice %arg13[%mul3A_186, %get3A_236] : memref<64x128xf32, #tpu.memory_space<vmem>> -> memref<1x128xf32, #tpu.memory_space<vmem>>
        %get3A_238 = tpu.memref_squeeze %get3A_237 : memref<1x128xf32, #tpu.memory_space<vmem>> -> memref<128xf32, #tpu.memory_space<vmem>>
        %get3A_239 = arith.constant 16 : index
        %get3A_240 = tpu.vector_load %get3A_238[%get3A_239] {strides = array<i32>} : memref<128xf32, #tpu.memory_space<vmem>>, vector<16xf32>,
        %get3A_241 = arith.constant 0 : i32
        %get3A_242 = tpu.memref_slice %arg13[%mul3A_186, %get3A_241] : memref<64x128xf32, #tpu.memory_space<vmem>> -> memref<1x128xf32, #tpu.memory_space<vmem>>
        %get3A_243 = tpu.memref_squeeze %get3A_242 : memref<1x128xf32, #tpu.memory_space<vmem>> -> memref<128xf32, #tpu.memory_space<vmem>>
        %get3A_244 = arith.constant 32 : index
        %get3A_245 = tpu.vector_load %get3A_243[%get3A_244] {strides = array<i32>} : memref<128xf32, #tpu.memory_space<vmem>>, vector<16xf32>,
        %get3A_246 = arith.constant 0 : i32
        %get3A_247 = tpu.memref_slice %arg13[%mul3A_186, %get3A_246] : memref<64x128xf32, #tpu.memory_space<vmem>> -> memref<1x128xf32, #tpu.memory_space<vmem>>
        %get3A_248 = tpu.memref_squeeze %get3A_247 : memref<1x128xf32, #tpu.memory_space<vmem>> -> memref<128xf32, #tpu.memory_space<vmem>>
        %get3A_249 = arith.constant 48 : index
        %get3A_250 = tpu.vector_load %get3A_248[%get3A_249] {strides = array<i32>} : memref<128xf32, #tpu.memory_space<vmem>>, vector<16xf32>,
        %get3A_251 = arith.constant 0 : i32
        %get3A_252 = tpu.memref_slice %arg13[%mul3A_186, %get3A_251] : memref<64x128xf32, #tpu.memory_space<vmem>> -> memref<1x128xf32, #tpu.memory_space<vmem>>
        %get3A_253 = tpu.memref_squeeze %get3A_252 : memref<1x128xf32, #tpu.memory_space<vmem>> -> memref<128xf32, #tpu.memory_space<vmem>>
        %get3A_254 = arith.constant 64 : index
        %get3A_255 = tpu.vector_load %get3A_253[%get3A_254] {strides = array<i32>} : memref<128xf32, #tpu.memory_space<vmem>>, vector<16xf32>,
        %get3A_256 = arith.constant 0 : i32
        %get3A_257 = tpu.memref_slice %arg13[%mul3A_186, %get3A_256] : memref<64x128xf32, #tpu.memory_space<vmem>> -> memref<1x128xf32, #tpu.memory_space<vmem>>
        %get3A_258 = tpu.memref_squeeze %get3A_257 : memref<1x128xf32, #tpu.memory_space<vmem>> -> memref<128xf32, #tpu.memory_space<vmem>>
        %get3A_259 = arith.constant 80 : index
        %get3A_260 = tpu.vector_load %get3A_258[%get3A_259] {strides = array<i32>} : memref<128xf32, #tpu.memory_space<vmem>>, vector<16xf32>,
        %get3A_261 = arith.constant 0 : i32
        %get3A_262 = tpu.memref_slice %arg13[%mul3A_186, %get3A_261] : memref<64x128xf32, #tpu.memory_space<vmem>> -> memref<1x128xf32, #tpu.memory_space<vmem>>
        %get3A_263 = tpu.memref_squeeze %get3A_262 : memref<1x128xf32, #tpu.memory_space<vmem>> -> memref<128xf32, #tpu.memory_space<vmem>>
        %get3A_264 = arith.constant 96 : index
        %get3A_265 = tpu.vector_load %get3A_263[%get3A_264] {strides = array<i32>} : memref<128xf32, #tpu.memory_space<vmem>>, vector<16xf32>,
        %get3A_266 = arith.constant 0 : i32
        %get3A_267 = tpu.memref_slice %arg13[%mul3A_186, %get3A_266] : memref<64x128xf32, #tpu.memory_space<vmem>> -> memref<1x128xf32, #tpu.memory_space<vmem>>
        %get3A_268 = tpu.memref_squeeze %get3A_267 : memref<1x128xf32, #tpu.memory_space<vmem>> -> memref<128xf32, #tpu.memory_space<vmem>>
        %get3A_269 = arith.constant 112 : index
        %get3A_270 = tpu.vector_load %get3A_268[%get3A_269] {strides = array<i32>} : memref<128xf32, #tpu.memory_space<vmem>>, vector<16xf32>,
        %get3A_271 = arith.constant 0 : i32
        %get3A_272 = tpu.memref_slice %arg12[%squeeze3A_184, %get3A_271] : memref<321x128xf32, #tpu.memory_space<vmem>> -> memref<1x128xf32, #tpu.memory_space<vmem>>
        %get3A_273 = tpu.memref_squeeze %get3A_272 : memref<1x128xf32, #tpu.memory_space<vmem>> -> memref<128xf32, #tpu.memory_space<vmem>>
        %get3A_274 = arith.constant 0 : index
        %get3A_275 = tpu.vector_load %get3A_273[%get3A_274] {strides = array<i32>} : memref<128xf32, #tpu.memory_space<vmem>>, vector<16xf32>,
        %get3A_276 = arith.constant 0 : i32
        %get3A_277 = tpu.memref_slice %arg12[%squeeze3A_184, %get3A_276] : memref<321x128xf32, #tpu.memory_space<vmem>> -> memref<1x128xf32, #tpu.memory_space<vmem>>
        %get3A_278 = tpu.memref_squeeze %get3A_277 : memref<1x128xf32, #tpu.memory_space<vmem>> -> memref<128xf32, #tpu.memory_space<vmem>>
        %get3A_279 = arith.constant 16 : index
        %get3A_280 = tpu.vector_load %get3A_278[%get3A_279] {strides = array<i32>} : memref<128xf32, #tpu.memory_space<vmem>>, vector<16xf32>,
        %get3A_281 = arith.constant 0 : i32
        %get3A_282 = tpu.memref_slice %arg12[%squeeze3A_184, %get3A_281] : memref<321x128xf32, #tpu.memory_space<vmem>> -> memref<1x128xf32, #tpu.memory_space<vmem>>
        %get3A_283 = tpu.memref_squeeze %get3A_282 : memref<1x128xf32, #tpu.memory_space<vmem>> -> memref<128xf32, #tpu.memory_space<vmem>>
        %get3A_284 = arith.constant 32 : index
        %get3A_285 = tpu.vector_load %get3A_283[%get3A_284] {strides = array<i32>} : memref<128xf32, #tpu.memory_space<vmem>>, vector<16xf32>,
        %get3A_286 = arith.constant 0 : i32
        %get3A_287 = tpu.memref_slice %arg12[%squeeze3A_184, %get3A_286] : memref<321x128xf32, #tpu.memory_space<vmem>> -> memref<1x128xf32, #tpu.memory_space<vmem>>
        %get3A_288 = tpu.memref_squeeze %get3A_287 : memref<1x128xf32, #tpu.memory_space<vmem>> -> memref<128xf32, #tpu.memory_space<vmem>>
        %get3A_289 = arith.constant 48 : index
        %get3A_290 = tpu.vector_load %get3A_288[%get3A_289] {strides = array<i32>} : memref<128xf32, #tpu.memory_space<vmem>>, vector<16xf32>,
        %get3A_291 = arith.constant 0 : i32
        %get3A_292 = tpu.memref_slice %arg12[%squeeze3A_184, %get3A_291] : memref<321x128xf32, #tpu.memory_space<vmem>> -> memref<1x128xf32, #tpu.memory_space<vmem>>
        %get3A_293 = tpu.memref_squeeze %get3A_292 : memref<1x128xf32, #tpu.memory_space<vmem>> -> memref<128xf32, #tpu.memory_space<vmem>>
        %get3A_294 = arith.constant 64 : index
        %get3A_295 = tpu.vector_load %get3A_293[%get3A_294] {strides = array<i32>} : memref<128xf32, #tpu.memory_space<vmem>>, vector<16xf32>,
        %get3A_296 = arith.constant 0 : i32
        %get3A_297 = tpu.memref_slice %arg12[%squeeze3A_184, %get3A_296] : memref<321x128xf32, #tpu.memory_space<vmem>> -> memref<1x128xf32, #tpu.memory_space<vmem>>
        %get3A_298 = tpu.memref_squeeze %get3A_297 : memref<1x128xf32, #tpu.memory_space<vmem>> -> memref<128xf32, #tpu.memory_space<vmem>>
        %get3A_299 = arith.constant 80 : index
        %get3A_300 = tpu.vector_load %get3A_298[%get3A_299] {strides = array<i32>} : memref<128xf32, #tpu.memory_space<vmem>>, vector<16xf32>,
        %get3A_301 = arith.constant 0 : i32
        %get3A_302 = tpu.memref_slice %arg12[%squeeze3A_184, %get3A_301] : memref<321x128xf32, #tpu.memory_space<vmem>> -> memref<1x128xf32, #tpu.memory_space<vmem>>
        %get3A_303 = tpu.memref_squeeze %get3A_302 : memref<1x128xf32, #tpu.memory_space<vmem>> -> memref<128xf32, #tpu.memory_space<vmem>>
        %get3A_304 = arith.constant 96 : index
        %get3A_305 = tpu.vector_load %get3A_303[%get3A_304] {strides = array<i32>} : memref<128xf32, #tpu.memory_space<vmem>>, vector<16xf32>,
        %get3A_306 = arith.constant 0 : i32
        %get3A_307 = tpu.memref_slice %arg12[%squeeze3A_184, %get3A_306] : memref<321x128xf32, #tpu.memory_space<vmem>> -> memref<1x128xf32, #tpu.memory_space<vmem>>
        %get3A_308 = tpu.memref_squeeze %get3A_307 : memref<1x128xf32, #tpu.memory_space<vmem>> -> memref<128xf32, #tpu.memory_space<vmem>>
        %get3A_309 = arith.constant 112 : index
        %get3A_310 = tpu.vector_load %get3A_308[%get3A_309] {strides = array<i32>} : memref<128xf32, #tpu.memory_space<vmem>>, vector<16xf32>,
        %get3A_311 = arith.constant 0 : i32
        %get3A_312 = tpu.memref_slice %arg13[%add3A_190, %get3A_311] : memref<64x128xf32, #tpu.memory_space<vmem>> -> memref<1x128xf32, #tpu.memory_space<vmem>>
        %get3A_313 = tpu.memref_squeeze %get3A_312 : memref<1x128xf32, #tpu.memory_space<vmem>> -> memref<128xf32, #tpu.memory_space<vmem>>
        %get3A_314 = arith.constant 0 : index
        %get3A_315 = tpu.vector_load %get3A_313[%get3A_314] {strides = array<i32>} : memref<128xf32, #tpu.memory_space<vmem>>, vector<16xf32>,
        %get3A_316 = arith.constant 0 : i32
        %get3A_317 = tpu.memref_slice %arg13[%add3A_190, %get3A_316] : memref<64x128xf32, #tpu.memory_space<vmem>> -> memref<1x128xf32, #tpu.memory_space<vmem>>
        %get3A_318 = tpu.memref_squeeze %get3A_317 : memref<1x128xf32, #tpu.memory_space<vmem>> -> memref<128xf32, #tpu.memory_space<vmem>>
        %get3A_319 = arith.constant 16 : index
        %get3A_320 = tpu.vector_load %get3A_318[%get3A_319] {strides = array<i32>} : memref<128xf32, #tpu.memory_space<vmem>>, vector<16xf32>,
        %get3A_321 = arith.constant 0 : i32
        %get3A_322 = tpu.memref_slice %arg13[%add3A_190, %get3A_321] : memref<64x128xf32, #tpu.memory_space<vmem>> -> memref<1x128xf32, #tpu.memory_space<vmem>>
        %get3A_323 = tpu.memref_squeeze %get3A_322 : memref<1x128xf32, #tpu.memory_space<vmem>> -> memref<128xf32, #tpu.memory_space<vmem>>
        %get3A_324 = arith.constant 32 : index
        %get3A_325 = tpu.vector_load %get3A_323[%get3A_324] {strides = array<i32>} : memref<128xf32, #tpu.memory_space<vmem>>, vector<16xf32>,
        %get3A_326 = arith.constant 0 : i32
        %get3A_327 = tpu.memref_slice %arg13[%add3A_190, %get3A_326] : memref<64x128xf32, #tpu.memory_space<vmem>> -> memref<1x128xf32, #tpu.memory_space<vmem>>
        %get3A_328 = tpu.memref_squeeze %get3A_327 : memref<1x128xf32, #tpu.memory_space<vmem>> -> memref<128xf32, #tpu.memory_space<vmem>>
        %get3A_329 = arith.constant 48 : index
        %get3A_330 = tpu.vector_load %get3A_328[%get3A_329] {strides = array<i32>} : memref<128xf32, #tpu.memory_space<vmem>>, vector<16xf32>,
        %get3A_331 = arith.constant 0 : i32
        %get3A_332 = tpu.memref_slice %arg13[%add3A_190, %get3A_331] : memref<64x128xf32, #tpu.memory_space<vmem>> -> memref<1x128xf32, #tpu.memory_space<vmem>>
        %get3A_333 = tpu.memref_squeeze %get3A_332 : memref<1x128xf32, #tpu.memory_space<vmem>> -> memref<128xf32, #tpu.memory_space<vmem>>
        %get3A_334 = arith.constant 64 : index
        %get3A_335 = tpu.vector_load %get3A_333[%get3A_334] {strides = array<i32>} : memref<128xf32, #tpu.memory_space<vmem>>, vector<16xf32>,
        %get3A_336 = arith.constant 0 : i32
        %get3A_337 = tpu.memref_slice %arg13[%add3A_190, %get3A_336] : memref<64x128xf32, #tpu.memory_space<vmem>> -> memref<1x128xf32, #tpu.memory_space<vmem>>
        %get3A_338 = tpu.memref_squeeze %get3A_337 : memref<1x128xf32, #tpu.memory_space<vmem>> -> memref<128xf32, #tpu.memory_space<vmem>>
        %get3A_339 = arith.constant 80 : index
        %get3A_340 = tpu.vector_load %get3A_338[%get3A_339] {strides = array<i32>} : memref<128xf32, #tpu.memory_space<vmem>>, vector<16xf32>,
        %get3A_341 = arith.constant 0 : i32
        %get3A_342 = tpu.memref_slice %arg13[%add3A_190, %get3A_341] : memref<64x128xf32, #tpu.memory_space<vmem>> -> memref<1x128xf32, #tpu.memory_space<vmem>>
        %get3A_343 = tpu.memref_squeeze %get3A_342 : memref<1x128xf32, #tpu.memory_space<vmem>> -> memref<128xf32, #tpu.memory_space<vmem>>
        %get3A_344 = arith.constant 96 : index
        %get3A_345 = tpu.vector_load %get3A_343[%get3A_344] {strides = array<i32>} : memref<128xf32, #tpu.memory_space<vmem>>, vector<16xf32>,
        %get3A_346 = arith.constant 0 : i32
        %get3A_347 = tpu.memref_slice %arg13[%add3A_190, %get3A_346] : memref<64x128xf32, #tpu.memory_space<vmem>> -> memref<1x128xf32, #tpu.memory_space<vmem>>
        %get3A_348 = tpu.memref_squeeze %get3A_347 : memref<1x128xf32, #tpu.memory_space<vmem>> -> memref<128xf32, #tpu.memory_space<vmem>>
        %get3A_349 = arith.constant 112 : index
        %get3A_350 = tpu.vector_load %get3A_348[%get3A_349] {strides = array<i32>} : memref<128xf32, #tpu.memory_space<vmem>>, vector<16xf32>,
        %max3A_351 = arith.maximumf %get3A_195, %get3A_235 : vector<16xf32>
        %swap3A_352 = arith.constant 0 : i32
        %swap3A_353 = tpu.memref_slice %arg11[%squeeze3A, %swap3A_352] : memref<321x128xf32, #tpu.memory_space<vmem>> -> memref<1x128xf32, #tpu.memory_space<vmem>>
        %swap3A_354 = tpu.memref_squeeze %swap3A_353 : memref<1x128xf32, #tpu.memory_space<vmem>> -> memref<128xf32, #tpu.memory_space<vmem>>
        %swap3A_355 = arith.constant 0 : index
        %swap3A_356 = tpu.vector_load %swap3A_354[%swap3A_355] {strides = array<i32>} : memref<128xf32, #tpu.memory_space<vmem>>, vector<16xf32>,
        tpu.vector_store %swap3A_354[%swap3A_355], %max3A_351 {strides = array<i32>} : memref<128xf32, #tpu.memory_space<vmem>>, vector<16xf32>,
        %max3A_357 = arith.maximumf %get3A_275, %get3A_315 : vector<16xf32>
        %swap3A_358 = arith.constant 0 : i32
        %swap3A_359 = tpu.memref_slice %arg12[%squeeze3A_184, %swap3A_358] : memref<321x128xf32, #tpu.memory_space<vmem>> -> memref<1x128xf32, #tpu.memory_space<vmem>>
        %swap3A_360 = tpu.memref_squeeze %swap3A_359 : memref<1x128xf32, #tpu.memory_space<vmem>> -> memref<128xf32, #tpu.memory_space<vmem>>
        %swap3A_361 = arith.constant 0 : index
        %swap3A_362 = tpu.vector_load %swap3A_360[%swap3A_361] {strides = array<i32>} : memref<128xf32, #tpu.memory_space<vmem>>, vector<16xf32>,
        tpu.vector_store %swap3A_360[%swap3A_361], %max3A_357 {strides = array<i32>} : memref<128xf32, #tpu.memory_space<vmem>>, vector<16xf32>,
        %max3A_363 = arith.maximumf %get3A_200, %get3A_240 : vector<16xf32>
        %swap3A_364 = arith.constant 0 : i32
        %swap3A_365 = tpu.memref_slice %arg11[%squeeze3A, %swap3A_364] : memref<321x128xf32, #tpu.memory_space<vmem>> -> memref<1x128xf32, #tpu.memory_space<vmem>>
        %swap3A_366 = tpu.memref_squeeze %swap3A_365 : memref<1x128xf32, #tpu.memory_space<vmem>> -> memref<128xf32, #tpu.memory_space<vmem>>
        %swap3A_367 = arith.constant 16 : index
        %swap3A_368 = tpu.vector_load %swap3A_366[%swap3A_367] {strides = array<i32>} : memref<128xf32, #tpu.memory_space<vmem>>, vector<16xf32>,
        tpu.vector_store %swap3A_366[%swap3A_367], %max3A_363 {strides = array<i32>} : memref<128xf32, #tpu.memory_space<vmem>>, vector<16xf32>,
        %max3A_369 = arith.maximumf %get3A_280, %get3A_320 : vector<16xf32>
        %swap3A_370 = arith.constant 0 : i32
        %swap3A_371 = tpu.memref_slice %arg12[%squeeze3A_184, %swap3A_370] : memref<321x128xf32, #tpu.memory_space<vmem>> -> memref<1x128xf32, #tpu.memory_space<vmem>>
        %swap3A_372 = tpu.memref_squeeze %swap3A_371 : memref<1x128xf32, #tpu.memory_space<vmem>> -> memref<128xf32, #tpu.memory_space<vmem>>
        %swap3A_373 = arith.constant 16 : index
        %swap3A_374 = tpu.vector_load %swap3A_372[%swap3A_373] {strides = array<i32>} : memref<128xf32, #tpu.memory_space<vmem>>, vector<16xf32>,
        tpu.vector_store %swap3A_372[%swap3A_373], %max3A_369 {strides = array<i32>} : memref<128xf32, #tpu.memory_space<vmem>>, vector<16xf32>,
        %max3A_375 = arith.maximumf %get3A_205, %get3A_245 : vector<16xf32>
        %swap3A_376 = arith.constant 0 : i32
        %swap3A_377 = tpu.memref_slice %arg11[%squeeze3A, %swap3A_376] : memref<321x128xf32, #tpu.memory_space<vmem>> -> memref<1x128xf32, #tpu.memory_space<vmem>>
        %swap3A_378 = tpu.memref_squeeze %swap3A_377 : memref<1x128xf32, #tpu.memory_space<vmem>> -> memref<128xf32, #tpu.memory_space<vmem>>
        %swap3A_379 = arith.constant 32 : index
        %swap3A_380 = tpu.vector_load %swap3A_378[%swap3A_379] {strides = array<i32>} : memref<128xf32, #tpu.memory_space<vmem>>, vector<16xf32>,
        tpu.vector_store %swap3A_378[%swap3A_379], %max3A_375 {strides = array<i32>} : memref<128xf32, #tpu.memory_space<vmem>>, vector<16xf32>,
        %max3A_381 = arith.maximumf %get3A_285, %get3A_325 : vector<16xf32>
        %swap3A_382 = arith.constant 0 : i32
        %swap3A_383 = tpu.memref_slice %arg12[%squeeze3A_184, %swap3A_382] : memref<321x128xf32, #tpu.memory_space<vmem>> -> memref<1x128xf32, #tpu.memory_space<vmem>>
        %swap3A_384 = tpu.memref_squeeze %swap3A_383 : memref<1x128xf32, #tpu.memory_space<vmem>> -> memref<128xf32, #tpu.memory_space<vmem>>
        %swap3A_385 = arith.constant 32 : index
        %swap3A_386 = tpu.vector_load %swap3A_384[%swap3A_385] {strides = array<i32>} : memref<128xf32, #tpu.memory_space<vmem>>, vector<16xf32>,
        tpu.vector_store %swap3A_384[%swap3A_385], %max3A_381 {strides = array<i32>} : memref<128xf32, #tpu.memory_space<vmem>>, vector<16xf32>,
        %max3A_387 = arith.maximumf %get3A_210, %get3A_250 : vector<16xf32>
        %swap3A_388 = arith.constant 0 : i32
        %swap3A_389 = tpu.memref_slice %arg11[%squeeze3A, %swap3A_388] : memref<321x128xf32, #tpu.memory_space<vmem>> -> memref<1x128xf32, #tpu.memory_space<vmem>>
        %swap3A_390 = tpu.memref_squeeze %swap3A_389 : memref<1x128xf32, #tpu.memory_space<vmem>> -> memref<128xf32, #tpu.memory_space<vmem>>
        %swap3A_391 = arith.constant 48 : index
        %swap3A_392 = tpu.vector_load %swap3A_390[%swap3A_391] {strides = array<i32>} : memref<128xf32, #tpu.memory_space<vmem>>, vector<16xf32>,
        tpu.vector_store %swap3A_390[%swap3A_391], %max3A_387 {strides = array<i32>} : memref<128xf32, #tpu.memory_space<vmem>>, vector<16xf32>,
        %max3A_393 = arith.maximumf %get3A_290, %get3A_330 : vector<16xf32>
        %swap3A_394 = arith.constant 0 : i32
        %swap3A_395 = tpu.memref_slice %arg12[%squeeze3A_184, %swap3A_394] : memref<321x128xf32, #tpu.memory_space<vmem>> -> memref<1x128xf32, #tpu.memory_space<vmem>>
        %swap3A_396 = tpu.memref_squeeze %swap3A_395 : memref<1x128xf32, #tpu.memory_space<vmem>> -> memref<128xf32, #tpu.memory_space<vmem>>
        %swap3A_397 = arith.constant 48 : index
        %swap3A_398 = tpu.vector_load %swap3A_396[%swap3A_397] {strides = array<i32>} : memref<128xf32, #tpu.memory_space<vmem>>, vector<16xf32>,
        tpu.vector_store %swap3A_396[%swap3A_397], %max3A_393 {strides = array<i32>} : memref<128xf32, #tpu.memory_space<vmem>>, vector<16xf32>,
        %max3A_399 = arith.maximumf %get3A_215, %get3A_255 : vector<16xf32>
        %swap3A_400 = arith.constant 0 : i32
        %swap3A_401 = tpu.memref_slice %arg11[%squeeze3A, %swap3A_400] : memref<321x128xf32, #tpu.memory_space<vmem>> -> memref<1x128xf32, #tpu.memory_space<vmem>>
        %swap3A_402 = tpu.memref_squeeze %swap3A_401 : memref<1x128xf32, #tpu.memory_space<vmem>> -> memref<128xf32, #tpu.memory_space<vmem>>
        %swap3A_403 = arith.constant 64 : index
        %swap3A_404 = tpu.vector_load %swap3A_402[%swap3A_403] {strides = array<i32>} : memref<128xf32, #tpu.memory_space<vmem>>, vector<16xf32>,
        tpu.vector_store %swap3A_402[%swap3A_403], %max3A_399 {strides = array<i32>} : memref<128xf32, #tpu.memory_space<vmem>>, vector<16xf32>,
        %max3A_405 = arith.maximumf %get3A_295, %get3A_335 : vector<16xf32>
        %swap3A_406 = arith.constant 0 : i32
        %swap3A_407 = tpu.memref_slice %arg12[%squeeze3A_184, %swap3A_406] : memref<321x128xf32, #tpu.memory_space<vmem>> -> memref<1x128xf32, #tpu.memory_space<vmem>>
        %swap3A_408 = tpu.memref_squeeze %swap3A_407 : memref<1x128xf32, #tpu.memory_space<vmem>> -> memref<128xf32, #tpu.memory_space<vmem>>
        %swap3A_409 = arith.constant 64 : index
        %swap3A_410 = tpu.vector_load %swap3A_408[%swap3A_409] {strides = array<i32>} : memref<128xf32, #tpu.memory_space<vmem>>, vector<16xf32>,
        tpu.vector_store %swap3A_408[%swap3A_409], %max3A_405 {strides = array<i32>} : memref<128xf32, #tpu.memory_space<vmem>>, vector<16xf32>,
        %max3A_411 = arith.maximumf %get3A_220, %get3A_260 : vector<16xf32>
        %swap3A_412 = arith.constant 0 : i32
        %swap3A_413 = tpu.memref_slice %arg11[%squeeze3A, %swap3A_412] : memref<321x128xf32, #tpu.memory_space<vmem>> -> memref<1x128xf32, #tpu.memory_space<vmem>>
        %swap3A_414 = tpu.memref_squeeze %swap3A_413 : memref<1x128xf32, #tpu.memory_space<vmem>> -> memref<128xf32, #tpu.memory_space<vmem>>
        %swap3A_415 = arith.constant 80 : index
        %swap3A_416 = tpu.vector_load %swap3A_414[%swap3A_415] {strides = array<i32>} : memref<128xf32, #tpu.memory_space<vmem>>, vector<16xf32>,
        tpu.vector_store %swap3A_414[%swap3A_415], %max3A_411 {strides = array<i32>} : memref<128xf32, #tpu.memory_space<vmem>>, vector<16xf32>,
        %max3A_417 = arith.maximumf %get3A_300, %get3A_340 : vector<16xf32>
        %swap3A_418 = arith.constant 0 : i32
        %swap3A_419 = tpu.memref_slice %arg12[%squeeze3A_184, %swap3A_418] : memref<321x128xf32, #tpu.memory_space<vmem>> -> memref<1x128xf32, #tpu.memory_space<vmem>>
        %swap3A_420 = tpu.memref_squeeze %swap3A_419 : memref<1x128xf32, #tpu.memory_space<vmem>> -> memref<128xf32, #tpu.memory_space<vmem>>
        %swap3A_421 = arith.constant 80 : index
        %swap3A_422 = tpu.vector_load %swap3A_420[%swap3A_421] {strides = array<i32>} : memref<128xf32, #tpu.memory_space<vmem>>, vector<16xf32>,
        tpu.vector_store %swap3A_420[%swap3A_421], %max3A_417 {strides = array<i32>} : memref<128xf32, #tpu.memory_space<vmem>>, vector<16xf32>,
        %max3A_423 = arith.maximumf %get3A_225, %get3A_265 : vector<16xf32>
        %swap3A_424 = arith.constant 0 : i32
        %swap3A_425 = tpu.memref_slice %arg11[%squeeze3A, %swap3A_424] : memref<321x128xf32, #tpu.memory_space<vmem>> -> memref<1x128xf32, #tpu.memory_space<vmem>>
        %swap3A_426 = tpu.memref_squeeze %swap3A_425 : memref<1x128xf32, #tpu.memory_space<vmem>> -> memref<128xf32, #tpu.memory_space<vmem>>
        %swap3A_427 = arith.constant 96 : index
        %swap3A_428 = tpu.vector_load %swap3A_426[%swap3A_427] {strides = array<i32>} : memref<128xf32, #tpu.memory_space<vmem>>, vector<16xf32>,
        tpu.vector_store %swap3A_426[%swap3A_427], %max3A_423 {strides = array<i32>} : memref<128xf32, #tpu.memory_space<vmem>>, vector<16xf32>,
        %max3A_429 = arith.maximumf %get3A_305, %get3A_345 : vector<16xf32>
        %swap3A_430 = arith.constant 0 : i32
        %swap3A_431 = tpu.memref_slice %arg12[%squeeze3A_184, %swap3A_430] : memref<321x128xf32, #tpu.memory_space<vmem>> -> memref<1x128xf32, #tpu.memory_space<vmem>>
        %swap3A_432 = tpu.memref_squeeze %swap3A_431 : memref<1x128xf32, #tpu.memory_space<vmem>> -> memref<128xf32, #tpu.memory_space<vmem>>
        %swap3A_433 = arith.constant 96 : index
        %swap3A_434 = tpu.vector_load %swap3A_432[%swap3A_433] {strides = array<i32>} : memref<128xf32, #tpu.memory_space<vmem>>, vector<16xf32>,
        tpu.vector_store %swap3A_432[%swap3A_433], %max3A_429 {strides = array<i32>} : memref<128xf32, #tpu.memory_space<vmem>>, vector<16xf32>,
        %max3A_435 = arith.maximumf %get3A_230, %get3A_270 : vector<16xf32>
        %swap3A_436 = arith.constant 0 : i32
        %swap3A_437 = tpu.memref_slice %arg11[%squeeze3A, %swap3A_436] : memref<321x128xf32, #tpu.memory_space<vmem>> -> memref<1x128xf32, #tpu.memory_space<vmem>>
        %swap3A_438 = tpu.memref_squeeze %swap3A_437 : memref<1x128xf32, #tpu.memory_space<vmem>> -> memref<128xf32, #tpu.memory_space<vmem>>
        %swap3A_439 = arith.constant 112 : index
        %swap3A_440 = tpu.vector_load %swap3A_438[%swap3A_439] {strides = array<i32>} : memref<128xf32, #tpu.memory_space<vmem>>, vector<16xf32>,
        tpu.vector_store %swap3A_438[%swap3A_439], %max3A_435 {strides = array<i32>} : memref<128xf32, #tpu.memory_space<vmem>>, vector<16xf32>,
        %max3A_441 = arith.maximumf %get3A_310, %get3A_350 : vector<16xf32>
        %swap3A_442 = arith.constant 0 : i32
        %swap3A_443 = tpu.memref_slice %arg12[%squeeze3A_184, %swap3A_442] : memref<321x128xf32, #tpu.memory_space<vmem>> -> memref<1x128xf32, #tpu.memory_space<vmem>>
        %swap3A_444 = tpu.memref_squeeze %swap3A_443 : memref<1x128xf32, #tpu.memory_space<vmem>> -> memref<128xf32, #tpu.memory_space<vmem>>
        %swap3A_445 = arith.constant 112 : index
        %swap3A_446 = tpu.vector_load %swap3A_444[%swap3A_445] {strides = array<i32>} : memref<128xf32, #tpu.memory_space<vmem>>, vector<16xf32>,
        tpu.vector_store %swap3A_444[%swap3A_445], %max3A_441 {strides = array<i32>} : memref<128xf32, #tpu.memory_space<vmem>>, vector<16xf32>,
        %scan3A_447 = arith.constant 0 : i32
        scf.yield %scan3A_447 : i32
      }
      %scan3A_142 = arith.constant 32 : i32
      %mul3A_143 = arith.constant 2 : i32
      %mul3A_144 = arith.muli %mul3A_143, %while3A_116 : i32
      %add3A_145 = arith.constant 2 : i32
      %add3A_146 = arith.addi %mul3A_144, %add3A_145 : i32
      %mul3A_147 = arith.constant 64 : i32
      %mul3A_148 = arith.muli %add3A_146, %mul3A_147 : i32
      %dma_start3A_149 = tpu.memref_slice %arg9[%mul3A_148] : memref<12288xi32, #tpu.memory_space<vmem>> -> memref<64xi32, #tpu.memory_space<vmem>>
      %dma_start3A_150 = arith.constant 0 : i32
      %dma_start3A_151 = arith.constant 0 : i32
      %dma_start3A_152 = tpu.memref_slice %arg2[%dma_start3A_150, %dma_start3A_151] : memref<10240x128xf32, #tpu.memory_space<hbm>> -> memref<10240x128xf32, #tpu.memory_space<hbm>>
      tpu.enqueue_indirect_dma source(%dma_start3A_152 : memref<10240x128xf32, #tpu.memory_space<hbm>>) target(%arg13 : memref<64x128xf32, #tpu.memory_space<vmem>>) offsets(%dma_start3A_149 : memref<64xi32, #tpu.memory_space<vmem>>) semaphore(%arg18 : memref<!tpu.dma_semaphore, #tpu.memory_space<semaphore_mem>>)
      %dma_wait3A_153 = arith.constant 0 : i32
      %dma_wait3A_154 = arith.constant 0 : i32
      %dma_wait3A_155 = tpu.memref_slice %arg2[%dma_wait3A_153, %dma_wait3A_154] : memref<10240x128xf32, #tpu.memory_space<hbm>> -> memref<64x128xf32, #tpu.memory_space<hbm>>
      %dma_wait3A_156 = arith.constant 0 : i32
      %dma_wait3A_157 = arith.constant 0 : i32
      %dma_wait3A_158 = tpu.memref_slice %arg2[%dma_wait3A_156, %dma_wait3A_157] : memref<10240x128xf32, #tpu.memory_space<hbm>> -> memref<64x128xf32, #tpu.memory_space<hbm>>
      tpu.wait_dma2 semaphore(%arg19 : memref<!tpu.dma_semaphore, #tpu.memory_space<semaphore_mem>>) src(%dma_wait3A_158 : memref<64x128xf32, #tpu.memory_space<hbm>>) dst(%arg14 : memref<64x128xf32, #tpu.memory_space<vmem>>)
      %mul3A_159 = arith.constant 2 : i32
      %mul3A_160 = arith.muli %mul3A_159, %while3A_116 : i32
      %add3A_161 = arith.constant 1 : i32
      %add3A_162 = arith.addi %mul3A_160, %add3A_161 : i32
      %scan3A_163 = arith.constant 0 : i32
      %scan3A_164 = arith.constant 0 : i32
      %scan3A_165 = arith.constant 32 : i32
      %scan3A_166 = arith.addi %scan3A_164, %scan3A_165 : i32
      %scan3A_167 = arith.constant 1 : i32
      %scan3A_168 = scf.for %scan3A_171 = %scan3A_164 to %scan3A_166 step %scan3A_167 iter_args(%scan3A_172 = %scan3A_163) -> (i32)  : i32 {
        %mul3A_173 = arith.constant 64 : i32
        %mul3A_174 = arith.muli %add3A_162, %mul3A_173 : i32
        %mul3A_175 = arith.constant 2 : i32
        %mul3A_176 = arith.muli %mul3A_175, %scan3A_171 : i32
        %add3A_177 = arith.addi %mul3A_174, %mul3A_176 : i32
        %get3A = arith.index_cast %add3A_177 : i32 to index
        %get3A_178 = tpu.vector_load %arg10[%get3A] {strides = array<i32>} : memref<12288xi32, #tpu.memory_space<vmem>>, vector<16xi32>,
        %slice3A = vector.extract_strided_slice %get3A_178 {offsets = [0], sizes = [1], strides = [1]} : vector<16xi32> to vector<1xi32>
        %squeeze3A = vector.extract %slice3A[0] : i32 from vector<1xi32>
        %add3A_179 = arith.constant 1 : i32
        %add3A_180 = arith.addi %add3A_177, %add3A_179 : i32
        %get3A_181 = arith.index_cast %add3A_180 : i32 to index
        %get3A_182 = tpu.vector_load %arg10[%get3A_181] {strides = array<i32>} : memref<12288xi32, #tpu.memory_space<vmem>>, vector<16xi32>,
        %slice3A_183 = vector.extract_strided_slice %get3A_182 {offsets = [0], sizes = [1], strides = [1]} : vector<16xi32> to vector<1xi32>
        %squeeze3A_184 = vector.extract %slice3A_183[0] : i32 from vector<1xi32>
        %mul3A_185 = arith.constant 2 : i32
        %mul3A_186 = arith.muli %mul3A_185, %scan3A_171 : i32
        %mul3A_187 = arith.constant 2 : i32
        %mul3A_188 = arith.muli %mul3A_187, %scan3A_171 : i32
        %add3A_189 = arith.constant 1 : i32
        %add3A_190 = arith.addi %mul3A_188, %add3A_189 : i32
        %get3A_191 = arith.constant 0 : i32
        %get3A_192 = tpu.memref_slice %arg11[%squeeze3A, %get3A_191] : memref<321x128xf32, #tpu.memory_space<vmem>> -> memref<1x128xf32, #tpu.memory_space<vmem>>
        %get3A_193 = tpu.memref_squeeze %get3A_192 : memref<1x128xf32, #tpu.memory_space<vmem>> -> memref<128xf32, #tpu.memory_space<vmem>>
        %get3A_194 = arith.constant 0 : index
        %get3A_195 = tpu.vector_load %get3A_193[%get3A_194] {strides = array<i32>} : memref<128xf32, #tpu.memory_space<vmem>>, vector<16xf32>,
        %get3A_196 = arith.constant 0 : i32
        %get3A_197 = tpu.memref_slice %arg11[%squeeze3A, %get3A_196] : memref<321x128xf32, #tpu.memory_space<vmem>> -> memref<1x128xf32, #tpu.memory_space<vmem>>
        %get3A_198 = tpu.memref_squeeze %get3A_197 : memref<1x128xf32, #tpu.memory_space<vmem>> -> memref<128xf32, #tpu.memory_space<vmem>>
        %get3A_199 = arith.constant 16 : index
        %get3A_200 = tpu.vector_load %get3A_198[%get3A_199] {strides = array<i32>} : memref<128xf32, #tpu.memory_space<vmem>>, vector<16xf32>,
        %get3A_201 = arith.constant 0 : i32
        %get3A_202 = tpu.memref_slice %arg11[%squeeze3A, %get3A_201] : memref<321x128xf32, #tpu.memory_space<vmem>> -> memref<1x128xf32, #tpu.memory_space<vmem>>
        %get3A_203 = tpu.memref_squeeze %get3A_202 : memref<1x128xf32, #tpu.memory_space<vmem>> -> memref<128xf32, #tpu.memory_space<vmem>>
        %get3A_204 = arith.constant 32 : index
        %get3A_205 = tpu.vector_load %get3A_203[%get3A_204] {strides = array<i32>} : memref<128xf32, #tpu.memory_space<vmem>>, vector<16xf32>,
        %get3A_206 = arith.constant 0 : i32
        %get3A_207 = tpu.memref_slice %arg11[%squeeze3A, %get3A_206] : memref<321x128xf32, #tpu.memory_space<vmem>> -> memref<1x128xf32, #tpu.memory_space<vmem>>
        %get3A_208 = tpu.memref_squeeze %get3A_207 : memref<1x128xf32, #tpu.memory_space<vmem>> -> memref<128xf32, #tpu.memory_space<vmem>>
        %get3A_209 = arith.constant 48 : index
        %get3A_210 = tpu.vector_load %get3A_208[%get3A_209] {strides = array<i32>} : memref<128xf32, #tpu.memory_space<vmem>>, vector<16xf32>,
        %get3A_211 = arith.constant 0 : i32
        %get3A_212 = tpu.memref_slice %arg11[%squeeze3A, %get3A_211] : memref<321x128xf32, #tpu.memory_space<vmem>> -> memref<1x128xf32, #tpu.memory_space<vmem>>
        %get3A_213 = tpu.memref_squeeze %get3A_212 : memref<1x128xf32, #tpu.memory_space<vmem>> -> memref<128xf32, #tpu.memory_space<vmem>>
        %get3A_214 = arith.constant 64 : index
        %get3A_215 = tpu.vector_load %get3A_213[%get3A_214] {strides = array<i32>} : memref<128xf32, #tpu.memory_space<vmem>>, vector<16xf32>,
        %get3A_216 = arith.constant 0 : i32
        %get3A_217 = tpu.memref_slice %arg11[%squeeze3A, %get3A_216] : memref<321x128xf32, #tpu.memory_space<vmem>> -> memref<1x128xf32, #tpu.memory_space<vmem>>
        %get3A_218 = tpu.memref_squeeze %get3A_217 : memref<1x128xf32, #tpu.memory_space<vmem>> -> memref<128xf32, #tpu.memory_space<vmem>>
        %get3A_219 = arith.constant 80 : index
        %get3A_220 = tpu.vector_load %get3A_218[%get3A_219] {strides = array<i32>} : memref<128xf32, #tpu.memory_space<vmem>>, vector<16xf32>,
        %get3A_221 = arith.constant 0 : i32
        %get3A_222 = tpu.memref_slice %arg11[%squeeze3A, %get3A_221] : memref<321x128xf32, #tpu.memory_space<vmem>> -> memref<1x128xf32, #tpu.memory_space<vmem>>
        %get3A_223 = tpu.memref_squeeze %get3A_222 : memref<1x128xf32, #tpu.memory_space<vmem>> -> memref<128xf32, #tpu.memory_space<vmem>>
        %get3A_224 = arith.constant 96 : index
        %get3A_225 = tpu.vector_load %get3A_223[%get3A_224] {strides = array<i32>} : memref<128xf32, #tpu.memory_space<vmem>>, vector<16xf32>,
        %get3A_226 = arith.constant 0 : i32
        %get3A_227 = tpu.memref_slice %arg11[%squeeze3A, %get3A_226] : memref<321x128xf32, #tpu.memory_space<vmem>> -> memref<1x128xf32, #tpu.memory_space<vmem>>
        %get3A_228 = tpu.memref_squeeze %get3A_227 : memref<1x128xf32, #tpu.memory_space<vmem>> -> memref<128xf32, #tpu.memory_space<vmem>>
        %get3A_229 = arith.constant 112 : index
        %get3A_230 = tpu.vector_load %get3A_228[%get3A_229] {strides = array<i32>} : memref<128xf32, #tpu.memory_space<vmem>>, vector<16xf32>,
        %get3A_231 = arith.constant 0 : i32
        %get3A_232 = tpu.memref_slice %arg14[%mul3A_186, %get3A_231] : memref<64x128xf32, #tpu.memory_space<vmem>> -> memref<1x128xf32, #tpu.memory_space<vmem>>
        %get3A_233 = tpu.memref_squeeze %get3A_232 : memref<1x128xf32, #tpu.memory_space<vmem>> -> memref<128xf32, #tpu.memory_space<vmem>>
        %get3A_234 = arith.constant 0 : index
        %get3A_235 = tpu.vector_load %get3A_233[%get3A_234] {strides = array<i32>} : memref<128xf32, #tpu.memory_space<vmem>>, vector<16xf32>,
        %get3A_236 = arith.constant 0 : i32
        %get3A_237 = tpu.memref_slice %arg14[%mul3A_186, %get3A_236] : memref<64x128xf32, #tpu.memory_space<vmem>> -> memref<1x128xf32, #tpu.memory_space<vmem>>
        %get3A_238 = tpu.memref_squeeze %get3A_237 : memref<1x128xf32, #tpu.memory_space<vmem>> -> memref<128xf32, #tpu.memory_space<vmem>>
        %get3A_239 = arith.constant 16 : index
        %get3A_240 = tpu.vector_load %get3A_238[%get3A_239] {strides = array<i32>} : memref<128xf32, #tpu.memory_space<vmem>>, vector<16xf32>,
        %get3A_241 = arith.constant 0 : i32
        %get3A_242 = tpu.memref_slice %arg14[%mul3A_186, %get3A_241] : memref<64x128xf32, #tpu.memory_space<vmem>> -> memref<1x128xf32, #tpu.memory_space<vmem>>
        %get3A_243 = tpu.memref_squeeze %get3A_242 : memref<1x128xf32, #tpu.memory_space<vmem>> -> memref<128xf32, #tpu.memory_space<vmem>>
        %get3A_244 = arith.constant 32 : index
        %get3A_245 = tpu.vector_load %get3A_243[%get3A_244] {strides = array<i32>} : memref<128xf32, #tpu.memory_space<vmem>>, vector<16xf32>,
        %get3A_246 = arith.constant 0 : i32
        %get3A_247 = tpu.memref_slice %arg14[%mul3A_186, %get3A_246] : memref<64x128xf32, #tpu.memory_space<vmem>> -> memref<1x128xf32, #tpu.memory_space<vmem>>
        %get3A_248 = tpu.memref_squeeze %get3A_247 : memref<1x128xf32, #tpu.memory_space<vmem>> -> memref<128xf32, #tpu.memory_space<vmem>>
        %get3A_249 = arith.constant 48 : index
        %get3A_250 = tpu.vector_load %get3A_248[%get3A_249] {strides = array<i32>} : memref<128xf32, #tpu.memory_space<vmem>>, vector<16xf32>,
        %get3A_251 = arith.constant 0 : i32
        %get3A_252 = tpu.memref_slice %arg14[%mul3A_186, %get3A_251] : memref<64x128xf32, #tpu.memory_space<vmem>> -> memref<1x128xf32, #tpu.memory_space<vmem>>
        %get3A_253 = tpu.memref_squeeze %get3A_252 : memref<1x128xf32, #tpu.memory_space<vmem>> -> memref<128xf32, #tpu.memory_space<vmem>>
        %get3A_254 = arith.constant 64 : index
        %get3A_255 = tpu.vector_load %get3A_253[%get3A_254] {strides = array<i32>} : memref<128xf32, #tpu.memory_space<vmem>>, vector<16xf32>,
        %get3A_256 = arith.constant 0 : i32
        %get3A_257 = tpu.memref_slice %arg14[%mul3A_186, %get3A_256] : memref<64x128xf32, #tpu.memory_space<vmem>> -> memref<1x128xf32, #tpu.memory_space<vmem>>
        %get3A_258 = tpu.memref_squeeze %get3A_257 : memref<1x128xf32, #tpu.memory_space<vmem>> -> memref<128xf32, #tpu.memory_space<vmem>>
        %get3A_259 = arith.constant 80 : index
        %get3A_260 = tpu.vector_load %get3A_258[%get3A_259] {strides = array<i32>} : memref<128xf32, #tpu.memory_space<vmem>>, vector<16xf32>,
        %get3A_261 = arith.constant 0 : i32
        %get3A_262 = tpu.memref_slice %arg14[%mul3A_186, %get3A_261] : memref<64x128xf32, #tpu.memory_space<vmem>> -> memref<1x128xf32, #tpu.memory_space<vmem>>
        %get3A_263 = tpu.memref_squeeze %get3A_262 : memref<1x128xf32, #tpu.memory_space<vmem>> -> memref<128xf32, #tpu.memory_space<vmem>>
        %get3A_264 = arith.constant 96 : index
        %get3A_265 = tpu.vector_load %get3A_263[%get3A_264] {strides = array<i32>} : memref<128xf32, #tpu.memory_space<vmem>>, vector<16xf32>,
        %get3A_266 = arith.constant 0 : i32
        %get3A_267 = tpu.memref_slice %arg14[%mul3A_186, %get3A_266] : memref<64x128xf32, #tpu.memory_space<vmem>> -> memref<1x128xf32, #tpu.memory_space<vmem>>
        %get3A_268 = tpu.memref_squeeze %get3A_267 : memref<1x128xf32, #tpu.memory_space<vmem>> -> memref<128xf32, #tpu.memory_space<vmem>>
        %get3A_269 = arith.constant 112 : index
        %get3A_270 = tpu.vector_load %get3A_268[%get3A_269] {strides = array<i32>} : memref<128xf32, #tpu.memory_space<vmem>>, vector<16xf32>,
        %get3A_271 = arith.constant 0 : i32
        %get3A_272 = tpu.memref_slice %arg12[%squeeze3A_184, %get3A_271] : memref<321x128xf32, #tpu.memory_space<vmem>> -> memref<1x128xf32, #tpu.memory_space<vmem>>
        %get3A_273 = tpu.memref_squeeze %get3A_272 : memref<1x128xf32, #tpu.memory_space<vmem>> -> memref<128xf32, #tpu.memory_space<vmem>>
        %get3A_274 = arith.constant 0 : index
        %get3A_275 = tpu.vector_load %get3A_273[%get3A_274] {strides = array<i32>} : memref<128xf32, #tpu.memory_space<vmem>>, vector<16xf32>,
        %get3A_276 = arith.constant 0 : i32
        %get3A_277 = tpu.memref_slice %arg12[%squeeze3A_184, %get3A_276] : memref<321x128xf32, #tpu.memory_space<vmem>> -> memref<1x128xf32, #tpu.memory_space<vmem>>
        %get3A_278 = tpu.memref_squeeze %get3A_277 : memref<1x128xf32, #tpu.memory_space<vmem>> -> memref<128xf32, #tpu.memory_space<vmem>>
        %get3A_279 = arith.constant 16 : index
        %get3A_280 = tpu.vector_load %get3A_278[%get3A_279] {strides = array<i32>} : memref<128xf32, #tpu.memory_space<vmem>>, vector<16xf32>,
        %get3A_281 = arith.constant 0 : i32
        %get3A_282 = tpu.memref_slice %arg12[%squeeze3A_184, %get3A_281] : memref<321x128xf32, #tpu.memory_space<vmem>> -> memref<1x128xf32, #tpu.memory_space<vmem>>
        %get3A_283 = tpu.memref_squeeze %get3A_282 : memref<1x128xf32, #tpu.memory_space<vmem>> -> memref<128xf32, #tpu.memory_space<vmem>>
        %get3A_284 = arith.constant 32 : index
        %get3A_285 = tpu.vector_load %get3A_283[%get3A_284] {strides = array<i32>} : memref<128xf32, #tpu.memory_space<vmem>>, vector<16xf32>,
        %get3A_286 = arith.constant 0 : i32
        %get3A_287 = tpu.memref_slice %arg12[%squeeze3A_184, %get3A_286] : memref<321x128xf32, #tpu.memory_space<vmem>> -> memref<1x128xf32, #tpu.memory_space<vmem>>
        %get3A_288 = tpu.memref_squeeze %get3A_287 : memref<1x128xf32, #tpu.memory_space<vmem>> -> memref<128xf32, #tpu.memory_space<vmem>>
        %get3A_289 = arith.constant 48 : index
        %get3A_290 = tpu.vector_load %get3A_288[%get3A_289] {strides = array<i32>} : memref<128xf32, #tpu.memory_space<vmem>>, vector<16xf32>,
        %get3A_291 = arith.constant 0 : i32
        %get3A_292 = tpu.memref_slice %arg12[%squeeze3A_184, %get3A_291] : memref<321x128xf32, #tpu.memory_space<vmem>> -> memref<1x128xf32, #tpu.memory_space<vmem>>
        %get3A_293 = tpu.memref_squeeze %get3A_292 : memref<1x128xf32, #tpu.memory_space<vmem>> -> memref<128xf32, #tpu.memory_space<vmem>>
        %get3A_294 = arith.constant 64 : index
        %get3A_295 = tpu.vector_load %get3A_293[%get3A_294] {strides = array<i32>} : memref<128xf32, #tpu.memory_space<vmem>>, vector<16xf32>,
        %get3A_296 = arith.constant 0 : i32
        %get3A_297 = tpu.memref_slice %arg12[%squeeze3A_184, %get3A_296] : memref<321x128xf32, #tpu.memory_space<vmem>> -> memref<1x128xf32, #tpu.memory_space<vmem>>
        %get3A_298 = tpu.memref_squeeze %get3A_297 : memref<1x128xf32, #tpu.memory_space<vmem>> -> memref<128xf32, #tpu.memory_space<vmem>>
        %get3A_299 = arith.constant 80 : index
        %get3A_300 = tpu.vector_load %get3A_298[%get3A_299] {strides = array<i32>} : memref<128xf32, #tpu.memory_space<vmem>>, vector<16xf32>,
        %get3A_301 = arith.constant 0 : i32
        %get3A_302 = tpu.memref_slice %arg12[%squeeze3A_184, %get3A_301] : memref<321x128xf32, #tpu.memory_space<vmem>> -> memref<1x128xf32, #tpu.memory_space<vmem>>
        %get3A_303 = tpu.memref_squeeze %get3A_302 : memref<1x128xf32, #tpu.memory_space<vmem>> -> memref<128xf32, #tpu.memory_space<vmem>>
        %get3A_304 = arith.constant 96 : index
        %get3A_305 = tpu.vector_load %get3A_303[%get3A_304] {strides = array<i32>} : memref<128xf32, #tpu.memory_space<vmem>>, vector<16xf32>,
        %get3A_306 = arith.constant 0 : i32
        %get3A_307 = tpu.memref_slice %arg12[%squeeze3A_184, %get3A_306] : memref<321x128xf32, #tpu.memory_space<vmem>> -> memref<1x128xf32, #tpu.memory_space<vmem>>
        %get3A_308 = tpu.memref_squeeze %get3A_307 : memref<1x128xf32, #tpu.memory_space<vmem>> -> memref<128xf32, #tpu.memory_space<vmem>>
        %get3A_309 = arith.constant 112 : index
        %get3A_310 = tpu.vector_load %get3A_308[%get3A_309] {strides = array<i32>} : memref<128xf32, #tpu.memory_space<vmem>>, vector<16xf32>,
        %get3A_311 = arith.constant 0 : i32
        %get3A_312 = tpu.memref_slice %arg14[%add3A_190, %get3A_311] : memref<64x128xf32, #tpu.memory_space<vmem>> -> memref<1x128xf32, #tpu.memory_space<vmem>>
        %get3A_313 = tpu.memref_squeeze %get3A_312 : memref<1x128xf32, #tpu.memory_space<vmem>> -> memref<128xf32, #tpu.memory_space<vmem>>
        %get3A_314 = arith.constant 0 : index
        %get3A_315 = tpu.vector_load %get3A_313[%get3A_314] {strides = array<i32>} : memref<128xf32, #tpu.memory_space<vmem>>, vector<16xf32>,
        %get3A_316 = arith.constant 0 : i32
        %get3A_317 = tpu.memref_slice %arg14[%add3A_190, %get3A_316] : memref<64x128xf32, #tpu.memory_space<vmem>> -> memref<1x128xf32, #tpu.memory_space<vmem>>
        %get3A_318 = tpu.memref_squeeze %get3A_317 : memref<1x128xf32, #tpu.memory_space<vmem>> -> memref<128xf32, #tpu.memory_space<vmem>>
        %get3A_319 = arith.constant 16 : index
        %get3A_320 = tpu.vector_load %get3A_318[%get3A_319] {strides = array<i32>} : memref<128xf32, #tpu.memory_space<vmem>>, vector<16xf32>,
        %get3A_321 = arith.constant 0 : i32
        %get3A_322 = tpu.memref_slice %arg14[%add3A_190, %get3A_321] : memref<64x128xf32, #tpu.memory_space<vmem>> -> memref<1x128xf32, #tpu.memory_space<vmem>>
        %get3A_323 = tpu.memref_squeeze %get3A_322 : memref<1x128xf32, #tpu.memory_space<vmem>> -> memref<128xf32, #tpu.memory_space<vmem>>
        %get3A_324 = arith.constant 32 : index
        %get3A_325 = tpu.vector_load %get3A_323[%get3A_324] {strides = array<i32>} : memref<128xf32, #tpu.memory_space<vmem>>, vector<16xf32>,
        %get3A_326 = arith.constant 0 : i32
        %get3A_327 = tpu.memref_slice %arg14[%add3A_190, %get3A_326] : memref<64x128xf32, #tpu.memory_space<vmem>> -> memref<1x128xf32, #tpu.memory_space<vmem>>
        %get3A_328 = tpu.memref_squeeze %get3A_327 : memref<1x128xf32, #tpu.memory_space<vmem>> -> memref<128xf32, #tpu.memory_space<vmem>>
        %get3A_329 = arith.constant 48 : index
        %get3A_330 = tpu.vector_load %get3A_328[%get3A_329] {strides = array<i32>} : memref<128xf32, #tpu.memory_space<vmem>>, vector<16xf32>,
        %get3A_331 = arith.constant 0 : i32
        %get3A_332 = tpu.memref_slice %arg14[%add3A_190, %get3A_331] : memref<64x128xf32, #tpu.memory_space<vmem>> -> memref<1x128xf32, #tpu.memory_space<vmem>>
        %get3A_333 = tpu.memref_squeeze %get3A_332 : memref<1x128xf32, #tpu.memory_space<vmem>> -> memref<128xf32, #tpu.memory_space<vmem>>
        %get3A_334 = arith.constant 64 : index
        %get3A_335 = tpu.vector_load %get3A_333[%get3A_334] {strides = array<i32>} : memref<128xf32, #tpu.memory_space<vmem>>, vector<16xf32>,
        %get3A_336 = arith.constant 0 : i32
        %get3A_337 = tpu.memref_slice %arg14[%add3A_190, %get3A_336] : memref<64x128xf32, #tpu.memory_space<vmem>> -> memref<1x128xf32, #tpu.memory_space<vmem>>
        %get3A_338 = tpu.memref_squeeze %get3A_337 : memref<1x128xf32, #tpu.memory_space<vmem>> -> memref<128xf32, #tpu.memory_space<vmem>>
        %get3A_339 = arith.constant 80 : index
        %get3A_340 = tpu.vector_load %get3A_338[%get3A_339] {strides = array<i32>} : memref<128xf32, #tpu.memory_space<vmem>>, vector<16xf32>,
        %get3A_341 = arith.constant 0 : i32
        %get3A_342 = tpu.memref_slice %arg14[%add3A_190, %get3A_341] : memref<64x128xf32, #tpu.memory_space<vmem>> -> memref<1x128xf32, #tpu.memory_space<vmem>>
        %get3A_343 = tpu.memref_squeeze %get3A_342 : memref<1x128xf32, #tpu.memory_space<vmem>> -> memref<128xf32, #tpu.memory_space<vmem>>
        %get3A_344 = arith.constant 96 : index
        %get3A_345 = tpu.vector_load %get3A_343[%get3A_344] {strides = array<i32>} : memref<128xf32, #tpu.memory_space<vmem>>, vector<16xf32>,
        %get3A_346 = arith.constant 0 : i32
        %get3A_347 = tpu.memref_slice %arg14[%add3A_190, %get3A_346] : memref<64x128xf32, #tpu.memory_space<vmem>> -> memref<1x128xf32, #tpu.memory_space<vmem>>
        %get3A_348 = tpu.memref_squeeze %get3A_347 : memref<1x128xf32, #tpu.memory_space<vmem>> -> memref<128xf32, #tpu.memory_space<vmem>>
        %get3A_349 = arith.constant 112 : index
        %get3A_350 = tpu.vector_load %get3A_348[%get3A_349] {strides = array<i32>} : memref<128xf32, #tpu.memory_space<vmem>>, vector<16xf32>,
        %max3A_351 = arith.maximumf %get3A_195, %get3A_235 : vector<16xf32>
        %swap3A_352 = arith.constant 0 : i32
        %swap3A_353 = tpu.memref_slice %arg11[%squeeze3A, %swap3A_352] : memref<321x128xf32, #tpu.memory_space<vmem>> -> memref<1x128xf32, #tpu.memory_space<vmem>>
        %swap3A_354 = tpu.memref_squeeze %swap3A_353 : memref<1x128xf32, #tpu.memory_space<vmem>> -> memref<128xf32, #tpu.memory_space<vmem>>
        %swap3A_355 = arith.constant 0 : index
        %swap3A_356 = tpu.vector_load %swap3A_354[%swap3A_355] {strides = array<i32>} : memref<128xf32, #tpu.memory_space<vmem>>, vector<16xf32>,
        tpu.vector_store %swap3A_354[%swap3A_355], %max3A_351 {strides = array<i32>} : memref<128xf32, #tpu.memory_space<vmem>>, vector<16xf32>,
        %max3A_357 = arith.maximumf %get3A_275, %get3A_315 : vector<16xf32>
        %swap3A_358 = arith.constant 0 : i32
        %swap3A_359 = tpu.memref_slice %arg12[%squeeze3A_184, %swap3A_358] : memref<321x128xf32, #tpu.memory_space<vmem>> -> memref<1x128xf32, #tpu.memory_space<vmem>>
        %swap3A_360 = tpu.memref_squeeze %swap3A_359 : memref<1x128xf32, #tpu.memory_space<vmem>> -> memref<128xf32, #tpu.memory_space<vmem>>
        %swap3A_361 = arith.constant 0 : index
        %swap3A_362 = tpu.vector_load %swap3A_360[%swap3A_361] {strides = array<i32>} : memref<128xf32, #tpu.memory_space<vmem>>, vector<16xf32>,
        tpu.vector_store %swap3A_360[%swap3A_361], %max3A_357 {strides = array<i32>} : memref<128xf32, #tpu.memory_space<vmem>>, vector<16xf32>,
        %max3A_363 = arith.maximumf %get3A_200, %get3A_240 : vector<16xf32>
        %swap3A_364 = arith.constant 0 : i32
        %swap3A_365 = tpu.memref_slice %arg11[%squeeze3A, %swap3A_364] : memref<321x128xf32, #tpu.memory_space<vmem>> -> memref<1x128xf32, #tpu.memory_space<vmem>>
        %swap3A_366 = tpu.memref_squeeze %swap3A_365 : memref<1x128xf32, #tpu.memory_space<vmem>> -> memref<128xf32, #tpu.memory_space<vmem>>
        %swap3A_367 = arith.constant 16 : index
        %swap3A_368 = tpu.vector_load %swap3A_366[%swap3A_367] {strides = array<i32>} : memref<128xf32, #tpu.memory_space<vmem>>, vector<16xf32>,
        tpu.vector_store %swap3A_366[%swap3A_367], %max3A_363 {strides = array<i32>} : memref<128xf32, #tpu.memory_space<vmem>>, vector<16xf32>,
        %max3A_369 = arith.maximumf %get3A_280, %get3A_320 : vector<16xf32>
        %swap3A_370 = arith.constant 0 : i32
        %swap3A_371 = tpu.memref_slice %arg12[%squeeze3A_184, %swap3A_370] : memref<321x128xf32, #tpu.memory_space<vmem>> -> memref<1x128xf32, #tpu.memory_space<vmem>>
        %swap3A_372 = tpu.memref_squeeze %swap3A_371 : memref<1x128xf32, #tpu.memory_space<vmem>> -> memref<128xf32, #tpu.memory_space<vmem>>
        %swap3A_373 = arith.constant 16 : index
        %swap3A_374 = tpu.vector_load %swap3A_372[%swap3A_373] {strides = array<i32>} : memref<128xf32, #tpu.memory_space<vmem>>, vector<16xf32>,
        tpu.vector_store %swap3A_372[%swap3A_373], %max3A_369 {strides = array<i32>} : memref<128xf32, #tpu.memory_space<vmem>>, vector<16xf32>,
        %max3A_375 = arith.maximumf %get3A_205, %get3A_245 : vector<16xf32>
        %swap3A_376 = arith.constant 0 : i32
        %swap3A_377 = tpu.memref_slice %arg11[%squeeze3A, %swap3A_376] : memref<321x128xf32, #tpu.memory_space<vmem>> -> memref<1x128xf32, #tpu.memory_space<vmem>>
        %swap3A_378 = tpu.memref_squeeze %swap3A_377 : memref<1x128xf32, #tpu.memory_space<vmem>> -> memref<128xf32, #tpu.memory_space<vmem>>
        %swap3A_379 = arith.constant 32 : index
        %swap3A_380 = tpu.vector_load %swap3A_378[%swap3A_379] {strides = array<i32>} : memref<128xf32, #tpu.memory_space<vmem>>, vector<16xf32>,
        tpu.vector_store %swap3A_378[%swap3A_379], %max3A_375 {strides = array<i32>} : memref<128xf32, #tpu.memory_space<vmem>>, vector<16xf32>,
        %max3A_381 = arith.maximumf %get3A_285, %get3A_325 : vector<16xf32>
        %swap3A_382 = arith.constant 0 : i32
        %swap3A_383 = tpu.memref_slice %arg12[%squeeze3A_184, %swap3A_382] : memref<321x128xf32, #tpu.memory_space<vmem>> -> memref<1x128xf32, #tpu.memory_space<vmem>>
        %swap3A_384 = tpu.memref_squeeze %swap3A_383 : memref<1x128xf32, #tpu.memory_space<vmem>> -> memref<128xf32, #tpu.memory_space<vmem>>
        %swap3A_385 = arith.constant 32 : index
        %swap3A_386 = tpu.vector_load %swap3A_384[%swap3A_385] {strides = array<i32>} : memref<128xf32, #tpu.memory_space<vmem>>, vector<16xf32>,
        tpu.vector_store %swap3A_384[%swap3A_385], %max3A_381 {strides = array<i32>} : memref<128xf32, #tpu.memory_space<vmem>>, vector<16xf32>,
        %max3A_387 = arith.maximumf %get3A_210, %get3A_250 : vector<16xf32>
        %swap3A_388 = arith.constant 0 : i32
        %swap3A_389 = tpu.memref_slice %arg11[%squeeze3A, %swap3A_388] : memref<321x128xf32, #tpu.memory_space<vmem>> -> memref<1x128xf32, #tpu.memory_space<vmem>>
        %swap3A_390 = tpu.memref_squeeze %swap3A_389 : memref<1x128xf32, #tpu.memory_space<vmem>> -> memref<128xf32, #tpu.memory_space<vmem>>
        %swap3A_391 = arith.constant 48 : index
        %swap3A_392 = tpu.vector_load %swap3A_390[%swap3A_391] {strides = array<i32>} : memref<128xf32, #tpu.memory_space<vmem>>, vector<16xf32>,
        tpu.vector_store %swap3A_390[%swap3A_391], %max3A_387 {strides = array<i32>} : memref<128xf32, #tpu.memory_space<vmem>>, vector<16xf32>,
        %max3A_393 = arith.maximumf %get3A_290, %get3A_330 : vector<16xf32>
        %swap3A_394 = arith.constant 0 : i32
        %swap3A_395 = tpu.memref_slice %arg12[%squeeze3A_184, %swap3A_394] : memref<321x128xf32, #tpu.memory_space<vmem>> -> memref<1x128xf32, #tpu.memory_space<vmem>>
        %swap3A_396 = tpu.memref_squeeze %swap3A_395 : memref<1x128xf32, #tpu.memory_space<vmem>> -> memref<128xf32, #tpu.memory_space<vmem>>
        %swap3A_397 = arith.constant 48 : index
        %swap3A_398 = tpu.vector_load %swap3A_396[%swap3A_397] {strides = array<i32>} : memref<128xf32, #tpu.memory_space<vmem>>, vector<16xf32>,
        tpu.vector_store %swap3A_396[%swap3A_397], %max3A_393 {strides = array<i32>} : memref<128xf32, #tpu.memory_space<vmem>>, vector<16xf32>,
        %max3A_399 = arith.maximumf %get3A_215, %get3A_255 : vector<16xf32>
        %swap3A_400 = arith.constant 0 : i32
        %swap3A_401 = tpu.memref_slice %arg11[%squeeze3A, %swap3A_400] : memref<321x128xf32, #tpu.memory_space<vmem>> -> memref<1x128xf32, #tpu.memory_space<vmem>>
        %swap3A_402 = tpu.memref_squeeze %swap3A_401 : memref<1x128xf32, #tpu.memory_space<vmem>> -> memref<128xf32, #tpu.memory_space<vmem>>
        %swap3A_403 = arith.constant 64 : index
        %swap3A_404 = tpu.vector_load %swap3A_402[%swap3A_403] {strides = array<i32>} : memref<128xf32, #tpu.memory_space<vmem>>, vector<16xf32>,
        tpu.vector_store %swap3A_402[%swap3A_403], %max3A_399 {strides = array<i32>} : memref<128xf32, #tpu.memory_space<vmem>>, vector<16xf32>,
        %max3A_405 = arith.maximumf %get3A_295, %get3A_335 : vector<16xf32>
        %swap3A_406 = arith.constant 0 : i32
        %swap3A_407 = tpu.memref_slice %arg12[%squeeze3A_184, %swap3A_406] : memref<321x128xf32, #tpu.memory_space<vmem>> -> memref<1x128xf32, #tpu.memory_space<vmem>>
        %swap3A_408 = tpu.memref_squeeze %swap3A_407 : memref<1x128xf32, #tpu.memory_space<vmem>> -> memref<128xf32, #tpu.memory_space<vmem>>
        %swap3A_409 = arith.constant 64 : index
        %swap3A_410 = tpu.vector_load %swap3A_408[%swap3A_409] {strides = array<i32>} : memref<128xf32, #tpu.memory_space<vmem>>, vector<16xf32>,
        tpu.vector_store %swap3A_408[%swap3A_409], %max3A_405 {strides = array<i32>} : memref<128xf32, #tpu.memory_space<vmem>>, vector<16xf32>,
        %max3A_411 = arith.maximumf %get3A_220, %get3A_260 : vector<16xf32>
        %swap3A_412 = arith.constant 0 : i32
        %swap3A_413 = tpu.memref_slice %arg11[%squeeze3A, %swap3A_412] : memref<321x128xf32, #tpu.memory_space<vmem>> -> memref<1x128xf32, #tpu.memory_space<vmem>>
        %swap3A_414 = tpu.memref_squeeze %swap3A_413 : memref<1x128xf32, #tpu.memory_space<vmem>> -> memref<128xf32, #tpu.memory_space<vmem>>
        %swap3A_415 = arith.constant 80 : index
        %swap3A_416 = tpu.vector_load %swap3A_414[%swap3A_415] {strides = array<i32>} : memref<128xf32, #tpu.memory_space<vmem>>, vector<16xf32>,
        tpu.vector_store %swap3A_414[%swap3A_415], %max3A_411 {strides = array<i32>} : memref<128xf32, #tpu.memory_space<vmem>>, vector<16xf32>,
        %max3A_417 = arith.maximumf %get3A_300, %get3A_340 : vector<16xf32>
        %swap3A_418 = arith.constant 0 : i32
        %swap3A_419 = tpu.memref_slice %arg12[%squeeze3A_184, %swap3A_418] : memref<321x128xf32, #tpu.memory_space<vmem>> -> memref<1x128xf32, #tpu.memory_space<vmem>>
        %swap3A_420 = tpu.memref_squeeze %swap3A_419 : memref<1x128xf32, #tpu.memory_space<vmem>> -> memref<128xf32, #tpu.memory_space<vmem>>
        %swap3A_421 = arith.constant 80 : index
        %swap3A_422 = tpu.vector_load %swap3A_420[%swap3A_421] {strides = array<i32>} : memref<128xf32, #tpu.memory_space<vmem>>, vector<16xf32>,
        tpu.vector_store %swap3A_420[%swap3A_421], %max3A_417 {strides = array<i32>} : memref<128xf32, #tpu.memory_space<vmem>>, vector<16xf32>,
        %max3A_423 = arith.maximumf %get3A_225, %get3A_265 : vector<16xf32>
        %swap3A_424 = arith.constant 0 : i32
        %swap3A_425 = tpu.memref_slice %arg11[%squeeze3A, %swap3A_424] : memref<321x128xf32, #tpu.memory_space<vmem>> -> memref<1x128xf32, #tpu.memory_space<vmem>>
        %swap3A_426 = tpu.memref_squeeze %swap3A_425 : memref<1x128xf32, #tpu.memory_space<vmem>> -> memref<128xf32, #tpu.memory_space<vmem>>
        %swap3A_427 = arith.constant 96 : index
        %swap3A_428 = tpu.vector_load %swap3A_426[%swap3A_427] {strides = array<i32>} : memref<128xf32, #tpu.memory_space<vmem>>, vector<16xf32>,
        tpu.vector_store %swap3A_426[%swap3A_427], %max3A_423 {strides = array<i32>} : memref<128xf32, #tpu.memory_space<vmem>>, vector<16xf32>,
        %max3A_429 = arith.maximumf %get3A_305, %get3A_345 : vector<16xf32>
        %swap3A_430 = arith.constant 0 : i32
        %swap3A_431 = tpu.memref_slice %arg12[%squeeze3A_184, %swap3A_430] : memref<321x128xf32, #tpu.memory_space<vmem>> -> memref<1x128xf32, #tpu.memory_space<vmem>>
        %swap3A_432 = tpu.memref_squeeze %swap3A_431 : memref<1x128xf32, #tpu.memory_space<vmem>> -> memref<128xf32, #tpu.memory_space<vmem>>
        %swap3A_433 = arith.constant 96 : index
        %swap3A_434 = tpu.vector_load %swap3A_432[%swap3A_433] {strides = array<i32>} : memref<128xf32, #tpu.memory_space<vmem>>, vector<16xf32>,
        tpu.vector_store %swap3A_432[%swap3A_433], %max3A_429 {strides = array<i32>} : memref<128xf32, #tpu.memory_space<vmem>>, vector<16xf32>,
        %max3A_435 = arith.maximumf %get3A_230, %get3A_270 : vector<16xf32>
        %swap3A_436 = arith.constant 0 : i32
        %swap3A_437 = tpu.memref_slice %arg11[%squeeze3A, %swap3A_436] : memref<321x128xf32, #tpu.memory_space<vmem>> -> memref<1x128xf32, #tpu.memory_space<vmem>>
        %swap3A_438 = tpu.memref_squeeze %swap3A_437 : memref<1x128xf32, #tpu.memory_space<vmem>> -> memref<128xf32, #tpu.memory_space<vmem>>
        %swap3A_439 = arith.constant 112 : index
        %swap3A_440 = tpu.vector_load %swap3A_438[%swap3A_439] {strides = array<i32>} : memref<128xf32, #tpu.memory_space<vmem>>, vector<16xf32>,
        tpu.vector_store %swap3A_438[%swap3A_439], %max3A_435 {strides = array<i32>} : memref<128xf32, #tpu.memory_space<vmem>>, vector<16xf32>,
        %max3A_441 = arith.maximumf %get3A_310, %get3A_350 : vector<16xf32>
        %swap3A_442 = arith.constant 0 : i32
        %swap3A_443 = tpu.memref_slice %arg12[%squeeze3A_184, %swap3A_442] : memref<321x128xf32, #tpu.memory_space<vmem>> -> memref<1x128xf32, #tpu.memory_space<vmem>>
        %swap3A_444 = tpu.memref_squeeze %swap3A_443 : memref<1x128xf32, #tpu.memory_space<vmem>> -> memref<128xf32, #tpu.memory_space<vmem>>
        %swap3A_445 = arith.constant 112 : index
        %swap3A_446 = tpu.vector_load %swap3A_444[%swap3A_445] {strides = array<i32>} : memref<128xf32, #tpu.memory_space<vmem>>, vector<16xf32>,
        tpu.vector_store %swap3A_444[%swap3A_445], %max3A_441 {strides = array<i32>} : memref<128xf32, #tpu.memory_space<vmem>>, vector<16xf32>,
        %scan3A_447 = arith.constant 0 : i32
        scf.yield %scan3A_447 : i32
      }
      %scan3A_169 = arith.constant 32 : i32
      %while3A_170 = arith.constant 0 : i32
      scf.yield %while3A_170 : i32
    }
    %dma_wait3A = arith.constant 0 : i32
    %dma_wait3A_104 = arith.constant 0 : i32
    %dma_wait3A_105 = tpu.memref_slice %arg2[%dma_wait3A, %dma_wait3A_104] : memref<10240x128xf32, #tpu.memory_space<hbm>> -> memref<64x128xf32, #tpu.memory_space<hbm>>
    %dma_wait3A_106 = arith.constant 0 : i32
    %dma_wait3A_107 = arith.constant 0 : i32
    %dma_wait3A_108 = tpu.memref_slice %arg2[%dma_wait3A_106, %dma_wait3A_107] : memref<10240x128xf32, #tpu.memory_space<hbm>> -> memref<64x128xf32, #tpu.memory_space<hbm>>
    tpu.wait_dma2 semaphore(%arg18 : memref<!tpu.dma_semaphore, #tpu.memory_space<semaphore_mem>>) src(%dma_wait3A_108 : memref<64x128xf32, #tpu.memory_space<hbm>>) dst(%arg13 : memref<64x128xf32, #tpu.memory_space<vmem>>)
    %scan3A_109 = arith.constant 0 : i32
    %scan3A_110 = arith.constant 0 : i32
    %scan3A_111 = arith.constant 320 : i32
    %scan3A_112 = arith.addi %scan3A_110, %scan3A_111 : i32
    %scan3A_113 = arith.constant 1 : i32
    %scan3A_114 = scf.for %scan3A_116 = %scan3A_110 to %scan3A_112 step %scan3A_113 iter_args(%scan3A_117 = %scan3A_109) -> (i32)  : i32 {
      %get3A = arith.index_cast %scan3A_116 : i32 to index
      %get3A_118 = arith.constant 0 : index
      %get3A_119 = tpu.vector_load %arg11[%get3A, %get3A_118] {strides = array<i32>} : memref<321x128xf32, #tpu.memory_space<vmem>>, vector<16xf32>,
      %get3A_120 = arith.index_cast %scan3A_116 : i32 to index
      %get3A_121 = arith.constant 0 : index
      %get3A_122 = tpu.vector_load %arg12[%get3A_120, %get3A_121] {strides = array<i32>} : memref<321x128xf32, #tpu.memory_space<vmem>>, vector<16xf32>,
      %max3A_123 = arith.maximumf %get3A_119, %get3A_122 : vector<16xf32>
      %swap3A_124 = arith.index_cast %scan3A_116 : i32 to index
      %swap3A_125 = arith.constant 0 : index
      %swap3A_126 = tpu.vector_load %arg11[%swap3A_124, %swap3A_125] {strides = array<i32>} : memref<321x128xf32, #tpu.memory_space<vmem>>, vector<16xf32>,
      tpu.vector_store %arg11[%swap3A_124, %swap3A_125], %max3A_123 {strides = array<i32>} : memref<321x128xf32, #tpu.memory_space<vmem>>, vector<16xf32>,
      %get3A_127 = arith.index_cast %scan3A_116 : i32 to index
      %get3A_128 = arith.constant 16 : index
      %get3A_129 = tpu.vector_load %arg11[%get3A_127, %get3A_128] {strides = array<i32>} : memref<321x128xf32, #tpu.memory_space<vmem>>, vector<16xf32>,
      %get3A_130 = arith.index_cast %scan3A_116 : i32 to index
      %get3A_131 = arith.constant 16 : index
      %get3A_132 = tpu.vector_load %arg12[%get3A_130, %get3A_131] {strides = array<i32>} : memref<321x128xf32, #tpu.memory_space<vmem>>, vector<16xf32>,
      %max3A_133 = arith.maximumf %get3A_129, %get3A_132 : vector<16xf32>
      %swap3A_134 = arith.index_cast %scan3A_116 : i32 to index
      %swap3A_135 = arith.constant 16 : index
      %swap3A_136 = tpu.vector_load %arg11[%swap3A_134, %swap3A_135] {strides = array<i32>} : memref<321x128xf32, #tpu.memory_space<vmem>>, vector<16xf32>,
      tpu.vector_store %arg11[%swap3A_134, %swap3A_135], %max3A_133 {strides = array<i32>} : memref<321x128xf32, #tpu.memory_space<vmem>>, vector<16xf32>,
      %get3A_137 = arith.index_cast %scan3A_116 : i32 to index
      %get3A_138 = arith.constant 32 : index
      %get3A_139 = tpu.vector_load %arg11[%get3A_137, %get3A_138] {strides = array<i32>} : memref<321x128xf32, #tpu.memory_space<vmem>>, vector<16xf32>,
      %get3A_140 = arith.index_cast %scan3A_116 : i32 to index
      %get3A_141 = arith.constant 32 : index
      %get3A_142 = tpu.vector_load %arg12[%get3A_140, %get3A_141] {strides = array<i32>} : memref<321x128xf32, #tpu.memory_space<vmem>>, vector<16xf32>,
      %max3A_143 = arith.maximumf %get3A_139, %get3A_142 : vector<16xf32>
      %swap3A_144 = arith.index_cast %scan3A_116 : i32 to index
      %swap3A_145 = arith.constant 32 : index
      %swap3A_146 = tpu.vector_load %arg11[%swap3A_144, %swap3A_145] {strides = array<i32>} : memref<321x128xf32, #tpu.memory_space<vmem>>, vector<16xf32>,
      tpu.vector_store %arg11[%swap3A_144, %swap3A_145], %max3A_143 {strides = array<i32>} : memref<321x128xf32, #tpu.memory_space<vmem>>, vector<16xf32>,
      %get3A_147 = arith.index_cast %scan3A_116 : i32 to index
      %get3A_148 = arith.constant 48 : index
      %get3A_149 = tpu.vector_load %arg11[%get3A_147, %get3A_148] {strides = array<i32>} : memref<321x128xf32, #tpu.memory_space<vmem>>, vector<16xf32>,
      %get3A_150 = arith.index_cast %scan3A_116 : i32 to index
      %get3A_151 = arith.constant 48 : index
      %get3A_152 = tpu.vector_load %arg12[%get3A_150, %get3A_151] {strides = array<i32>} : memref<321x128xf32, #tpu.memory_space<vmem>>, vector<16xf32>,
      %max3A_153 = arith.maximumf %get3A_149, %get3A_152 : vector<16xf32>
      %swap3A_154 = arith.index_cast %scan3A_116 : i32 to index
      %swap3A_155 = arith.constant 48 : index
      %swap3A_156 = tpu.vector_load %arg11[%swap3A_154, %swap3A_155] {strides = array<i32>} : memref<321x128xf32, #tpu.memory_space<vmem>>, vector<16xf32>,
      tpu.vector_store %arg11[%swap3A_154, %swap3A_155], %max3A_153 {strides = array<i32>} : memref<321x128xf32, #tpu.memory_space<vmem>>, vector<16xf32>,
      %get3A_157 = arith.index_cast %scan3A_116 : i32 to index
      %get3A_158 = arith.constant 64 : index
      %get3A_159 = tpu.vector_load %arg11[%get3A_157, %get3A_158] {strides = array<i32>} : memref<321x128xf32, #tpu.memory_space<vmem>>, vector<16xf32>,
      %get3A_160 = arith.index_cast %scan3A_116 : i32 to index
      %get3A_161 = arith.constant 64 : index
      %get3A_162 = tpu.vector_load %arg12[%get3A_160, %get3A_161] {strides = array<i32>} : memref<321x128xf32, #tpu.memory_space<vmem>>, vector<16xf32>,
      %max3A_163 = arith.maximumf %get3A_159, %get3A_162 : vector<16xf32>
      %swap3A_164 = arith.index_cast %scan3A_116 : i32 to index
      %swap3A_165 = arith.constant 64 : index
      %swap3A_166 = tpu.vector_load %arg11[%swap3A_164, %swap3A_165] {strides = array<i32>} : memref<321x128xf32, #tpu.memory_space<vmem>>, vector<16xf32>,
      tpu.vector_store %arg11[%swap3A_164, %swap3A_165], %max3A_163 {strides = array<i32>} : memref<321x128xf32, #tpu.memory_space<vmem>>, vector<16xf32>,
      %get3A_167 = arith.index_cast %scan3A_116 : i32 to index
      %get3A_168 = arith.constant 80 : index
      %get3A_169 = tpu.vector_load %arg11[%get3A_167, %get3A_168] {strides = array<i32>} : memref<321x128xf32, #tpu.memory_space<vmem>>, vector<16xf32>,
      %get3A_170 = arith.index_cast %scan3A_116 : i32 to index
      %get3A_171 = arith.constant 80 : index
      %get3A_172 = tpu.vector_load %arg12[%get3A_170, %get3A_171] {strides = array<i32>} : memref<321x128xf32, #tpu.memory_space<vmem>>, vector<16xf32>,
      %max3A_173 = arith.maximumf %get3A_169, %get3A_172 : vector<16xf32>
      %swap3A_174 = arith.index_cast %scan3A_116 : i32 to index
      %swap3A_175 = arith.constant 80 : index
      %swap3A_176 = tpu.vector_load %arg11[%swap3A_174, %swap3A_175] {strides = array<i32>} : memref<321x128xf32, #tpu.memory_space<vmem>>, vector<16xf32>,
      tpu.vector_store %arg11[%swap3A_174, %swap3A_175], %max3A_173 {strides = array<i32>} : memref<321x128xf32, #tpu.memory_space<vmem>>, vector<16xf32>,
      %get3A_177 = arith.index_cast %scan3A_116 : i32 to index
      %get3A_178 = arith.constant 96 : index
      %get3A_179 = tpu.vector_load %arg11[%get3A_177, %get3A_178] {strides = array<i32>} : memref<321x128xf32, #tpu.memory_space<vmem>>, vector<16xf32>,
      %get3A_180 = arith.index_cast %scan3A_116 : i32 to index
      %get3A_181 = arith.constant 96 : index
      %get3A_182 = tpu.vector_load %arg12[%get3A_180, %get3A_181] {strides = array<i32>} : memref<321x128xf32, #tpu.memory_space<vmem>>, vector<16xf32>,
      %max3A_183 = arith.maximumf %get3A_179, %get3A_182 : vector<16xf32>
      %swap3A_184 = arith.index_cast %scan3A_116 : i32 to index
      %swap3A_185 = arith.constant 96 : index
      %swap3A_186 = tpu.vector_load %arg11[%swap3A_184, %swap3A_185] {strides = array<i32>} : memref<321x128xf32, #tpu.memory_space<vmem>>, vector<16xf32>,
      tpu.vector_store %arg11[%swap3A_184, %swap3A_185], %max3A_183 {strides = array<i32>} : memref<321x128xf32, #tpu.memory_space<vmem>>, vector<16xf32>,
      %get3A_187 = arith.index_cast %scan3A_116 : i32 to index
      %get3A_188 = arith.constant 112 : index
      %get3A_189 = tpu.vector_load %arg11[%get3A_187, %get3A_188] {strides = array<i32>} : memref<321x128xf32, #tpu.memory_space<vmem>>, vector<16xf32>,
      %get3A_190 = arith.index_cast %scan3A_116 : i32 to index
      %get3A_191 = arith.constant 112 : index
      %get3A_192 = tpu.vector_load %arg12[%get3A_190, %get3A_191] {strides = array<i32>} : memref<321x128xf32, #tpu.memory_space<vmem>>, vector<16xf32>,
      %max3A_193 = arith.maximumf %get3A_189, %get3A_192 : vector<16xf32>
      %swap3A_194 = arith.index_cast %scan3A_116 : i32 to index
      %swap3A_195 = arith.constant 112 : index
      %swap3A_196 = tpu.vector_load %arg11[%swap3A_194, %swap3A_195] {strides = array<i32>} : memref<321x128xf32, #tpu.memory_space<vmem>>, vector<16xf32>,
      tpu.vector_store %arg11[%swap3A_194, %swap3A_195], %max3A_193 {strides = array<i32>} : memref<321x128xf32, #tpu.memory_space<vmem>>, vector<16xf32>,
      %scan3A_197 = arith.constant 0 : i32
      scf.yield %scan3A_197 : i32
    }
    %scan3A_115 = arith.constant 320 : i32
    "tpu.region"() ({
      %run_scoped3A = tpu.sem_alloc : memref<!tpu.dma_semaphore, #tpu.memory_space<semaphore_mem>>
      %dma_start3A_116 = arith.constant 0 : i32
      %dma_start3A_117 = arith.constant 0 : i32
      %dma_start3A_118 = tpu.memref_slice %arg11[%dma_start3A_116, %dma_start3A_117] : memref<321x128xf32, #tpu.memory_space<vmem>> -> memref<320x128xf32, #tpu.memory_space<vmem>>
      %dma_start3A_119 = arith.constant 0 : i32
      %dma_start3A_120 = tpu.memref_slice %arg5[%mul3A_2, %dma_start3A_119] : memref<10240x128xf32, #tpu.memory_space<hbm>> -> memref<320x128xf32, #tpu.memory_space<hbm>>
      %dma_start3A_121 = arith.constant 0 : i32
      %dma_start3A_122 = tpu.memref_slice %arg5[%mul3A_2, %dma_start3A_121] : memref<10240x128xf32, #tpu.memory_space<hbm>> -> memref<320x128xf32, #tpu.memory_space<hbm>>
      %dma_start3A_123 = arith.constant 0 : i32
      %dma_start3A_124 = arith.constant 0 : i32
      %dma_start3A_125 = tpu.memref_slice %arg11[%dma_start3A_123, %dma_start3A_124] : memref<321x128xf32, #tpu.memory_space<vmem>> -> memref<320x128xf32, #tpu.memory_space<vmem>>
      tpu.enqueue_dma source(%dma_start3A_125 : memref<320x128xf32, #tpu.memory_space<vmem>>) target(%dma_start3A_122 : memref<320x128xf32, #tpu.memory_space<hbm>>) target_semaphore(%run_scoped3A : memref<!tpu.dma_semaphore, #tpu.memory_space<semaphore_mem>>)
      %dma_wait3A_126 = arith.constant 0 : i32
      %dma_wait3A_127 = arith.constant 0 : i32
      %dma_wait3A_128 = tpu.memref_slice %arg11[%dma_wait3A_126, %dma_wait3A_127] : memref<321x128xf32, #tpu.memory_space<vmem>> -> memref<320x128xf32, #tpu.memory_space<vmem>>
      %dma_wait3A_129 = arith.constant 0 : i32
      %dma_wait3A_130 = tpu.memref_slice %arg5[%mul3A_2, %dma_wait3A_129] : memref<10240x128xf32, #tpu.memory_space<hbm>> -> memref<320x128xf32, #tpu.memory_space<hbm>>
      %dma_wait3A_131 = arith.constant 0 : i32
      %dma_wait3A_132 = tpu.memref_slice %arg5[%mul3A_2, %dma_wait3A_131] : memref<10240x128xf32, #tpu.memory_space<hbm>> -> memref<320x128xf32, #tpu.memory_space<hbm>>
      %dma_wait3A_133 = arith.constant 0 : i32
      %dma_wait3A_134 = arith.constant 0 : i32
      %dma_wait3A_135 = tpu.memref_slice %arg11[%dma_wait3A_133, %dma_wait3A_134] : memref<321x128xf32, #tpu.memory_space<vmem>> -> memref<320x128xf32, #tpu.memory_space<vmem>>
      tpu.wait_dma2 semaphore(%run_scoped3A : memref<!tpu.dma_semaphore, #tpu.memory_space<semaphore_mem>>) src(%dma_wait3A_135 : memref<320x128xf32, #tpu.memory_space<vmem>>) dst(%dma_wait3A_132 : memref<320x128xf32, #tpu.memory_space<hbm>>)
      tpu.yield
    }) : () -> ()
    return
  }
}

#map = affine_map<(d0, d1) -> (0)>
#map1 = affine_map<(d0, d1) -> (0, 0)>
module attributes {stable_mosaic.version = 14 : i64} {
  func.func @k3(%arg0: i32, %arg1: i32, %arg2: memref<10240xf32, #tpu.memory_space<hbm>>, %arg3: memref<32x12288xi32, #tpu.memory_space<hbm>>, %arg4: memref<32x12288xi32, #tpu.memory_space<hbm>>, %arg5: memref<32x16xi32, #tpu.memory_space<hbm>>, %arg6: memref<10240xf32, #tpu.memory_space<hbm>>, %arg7: memref<12288xi32, #tpu.memory_space<vmem>>, %arg8: memref<12288xi32, #tpu.memory_space<vmem>>, %arg9: memref<10240xf32, #tpu.memory_space<vmem>>, %arg10: memref<352xf32, #tpu.memory_space<vmem>>, %arg11: memref<16xi32, #tpu.memory_space<vmem>>) attributes {dimension_semantics = [#tpu.dimension_semantics<core_parallel>, #tpu.dimension_semantics<subcore_parallel>], iteration_bounds = array<i64: 2, 16>, scalar_prefetch = 0 : i64, scratch_operands = 5 : i64, tpu.core_type = #tpu.core_type<sc_vector_subcore>, window_params = [{transform_indices = #map}, {transform_indices = #map1}, {transform_indices = #map1}, {transform_indices = #map1}, {transform_indices = #map}]} {
    %mul3A = arith.constant 16 : i32
    %mul3A_0 = arith.muli %arg0, %mul3A : i32
    %add3A = arith.addi %mul3A_0, %arg1 : i32
    %mul3A_1 = arith.constant 320 : i32
    %mul3A_2 = arith.muli %add3A, %mul3A_1 : i32
    "tpu.region"() ({
      %run_scoped3A = tpu.sem_alloc : memref<!tpu.dma_semaphore, #tpu.memory_space<semaphore_mem>>
      %dma_start3A = arith.constant 0 : i32
      %dma_start3A_39 = tpu.memref_slice %arg3[%add3A, %dma_start3A] : memref<32x12288xi32, #tpu.memory_space<hbm>> -> memref<1x12288xi32, #tpu.memory_space<hbm>>
      %dma_start3A_40 = tpu.memref_squeeze %dma_start3A_39 : memref<1x12288xi32, #tpu.memory_space<hbm>> -> memref<12288xi32, #tpu.memory_space<hbm>>
      %dma_start3A_41 = arith.constant 0 : i32
      %dma_start3A_42 = tpu.memref_slice %arg3[%add3A, %dma_start3A_41] : memref<32x12288xi32, #tpu.memory_space<hbm>> -> memref<1x12288xi32, #tpu.memory_space<hbm>>
      %dma_start3A_43 = tpu.memref_squeeze %dma_start3A_42 : memref<1x12288xi32, #tpu.memory_space<hbm>> -> memref<12288xi32, #tpu.memory_space<hbm>>
      tpu.enqueue_dma source(%dma_start3A_43 : memref<12288xi32, #tpu.memory_space<hbm>>) target(%arg7 : memref<12288xi32, #tpu.memory_space<vmem>>) target_semaphore(%run_scoped3A : memref<!tpu.dma_semaphore, #tpu.memory_space<semaphore_mem>>)
      %dma_wait3A = arith.constant 0 : i32
      %dma_wait3A_44 = tpu.memref_slice %arg3[%add3A, %dma_wait3A] : memref<32x12288xi32, #tpu.memory_space<hbm>> -> memref<1x12288xi32, #tpu.memory_space<hbm>>
      %dma_wait3A_45 = tpu.memref_squeeze %dma_wait3A_44 : memref<1x12288xi32, #tpu.memory_space<hbm>> -> memref<12288xi32, #tpu.memory_space<hbm>>
      %dma_wait3A_46 = arith.constant 0 : i32
      %dma_wait3A_47 = tpu.memref_slice %arg3[%add3A, %dma_wait3A_46] : memref<32x12288xi32, #tpu.memory_space<hbm>> -> memref<1x12288xi32, #tpu.memory_space<hbm>>
      %dma_wait3A_48 = tpu.memref_squeeze %dma_wait3A_47 : memref<1x12288xi32, #tpu.memory_space<hbm>> -> memref<12288xi32, #tpu.memory_space<hbm>>
      tpu.wait_dma2 semaphore(%run_scoped3A : memref<!tpu.dma_semaphore, #tpu.memory_space<semaphore_mem>>) src(%dma_wait3A_48 : memref<12288xi32, #tpu.memory_space<hbm>>) dst(%arg7 : memref<12288xi32, #tpu.memory_space<vmem>>)
      tpu.yield
    }) : () -> ()
    "tpu.region"() ({
      %run_scoped3A = tpu.sem_alloc : memref<!tpu.dma_semaphore, #tpu.memory_space<semaphore_mem>>
      %dma_start3A = arith.constant 0 : i32
      %dma_start3A_39 = tpu.memref_slice %arg4[%add3A, %dma_start3A] : memref<32x12288xi32, #tpu.memory_space<hbm>> -> memref<1x12288xi32, #tpu.memory_space<hbm>>
      %dma_start3A_40 = tpu.memref_squeeze %dma_start3A_39 : memref<1x12288xi32, #tpu.memory_space<hbm>> -> memref<12288xi32, #tpu.memory_space<hbm>>
      %dma_start3A_41 = arith.constant 0 : i32
      %dma_start3A_42 = tpu.memref_slice %arg4[%add3A, %dma_start3A_41] : memref<32x12288xi32, #tpu.memory_space<hbm>> -> memref<1x12288xi32, #tpu.memory_space<hbm>>
      %dma_start3A_43 = tpu.memref_squeeze %dma_start3A_42 : memref<1x12288xi32, #tpu.memory_space<hbm>> -> memref<12288xi32, #tpu.memory_space<hbm>>
      tpu.enqueue_dma source(%dma_start3A_43 : memref<12288xi32, #tpu.memory_space<hbm>>) target(%arg8 : memref<12288xi32, #tpu.memory_space<vmem>>) target_semaphore(%run_scoped3A : memref<!tpu.dma_semaphore, #tpu.memory_space<semaphore_mem>>)
      %dma_wait3A = arith.constant 0 : i32
      %dma_wait3A_44 = tpu.memref_slice %arg4[%add3A, %dma_wait3A] : memref<32x12288xi32, #tpu.memory_space<hbm>> -> memref<1x12288xi32, #tpu.memory_space<hbm>>
      %dma_wait3A_45 = tpu.memref_squeeze %dma_wait3A_44 : memref<1x12288xi32, #tpu.memory_space<hbm>> -> memref<12288xi32, #tpu.memory_space<hbm>>
      %dma_wait3A_46 = arith.constant 0 : i32
      %dma_wait3A_47 = tpu.memref_slice %arg4[%add3A, %dma_wait3A_46] : memref<32x12288xi32, #tpu.memory_space<hbm>> -> memref<1x12288xi32, #tpu.memory_space<hbm>>
      %dma_wait3A_48 = tpu.memref_squeeze %dma_wait3A_47 : memref<1x12288xi32, #tpu.memory_space<hbm>> -> memref<12288xi32, #tpu.memory_space<hbm>>
      tpu.wait_dma2 semaphore(%run_scoped3A : memref<!tpu.dma_semaphore, #tpu.memory_space<semaphore_mem>>) src(%dma_wait3A_48 : memref<12288xi32, #tpu.memory_space<hbm>>) dst(%arg8 : memref<12288xi32, #tpu.memory_space<vmem>>)
      tpu.yield
    }) : () -> ()
    "tpu.region"() ({
      %run_scoped3A = tpu.sem_alloc : memref<!tpu.dma_semaphore, #tpu.memory_space<semaphore_mem>>
      %dma_start3A = arith.constant 0 : i32
      %dma_start3A_39 = tpu.memref_slice %arg5[%add3A, %dma_start3A] : memref<32x16xi32, #tpu.memory_space<hbm>> -> memref<1x16xi32, #tpu.memory_space<hbm>>
      %dma_start3A_40 = tpu.memref_squeeze %dma_start3A_39 : memref<1x16xi32, #tpu.memory_space<hbm>> -> memref<16xi32, #tpu.memory_space<hbm>>
      %dma_start3A_41 = arith.constant 0 : i32
      %dma_start3A_42 = tpu.memref_slice %arg5[%add3A, %dma_start3A_41] : memref<32x16xi32, #tpu.memory_space<hbm>> -> memref<1x16xi32, #tpu.memory_space<hbm>>
      %dma_start3A_43 = tpu.memref_squeeze %dma_start3A_42 : memref<1x16xi32, #tpu.memory_space<hbm>> -> memref<16xi32, #tpu.memory_space<hbm>>
      tpu.enqueue_dma source(%dma_start3A_43 : memref<16xi32, #tpu.memory_space<hbm>>) target(%arg11 : memref<16xi32, #tpu.memory_space<vmem>>) target_semaphore(%run_scoped3A : memref<!tpu.dma_semaphore, #tpu.memory_space<semaphore_mem>>)
      %dma_wait3A = arith.constant 0 : i32
      %dma_wait3A_44 = tpu.memref_slice %arg5[%add3A, %dma_wait3A] : memref<32x16xi32, #tpu.memory_space<hbm>> -> memref<1x16xi32, #tpu.memory_space<hbm>>
      %dma_wait3A_45 = tpu.memref_squeeze %dma_wait3A_44 : memref<1x16xi32, #tpu.memory_space<hbm>> -> memref<16xi32, #tpu.memory_space<hbm>>
      %dma_wait3A_46 = arith.constant 0 : i32
      %dma_wait3A_47 = tpu.memref_slice %arg5[%add3A, %dma_wait3A_46] : memref<32x16xi32, #tpu.memory_space<hbm>> -> memref<1x16xi32, #tpu.memory_space<hbm>>
      %dma_wait3A_48 = tpu.memref_squeeze %dma_wait3A_47 : memref<1x16xi32, #tpu.memory_space<hbm>> -> memref<16xi32, #tpu.memory_space<hbm>>
      tpu.wait_dma2 semaphore(%run_scoped3A : memref<!tpu.dma_semaphore, #tpu.memory_space<semaphore_mem>>) src(%dma_wait3A_48 : memref<16xi32, #tpu.memory_space<hbm>>) dst(%arg11 : memref<16xi32, #tpu.memory_space<vmem>>)
      tpu.yield
    }) : () -> ()
    %get3A = arith.constant 0 : index
    %get3A_3 = tpu.vector_load %arg11[%get3A] {strides = array<i32>} : memref<16xi32, #tpu.memory_space<vmem>>, vector<16xi32>,
    %slice3A = vector.extract_strided_slice %get3A_3 {offsets = [0], sizes = [1], strides = [1]} : vector<16xi32> to vector<1xi32>
    %squeeze3A = vector.extract %slice3A[0] : i32 from vector<1xi32>
    "tpu.region"() ({
      %run_scoped3A = tpu.sem_alloc : memref<!tpu.dma_semaphore, #tpu.memory_space<semaphore_mem>>
      tpu.enqueue_dma source(%arg2 : memref<10240xf32, #tpu.memory_space<hbm>>) target(%arg9 : memref<10240xf32, #tpu.memory_space<vmem>>) target_semaphore(%run_scoped3A : memref<!tpu.dma_semaphore, #tpu.memory_space<semaphore_mem>>)
      tpu.wait_dma2 semaphore(%run_scoped3A : memref<!tpu.dma_semaphore, #tpu.memory_space<semaphore_mem>>) src(%arg2 : memref<10240xf32, #tpu.memory_space<hbm>>) dst(%arg9 : memref<10240xf32, #tpu.memory_space<vmem>>)
      tpu.yield
    }) : () -> ()
    %scan3A = arith.constant 0 : i32
    %scan3A_4 = arith.constant 0 : i32
    %scan3A_5 = arith.constant 22 : i32
    %scan3A_6 = arith.addi %scan3A_4, %scan3A_5 : i32
    %scan3A_7 = arith.constant 1 : i32
    %scan3A_8 = scf.for %scan3A_39 = %scan3A_4 to %scan3A_6 step %scan3A_7 iter_args(%scan3A_40 = %scan3A) -> (i32)  : i32 {
      %broadcast_in_dim3A = arith.constant 0.000000e+00 : f32
      %broadcast_in_dim3A_41 = vector.broadcast %broadcast_in_dim3A : f32 to vector<16xf32>
      %mul3A_42 = arith.constant 16 : i32
      %mul3A_43 = arith.muli %scan3A_39, %mul3A_42 : i32
      %swap3A = arith.index_cast %mul3A_43 : i32 to index
      %swap3A_44 = tpu.vector_load %arg10[%swap3A] {strides = array<i32>} : memref<352xf32, #tpu.memory_space<vmem>>, vector<16xf32>,
      tpu.vector_store %arg10[%swap3A], %broadcast_in_dim3A_41 {strides = array<i32>} : memref<352xf32, #tpu.memory_space<vmem>>, vector<16xf32>,
      %scan3A_45 = arith.constant 0 : i32
      scf.yield %scan3A_45 : i32
    }
    %scan3A_9 = arith.constant 22 : i32
    %add3A_10 = arith.constant 15 : i32
    %add3A_11 = arith.addi %squeeze3A, %add3A_10 : i32
    %jit3A = arith.constant 16 : i32
    %div3A = arith.divsi %add3A_11, %jit3A : i32
    %sign3A = arith.constant 0 : i32
    %sign3A_12 = arith.cmpi sgt, %add3A_11, %sign3A : i32
    %sign3A_13 = arith.extui %sign3A_12 : i1 to i32
    %sign3A_14 = arith.constant 0 : i32
    %sign3A_15 = arith.cmpi slt, %add3A_11, %sign3A_14 : i32
    %sign3A_16 = arith.extui %sign3A_15 : i1 to i32
    %sign3A_17 = arith.subi %sign3A_13, %sign3A_16 : i32
    %sign3A_18 = arith.constant 0 : i32
    %sign3A_19 = arith.cmpi sgt, %jit3A, %sign3A_18 : i32
    %sign3A_20 = arith.extui %sign3A_19 : i1 to i32
    %sign3A_21 = arith.constant 0 : i32
    %sign3A_22 = arith.cmpi slt, %jit3A, %sign3A_21 : i32
    %sign3A_23 = arith.extui %sign3A_22 : i1 to i32
    %sign3A_24 = arith.subi %sign3A_20, %sign3A_23 : i32
    %ne3A = arith.cmpi ne, %sign3A_17, %sign3A_24 : i32
    %rem3A = arith.remsi %add3A_11, %jit3A : i32
    %ne3A_25 = arith.constant 0 : i32
    %ne3A_26 = arith.cmpi ne, %rem3A, %ne3A_25 : i32
    %and3A = arith.andi %ne3A, %ne3A_26 : i1
    %sub3A = arith.constant 1 : i32
    %sub3A_27 = arith.subi %div3A, %sub3A : i32
    %select_n3A = arith.select %and3A, %sub3A_27, %div3A : i32
    %iota3A = tpu.iota {dimensions = array<i32: 0>} : vector<16xi32>
    %while3A = arith.constant 0 : i32
    %while3A_28 = arith.constant 0 : i32
    %while3A_29 = arith.subi %select_n3A, %while3A : i32
    %while3A_30 = arith.addi %while3A, %while3A_29 : i32
    %while3A_31 = arith.constant 1 : i32
    %while3A_32 = arith.divsi %while3A_29, %while3A_31 : i32
    %while3A_33 = arith.muli %while3A_32, %while3A_31 : i32
    %while3A_34 = arith.addi %while3A, %while3A_33 : i32
    %while3A_35 = arith.constant 1 : i32
    %while3A_36 = scf.for %while3A_39 = %while3A to %while3A_34 step %while3A_35 iter_args(%while3A_40 = %while3A_28) -> (i32)  : i32 {
      %mul3A_41 = arith.constant 16 : i32
      %mul3A_42 = arith.muli %while3A_39, %mul3A_41 : i32
      %get3A_43 = arith.index_cast %mul3A_42 : i32 to index
      %get3A_44 = tpu.vector_load %arg7[%get3A_43] {strides = array<i32>} : memref<12288xi32, #tpu.memory_space<vmem>>, vector<16xi32>,
      %gather3A = tpu.vector_load_idx %arg9[%get3A_44] : memref<10240xf32, #tpu.memory_space<vmem>>[vector<16xi32>], vector<16xf32>,
      %mul3A_45 = arith.constant 16 : i32
      %mul3A_46 = arith.muli %while3A_39, %mul3A_45 : i32
      %add3A_47 = vector.broadcast %mul3A_46 : i32 to vector<16xi32>
      %add3A_48 = arith.addi %add3A_47, %iota3A : vector<16xi32>
      %lt3A = vector.broadcast %squeeze3A : i32 to vector<16xi32>
      %lt3A_49 = arith.cmpi slt, %add3A_48, %lt3A : vector<16xi32>
      %get3A_50 = arith.index_cast %mul3A_42 : i32 to index
      %get3A_51 = tpu.vector_load %arg8[%get3A_50] {strides = array<i32>} : memref<12288xi32, #tpu.memory_space<vmem>>, vector<16xi32>,
      tpu.vector_store_idx %arg10[%get3A_51], %gather3A masked %lt3A_49 {add = true} : memref<352xf32, #tpu.memory_space<vmem>>[vector<16xi32>], vector<16xf32>, vector<16xi1>
      %while3A_52 = arith.constant 0 : i32
      scf.yield %while3A_52 : i32
    }
    %while3A_37 = arith.constant 1 : i32
    %while3A_38 = scf.for %while3A_39 = %while3A_34 to %while3A_30 step %while3A_37 iter_args(%while3A_40 = %while3A_36) -> (i32)  : i32 {
      %mul3A_41 = arith.constant 16 : i32
      %mul3A_42 = arith.muli %while3A_39, %mul3A_41 : i32
      %get3A_43 = arith.index_cast %mul3A_42 : i32 to index
      %get3A_44 = tpu.vector_load %arg7[%get3A_43] {strides = array<i32>} : memref<12288xi32, #tpu.memory_space<vmem>>, vector<16xi32>,
      %gather3A = tpu.vector_load_idx %arg9[%get3A_44] : memref<10240xf32, #tpu.memory_space<vmem>>[vector<16xi32>], vector<16xf32>,
      %mul3A_45 = arith.constant 16 : i32
      %mul3A_46 = arith.muli %while3A_39, %mul3A_45 : i32
      %add3A_47 = vector.broadcast %mul3A_46 : i32 to vector<16xi32>
      %add3A_48 = arith.addi %add3A_47, %iota3A : vector<16xi32>
      %lt3A = vector.broadcast %squeeze3A : i32 to vector<16xi32>
      %lt3A_49 = arith.cmpi slt, %add3A_48, %lt3A : vector<16xi32>
      %get3A_50 = arith.index_cast %mul3A_42 : i32 to index
      %get3A_51 = tpu.vector_load %arg8[%get3A_50] {strides = array<i32>} : memref<12288xi32, #tpu.memory_space<vmem>>, vector<16xi32>,
      tpu.vector_store_idx %arg10[%get3A_51], %gather3A masked %lt3A_49 {add = true} : memref<352xf32, #tpu.memory_space<vmem>>[vector<16xi32>], vector<16xf32>, vector<16xi1>
      %while3A_52 = arith.constant 0 : i32
      scf.yield %while3A_52 : i32
    }
    "tpu.region"() ({
      %run_scoped3A = tpu.sem_alloc : memref<!tpu.dma_semaphore, #tpu.memory_space<semaphore_mem>>
      %dma_start3A = arith.constant 0 : i32
      %dma_start3A_39 = tpu.memref_slice %arg10[%dma_start3A] : memref<352xf32, #tpu.memory_space<vmem>> -> memref<320xf32, #tpu.memory_space<vmem>>
      %dma_start3A_40 = tpu.memref_slice %arg6[%mul3A_2] : memref<10240xf32, #tpu.memory_space<hbm>> -> memref<320xf32, #tpu.memory_space<hbm>>
      %dma_start3A_41 = tpu.memref_slice %arg6[%mul3A_2] : memref<10240xf32, #tpu.memory_space<hbm>> -> memref<320xf32, #tpu.memory_space<hbm>>
      %dma_start3A_42 = arith.constant 0 : i32
      %dma_start3A_43 = tpu.memref_slice %arg10[%dma_start3A_42] : memref<352xf32, #tpu.memory_space<vmem>> -> memref<320xf32, #tpu.memory_space<vmem>>
      tpu.enqueue_dma source(%dma_start3A_43 : memref<320xf32, #tpu.memory_space<vmem>>) target(%dma_start3A_41 : memref<320xf32, #tpu.memory_space<hbm>>) target_semaphore(%run_scoped3A : memref<!tpu.dma_semaphore, #tpu.memory_space<semaphore_mem>>)
      %dma_wait3A = arith.constant 0 : i32
      %dma_wait3A_44 = tpu.memref_slice %arg10[%dma_wait3A] : memref<352xf32, #tpu.memory_space<vmem>> -> memref<320xf32, #tpu.memory_space<vmem>>
      %dma_wait3A_45 = tpu.memref_slice %arg6[%mul3A_2] : memref<10240xf32, #tpu.memory_space<hbm>> -> memref<320xf32, #tpu.memory_space<hbm>>
      %dma_wait3A_46 = tpu.memref_slice %arg6[%mul3A_2] : memref<10240xf32, #tpu.memory_space<hbm>> -> memref<320xf32, #tpu.memory_space<hbm>>
      %dma_wait3A_47 = arith.constant 0 : i32
      %dma_wait3A_48 = tpu.memref_slice %arg10[%dma_wait3A_47] : memref<352xf32, #tpu.memory_space<vmem>> -> memref<320xf32, #tpu.memory_space<vmem>>
      tpu.wait_dma2 semaphore(%run_scoped3A : memref<!tpu.dma_semaphore, #tpu.memory_space<semaphore_mem>>) src(%dma_wait3A_48 : memref<320xf32, #tpu.memory_space<vmem>>) dst(%dma_wait3A_46 : memref<320xf32, #tpu.memory_space<hbm>>)
      tpu.yield
    }) : () -> ()
    return
  }
}

#map = affine_map<(d0, d1) -> (0, 0)>
#map1 = affine_map<(d0, d1) -> (0)>
module attributes {stable_mosaic.version = 14 : i64} {
  func.func @k2(%arg0: i32, %arg1: i32, %arg2: memref<10240x128xf32, #tpu.memory_space<hbm>>, %arg3: memref<32x12288xi32, #tpu.memory_space<hbm>>, %arg4: memref<32x12288xi32, #tpu.memory_space<hbm>>, %arg5: memref<32x16xi32, #tpu.memory_space<hbm>>, %arg6: memref<10240xf32, #tpu.memory_space<hbm>>, %arg7: memref<10240xf32, #tpu.memory_space<hbm>>, %arg8: memref<10240x128xf32, #tpu.memory_space<hbm>>, %arg9: memref<10240xf32, #tpu.memory_space<hbm>>, %arg10: memref<12288xi32, #tpu.memory_space<vmem>>, %arg11: memref<12288xi32, #tpu.memory_space<vmem>>, %arg12: memref<12288xf32, #tpu.memory_space<vmem>>, %arg13: memref<5136x128xf32, #tpu.memory_space<vmem_shared>>, %arg14: memref<96x128xi32, #tpu.memory_space<vmem>>, %arg15: memref<128x128xf32, #tpu.memory_space<vmem>>, %arg16: memref<10240xf32, #tpu.memory_space<vmem>>, %arg17: memref<336xf32, #tpu.memory_space<vmem>>, %arg18: memref<352xf32, #tpu.memory_space<vmem>>, %arg19: memref<352xf32, #tpu.memory_space<vmem>>, %arg20: memref<16xi32, #tpu.memory_space<vmem>>, %arg21: memref<!tpu.dma_semaphore, #tpu.memory_space<semaphore_mem>>) attributes {dimension_semantics = [#tpu.dimension_semantics<core_parallel>, #tpu.dimension_semantics<subcore_parallel>], iteration_bounds = array<i64: 2, 16>, scalar_prefetch = 0 : i64, scratch_operands = 12 : i64, tpu.core_type = #tpu.core_type<sc_vector_subcore>, window_params = [{transform_indices = #map}, {transform_indices = #map}, {transform_indices = #map}, {transform_indices = #map}, {transform_indices = #map1}, {transform_indices = #map1}, {transform_indices = #map}, {transform_indices = #map1}]} {
    %mul3A = arith.constant 16 : i32
    %mul3A_0 = arith.muli %arg0, %mul3A : i32
    %add3A = arith.addi %mul3A_0, %arg1 : i32
    %mul3A_1 = arith.constant 320 : i32
    %mul3A_2 = arith.muli %add3A, %mul3A_1 : i32
    %mul3A_3 = arith.constant 321 : i32
    %mul3A_4 = arith.muli %arg1, %mul3A_3 : i32
    "tpu.region"() ({
      %run_scoped3A = tpu.sem_alloc : memref<!tpu.dma_semaphore, #tpu.memory_space<semaphore_mem>>
      %dma_start3A = arith.constant 0 : i32
      %dma_start3A_149 = tpu.memref_slice %arg3[%add3A, %dma_start3A] : memref<32x12288xi32, #tpu.memory_space<hbm>> -> memref<1x12288xi32, #tpu.memory_space<hbm>>
      %dma_start3A_150 = tpu.memref_squeeze %dma_start3A_149 : memref<1x12288xi32, #tpu.memory_space<hbm>> -> memref<12288xi32, #tpu.memory_space<hbm>>
      %dma_start3A_151 = arith.constant 0 : i32
      %dma_start3A_152 = tpu.memref_slice %arg3[%add3A, %dma_start3A_151] : memref<32x12288xi32, #tpu.memory_space<hbm>> -> memref<1x12288xi32, #tpu.memory_space<hbm>>
      %dma_start3A_153 = tpu.memref_squeeze %dma_start3A_152 : memref<1x12288xi32, #tpu.memory_space<hbm>> -> memref<12288xi32, #tpu.memory_space<hbm>>
      tpu.enqueue_dma source(%dma_start3A_153 : memref<12288xi32, #tpu.memory_space<hbm>>) target(%arg10 : memref<12288xi32, #tpu.memory_space<vmem>>) target_semaphore(%run_scoped3A : memref<!tpu.dma_semaphore, #tpu.memory_space<semaphore_mem>>)
      %dma_wait3A = arith.constant 0 : i32
      %dma_wait3A_154 = tpu.memref_slice %arg3[%add3A, %dma_wait3A] : memref<32x12288xi32, #tpu.memory_space<hbm>> -> memref<1x12288xi32, #tpu.memory_space<hbm>>
      %dma_wait3A_155 = tpu.memref_squeeze %dma_wait3A_154 : memref<1x12288xi32, #tpu.memory_space<hbm>> -> memref<12288xi32, #tpu.memory_space<hbm>>
      %dma_wait3A_156 = arith.constant 0 : i32
      %dma_wait3A_157 = tpu.memref_slice %arg3[%add3A, %dma_wait3A_156] : memref<32x12288xi32, #tpu.memory_space<hbm>> -> memref<1x12288xi32, #tpu.memory_space<hbm>>
      %dma_wait3A_158 = tpu.memref_squeeze %dma_wait3A_157 : memref<1x12288xi32, #tpu.memory_space<hbm>> -> memref<12288xi32, #tpu.memory_space<hbm>>
      tpu.wait_dma2 semaphore(%run_scoped3A : memref<!tpu.dma_semaphore, #tpu.memory_space<semaphore_mem>>) src(%dma_wait3A_158 : memref<12288xi32, #tpu.memory_space<hbm>>) dst(%arg10 : memref<12288xi32, #tpu.memory_space<vmem>>)
      tpu.yield
    }) : () -> ()
    "tpu.region"() ({
      %run_scoped3A = tpu.sem_alloc : memref<!tpu.dma_semaphore, #tpu.memory_space<semaphore_mem>>
      %dma_start3A = arith.constant 0 : i32
      %dma_start3A_149 = tpu.memref_slice %arg4[%add3A, %dma_start3A] : memref<32x12288xi32, #tpu.memory_space<hbm>> -> memref<1x12288xi32, #tpu.memory_space<hbm>>
      %dma_start3A_150 = tpu.memref_squeeze %dma_start3A_149 : memref<1x12288xi32, #tpu.memory_space<hbm>> -> memref<12288xi32, #tpu.memory_space<hbm>>
      %dma_start3A_151 = arith.constant 0 : i32
      %dma_start3A_152 = tpu.memref_slice %arg4[%add3A, %dma_start3A_151] : memref<32x12288xi32, #tpu.memory_space<hbm>> -> memref<1x12288xi32, #tpu.memory_space<hbm>>
      %dma_start3A_153 = tpu.memref_squeeze %dma_start3A_152 : memref<1x12288xi32, #tpu.memory_space<hbm>> -> memref<12288xi32, #tpu.memory_space<hbm>>
      tpu.enqueue_dma source(%dma_start3A_153 : memref<12288xi32, #tpu.memory_space<hbm>>) target(%arg11 : memref<12288xi32, #tpu.memory_space<vmem>>) target_semaphore(%run_scoped3A : memref<!tpu.dma_semaphore, #tpu.memory_space<semaphore_mem>>)
      %dma_wait3A = arith.constant 0 : i32
      %dma_wait3A_154 = tpu.memref_slice %arg4[%add3A, %dma_wait3A] : memref<32x12288xi32, #tpu.memory_space<hbm>> -> memref<1x12288xi32, #tpu.memory_space<hbm>>
      %dma_wait3A_155 = tpu.memref_squeeze %dma_wait3A_154 : memref<1x12288xi32, #tpu.memory_space<hbm>> -> memref<12288xi32, #tpu.memory_space<hbm>>
      %dma_wait3A_156 = arith.constant 0 : i32
      %dma_wait3A_157 = tpu.memref_slice %arg4[%add3A, %dma_wait3A_156] : memref<32x12288xi32, #tpu.memory_space<hbm>> -> memref<1x12288xi32, #tpu.memory_space<hbm>>
      %dma_wait3A_158 = tpu.memref_squeeze %dma_wait3A_157 : memref<1x12288xi32, #tpu.memory_space<hbm>> -> memref<12288xi32, #tpu.memory_space<hbm>>
      tpu.wait_dma2 semaphore(%run_scoped3A : memref<!tpu.dma_semaphore, #tpu.memory_space<semaphore_mem>>) src(%dma_wait3A_158 : memref<12288xi32, #tpu.memory_space<hbm>>) dst(%arg11 : memref<12288xi32, #tpu.memory_space<vmem>>)
      tpu.yield
    }) : () -> ()
    "tpu.region"() ({
      %run_scoped3A = tpu.sem_alloc : memref<!tpu.dma_semaphore, #tpu.memory_space<semaphore_mem>>
      %dma_start3A = arith.constant 0 : i32
      %dma_start3A_149 = tpu.memref_slice %arg5[%add3A, %dma_start3A] : memref<32x16xi32, #tpu.memory_space<hbm>> -> memref<1x16xi32, #tpu.memory_space<hbm>>
      %dma_start3A_150 = tpu.memref_squeeze %dma_start3A_149 : memref<1x16xi32, #tpu.memory_space<hbm>> -> memref<16xi32, #tpu.memory_space<hbm>>
      %dma_start3A_151 = arith.constant 0 : i32
      %dma_start3A_152 = tpu.memref_slice %arg5[%add3A, %dma_start3A_151] : memref<32x16xi32, #tpu.memory_space<hbm>> -> memref<1x16xi32, #tpu.memory_space<hbm>>
      %dma_start3A_153 = tpu.memref_squeeze %dma_start3A_152 : memref<1x16xi32, #tpu.memory_space<hbm>> -> memref<16xi32, #tpu.memory_space<hbm>>
      tpu.enqueue_dma source(%dma_start3A_153 : memref<16xi32, #tpu.memory_space<hbm>>) target(%arg20 : memref<16xi32, #tpu.memory_space<vmem>>) target_semaphore(%run_scoped3A : memref<!tpu.dma_semaphore, #tpu.memory_space<semaphore_mem>>)
      %dma_wait3A = arith.constant 0 : i32
      %dma_wait3A_154 = tpu.memref_slice %arg5[%add3A, %dma_wait3A] : memref<32x16xi32, #tpu.memory_space<hbm>> -> memref<1x16xi32, #tpu.memory_space<hbm>>
      %dma_wait3A_155 = tpu.memref_squeeze %dma_wait3A_154 : memref<1x16xi32, #tpu.memory_space<hbm>> -> memref<16xi32, #tpu.memory_space<hbm>>
      %dma_wait3A_156 = arith.constant 0 : i32
      %dma_wait3A_157 = tpu.memref_slice %arg5[%add3A, %dma_wait3A_156] : memref<32x16xi32, #tpu.memory_space<hbm>> -> memref<1x16xi32, #tpu.memory_space<hbm>>
      %dma_wait3A_158 = tpu.memref_squeeze %dma_wait3A_157 : memref<1x16xi32, #tpu.memory_space<hbm>> -> memref<16xi32, #tpu.memory_space<hbm>>
      tpu.wait_dma2 semaphore(%run_scoped3A : memref<!tpu.dma_semaphore, #tpu.memory_space<semaphore_mem>>) src(%dma_wait3A_158 : memref<16xi32, #tpu.memory_space<hbm>>) dst(%arg20 : memref<16xi32, #tpu.memory_space<vmem>>)
      tpu.yield
    }) : () -> ()
    %get3A = arith.constant 0 : index
    %get3A_5 = tpu.vector_load %arg20[%get3A] {strides = array<i32>} : memref<16xi32, #tpu.memory_space<vmem>>, vector<16xi32>,
    %slice3A = vector.extract_strided_slice %get3A_5 {offsets = [0], sizes = [1], strides = [1]} : vector<16xi32> to vector<1xi32>
    %squeeze3A = vector.extract %slice3A[0] : i32 from vector<1xi32>
    "tpu.region"() ({
      %run_scoped3A = tpu.sem_alloc : memref<!tpu.dma_semaphore, #tpu.memory_space<semaphore_mem>>
      tpu.enqueue_dma source(%arg6 : memref<10240xf32, #tpu.memory_space<hbm>>) target(%arg16 : memref<10240xf32, #tpu.memory_space<vmem>>) target_semaphore(%run_scoped3A : memref<!tpu.dma_semaphore, #tpu.memory_space<semaphore_mem>>)
      tpu.wait_dma2 semaphore(%run_scoped3A : memref<!tpu.dma_semaphore, #tpu.memory_space<semaphore_mem>>) src(%arg6 : memref<10240xf32, #tpu.memory_space<hbm>>) dst(%arg16 : memref<10240xf32, #tpu.memory_space<vmem>>)
      tpu.yield
    }) : () -> ()
    "tpu.region"() ({
      %run_scoped3A = tpu.sem_alloc : memref<!tpu.dma_semaphore, #tpu.memory_space<semaphore_mem>>
      %dma_start3A = arith.constant 0 : i32
      %dma_start3A_149 = tpu.memref_slice %arg17[%dma_start3A] : memref<336xf32, #tpu.memory_space<vmem>> -> memref<320xf32, #tpu.memory_space<vmem>>
      %dma_start3A_150 = tpu.memref_slice %arg7[%mul3A_2] : memref<10240xf32, #tpu.memory_space<hbm>> -> memref<320xf32, #tpu.memory_space<hbm>>
      %dma_start3A_151 = arith.constant 0 : i32
      %dma_start3A_152 = tpu.memref_slice %arg17[%dma_start3A_151] : memref<336xf32, #tpu.memory_space<vmem>> -> memref<320xf32, #tpu.memory_space<vmem>>
      %dma_start3A_153 = tpu.memref_slice %arg7[%mul3A_2] : memref<10240xf32, #tpu.memory_space<hbm>> -> memref<320xf32, #tpu.memory_space<hbm>>
      tpu.enqueue_dma source(%dma_start3A_153 : memref<320xf32, #tpu.memory_space<hbm>>) target(%dma_start3A_152 : memref<320xf32, #tpu.memory_space<vmem>>) target_semaphore(%run_scoped3A : memref<!tpu.dma_semaphore, #tpu.memory_space<semaphore_mem>>)
      %dma_wait3A = arith.constant 0 : i32
      %dma_wait3A_154 = tpu.memref_slice %arg17[%dma_wait3A] : memref<336xf32, #tpu.memory_space<vmem>> -> memref<320xf32, #tpu.memory_space<vmem>>
      %dma_wait3A_155 = tpu.memref_slice %arg7[%mul3A_2] : memref<10240xf32, #tpu.memory_space<hbm>> -> memref<320xf32, #tpu.memory_space<hbm>>
      %dma_wait3A_156 = arith.constant 0 : i32
      %dma_wait3A_157 = tpu.memref_slice %arg17[%dma_wait3A_156] : memref<336xf32, #tpu.memory_space<vmem>> -> memref<320xf32, #tpu.memory_space<vmem>>
      %dma_wait3A_158 = tpu.memref_slice %arg7[%mul3A_2] : memref<10240xf32, #tpu.memory_space<hbm>> -> memref<320xf32, #tpu.memory_space<hbm>>
      tpu.wait_dma2 semaphore(%run_scoped3A : memref<!tpu.dma_semaphore, #tpu.memory_space<semaphore_mem>>) src(%dma_wait3A_158 : memref<320xf32, #tpu.memory_space<hbm>>) dst(%dma_wait3A_157 : memref<320xf32, #tpu.memory_space<vmem>>)
      tpu.yield
    }) : () -> ()
    %scan3A = arith.constant 0 : i32
    %scan3A_6 = arith.constant 0 : i32
    %scan3A_7 = arith.constant 22 : i32
    %scan3A_8 = arith.addi %scan3A_6, %scan3A_7 : i32
    %scan3A_9 = arith.constant 1 : i32
    %scan3A_10 = scf.for %scan3A_149 = %scan3A_6 to %scan3A_8 step %scan3A_9 iter_args(%scan3A_150 = %scan3A) -> (i32)  : i32 {
      %mul3A_151 = arith.constant 16 : i32
      %mul3A_152 = arith.muli %scan3A_149, %mul3A_151 : i32
      %broadcast_in_dim3A_153 = arith.constant 0.000000e+00 : f32
      %broadcast_in_dim3A_154 = vector.broadcast %broadcast_in_dim3A_153 : f32 to vector<16xf32>
      %swap3A = arith.index_cast %mul3A_152 : i32 to index
      %swap3A_155 = tpu.vector_load %arg18[%swap3A] {strides = array<i32>} : memref<352xf32, #tpu.memory_space<vmem>>, vector<16xf32>,
      tpu.vector_store %arg18[%swap3A], %broadcast_in_dim3A_154 {strides = array<i32>} : memref<352xf32, #tpu.memory_space<vmem>>, vector<16xf32>,
      %broadcast_in_dim3A_156 = arith.constant 0.000000e+00 : f32
      %broadcast_in_dim3A_157 = vector.broadcast %broadcast_in_dim3A_156 : f32 to vector<16xf32>
      %swap3A_158 = arith.index_cast %mul3A_152 : i32 to index
      %swap3A_159 = tpu.vector_load %arg19[%swap3A_158] {strides = array<i32>} : memref<352xf32, #tpu.memory_space<vmem>>, vector<16xf32>,
      tpu.vector_store %arg19[%swap3A_158], %broadcast_in_dim3A_157 {strides = array<i32>} : memref<352xf32, #tpu.memory_space<vmem>>, vector<16xf32>,
      %scan3A_160 = arith.constant 0 : i32
      scf.yield %scan3A_160 : i32
    }
    %scan3A_11 = arith.constant 22 : i32
    %add3A_12 = arith.constant 15 : i32
    %add3A_13 = arith.addi %squeeze3A, %add3A_12 : i32
    %jit3A = arith.constant 16 : i32
    %div3A = arith.divsi %add3A_13, %jit3A : i32
    %sign3A = arith.constant 0 : i32
    %sign3A_14 = arith.cmpi sgt, %add3A_13, %sign3A : i32
    %sign3A_15 = arith.extui %sign3A_14 : i1 to i32
    %sign3A_16 = arith.constant 0 : i32
    %sign3A_17 = arith.cmpi slt, %add3A_13, %sign3A_16 : i32
    %sign3A_18 = arith.extui %sign3A_17 : i1 to i32
    %sign3A_19 = arith.subi %sign3A_15, %sign3A_18 : i32
    %sign3A_20 = arith.constant 0 : i32
    %sign3A_21 = arith.cmpi sgt, %jit3A, %sign3A_20 : i32
    %sign3A_22 = arith.extui %sign3A_21 : i1 to i32
    %sign3A_23 = arith.constant 0 : i32
    %sign3A_24 = arith.cmpi slt, %jit3A, %sign3A_23 : i32
    %sign3A_25 = arith.extui %sign3A_24 : i1 to i32
    %sign3A_26 = arith.subi %sign3A_22, %sign3A_25 : i32
    %ne3A = arith.cmpi ne, %sign3A_19, %sign3A_26 : i32
    %rem3A = arith.remsi %add3A_13, %jit3A : i32
    %ne3A_27 = arith.constant 0 : i32
    %ne3A_28 = arith.cmpi ne, %rem3A, %ne3A_27 : i32
    %and3A = arith.andi %ne3A, %ne3A_28 : i1
    %sub3A = arith.constant 1 : i32
    %sub3A_29 = arith.subi %div3A, %sub3A : i32
    %select_n3A = arith.select %and3A, %sub3A_29, %div3A : i32
    %broadcast_in_dim3A = arith.constant 1.000000e+00 : f32
    %broadcast_in_dim3A_30 = vector.broadcast %broadcast_in_dim3A : f32 to vector<16xf32>
    %iota3A = tpu.iota {dimensions = array<i32: 0>} : vector<16xi32>
    %while3A = arith.constant 0 : i32
    %while3A_31 = arith.constant 0 : i32
    %while3A_32 = arith.subi %select_n3A, %while3A : i32
    %while3A_33 = arith.addi %while3A, %while3A_32 : i32
    %while3A_34 = arith.constant 1 : i32
    %while3A_35 = arith.divsi %while3A_32, %while3A_34 : i32
    %while3A_36 = arith.muli %while3A_35, %while3A_34 : i32
    %while3A_37 = arith.addi %while3A, %while3A_36 : i32
    %while3A_38 = arith.constant 1 : i32
    %while3A_39 = scf.for %while3A_149 = %while3A to %while3A_37 step %while3A_38 iter_args(%while3A_150 = %while3A_31) -> (i32)  : i32 {
      %mul3A_151 = arith.constant 16 : i32
      %mul3A_152 = arith.muli %while3A_149, %mul3A_151 : i32
      %get3A_153 = arith.index_cast %mul3A_152 : i32 to index
      %get3A_154 = tpu.vector_load %arg11[%get3A_153] {strides = array<i32>} : memref<12288xi32, #tpu.memory_space<vmem>>, vector<16xi32>,
      %gather3A = tpu.vector_load_idx %arg17[%get3A_154] : memref<336xf32, #tpu.memory_space<vmem>>[vector<16xi32>], vector<16xf32>,
      %get3A_155 = arith.index_cast %mul3A_152 : i32 to index
      %get3A_156 = tpu.vector_load %arg10[%get3A_155] {strides = array<i32>} : memref<12288xi32, #tpu.memory_space<vmem>>, vector<16xi32>,
      %gather3A_157 = tpu.vector_load_idx %arg16[%get3A_156] : memref<10240xf32, #tpu.memory_space<vmem>>[vector<16xi32>], vector<16xf32>,
      %add3A_158 = arith.addf %gather3A, %gather3A_157 : vector<16xf32>
      %gt3A = arith.constant 0.000000e+00 : f32
      %gt3A_159 = vector.broadcast %gt3A : f32 to vector<16xf32>
      %gt3A_160 = arith.cmpf ogt, %add3A_158, %gt3A_159 : vector<16xf32>
      %mul3A_161 = arith.constant 2.000000e-01 : f32
      %mul3A_162 = vector.broadcast %mul3A_161 : f32 to vector<16xf32>
      %mul3A_163 = arith.mulf %mul3A_162, %add3A_158 : vector<16xf32>
      %select_n3A_164 = arith.select %gt3A_160, %add3A_158, %mul3A_163 : vector<16xi1>, vector<16xf32>
      %exp3A = math.exp %select_n3A_164 : vector<16xf32>
      %swap3A = arith.index_cast %mul3A_152 : i32 to index
      %swap3A_165 = tpu.vector_load %arg12[%swap3A] {strides = array<i32>} : memref<12288xf32, #tpu.memory_space<vmem>>, vector<16xf32>,
      tpu.vector_store %arg12[%swap3A], %exp3A {strides = array<i32>} : memref<12288xf32, #tpu.memory_space<vmem>>, vector<16xf32>,
      %mul3A_166 = arith.constant 16 : i32
      %mul3A_167 = arith.muli %while3A_149, %mul3A_166 : i32
      %add3A_168 = vector.broadcast %mul3A_167 : i32 to vector<16xi32>
      %add3A_169 = arith.addi %add3A_168, %iota3A : vector<16xi32>
      %lt3A = vector.broadcast %squeeze3A : i32 to vector<16xi32>
      %lt3A_170 = arith.cmpi slt, %add3A_169, %lt3A : vector<16xi32>
      tpu.vector_store_idx %arg18[%get3A_154], %exp3A masked %lt3A_170 {add = true} : memref<352xf32, #tpu.memory_space<vmem>>[vector<16xi32>], vector<16xf32>, vector<16xi1>
      tpu.vector_store_idx %arg19[%get3A_154], %broadcast_in_dim3A_30 masked %lt3A_170 {add = true} : memref<352xf32, #tpu.memory_space<vmem>>[vector<16xi32>], vector<16xf32>, vector<16xi1>
      %while3A_171 = arith.constant 0 : i32
      scf.yield %while3A_171 : i32
    }
    %while3A_40 = arith.constant 1 : i32
    %while3A_41 = scf.for %while3A_149 = %while3A_37 to %while3A_33 step %while3A_40 iter_args(%while3A_150 = %while3A_39) -> (i32)  : i32 {
      %mul3A_151 = arith.constant 16 : i32
      %mul3A_152 = arith.muli %while3A_149, %mul3A_151 : i32
      %get3A_153 = arith.index_cast %mul3A_152 : i32 to index
      %get3A_154 = tpu.vector_load %arg11[%get3A_153] {strides = array<i32>} : memref<12288xi32, #tpu.memory_space<vmem>>, vector<16xi32>,
      %gather3A = tpu.vector_load_idx %arg17[%get3A_154] : memref<336xf32, #tpu.memory_space<vmem>>[vector<16xi32>], vector<16xf32>,
      %get3A_155 = arith.index_cast %mul3A_152 : i32 to index
      %get3A_156 = tpu.vector_load %arg10[%get3A_155] {strides = array<i32>} : memref<12288xi32, #tpu.memory_space<vmem>>, vector<16xi32>,
      %gather3A_157 = tpu.vector_load_idx %arg16[%get3A_156] : memref<10240xf32, #tpu.memory_space<vmem>>[vector<16xi32>], vector<16xf32>,
      %add3A_158 = arith.addf %gather3A, %gather3A_157 : vector<16xf32>
      %gt3A = arith.constant 0.000000e+00 : f32
      %gt3A_159 = vector.broadcast %gt3A : f32 to vector<16xf32>
      %gt3A_160 = arith.cmpf ogt, %add3A_158, %gt3A_159 : vector<16xf32>
      %mul3A_161 = arith.constant 2.000000e-01 : f32
      %mul3A_162 = vector.broadcast %mul3A_161 : f32 to vector<16xf32>
      %mul3A_163 = arith.mulf %mul3A_162, %add3A_158 : vector<16xf32>
      %select_n3A_164 = arith.select %gt3A_160, %add3A_158, %mul3A_163 : vector<16xi1>, vector<16xf32>
      %exp3A = math.exp %select_n3A_164 : vector<16xf32>
      %swap3A = arith.index_cast %mul3A_152 : i32 to index
      %swap3A_165 = tpu.vector_load %arg12[%swap3A] {strides = array<i32>} : memref<12288xf32, #tpu.memory_space<vmem>>, vector<16xf32>,
      tpu.vector_store %arg12[%swap3A], %exp3A {strides = array<i32>} : memref<12288xf32, #tpu.memory_space<vmem>>, vector<16xf32>,
      %mul3A_166 = arith.constant 16 : i32
      %mul3A_167 = arith.muli %while3A_149, %mul3A_166 : i32
      %add3A_168 = vector.broadcast %mul3A_167 : i32 to vector<16xi32>
      %add3A_169 = arith.addi %add3A_168, %iota3A : vector<16xi32>
      %lt3A = vector.broadcast %squeeze3A : i32 to vector<16xi32>
      %lt3A_170 = arith.cmpi slt, %add3A_169, %lt3A : vector<16xi32>
      tpu.vector_store_idx %arg18[%get3A_154], %exp3A masked %lt3A_170 {add = true} : memref<352xf32, #tpu.memory_space<vmem>>[vector<16xi32>], vector<16xf32>, vector<16xi1>
      tpu.vector_store_idx %arg19[%get3A_154], %broadcast_in_dim3A_30 masked %lt3A_170 {add = true} : memref<352xf32, #tpu.memory_space<vmem>>[vector<16xi32>], vector<16xf32>, vector<16xi1>
      %while3A_171 = arith.constant 0 : i32
      scf.yield %while3A_171 : i32
    }
    %while3A_42 = arith.constant 0 : i32
    %while3A_43 = arith.constant 0 : i32
    %while3A_44 = arith.subi %select_n3A, %while3A_42 : i32
    %while3A_45 = arith.addi %while3A_42, %while3A_44 : i32
    %while3A_46 = arith.constant 1 : i32
    %while3A_47 = arith.divsi %while3A_44, %while3A_46 : i32
    %while3A_48 = arith.muli %while3A_47, %while3A_46 : i32
    %while3A_49 = arith.addi %while3A_42, %while3A_48 : i32
    %while3A_50 = arith.constant 1 : i32
    %while3A_51 = scf.for %while3A_149 = %while3A_42 to %while3A_49 step %while3A_50 iter_args(%while3A_150 = %while3A_43) -> (i32)  : i32 {
      %mul3A_151 = arith.constant 16 : i32
      %mul3A_152 = arith.muli %while3A_149, %mul3A_151 : i32
      %get3A_153 = arith.index_cast %mul3A_152 : i32 to index
      %get3A_154 = tpu.vector_load %arg11[%get3A_153] {strides = array<i32>} : memref<12288xi32, #tpu.memory_space<vmem>>, vector<16xi32>,
      %gather3A = tpu.vector_load_idx %arg18[%get3A_154] : memref<352xf32, #tpu.memory_space<vmem>>[vector<16xi32>], vector<16xf32>,
      %get3A_155 = arith.index_cast %mul3A_152 : i32 to index
      %get3A_156 = tpu.vector_load %arg12[%get3A_155] {strides = array<i32>} : memref<12288xf32, #tpu.memory_space<vmem>>, vector<16xf32>,
      %add3A_157 = arith.constant 1.000000e-16 : f32
      %add3A_158 = vector.broadcast %add3A_157 : f32 to vector<16xf32>
      %add3A_159 = arith.addf %gather3A, %add3A_158 : vector<16xf32>
      %div3A_160 = arith.divf %get3A_156, %add3A_159 : vector<16xf32>
      %swap3A = arith.index_cast %mul3A_152 : i32 to index
      %swap3A_161 = tpu.vector_load %arg12[%swap3A] {strides = array<i32>} : memref<12288xf32, #tpu.memory_space<vmem>>, vector<16xf32>,
      tpu.vector_store %arg12[%swap3A], %div3A_160 {strides = array<i32>} : memref<12288xf32, #tpu.memory_space<vmem>>, vector<16xf32>,
      %while3A_162 = arith.constant 0 : i32
      scf.yield %while3A_162 : i32
    }
    %while3A_52 = arith.constant 1 : i32
    %while3A_53 = scf.for %while3A_149 = %while3A_49 to %while3A_45 step %while3A_52 iter_args(%while3A_150 = %while3A_51) -> (i32)  : i32 {
      %mul3A_151 = arith.constant 16 : i32
      %mul3A_152 = arith.muli %while3A_149, %mul3A_151 : i32
      %get3A_153 = arith.index_cast %mul3A_152 : i32 to index
      %get3A_154 = tpu.vector_load %arg11[%get3A_153] {strides = array<i32>} : memref<12288xi32, #tpu.memory_space<vmem>>, vector<16xi32>,
      %gather3A = tpu.vector_load_idx %arg18[%get3A_154] : memref<352xf32, #tpu.memory_space<vmem>>[vector<16xi32>], vector<16xf32>,
      %get3A_155 = arith.index_cast %mul3A_152 : i32 to index
      %get3A_156 = tpu.vector_load %arg12[%get3A_155] {strides = array<i32>} : memref<12288xf32, #tpu.memory_space<vmem>>, vector<16xf32>,
      %add3A_157 = arith.constant 1.000000e-16 : f32
      %add3A_158 = vector.broadcast %add3A_157 : f32 to vector<16xf32>
      %add3A_159 = arith.addf %gather3A, %add3A_158 : vector<16xf32>
      %div3A_160 = arith.divf %get3A_156, %add3A_159 : vector<16xf32>
      %swap3A = arith.index_cast %mul3A_152 : i32 to index
      %swap3A_161 = tpu.vector_load %arg12[%swap3A] {strides = array<i32>} : memref<12288xf32, #tpu.memory_space<vmem>>, vector<16xf32>,
      tpu.vector_store %arg12[%swap3A], %div3A_160 {strides = array<i32>} : memref<12288xf32, #tpu.memory_space<vmem>>, vector<16xf32>,
      %while3A_162 = arith.constant 0 : i32
      scf.yield %while3A_162 : i32
    }
    %add3A_54 = arith.constant 128 : i32
    %add3A_55 = arith.addi %squeeze3A, %add3A_54 : i32
    %sub3A_56 = arith.constant 1 : i32
    %sub3A_57 = arith.subi %add3A_55, %sub3A_56 : i32
    %jit3A_58 = arith.constant 128 : i32
    %div3A_59 = arith.divsi %sub3A_57, %jit3A_58 : i32
    %sign3A_60 = arith.constant 0 : i32
    %sign3A_61 = arith.cmpi sgt, %sub3A_57, %sign3A_60 : i32
    %sign3A_62 = arith.extui %sign3A_61 : i1 to i32
    %sign3A_63 = arith.constant 0 : i32
    %sign3A_64 = arith.cmpi slt, %sub3A_57, %sign3A_63 : i32
    %sign3A_65 = arith.extui %sign3A_64 : i1 to i32
    %sign3A_66 = arith.subi %sign3A_62, %sign3A_65 : i32
    %sign3A_67 = arith.constant 0 : i32
    %sign3A_68 = arith.cmpi sgt, %jit3A_58, %sign3A_67 : i32
    %sign3A_69 = arith.extui %sign3A_68 : i1 to i32
    %sign3A_70 = arith.constant 0 : i32
    %sign3A_71 = arith.cmpi slt, %jit3A_58, %sign3A_70 : i32
    %sign3A_72 = arith.extui %sign3A_71 : i1 to i32
    %sign3A_73 = arith.subi %sign3A_69, %sign3A_72 : i32
    %ne3A_74 = arith.cmpi ne, %sign3A_66, %sign3A_73 : i32
    %rem3A_75 = arith.remsi %sub3A_57, %jit3A_58 : i32
    %ne3A_76 = arith.constant 0 : i32
    %ne3A_77 = arith.cmpi ne, %rem3A_75, %ne3A_76 : i32
    %and3A_78 = arith.andi %ne3A_74, %ne3A_77 : i1
    %sub3A_79 = arith.constant 1 : i32
    %sub3A_80 = arith.subi %div3A_59, %sub3A_79 : i32
    %select_n3A_81 = arith.select %and3A_78, %sub3A_80, %div3A_59 : i32
    %scan3A_82 = arith.constant 0 : i32
    %scan3A_83 = arith.constant 0 : i32
    %scan3A_84 = arith.constant 128 : i32
    %scan3A_85 = arith.addi %scan3A_83, %scan3A_84 : i32
    %scan3A_86 = arith.constant 1 : i32
    %scan3A_87 = scf.for %scan3A_149 = %scan3A_83 to %scan3A_85 step %scan3A_86 iter_args(%scan3A_150 = %scan3A_82) -> (i32)  : i32 {
      %broadcast_in_dim3A_151 = arith.constant 0.000000e+00 : f32
      %broadcast_in_dim3A_152 = vector.broadcast %broadcast_in_dim3A_151 : f32 to vector<16xf32>
      %swap3A = arith.index_cast %scan3A_149 : i32 to index
      %swap3A_153 = arith.constant 0 : index
      %swap3A_154 = tpu.vector_load %arg15[%swap3A, %swap3A_153] {strides = array<i32>} : memref<128x128xf32, #tpu.memory_space<vmem>>, vector<16xf32>,
      tpu.vector_store %arg15[%swap3A, %swap3A_153], %broadcast_in_dim3A_152 {strides = array<i32>} : memref<128x128xf32, #tpu.memory_space<vmem>>, vector<16xf32>,
      %broadcast_in_dim3A_155 = arith.constant 0.000000e+00 : f32
      %broadcast_in_dim3A_156 = vector.broadcast %broadcast_in_dim3A_155 : f32 to vector<16xf32>
      %swap3A_157 = arith.index_cast %scan3A_149 : i32 to index
      %swap3A_158 = arith.constant 16 : index
      %swap3A_159 = tpu.vector_load %arg15[%swap3A_157, %swap3A_158] {strides = array<i32>} : memref<128x128xf32, #tpu.memory_space<vmem>>, vector<16xf32>,
      tpu.vector_store %arg15[%swap3A_157, %swap3A_158], %broadcast_in_dim3A_156 {strides = array<i32>} : memref<128x128xf32, #tpu.memory_space<vmem>>, vector<16xf32>,
      %broadcast_in_dim3A_160 = arith.constant 0.000000e+00 : f32
      %broadcast_in_dim3A_161 = vector.broadcast %broadcast_in_dim3A_160 : f32 to vector<16xf32>
      %swap3A_162 = arith.index_cast %scan3A_149 : i32 to index
      %swap3A_163 = arith.constant 32 : index
      %swap3A_164 = tpu.vector_load %arg15[%swap3A_162, %swap3A_163] {strides = array<i32>} : memref<128x128xf32, #tpu.memory_space<vmem>>, vector<16xf32>,
      tpu.vector_store %arg15[%swap3A_162, %swap3A_163], %broadcast_in_dim3A_161 {strides = array<i32>} : memref<128x128xf32, #tpu.memory_space<vmem>>, vector<16xf32>,
      %broadcast_in_dim3A_165 = arith.constant 0.000000e+00 : f32
      %broadcast_in_dim3A_166 = vector.broadcast %broadcast_in_dim3A_165 : f32 to vector<16xf32>
      %swap3A_167 = arith.index_cast %scan3A_149 : i32 to index
      %swap3A_168 = arith.constant 48 : index
      %swap3A_169 = tpu.vector_load %arg15[%swap3A_167, %swap3A_168] {strides = array<i32>} : memref<128x128xf32, #tpu.memory_space<vmem>>, vector<16xf32>,
      tpu.vector_store %arg15[%swap3A_167, %swap3A_168], %broadcast_in_dim3A_166 {strides = array<i32>} : memref<128x128xf32, #tpu.memory_space<vmem>>, vector<16xf32>,
      %broadcast_in_dim3A_170 = arith.constant 0.000000e+00 : f32
      %broadcast_in_dim3A_171 = vector.broadcast %broadcast_in_dim3A_170 : f32 to vector<16xf32>
      %swap3A_172 = arith.index_cast %scan3A_149 : i32 to index
      %swap3A_173 = arith.constant 64 : index
      %swap3A_174 = tpu.vector_load %arg15[%swap3A_172, %swap3A_173] {strides = array<i32>} : memref<128x128xf32, #tpu.memory_space<vmem>>, vector<16xf32>,
      tpu.vector_store %arg15[%swap3A_172, %swap3A_173], %broadcast_in_dim3A_171 {strides = array<i32>} : memref<128x128xf32, #tpu.memory_space<vmem>>, vector<16xf32>,
      %broadcast_in_dim3A_175 = arith.constant 0.000000e+00 : f32
      %broadcast_in_dim3A_176 = vector.broadcast %broadcast_in_dim3A_175 : f32 to vector<16xf32>
      %swap3A_177 = arith.index_cast %scan3A_149 : i32 to index
      %swap3A_178 = arith.constant 80 : index
      %swap3A_179 = tpu.vector_load %arg15[%swap3A_177, %swap3A_178] {strides = array<i32>} : memref<128x128xf32, #tpu.memory_space<vmem>>, vector<16xf32>,
      tpu.vector_store %arg15[%swap3A_177, %swap3A_178], %broadcast_in_dim3A_176 {strides = array<i32>} : memref<128x128xf32, #tpu.memory_space<vmem>>, vector<16xf32>,
      %broadcast_in_dim3A_180 = arith.constant 0.000000e+00 : f32
      %broadcast_in_dim3A_181 = vector.broadcast %broadcast_in_dim3A_180 : f32 to vector<16xf32>
      %swap3A_182 = arith.index_cast %scan3A_149 : i32 to index
      %swap3A_183 = arith.constant 96 : index
      %swap3A_184 = tpu.vector_load %arg15[%swap3A_182, %swap3A_183] {strides = array<i32>} : memref<128x128xf32, #tpu.memory_space<vmem>>, vector<16xf32>,
      tpu.vector_store %arg15[%swap3A_182, %swap3A_183], %broadcast_in_dim3A_181 {strides = array<i32>} : memref<128x128xf32, #tpu.memory_space<vmem>>, vector<16xf32>,
      %broadcast_in_dim3A_185 = arith.constant 0.000000e+00 : f32
      %broadcast_in_dim3A_186 = vector.broadcast %broadcast_in_dim3A_185 : f32 to vector<16xf32>
      %swap3A_187 = arith.index_cast %scan3A_149 : i32 to index
      %swap3A_188 = arith.constant 112 : index
      %swap3A_189 = tpu.vector_load %arg15[%swap3A_187, %swap3A_188] {strides = array<i32>} : memref<128x128xf32, #tpu.memory_space<vmem>>, vector<16xf32>,
      tpu.vector_store %arg15[%swap3A_187, %swap3A_188], %broadcast_in_dim3A_186 {strides = array<i32>} : memref<128x128xf32, #tpu.memory_space<vmem>>, vector<16xf32>,
      %scan3A_190 = arith.constant 0 : i32
      scf.yield %scan3A_190 : i32
    }
    %scan3A_88 = arith.constant 128 : i32
    %add3A_89 = arith.constant 0 : i32
    %add3A_90 = arith.addi %mul3A_4, %add3A_89 : i32
    "tpu.region"() ({
      %run_scoped3A = tpu.sem_alloc : memref<!tpu.dma_semaphore, #tpu.memory_space<semaphore_mem>>
      %dma_start3A = arith.constant 0 : i32
      %dma_start3A_149 = arith.constant 0 : i32
      %dma_start3A_150 = tpu.memref_slice %arg15[%dma_start3A, %dma_start3A_149] : memref<128x128xf32, #tpu.memory_space<vmem>> -> memref<128x128xf32, #tpu.memory_space<vmem>>
      %dma_start3A_151 = arith.constant 0 : i32
      %dma_start3A_152 = tpu.memref_slice %arg13[%add3A_90, %dma_start3A_151] : memref<5136x128xf32, #tpu.memory_space<vmem_shared>> -> memref<128x128xf32, #tpu.memory_space<vmem_shared>>
      %dma_start3A_153 = arith.constant 0 : i32
      %dma_start3A_154 = tpu.memref_slice %arg13[%add3A_90, %dma_start3A_153] : memref<5136x128xf32, #tpu.memory_space<vmem_shared>> -> memref<128x128xf32, #tpu.memory_space<vmem_shared>>
      %dma_start3A_155 = arith.constant 0 : i32
      %dma_start3A_156 = arith.constant 0 : i32
      %dma_start3A_157 = tpu.memref_slice %arg15[%dma_start3A_155, %dma_start3A_156] : memref<128x128xf32, #tpu.memory_space<vmem>> -> memref<128x128xf32, #tpu.memory_space<vmem>>
      tpu.enqueue_dma source(%dma_start3A_157 : memref<128x128xf32, #tpu.memory_space<vmem>>) target(%dma_start3A_154 : memref<128x128xf32, #tpu.memory_space<vmem_shared>>) target_semaphore(%run_scoped3A : memref<!tpu.dma_semaphore, #tpu.memory_space<semaphore_mem>>)
      %dma_wait3A = arith.constant 0 : i32
      %dma_wait3A_158 = arith.constant 0 : i32
      %dma_wait3A_159 = tpu.memref_slice %arg15[%dma_wait3A, %dma_wait3A_158] : memref<128x128xf32, #tpu.memory_space<vmem>> -> memref<128x128xf32, #tpu.memory_space<vmem>>
      %dma_wait3A_160 = arith.constant 0 : i32
      %dma_wait3A_161 = tpu.memref_slice %arg13[%add3A_90, %dma_wait3A_160] : memref<5136x128xf32, #tpu.memory_space<vmem_shared>> -> memref<128x128xf32, #tpu.memory_space<vmem_shared>>
      %dma_wait3A_162 = arith.constant 0 : i32
      %dma_wait3A_163 = tpu.memref_slice %arg13[%add3A_90, %dma_wait3A_162] : memref<5136x128xf32, #tpu.memory_space<vmem_shared>> -> memref<128x128xf32, #tpu.memory_space<vmem_shared>>
      %dma_wait3A_164 = arith.constant 0 : i32
      %dma_wait3A_165 = arith.constant 0 : i32
      %dma_wait3A_166 = tpu.memref_slice %arg15[%dma_wait3A_164, %dma_wait3A_165] : memref<128x128xf32, #tpu.memory_space<vmem>> -> memref<128x128xf32, #tpu.memory_space<vmem>>
      tpu.wait_dma2 semaphore(%run_scoped3A : memref<!tpu.dma_semaphore, #tpu.memory_space<semaphore_mem>>) src(%dma_wait3A_166 : memref<128x128xf32, #tpu.memory_space<vmem>>) dst(%dma_wait3A_163 : memref<128x128xf32, #tpu.memory_space<vmem_shared>>)
      tpu.yield
    }) : () -> ()
    %add3A_91 = arith.constant 128 : i32
    %add3A_92 = arith.addi %mul3A_4, %add3A_91 : i32
    "tpu.region"() ({
      %run_scoped3A = tpu.sem_alloc : memref<!tpu.dma_semaphore, #tpu.memory_space<semaphore_mem>>
      %dma_start3A = arith.constant 0 : i32
      %dma_start3A_149 = arith.constant 0 : i32
      %dma_start3A_150 = tpu.memref_slice %arg15[%dma_start3A, %dma_start3A_149] : memref<128x128xf32, #tpu.memory_space<vmem>> -> memref<128x128xf32, #tpu.memory_space<vmem>>
      %dma_start3A_151 = arith.constant 0 : i32
      %dma_start3A_152 = tpu.memref_slice %arg13[%add3A_92, %dma_start3A_151] : memref<5136x128xf32, #tpu.memory_space<vmem_shared>> -> memref<128x128xf32, #tpu.memory_space<vmem_shared>>
      %dma_start3A_153 = arith.constant 0 : i32
      %dma_start3A_154 = tpu.memref_slice %arg13[%add3A_92, %dma_start3A_153] : memref<5136x128xf32, #tpu.memory_space<vmem_shared>> -> memref<128x128xf32, #tpu.memory_space<vmem_shared>>
      %dma_start3A_155 = arith.constant 0 : i32
      %dma_start3A_156 = arith.constant 0 : i32
      %dma_start3A_157 = tpu.memref_slice %arg15[%dma_start3A_155, %dma_start3A_156] : memref<128x128xf32, #tpu.memory_space<vmem>> -> memref<128x128xf32, #tpu.memory_space<vmem>>
      tpu.enqueue_dma source(%dma_start3A_157 : memref<128x128xf32, #tpu.memory_space<vmem>>) target(%dma_start3A_154 : memref<128x128xf32, #tpu.memory_space<vmem_shared>>) target_semaphore(%run_scoped3A : memref<!tpu.dma_semaphore, #tpu.memory_space<semaphore_mem>>)
      %dma_wait3A = arith.constant 0 : i32
      %dma_wait3A_158 = arith.constant 0 : i32
      %dma_wait3A_159 = tpu.memref_slice %arg15[%dma_wait3A, %dma_wait3A_158] : memref<128x128xf32, #tpu.memory_space<vmem>> -> memref<128x128xf32, #tpu.memory_space<vmem>>
      %dma_wait3A_160 = arith.constant 0 : i32
      %dma_wait3A_161 = tpu.memref_slice %arg13[%add3A_92, %dma_wait3A_160] : memref<5136x128xf32, #tpu.memory_space<vmem_shared>> -> memref<128x128xf32, #tpu.memory_space<vmem_shared>>
      %dma_wait3A_162 = arith.constant 0 : i32
      %dma_wait3A_163 = tpu.memref_slice %arg13[%add3A_92, %dma_wait3A_162] : memref<5136x128xf32, #tpu.memory_space<vmem_shared>> -> memref<128x128xf32, #tpu.memory_space<vmem_shared>>
      %dma_wait3A_164 = arith.constant 0 : i32
      %dma_wait3A_165 = arith.constant 0 : i32
      %dma_wait3A_166 = tpu.memref_slice %arg15[%dma_wait3A_164, %dma_wait3A_165] : memref<128x128xf32, #tpu.memory_space<vmem>> -> memref<128x128xf32, #tpu.memory_space<vmem>>
      tpu.wait_dma2 semaphore(%run_scoped3A : memref<!tpu.dma_semaphore, #tpu.memory_space<semaphore_mem>>) src(%dma_wait3A_166 : memref<128x128xf32, #tpu.memory_space<vmem>>) dst(%dma_wait3A_163 : memref<128x128xf32, #tpu.memory_space<vmem_shared>>)
      tpu.yield
    }) : () -> ()
    %add3A_93 = arith.constant 256 : i32
    %add3A_94 = arith.addi %mul3A_4, %add3A_93 : i32
    "tpu.region"() ({
      %run_scoped3A = tpu.sem_alloc : memref<!tpu.dma_semaphore, #tpu.memory_space<semaphore_mem>>
      %dma_start3A = arith.constant 0 : i32
      %dma_start3A_149 = arith.constant 0 : i32
      %dma_start3A_150 = tpu.memref_slice %arg15[%dma_start3A, %dma_start3A_149] : memref<128x128xf32, #tpu.memory_space<vmem>> -> memref<65x128xf32, #tpu.memory_space<vmem>>
      %dma_start3A_151 = arith.constant 0 : i32
      %dma_start3A_152 = tpu.memref_slice %arg13[%add3A_94, %dma_start3A_151] : memref<5136x128xf32, #tpu.memory_space<vmem_shared>> -> memref<65x128xf32, #tpu.memory_space<vmem_shared>>
      %dma_start3A_153 = arith.constant 0 : i32
      %dma_start3A_154 = tpu.memref_slice %arg13[%add3A_94, %dma_start3A_153] : memref<5136x128xf32, #tpu.memory_space<vmem_shared>> -> memref<65x128xf32, #tpu.memory_space<vmem_shared>>
      %dma_start3A_155 = arith.constant 0 : i32
      %dma_start3A_156 = arith.constant 0 : i32
      %dma_start3A_157 = tpu.memref_slice %arg15[%dma_start3A_155, %dma_start3A_156] : memref<128x128xf32, #tpu.memory_space<vmem>> -> memref<65x128xf32, #tpu.memory_space<vmem>>
      tpu.enqueue_dma source(%dma_start3A_157 : memref<65x128xf32, #tpu.memory_space<vmem>>) target(%dma_start3A_154 : memref<65x128xf32, #tpu.memory_space<vmem_shared>>) target_semaphore(%run_scoped3A : memref<!tpu.dma_semaphore, #tpu.memory_space<semaphore_mem>>)
      %dma_wait3A = arith.constant 0 : i32
      %dma_wait3A_158 = arith.constant 0 : i32
      %dma_wait3A_159 = tpu.memref_slice %arg15[%dma_wait3A, %dma_wait3A_158] : memref<128x128xf32, #tpu.memory_space<vmem>> -> memref<65x128xf32, #tpu.memory_space<vmem>>
      %dma_wait3A_160 = arith.constant 0 : i32
      %dma_wait3A_161 = tpu.memref_slice %arg13[%add3A_94, %dma_wait3A_160] : memref<5136x128xf32, #tpu.memory_space<vmem_shared>> -> memref<65x128xf32, #tpu.memory_space<vmem_shared>>
      %dma_wait3A_162 = arith.constant 0 : i32
      %dma_wait3A_163 = tpu.memref_slice %arg13[%add3A_94, %dma_wait3A_162] : memref<5136x128xf32, #tpu.memory_space<vmem_shared>> -> memref<65x128xf32, #tpu.memory_space<vmem_shared>>
      %dma_wait3A_164 = arith.constant 0 : i32
      %dma_wait3A_165 = arith.constant 0 : i32
      %dma_wait3A_166 = tpu.memref_slice %arg15[%dma_wait3A_164, %dma_wait3A_165] : memref<128x128xf32, #tpu.memory_space<vmem>> -> memref<65x128xf32, #tpu.memory_space<vmem>>
      tpu.wait_dma2 semaphore(%run_scoped3A : memref<!tpu.dma_semaphore, #tpu.memory_space<semaphore_mem>>) src(%dma_wait3A_166 : memref<65x128xf32, #tpu.memory_space<vmem>>) dst(%dma_wait3A_163 : memref<65x128xf32, #tpu.memory_space<vmem_shared>>)
      tpu.yield
    }) : () -> ()
    %add3A_95 = arith.constant 1 : i32
    %add3A_96 = arith.addi %select_n3A_81, %add3A_95 : i32
    %jit3A_97 = arith.constant 2 : i32
    %div3A_98 = arith.divsi %add3A_96, %jit3A_97 : i32
    %sign3A_99 = arith.constant 0 : i32
    %sign3A_100 = arith.cmpi sgt, %add3A_96, %sign3A_99 : i32
    %sign3A_101 = arith.extui %sign3A_100 : i1 to i32
    %sign3A_102 = arith.constant 0 : i32
    %sign3A_103 = arith.cmpi slt, %add3A_96, %sign3A_102 : i32
    %sign3A_104 = arith.extui %sign3A_103 : i1 to i32
    %sign3A_105 = arith.subi %sign3A_101, %sign3A_104 : i32
    %sign3A_106 = arith.constant 0 : i32
    %sign3A_107 = arith.cmpi sgt, %jit3A_97, %sign3A_106 : i32
    %sign3A_108 = arith.extui %sign3A_107 : i1 to i32
    %sign3A_109 = arith.constant 0 : i32
    %sign3A_110 = arith.cmpi slt, %jit3A_97, %sign3A_109 : i32
    %sign3A_111 = arith.extui %sign3A_110 : i1 to i32
    %sign3A_112 = arith.subi %sign3A_108, %sign3A_111 : i32
    %ne3A_113 = arith.cmpi ne, %sign3A_105, %sign3A_112 : i32
    %rem3A_114 = arith.remsi %add3A_96, %jit3A_97 : i32
    %ne3A_115 = arith.constant 0 : i32
    %ne3A_116 = arith.cmpi ne, %rem3A_114, %ne3A_115 : i32
    %and3A_117 = arith.andi %ne3A_113, %ne3A_116 : i1
    %sub3A_118 = arith.constant 1 : i32
    %sub3A_119 = arith.subi %div3A_98, %sub3A_118 : i32
    %select_n3A_120 = arith.select %and3A_117, %sub3A_119, %div3A_98 : i32
    %mul3A_121 = arith.constant 2 : i32
    %mul3A_122 = arith.muli %mul3A_121, %select_n3A_120 : i32
    %mul3A_123 = arith.constant 8 : i32
    %mul3A_124 = arith.muli %mul3A_122, %mul3A_123 : i32
    %while3A_125 = arith.constant 0 : i32
    %while3A_126 = arith.constant 0 : i32
    %while3A_127 = arith.subi %mul3A_124, %while3A_125 : i32
    %while3A_128 = arith.addi %while3A_125, %while3A_127 : i32
    %while3A_129 = arith.constant 1 : i32
    %while3A_130 = arith.divsi %while3A_127, %while3A_129 : i32
    %while3A_131 = arith.muli %while3A_130, %while3A_129 : i32
    %while3A_132 = arith.addi %while3A_125, %while3A_131 : i32
    %while3A_133 = arith.constant 1 : i32
    %while3A_134 = scf.for %while3A_149 = %while3A_125 to %while3A_132 step %while3A_133 iter_args(%while3A_150 = %while3A_126) -> (i32)  : i32 {
      %jit3A_151 = arith.constant 8 : i32
      %div3A_152 = arith.divsi %while3A_149, %jit3A_151 : i32
      %sign3A_153 = arith.constant 0 : i32
      %sign3A_154 = arith.cmpi sgt, %while3A_149, %sign3A_153 : i32
      %sign3A_155 = arith.extui %sign3A_154 : i1 to i32
      %sign3A_156 = arith.constant 0 : i32
      %sign3A_157 = arith.cmpi slt, %while3A_149, %sign3A_156 : i32
      %sign3A_158 = arith.extui %sign3A_157 : i1 to i32
      %sign3A_159 = arith.subi %sign3A_155, %sign3A_158 : i32
      %sign3A_160 = arith.constant 0 : i32
      %sign3A_161 = arith.cmpi sgt, %jit3A_151, %sign3A_160 : i32
      %sign3A_162 = arith.extui %sign3A_161 : i1 to i32
      %sign3A_163 = arith.constant 0 : i32
      %sign3A_164 = arith.cmpi slt, %jit3A_151, %sign3A_163 : i32
      %sign3A_165 = arith.extui %sign3A_164 : i1 to i32
      %sign3A_166 = arith.subi %sign3A_162, %sign3A_165 : i32
      %ne3A_167 = arith.cmpi ne, %sign3A_159, %sign3A_166 : i32
      %rem3A_168 = arith.remsi %while3A_149, %jit3A_151 : i32
      %ne3A_169 = arith.constant 0 : i32
      %ne3A_170 = arith.cmpi ne, %rem3A_168, %ne3A_169 : i32
      %and3A_171 = arith.andi %ne3A_167, %ne3A_170 : i1
      %sub3A_172 = arith.constant 1 : i32
      %sub3A_173 = arith.subi %div3A_152, %sub3A_172 : i32
      %select_n3A_174 = arith.select %and3A_171, %sub3A_173, %div3A_152 : i32
      %jit3A_175 = arith.constant 8 : i32
      %eq3A = arith.constant 0 : i32
      %eq3A_176 = arith.cmpi eq, %jit3A_175, %eq3A : i32
      %jit3A_177 = arith.constant 1 : i32
      %select_n3A_178 = arith.select %eq3A_176, %jit3A_177, %jit3A_175 : i32
      %rem3A_179 = arith.remsi %while3A_149, %select_n3A_178 : i32
      %ne3A_180 = arith.constant 0 : i32
      %ne3A_181 = arith.cmpi ne, %rem3A_179, %ne3A_180 : i32
      %lt3A = arith.constant 0 : i32
      %lt3A_182 = arith.cmpi slt, %rem3A_179, %lt3A : i32
      %lt3A_183 = arith.constant 0 : i32
      %lt3A_184 = arith.cmpi slt, %select_n3A_178, %lt3A_183 : i32
      %ne3A_185 = arith.xori %lt3A_182, %lt3A_184 : i1
      %and3A_186 = arith.andi %ne3A_185, %ne3A_181 : i1
      %add3A_187 = arith.addi %rem3A_179, %select_n3A_178 : i32
      %select_n3A_188 = arith.select %and3A_186, %add3A_187, %rem3A_179 : i32
      %mul3A_189 = arith.constant 16 : i32
      %mul3A_190 = arith.muli %while3A_149, %mul3A_189 : i32
      %get3A_191 = arith.index_cast %mul3A_190 : i32 to index
      %get3A_192 = tpu.vector_load %arg11[%get3A_191] {strides = array<i32>} : memref<12288xi32, #tpu.memory_space<vmem>>, vector<16xi32>,
      %add3A_193 = vector.broadcast %mul3A_4 : i32 to vector<16xi32>
      %add3A_194 = arith.addi %get3A_192, %add3A_193 : vector<16xi32>
      %mul3A_195 = arith.constant 16 : i32
      %mul3A_196 = arith.muli %select_n3A_188, %mul3A_195 : i32
      %swap3A = arith.index_cast %select_n3A_174 : i32 to index
      %swap3A_197 = arith.index_cast %mul3A_196 : i32 to index
      %swap3A_198 = tpu.vector_load %arg14[%swap3A, %swap3A_197] {strides = array<i32>} : memref<96x128xi32, #tpu.memory_space<vmem>>, vector<16xi32>,
      tpu.vector_store %arg14[%swap3A, %swap3A_197], %add3A_194 {strides = array<i32>} : memref<96x128xi32, #tpu.memory_space<vmem>>, vector<16xi32>,
      %while3A_199 = arith.constant 0 : i32
      scf.yield %while3A_199 : i32
    }
    %while3A_135 = arith.constant 1 : i32
    %while3A_136 = scf.for %while3A_149 = %while3A_132 to %while3A_128 step %while3A_135 iter_args(%while3A_150 = %while3A_134) -> (i32)  : i32 {
      %jit3A_151 = arith.constant 8 : i32
      %div3A_152 = arith.divsi %while3A_149, %jit3A_151 : i32
      %sign3A_153 = arith.constant 0 : i32
      %sign3A_154 = arith.cmpi sgt, %while3A_149, %sign3A_153 : i32
      %sign3A_155 = arith.extui %sign3A_154 : i1 to i32
      %sign3A_156 = arith.constant 0 : i32
      %sign3A_157 = arith.cmpi slt, %while3A_149, %sign3A_156 : i32
      %sign3A_158 = arith.extui %sign3A_157 : i1 to i32
      %sign3A_159 = arith.subi %sign3A_155, %sign3A_158 : i32
      %sign3A_160 = arith.constant 0 : i32
      %sign3A_161 = arith.cmpi sgt, %jit3A_151, %sign3A_160 : i32
      %sign3A_162 = arith.extui %sign3A_161 : i1 to i32
      %sign3A_163 = arith.constant 0 : i32
      %sign3A_164 = arith.cmpi slt, %jit3A_151, %sign3A_163 : i32
      %sign3A_165 = arith.extui %sign3A_164 : i1 to i32
      %sign3A_166 = arith.subi %sign3A_162, %sign3A_165 : i32
      %ne3A_167 = arith.cmpi ne, %sign3A_159, %sign3A_166 : i32
      %rem3A_168 = arith.remsi %while3A_149, %jit3A_151 : i32
      %ne3A_169 = arith.constant 0 : i32
      %ne3A_170 = arith.cmpi ne, %rem3A_168, %ne3A_169 : i32
      %and3A_171 = arith.andi %ne3A_167, %ne3A_170 : i1
      %sub3A_172 = arith.constant 1 : i32
      %sub3A_173 = arith.subi %div3A_152, %sub3A_172 : i32
      %select_n3A_174 = arith.select %and3A_171, %sub3A_173, %div3A_152 : i32
      %jit3A_175 = arith.constant 8 : i32
      %eq3A = arith.constant 0 : i32
      %eq3A_176 = arith.cmpi eq, %jit3A_175, %eq3A : i32
      %jit3A_177 = arith.constant 1 : i32
      %select_n3A_178 = arith.select %eq3A_176, %jit3A_177, %jit3A_175 : i32
      %rem3A_179 = arith.remsi %while3A_149, %select_n3A_178 : i32
      %ne3A_180 = arith.constant 0 : i32
      %ne3A_181 = arith.cmpi ne, %rem3A_179, %ne3A_180 : i32
      %lt3A = arith.constant 0 : i32
      %lt3A_182 = arith.cmpi slt, %rem3A_179, %lt3A : i32
      %lt3A_183 = arith.constant 0 : i32
      %lt3A_184 = arith.cmpi slt, %select_n3A_178, %lt3A_183 : i32
      %ne3A_185 = arith.xori %lt3A_182, %lt3A_184 : i1
      %and3A_186 = arith.andi %ne3A_185, %ne3A_181 : i1
      %add3A_187 = arith.addi %rem3A_179, %select_n3A_178 : i32
      %select_n3A_188 = arith.select %and3A_186, %add3A_187, %rem3A_179 : i32
      %mul3A_189 = arith.constant 16 : i32
      %mul3A_190 = arith.muli %while3A_149, %mul3A_189 : i32
      %get3A_191 = arith.index_cast %mul3A_190 : i32 to index
      %get3A_192 = tpu.vector_load %arg11[%get3A_191] {strides = array<i32>} : memref<12288xi32, #tpu.memory_space<vmem>>, vector<16xi32>,
      %add3A_193 = vector.broadcast %mul3A_4 : i32 to vector<16xi32>
      %add3A_194 = arith.addi %get3A_192, %add3A_193 : vector<16xi32>
      %mul3A_195 = arith.constant 16 : i32
      %mul3A_196 = arith.muli %select_n3A_188, %mul3A_195 : i32
      %swap3A = arith.index_cast %select_n3A_174 : i32 to index
      %swap3A_197 = arith.index_cast %mul3A_196 : i32 to index
      %swap3A_198 = tpu.vector_load %arg14[%swap3A, %swap3A_197] {strides = array<i32>} : memref<96x128xi32, #tpu.memory_space<vmem>>, vector<16xi32>,
      tpu.vector_store %arg14[%swap3A, %swap3A_197], %add3A_194 {strides = array<i32>} : memref<96x128xi32, #tpu.memory_space<vmem>>, vector<16xi32>,
      %while3A_199 = arith.constant 0 : i32
      scf.yield %while3A_199 : i32
    }
    %while3A_137 = arith.constant 0 : i32
    %while3A_138 = arith.constant 0 : i32
    %while3A_139 = arith.subi %select_n3A_81, %while3A_137 : i32
    %while3A_140 = arith.addi %while3A_137, %while3A_139 : i32
    %while3A_141 = arith.constant 1 : i32
    %while3A_142 = arith.divsi %while3A_139, %while3A_141 : i32
    %while3A_143 = arith.muli %while3A_142, %while3A_141 : i32
    %while3A_144 = arith.addi %while3A_137, %while3A_143 : i32
    %while3A_145 = arith.constant 1 : i32
    %while3A_146 = scf.for %while3A_149 = %while3A_137 to %while3A_144 step %while3A_145 iter_args(%while3A_150 = %while3A_138) -> (i32)  : i32 {
      %mul3A_151 = arith.constant 128 : i32
      %mul3A_152 = arith.muli %while3A_149, %mul3A_151 : i32
      %dma_start3A = tpu.memref_slice %arg10[%mul3A_152] : memref<12288xi32, #tpu.memory_space<vmem>> -> memref<128xi32, #tpu.memory_space<vmem>>
      %dma_start3A_153 = arith.constant 0 : i32
      %dma_start3A_154 = arith.constant 0 : i32
      %dma_start3A_155 = tpu.memref_slice %arg2[%dma_start3A_153, %dma_start3A_154] : memref<10240x128xf32, #tpu.memory_space<hbm>> -> memref<10240x128xf32, #tpu.memory_space<hbm>>
      tpu.enqueue_indirect_dma source(%dma_start3A_155 : memref<10240x128xf32, #tpu.memory_space<hbm>>) target(%arg15 : memref<128x128xf32, #tpu.memory_space<vmem>>) offsets(%dma_start3A : memref<128xi32, #tpu.memory_space<vmem>>) semaphore(%arg21 : memref<!tpu.dma_semaphore, #tpu.memory_space<semaphore_mem>>)
      %dma_wait3A = arith.constant 0 : i32
      %dma_wait3A_156 = arith.constant 0 : i32
      %dma_wait3A_157 = tpu.memref_slice %arg2[%dma_wait3A, %dma_wait3A_156] : memref<10240x128xf32, #tpu.memory_space<hbm>> -> memref<128x128xf32, #tpu.memory_space<hbm>>
      %dma_wait3A_158 = arith.constant 0 : i32
      %dma_wait3A_159 = arith.constant 0 : i32
      %dma_wait3A_160 = tpu.memref_slice %arg2[%dma_wait3A_158, %dma_wait3A_159] : memref<10240x128xf32, #tpu.memory_space<hbm>> -> memref<128x128xf32, #tpu.memory_space<hbm>>
      tpu.wait_dma2 semaphore(%arg21 : memref<!tpu.dma_semaphore, #tpu.memory_space<semaphore_mem>>) src(%dma_wait3A_160 : memref<128x128xf32, #tpu.memory_space<hbm>>) dst(%arg15 : memref<128x128xf32, #tpu.memory_space<vmem>>)
      %scan3A_161 = arith.constant 0 : i32
      %scan3A_162 = arith.constant 0 : i32
      %scan3A_163 = arith.constant 64 : i32
      %scan3A_164 = arith.addi %scan3A_162, %scan3A_163 : i32
      %scan3A_165 = arith.constant 1 : i32
      %scan3A_166 = scf.for %scan3A_179 = %scan3A_162 to %scan3A_164 step %scan3A_165 iter_args(%scan3A_180 = %scan3A_161) -> (i32)  : i32 {
        %mul3A_181 = arith.constant 128 : i32
        %mul3A_182 = arith.muli %while3A_149, %mul3A_181 : i32
        %mul3A_183 = arith.constant 2 : i32
        %mul3A_184 = arith.muli %mul3A_183, %scan3A_179 : i32
        %add3A_185 = arith.addi %mul3A_182, %mul3A_184 : i32
        %get3A_186 = arith.index_cast %add3A_185 : i32 to index
        %get3A_187 = tpu.vector_load %arg12[%get3A_186] {strides = array<i32>} : memref<12288xf32, #tpu.memory_space<vmem>>, vector<16xf32>,
        %slice3A_188 = vector.extract_strided_slice %get3A_187 {offsets = [0], sizes = [1], strides = [1]} : vector<16xf32> to vector<1xf32>
        %squeeze3A_189 = vector.extract %slice3A_188[0] : f32 from vector<1xf32>
        %add3A_190 = arith.constant 1 : i32
        %add3A_191 = arith.addi %add3A_185, %add3A_190 : i32
        %get3A_192 = arith.index_cast %add3A_191 : i32 to index
        %get3A_193 = tpu.vector_load %arg12[%get3A_192] {strides = array<i32>} : memref<12288xf32, #tpu.memory_space<vmem>>, vector<16xf32>,
        %slice3A_194 = vector.extract_strided_slice %get3A_193 {offsets = [0], sizes = [1], strides = [1]} : vector<16xf32> to vector<1xf32>
        %squeeze3A_195 = vector.extract %slice3A_194[0] : f32 from vector<1xf32>
        %mul3A_196 = arith.constant 2 : i32
        %mul3A_197 = arith.muli %mul3A_196, %scan3A_179 : i32
        %mul3A_198 = arith.constant 2 : i32
        %mul3A_199 = arith.muli %mul3A_198, %scan3A_179 : i32
        %add3A_200 = arith.constant 1 : i32
        %add3A_201 = arith.addi %mul3A_199, %add3A_200 : i32
        %get3A_202 = arith.constant 0 : i32
        %get3A_203 = tpu.memref_slice %arg15[%mul3A_197, %get3A_202] : memref<128x128xf32, #tpu.memory_space<vmem>> -> memref<1x128xf32, #tpu.memory_space<vmem>>
        %get3A_204 = tpu.memref_squeeze %get3A_203 : memref<1x128xf32, #tpu.memory_space<vmem>> -> memref<128xf32, #tpu.memory_space<vmem>>
        %get3A_205 = arith.constant 0 : index
        %get3A_206 = tpu.vector_load %get3A_204[%get3A_205] {strides = array<i32>} : memref<128xf32, #tpu.memory_space<vmem>>, vector<16xf32>,
        %get3A_207 = arith.constant 0 : i32
        %get3A_208 = tpu.memref_slice %arg15[%mul3A_197, %get3A_207] : memref<128x128xf32, #tpu.memory_space<vmem>> -> memref<1x128xf32, #tpu.memory_space<vmem>>
        %get3A_209 = tpu.memref_squeeze %get3A_208 : memref<1x128xf32, #tpu.memory_space<vmem>> -> memref<128xf32, #tpu.memory_space<vmem>>
        %get3A_210 = arith.constant 16 : index
        %get3A_211 = tpu.vector_load %get3A_209[%get3A_210] {strides = array<i32>} : memref<128xf32, #tpu.memory_space<vmem>>, vector<16xf32>,
        %get3A_212 = arith.constant 0 : i32
        %get3A_213 = tpu.memref_slice %arg15[%mul3A_197, %get3A_212] : memref<128x128xf32, #tpu.memory_space<vmem>> -> memref<1x128xf32, #tpu.memory_space<vmem>>
        %get3A_214 = tpu.memref_squeeze %get3A_213 : memref<1x128xf32, #tpu.memory_space<vmem>> -> memref<128xf32, #tpu.memory_space<vmem>>
        %get3A_215 = arith.constant 32 : index
        %get3A_216 = tpu.vector_load %get3A_214[%get3A_215] {strides = array<i32>} : memref<128xf32, #tpu.memory_space<vmem>>, vector<16xf32>,
        %get3A_217 = arith.constant 0 : i32
        %get3A_218 = tpu.memref_slice %arg15[%mul3A_197, %get3A_217] : memref<128x128xf32, #tpu.memory_space<vmem>> -> memref<1x128xf32, #tpu.memory_space<vmem>>
        %get3A_219 = tpu.memref_squeeze %get3A_218 : memref<1x128xf32, #tpu.memory_space<vmem>> -> memref<128xf32, #tpu.memory_space<vmem>>
        %get3A_220 = arith.constant 48 : index
        %get3A_221 = tpu.vector_load %get3A_219[%get3A_220] {strides = array<i32>} : memref<128xf32, #tpu.memory_space<vmem>>, vector<16xf32>,
        %get3A_222 = arith.constant 0 : i32
        %get3A_223 = tpu.memref_slice %arg15[%mul3A_197, %get3A_222] : memref<128x128xf32, #tpu.memory_space<vmem>> -> memref<1x128xf32, #tpu.memory_space<vmem>>
        %get3A_224 = tpu.memref_squeeze %get3A_223 : memref<1x128xf32, #tpu.memory_space<vmem>> -> memref<128xf32, #tpu.memory_space<vmem>>
        %get3A_225 = arith.constant 64 : index
        %get3A_226 = tpu.vector_load %get3A_224[%get3A_225] {strides = array<i32>} : memref<128xf32, #tpu.memory_space<vmem>>, vector<16xf32>,
        %get3A_227 = arith.constant 0 : i32
        %get3A_228 = tpu.memref_slice %arg15[%mul3A_197, %get3A_227] : memref<128x128xf32, #tpu.memory_space<vmem>> -> memref<1x128xf32, #tpu.memory_space<vmem>>
        %get3A_229 = tpu.memref_squeeze %get3A_228 : memref<1x128xf32, #tpu.memory_space<vmem>> -> memref<128xf32, #tpu.memory_space<vmem>>
        %get3A_230 = arith.constant 80 : index
        %get3A_231 = tpu.vector_load %get3A_229[%get3A_230] {strides = array<i32>} : memref<128xf32, #tpu.memory_space<vmem>>, vector<16xf32>,
        %get3A_232 = arith.constant 0 : i32
        %get3A_233 = tpu.memref_slice %arg15[%mul3A_197, %get3A_232] : memref<128x128xf32, #tpu.memory_space<vmem>> -> memref<1x128xf32, #tpu.memory_space<vmem>>
        %get3A_234 = tpu.memref_squeeze %get3A_233 : memref<1x128xf32, #tpu.memory_space<vmem>> -> memref<128xf32, #tpu.memory_space<vmem>>
        %get3A_235 = arith.constant 96 : index
        %get3A_236 = tpu.vector_load %get3A_234[%get3A_235] {strides = array<i32>} : memref<128xf32, #tpu.memory_space<vmem>>, vector<16xf32>,
        %get3A_237 = arith.constant 0 : i32
        %get3A_238 = tpu.memref_slice %arg15[%mul3A_197, %get3A_237] : memref<128x128xf32, #tpu.memory_space<vmem>> -> memref<1x128xf32, #tpu.memory_space<vmem>>
        %get3A_239 = tpu.memref_squeeze %get3A_238 : memref<1x128xf32, #tpu.memory_space<vmem>> -> memref<128xf32, #tpu.memory_space<vmem>>
        %get3A_240 = arith.constant 112 : index
        %get3A_241 = tpu.vector_load %get3A_239[%get3A_240] {strides = array<i32>} : memref<128xf32, #tpu.memory_space<vmem>>, vector<16xf32>,
        %get3A_242 = arith.constant 0 : i32
        %get3A_243 = tpu.memref_slice %arg15[%add3A_201, %get3A_242] : memref<128x128xf32, #tpu.memory_space<vmem>> -> memref<1x128xf32, #tpu.memory_space<vmem>>
        %get3A_244 = tpu.memref_squeeze %get3A_243 : memref<1x128xf32, #tpu.memory_space<vmem>> -> memref<128xf32, #tpu.memory_space<vmem>>
        %get3A_245 = arith.constant 0 : index
        %get3A_246 = tpu.vector_load %get3A_244[%get3A_245] {strides = array<i32>} : memref<128xf32, #tpu.memory_space<vmem>>, vector<16xf32>,
        %get3A_247 = arith.constant 0 : i32
        %get3A_248 = tpu.memref_slice %arg15[%add3A_201, %get3A_247] : memref<128x128xf32, #tpu.memory_space<vmem>> -> memref<1x128xf32, #tpu.memory_space<vmem>>
        %get3A_249 = tpu.memref_squeeze %get3A_248 : memref<1x128xf32, #tpu.memory_space<vmem>> -> memref<128xf32, #tpu.memory_space<vmem>>
        %get3A_250 = arith.constant 16 : index
        %get3A_251 = tpu.vector_load %get3A_249[%get3A_250] {strides = array<i32>} : memref<128xf32, #tpu.memory_space<vmem>>, vector<16xf32>,
        %get3A_252 = arith.constant 0 : i32
        %get3A_253 = tpu.memref_slice %arg15[%add3A_201, %get3A_252] : memref<128x128xf32, #tpu.memory_space<vmem>> -> memref<1x128xf32, #tpu.memory_space<vmem>>
        %get3A_254 = tpu.memref_squeeze %get3A_253 : memref<1x128xf32, #tpu.memory_space<vmem>> -> memref<128xf32, #tpu.memory_space<vmem>>
        %get3A_255 = arith.constant 32 : index
        %get3A_256 = tpu.vector_load %get3A_254[%get3A_255] {strides = array<i32>} : memref<128xf32, #tpu.memory_space<vmem>>, vector<16xf32>,
        %get3A_257 = arith.constant 0 : i32
        %get3A_258 = tpu.memref_slice %arg15[%add3A_201, %get3A_257] : memref<128x128xf32, #tpu.memory_space<vmem>> -> memref<1x128xf32, #tpu.memory_space<vmem>>
        %get3A_259 = tpu.memref_squeeze %get3A_258 : memref<1x128xf32, #tpu.memory_space<vmem>> -> memref<128xf32, #tpu.memory_space<vmem>>
        %get3A_260 = arith.constant 48 : index
        %get3A_261 = tpu.vector_load %get3A_259[%get3A_260] {strides = array<i32>} : memref<128xf32, #tpu.memory_space<vmem>>, vector<16xf32>,
        %get3A_262 = arith.constant 0 : i32
        %get3A_263 = tpu.memref_slice %arg15[%add3A_201, %get3A_262] : memref<128x128xf32, #tpu.memory_space<vmem>> -> memref<1x128xf32, #tpu.memory_space<vmem>>
        %get3A_264 = tpu.memref_squeeze %get3A_263 : memref<1x128xf32, #tpu.memory_space<vmem>> -> memref<128xf32, #tpu.memory_space<vmem>>
        %get3A_265 = arith.constant 64 : index
        %get3A_266 = tpu.vector_load %get3A_264[%get3A_265] {strides = array<i32>} : memref<128xf32, #tpu.memory_space<vmem>>, vector<16xf32>,
        %get3A_267 = arith.constant 0 : i32
        %get3A_268 = tpu.memref_slice %arg15[%add3A_201, %get3A_267] : memref<128x128xf32, #tpu.memory_space<vmem>> -> memref<1x128xf32, #tpu.memory_space<vmem>>
        %get3A_269 = tpu.memref_squeeze %get3A_268 : memref<1x128xf32, #tpu.memory_space<vmem>> -> memref<128xf32, #tpu.memory_space<vmem>>
        %get3A_270 = arith.constant 80 : index
        %get3A_271 = tpu.vector_load %get3A_269[%get3A_270] {strides = array<i32>} : memref<128xf32, #tpu.memory_space<vmem>>, vector<16xf32>,
        %get3A_272 = arith.constant 0 : i32
        %get3A_273 = tpu.memref_slice %arg15[%add3A_201, %get3A_272] : memref<128x128xf32, #tpu.memory_space<vmem>> -> memref<1x128xf32, #tpu.memory_space<vmem>>
        %get3A_274 = tpu.memref_squeeze %get3A_273 : memref<1x128xf32, #tpu.memory_space<vmem>> -> memref<128xf32, #tpu.memory_space<vmem>>
        %get3A_275 = arith.constant 96 : index
        %get3A_276 = tpu.vector_load %get3A_274[%get3A_275] {strides = array<i32>} : memref<128xf32, #tpu.memory_space<vmem>>, vector<16xf32>,
        %get3A_277 = arith.constant 0 : i32
        %get3A_278 = tpu.memref_slice %arg15[%add3A_201, %get3A_277] : memref<128x128xf32, #tpu.memory_space<vmem>> -> memref<1x128xf32, #tpu.memory_space<vmem>>
        %get3A_279 = tpu.memref_squeeze %get3A_278 : memref<1x128xf32, #tpu.memory_space<vmem>> -> memref<128xf32, #tpu.memory_space<vmem>>
        %get3A_280 = arith.constant 112 : index
        %get3A_281 = tpu.vector_load %get3A_279[%get3A_280] {strides = array<i32>} : memref<128xf32, #tpu.memory_space<vmem>>, vector<16xf32>,
        %mul3A_282 = vector.broadcast %squeeze3A_189 : f32 to vector<16xf32>
        %mul3A_283 = arith.mulf %get3A_206, %mul3A_282 : vector<16xf32>
        %swap3A = arith.constant 0 : i32
        %swap3A_284 = tpu.memref_slice %arg15[%mul3A_197, %swap3A] : memref<128x128xf32, #tpu.memory_space<vmem>> -> memref<1x128xf32, #tpu.memory_space<vmem>>
        %swap3A_285 = tpu.memref_squeeze %swap3A_284 : memref<1x128xf32, #tpu.memory_space<vmem>> -> memref<128xf32, #tpu.memory_space<vmem>>
        %swap3A_286 = arith.constant 0 : index
        %swap3A_287 = tpu.vector_load %swap3A_285[%swap3A_286] {strides = array<i32>} : memref<128xf32, #tpu.memory_space<vmem>>, vector<16xf32>,
        tpu.vector_store %swap3A_285[%swap3A_286], %mul3A_283 {strides = array<i32>} : memref<128xf32, #tpu.memory_space<vmem>>, vector<16xf32>,
        %mul3A_288 = vector.broadcast %squeeze3A_195 : f32 to vector<16xf32>
        %mul3A_289 = arith.mulf %get3A_246, %mul3A_288 : vector<16xf32>
        %swap3A_290 = arith.constant 0 : i32
        %swap3A_291 = tpu.memref_slice %arg15[%add3A_201, %swap3A_290] : memref<128x128xf32, #tpu.memory_space<vmem>> -> memref<1x128xf32, #tpu.memory_space<vmem>>
        %swap3A_292 = tpu.memref_squeeze %swap3A_291 : memref<1x128xf32, #tpu.memory_space<vmem>> -> memref<128xf32, #tpu.memory_space<vmem>>
        %swap3A_293 = arith.constant 0 : index
        %swap3A_294 = tpu.vector_load %swap3A_292[%swap3A_293] {strides = array<i32>} : memref<128xf32, #tpu.memory_space<vmem>>, vector<16xf32>,
        tpu.vector_store %swap3A_292[%swap3A_293], %mul3A_289 {strides = array<i32>} : memref<128xf32, #tpu.memory_space<vmem>>, vector<16xf32>,
        %mul3A_295 = vector.broadcast %squeeze3A_189 : f32 to vector<16xf32>
        %mul3A_296 = arith.mulf %get3A_211, %mul3A_295 : vector<16xf32>
        %swap3A_297 = arith.constant 0 : i32
        %swap3A_298 = tpu.memref_slice %arg15[%mul3A_197, %swap3A_297] : memref<128x128xf32, #tpu.memory_space<vmem>> -> memref<1x128xf32, #tpu.memory_space<vmem>>
        %swap3A_299 = tpu.memref_squeeze %swap3A_298 : memref<1x128xf32, #tpu.memory_space<vmem>> -> memref<128xf32, #tpu.memory_space<vmem>>
        %swap3A_300 = arith.constant 16 : index
        %swap3A_301 = tpu.vector_load %swap3A_299[%swap3A_300] {strides = array<i32>} : memref<128xf32, #tpu.memory_space<vmem>>, vector<16xf32>,
        tpu.vector_store %swap3A_299[%swap3A_300], %mul3A_296 {strides = array<i32>} : memref<128xf32, #tpu.memory_space<vmem>>, vector<16xf32>,
        %mul3A_302 = vector.broadcast %squeeze3A_195 : f32 to vector<16xf32>
        %mul3A_303 = arith.mulf %get3A_251, %mul3A_302 : vector<16xf32>
        %swap3A_304 = arith.constant 0 : i32
        %swap3A_305 = tpu.memref_slice %arg15[%add3A_201, %swap3A_304] : memref<128x128xf32, #tpu.memory_space<vmem>> -> memref<1x128xf32, #tpu.memory_space<vmem>>
        %swap3A_306 = tpu.memref_squeeze %swap3A_305 : memref<1x128xf32, #tpu.memory_space<vmem>> -> memref<128xf32, #tpu.memory_space<vmem>>
        %swap3A_307 = arith.constant 16 : index
        %swap3A_308 = tpu.vector_load %swap3A_306[%swap3A_307] {strides = array<i32>} : memref<128xf32, #tpu.memory_space<vmem>>, vector<16xf32>,
        tpu.vector_store %swap3A_306[%swap3A_307], %mul3A_303 {strides = array<i32>} : memref<128xf32, #tpu.memory_space<vmem>>, vector<16xf32>,
        %mul3A_309 = vector.broadcast %squeeze3A_189 : f32 to vector<16xf32>
        %mul3A_310 = arith.mulf %get3A_216, %mul3A_309 : vector<16xf32>
        %swap3A_311 = arith.constant 0 : i32
        %swap3A_312 = tpu.memref_slice %arg15[%mul3A_197, %swap3A_311] : memref<128x128xf32, #tpu.memory_space<vmem>> -> memref<1x128xf32, #tpu.memory_space<vmem>>
        %swap3A_313 = tpu.memref_squeeze %swap3A_312 : memref<1x128xf32, #tpu.memory_space<vmem>> -> memref<128xf32, #tpu.memory_space<vmem>>
        %swap3A_314 = arith.constant 32 : index
        %swap3A_315 = tpu.vector_load %swap3A_313[%swap3A_314] {strides = array<i32>} : memref<128xf32, #tpu.memory_space<vmem>>, vector<16xf32>,
        tpu.vector_store %swap3A_313[%swap3A_314], %mul3A_310 {strides = array<i32>} : memref<128xf32, #tpu.memory_space<vmem>>, vector<16xf32>,
        %mul3A_316 = vector.broadcast %squeeze3A_195 : f32 to vector<16xf32>
        %mul3A_317 = arith.mulf %get3A_256, %mul3A_316 : vector<16xf32>
        %swap3A_318 = arith.constant 0 : i32
        %swap3A_319 = tpu.memref_slice %arg15[%add3A_201, %swap3A_318] : memref<128x128xf32, #tpu.memory_space<vmem>> -> memref<1x128xf32, #tpu.memory_space<vmem>>
        %swap3A_320 = tpu.memref_squeeze %swap3A_319 : memref<1x128xf32, #tpu.memory_space<vmem>> -> memref<128xf32, #tpu.memory_space<vmem>>
        %swap3A_321 = arith.constant 32 : index
        %swap3A_322 = tpu.vector_load %swap3A_320[%swap3A_321] {strides = array<i32>} : memref<128xf32, #tpu.memory_space<vmem>>, vector<16xf32>,
        tpu.vector_store %swap3A_320[%swap3A_321], %mul3A_317 {strides = array<i32>} : memref<128xf32, #tpu.memory_space<vmem>>, vector<16xf32>,
        %mul3A_323 = vector.broadcast %squeeze3A_189 : f32 to vector<16xf32>
        %mul3A_324 = arith.mulf %get3A_221, %mul3A_323 : vector<16xf32>
        %swap3A_325 = arith.constant 0 : i32
        %swap3A_326 = tpu.memref_slice %arg15[%mul3A_197, %swap3A_325] : memref<128x128xf32, #tpu.memory_space<vmem>> -> memref<1x128xf32, #tpu.memory_space<vmem>>
        %swap3A_327 = tpu.memref_squeeze %swap3A_326 : memref<1x128xf32, #tpu.memory_space<vmem>> -> memref<128xf32, #tpu.memory_space<vmem>>
        %swap3A_328 = arith.constant 48 : index
        %swap3A_329 = tpu.vector_load %swap3A_327[%swap3A_328] {strides = array<i32>} : memref<128xf32, #tpu.memory_space<vmem>>, vector<16xf32>,
        tpu.vector_store %swap3A_327[%swap3A_328], %mul3A_324 {strides = array<i32>} : memref<128xf32, #tpu.memory_space<vmem>>, vector<16xf32>,
        %mul3A_330 = vector.broadcast %squeeze3A_195 : f32 to vector<16xf32>
        %mul3A_331 = arith.mulf %get3A_261, %mul3A_330 : vector<16xf32>
        %swap3A_332 = arith.constant 0 : i32
        %swap3A_333 = tpu.memref_slice %arg15[%add3A_201, %swap3A_332] : memref<128x128xf32, #tpu.memory_space<vmem>> -> memref<1x128xf32, #tpu.memory_space<vmem>>
        %swap3A_334 = tpu.memref_squeeze %swap3A_333 : memref<1x128xf32, #tpu.memory_space<vmem>> -> memref<128xf32, #tpu.memory_space<vmem>>
        %swap3A_335 = arith.constant 48 : index
        %swap3A_336 = tpu.vector_load %swap3A_334[%swap3A_335] {strides = array<i32>} : memref<128xf32, #tpu.memory_space<vmem>>, vector<16xf32>,
        tpu.vector_store %swap3A_334[%swap3A_335], %mul3A_331 {strides = array<i32>} : memref<128xf32, #tpu.memory_space<vmem>>, vector<16xf32>,
        %mul3A_337 = vector.broadcast %squeeze3A_189 : f32 to vector<16xf32>
        %mul3A_338 = arith.mulf %get3A_226, %mul3A_337 : vector<16xf32>
        %swap3A_339 = arith.constant 0 : i32
        %swap3A_340 = tpu.memref_slice %arg15[%mul3A_197, %swap3A_339] : memref<128x128xf32, #tpu.memory_space<vmem>> -> memref<1x128xf32, #tpu.memory_space<vmem>>
        %swap3A_341 = tpu.memref_squeeze %swap3A_340 : memref<1x128xf32, #tpu.memory_space<vmem>> -> memref<128xf32, #tpu.memory_space<vmem>>
        %swap3A_342 = arith.constant 64 : index
        %swap3A_343 = tpu.vector_load %swap3A_341[%swap3A_342] {strides = array<i32>} : memref<128xf32, #tpu.memory_space<vmem>>, vector<16xf32>,
        tpu.vector_store %swap3A_341[%swap3A_342], %mul3A_338 {strides = array<i32>} : memref<128xf32, #tpu.memory_space<vmem>>, vector<16xf32>,
        %mul3A_344 = vector.broadcast %squeeze3A_195 : f32 to vector<16xf32>
        %mul3A_345 = arith.mulf %get3A_266, %mul3A_344 : vector<16xf32>
        %swap3A_346 = arith.constant 0 : i32
        %swap3A_347 = tpu.memref_slice %arg15[%add3A_201, %swap3A_346] : memref<128x128xf32, #tpu.memory_space<vmem>> -> memref<1x128xf32, #tpu.memory_space<vmem>>
        %swap3A_348 = tpu.memref_squeeze %swap3A_347 : memref<1x128xf32, #tpu.memory_space<vmem>> -> memref<128xf32, #tpu.memory_space<vmem>>
        %swap3A_349 = arith.constant 64 : index
        %swap3A_350 = tpu.vector_load %swap3A_348[%swap3A_349] {strides = array<i32>} : memref<128xf32, #tpu.memory_space<vmem>>, vector<16xf32>,
        tpu.vector_store %swap3A_348[%swap3A_349], %mul3A_345 {strides = array<i32>} : memref<128xf32, #tpu.memory_space<vmem>>, vector<16xf32>,
        %mul3A_351 = vector.broadcast %squeeze3A_189 : f32 to vector<16xf32>
        %mul3A_352 = arith.mulf %get3A_231, %mul3A_351 : vector<16xf32>
        %swap3A_353 = arith.constant 0 : i32
        %swap3A_354 = tpu.memref_slice %arg15[%mul3A_197, %swap3A_353] : memref<128x128xf32, #tpu.memory_space<vmem>> -> memref<1x128xf32, #tpu.memory_space<vmem>>
        %swap3A_355 = tpu.memref_squeeze %swap3A_354 : memref<1x128xf32, #tpu.memory_space<vmem>> -> memref<128xf32, #tpu.memory_space<vmem>>
        %swap3A_356 = arith.constant 80 : index
        %swap3A_357 = tpu.vector_load %swap3A_355[%swap3A_356] {strides = array<i32>} : memref<128xf32, #tpu.memory_space<vmem>>, vector<16xf32>,
        tpu.vector_store %swap3A_355[%swap3A_356], %mul3A_352 {strides = array<i32>} : memref<128xf32, #tpu.memory_space<vmem>>, vector<16xf32>,
        %mul3A_358 = vector.broadcast %squeeze3A_195 : f32 to vector<16xf32>
        %mul3A_359 = arith.mulf %get3A_271, %mul3A_358 : vector<16xf32>
        %swap3A_360 = arith.constant 0 : i32
        %swap3A_361 = tpu.memref_slice %arg15[%add3A_201, %swap3A_360] : memref<128x128xf32, #tpu.memory_space<vmem>> -> memref<1x128xf32, #tpu.memory_space<vmem>>
        %swap3A_362 = tpu.memref_squeeze %swap3A_361 : memref<1x128xf32, #tpu.memory_space<vmem>> -> memref<128xf32, #tpu.memory_space<vmem>>
        %swap3A_363 = arith.constant 80 : index
        %swap3A_364 = tpu.vector_load %swap3A_362[%swap3A_363] {strides = array<i32>} : memref<128xf32, #tpu.memory_space<vmem>>, vector<16xf32>,
        tpu.vector_store %swap3A_362[%swap3A_363], %mul3A_359 {strides = array<i32>} : memref<128xf32, #tpu.memory_space<vmem>>, vector<16xf32>,
        %mul3A_365 = vector.broadcast %squeeze3A_189 : f32 to vector<16xf32>
        %mul3A_366 = arith.mulf %get3A_236, %mul3A_365 : vector<16xf32>
        %swap3A_367 = arith.constant 0 : i32
        %swap3A_368 = tpu.memref_slice %arg15[%mul3A_197, %swap3A_367] : memref<128x128xf32, #tpu.memory_space<vmem>> -> memref<1x128xf32, #tpu.memory_space<vmem>>
        %swap3A_369 = tpu.memref_squeeze %swap3A_368 : memref<1x128xf32, #tpu.memory_space<vmem>> -> memref<128xf32, #tpu.memory_space<vmem>>
        %swap3A_370 = arith.constant 96 : index
        %swap3A_371 = tpu.vector_load %swap3A_369[%swap3A_370] {strides = array<i32>} : memref<128xf32, #tpu.memory_space<vmem>>, vector<16xf32>,
        tpu.vector_store %swap3A_369[%swap3A_370], %mul3A_366 {strides = array<i32>} : memref<128xf32, #tpu.memory_space<vmem>>, vector<16xf32>,
        %mul3A_372 = vector.broadcast %squeeze3A_195 : f32 to vector<16xf32>
        %mul3A_373 = arith.mulf %get3A_276, %mul3A_372 : vector<16xf32>
        %swap3A_374 = arith.constant 0 : i32
        %swap3A_375 = tpu.memref_slice %arg15[%add3A_201, %swap3A_374] : memref<128x128xf32, #tpu.memory_space<vmem>> -> memref<1x128xf32, #tpu.memory_space<vmem>>
        %swap3A_376 = tpu.memref_squeeze %swap3A_375 : memref<1x128xf32, #tpu.memory_space<vmem>> -> memref<128xf32, #tpu.memory_space<vmem>>
        %swap3A_377 = arith.constant 96 : index
        %swap3A_378 = tpu.vector_load %swap3A_376[%swap3A_377] {strides = array<i32>} : memref<128xf32, #tpu.memory_space<vmem>>, vector<16xf32>,
        tpu.vector_store %swap3A_376[%swap3A_377], %mul3A_373 {strides = array<i32>} : memref<128xf32, #tpu.memory_space<vmem>>, vector<16xf32>,
        %mul3A_379 = vector.broadcast %squeeze3A_189 : f32 to vector<16xf32>
        %mul3A_380 = arith.mulf %get3A_241, %mul3A_379 : vector<16xf32>
        %swap3A_381 = arith.constant 0 : i32
        %swap3A_382 = tpu.memref_slice %arg15[%mul3A_197, %swap3A_381] : memref<128x128xf32, #tpu.memory_space<vmem>> -> memref<1x128xf32, #tpu.memory_space<vmem>>
        %swap3A_383 = tpu.memref_squeeze %swap3A_382 : memref<1x128xf32, #tpu.memory_space<vmem>> -> memref<128xf32, #tpu.memory_space<vmem>>
        %swap3A_384 = arith.constant 112 : index
        %swap3A_385 = tpu.vector_load %swap3A_383[%swap3A_384] {strides = array<i32>} : memref<128xf32, #tpu.memory_space<vmem>>, vector<16xf32>,
        tpu.vector_store %swap3A_383[%swap3A_384], %mul3A_380 {strides = array<i32>} : memref<128xf32, #tpu.memory_space<vmem>>, vector<16xf32>,
        %mul3A_386 = vector.broadcast %squeeze3A_195 : f32 to vector<16xf32>
        %mul3A_387 = arith.mulf %get3A_281, %mul3A_386 : vector<16xf32>
        %swap3A_388 = arith.constant 0 : i32
        %swap3A_389 = tpu.memref_slice %arg15[%add3A_201, %swap3A_388] : memref<128x128xf32, #tpu.memory_space<vmem>> -> memref<1x128xf32, #tpu.memory_space<vmem>>
        %swap3A_390 = tpu.memref_squeeze %swap3A_389 : memref<1x128xf32, #tpu.memory_space<vmem>> -> memref<128xf32, #tpu.memory_space<vmem>>
        %swap3A_391 = arith.constant 112 : index
        %swap3A_392 = tpu.vector_load %swap3A_390[%swap3A_391] {strides = array<i32>} : memref<128xf32, #tpu.memory_space<vmem>>, vector<16xf32>,
        tpu.vector_store %swap3A_390[%swap3A_391], %mul3A_387 {strides = array<i32>} : memref<128xf32, #tpu.memory_space<vmem>>, vector<16xf32>,
        %scan3A_393 = arith.constant 0 : i32
        scf.yield %scan3A_393 : i32
      }
      %scan3A_167 = arith.constant 64 : i32
      %dma_start3A_168 = arith.constant 0 : i32
      %dma_start3A_169 = tpu.memref_slice %arg14[%while3A_149, %dma_start3A_168] : memref<96x128xi32, #tpu.memory_space<vmem>> -> memref<1x128xi32, #tpu.memory_space<vmem>>
      %dma_start3A_170 = tpu.memref_squeeze %dma_start3A_169 : memref<1x128xi32, #tpu.memory_space<vmem>> -> memref<128xi32, #tpu.memory_space<vmem>>
      %dma_start3A_171 = arith.constant 0 : i32
      %dma_start3A_172 = arith.constant 0 : i32
      %dma_start3A_173 = tpu.memref_slice %arg13[%dma_start3A_171, %dma_start3A_172] : memref<5136x128xf32, #tpu.memory_space<vmem_shared>> -> memref<5136x128xf32, #tpu.memory_space<vmem_shared>>
      tpu.enqueue_indirect_dma source(%arg15 : memref<128x128xf32, #tpu.memory_space<vmem>>) target(%dma_start3A_173 : memref<5136x128xf32, #tpu.memory_space<vmem_shared>>) offsets(%dma_start3A_170 : memref<128xi32, #tpu.memory_space<vmem>>) semaphore(%arg21 : memref<!tpu.dma_semaphore, #tpu.memory_space<semaphore_mem>>) {add = true}
      %dma_wait3A_174 = arith.constant 0 : i32
      %dma_wait3A_175 = tpu.memref_slice %arg13[%mul3A_4, %dma_wait3A_174] : memref<5136x128xf32, #tpu.memory_space<vmem_shared>> -> memref<128x128xf32, #tpu.memory_space<vmem_shared>>
      %dma_wait3A_176 = arith.constant 0 : i32
      %dma_wait3A_177 = tpu.memref_slice %arg13[%mul3A_4, %dma_wait3A_176] : memref<5136x128xf32, #tpu.memory_space<vmem_shared>> -> memref<128x128xf32, #tpu.memory_space<vmem_shared>>
      tpu.wait_dma2 semaphore(%arg21 : memref<!tpu.dma_semaphore, #tpu.memory_space<semaphore_mem>>) src(%arg15 : memref<128x128xf32, #tpu.memory_space<vmem>>) dst(%dma_wait3A_177 : memref<128x128xf32, #tpu.memory_space<vmem_shared>>)
      %while3A_178 = arith.constant 0 : i32
      scf.yield %while3A_178 : i32
    }
    %while3A_147 = arith.constant 1 : i32
    %while3A_148 = scf.for %while3A_149 = %while3A_144 to %while3A_140 step %while3A_147 iter_args(%while3A_150 = %while3A_146) -> (i32)  : i32 {
      %mul3A_151 = arith.constant 128 : i32
      %mul3A_152 = arith.muli %while3A_149, %mul3A_151 : i32
      %dma_start3A = tpu.memref_slice %arg10[%mul3A_152] : memref<12288xi32, #tpu.memory_space<vmem>> -> memref<128xi32, #tpu.memory_space<vmem>>
      %dma_start3A_153 = arith.constant 0 : i32
      %dma_start3A_154 = arith.constant 0 : i32
      %dma_start3A_155 = tpu.memref_slice %arg2[%dma_start3A_153, %dma_start3A_154] : memref<10240x128xf32, #tpu.memory_space<hbm>> -> memref<10240x128xf32, #tpu.memory_space<hbm>>
      tpu.enqueue_indirect_dma source(%dma_start3A_155 : memref<10240x128xf32, #tpu.memory_space<hbm>>) target(%arg15 : memref<128x128xf32, #tpu.memory_space<vmem>>) offsets(%dma_start3A : memref<128xi32, #tpu.memory_space<vmem>>) semaphore(%arg21 : memref<!tpu.dma_semaphore, #tpu.memory_space<semaphore_mem>>)
      %dma_wait3A = arith.constant 0 : i32
      %dma_wait3A_156 = arith.constant 0 : i32
      %dma_wait3A_157 = tpu.memref_slice %arg2[%dma_wait3A, %dma_wait3A_156] : memref<10240x128xf32, #tpu.memory_space<hbm>> -> memref<128x128xf32, #tpu.memory_space<hbm>>
      %dma_wait3A_158 = arith.constant 0 : i32
      %dma_wait3A_159 = arith.constant 0 : i32
      %dma_wait3A_160 = tpu.memref_slice %arg2[%dma_wait3A_158, %dma_wait3A_159] : memref<10240x128xf32, #tpu.memory_space<hbm>> -> memref<128x128xf32, #tpu.memory_space<hbm>>
      tpu.wait_dma2 semaphore(%arg21 : memref<!tpu.dma_semaphore, #tpu.memory_space<semaphore_mem>>) src(%dma_wait3A_160 : memref<128x128xf32, #tpu.memory_space<hbm>>) dst(%arg15 : memref<128x128xf32, #tpu.memory_space<vmem>>)
      %scan3A_161 = arith.constant 0 : i32
      %scan3A_162 = arith.constant 0 : i32
      %scan3A_163 = arith.constant 64 : i32
      %scan3A_164 = arith.addi %scan3A_162, %scan3A_163 : i32
      %scan3A_165 = arith.constant 1 : i32
      %scan3A_166 = scf.for %scan3A_179 = %scan3A_162 to %scan3A_164 step %scan3A_165 iter_args(%scan3A_180 = %scan3A_161) -> (i32)  : i32 {
        %mul3A_181 = arith.constant 128 : i32
        %mul3A_182 = arith.muli %while3A_149, %mul3A_181 : i32
        %mul3A_183 = arith.constant 2 : i32
        %mul3A_184 = arith.muli %mul3A_183, %scan3A_179 : i32
        %add3A_185 = arith.addi %mul3A_182, %mul3A_184 : i32
        %get3A_186 = arith.index_cast %add3A_185 : i32 to index
        %get3A_187 = tpu.vector_load %arg12[%get3A_186] {strides = array<i32>} : memref<12288xf32, #tpu.memory_space<vmem>>, vector<16xf32>,
        %slice3A_188 = vector.extract_strided_slice %get3A_187 {offsets = [0], sizes = [1], strides = [1]} : vector<16xf32> to vector<1xf32>
        %squeeze3A_189 = vector.extract %slice3A_188[0] : f32 from vector<1xf32>
        %add3A_190 = arith.constant 1 : i32
        %add3A_191 = arith.addi %add3A_185, %add3A_190 : i32
        %get3A_192 = arith.index_cast %add3A_191 : i32 to index
        %get3A_193 = tpu.vector_load %arg12[%get3A_192] {strides = array<i32>} : memref<12288xf32, #tpu.memory_space<vmem>>, vector<16xf32>,
        %slice3A_194 = vector.extract_strided_slice %get3A_193 {offsets = [0], sizes = [1], strides = [1]} : vector<16xf32> to vector<1xf32>
        %squeeze3A_195 = vector.extract %slice3A_194[0] : f32 from vector<1xf32>
        %mul3A_196 = arith.constant 2 : i32
        %mul3A_197 = arith.muli %mul3A_196, %scan3A_179 : i32
        %mul3A_198 = arith.constant 2 : i32
        %mul3A_199 = arith.muli %mul3A_198, %scan3A_179 : i32
        %add3A_200 = arith.constant 1 : i32
        %add3A_201 = arith.addi %mul3A_199, %add3A_200 : i32
        %get3A_202 = arith.constant 0 : i32
        %get3A_203 = tpu.memref_slice %arg15[%mul3A_197, %get3A_202] : memref<128x128xf32, #tpu.memory_space<vmem>> -> memref<1x128xf32, #tpu.memory_space<vmem>>
        %get3A_204 = tpu.memref_squeeze %get3A_203 : memref<1x128xf32, #tpu.memory_space<vmem>> -> memref<128xf32, #tpu.memory_space<vmem>>
        %get3A_205 = arith.constant 0 : index
        %get3A_206 = tpu.vector_load %get3A_204[%get3A_205] {strides = array<i32>} : memref<128xf32, #tpu.memory_space<vmem>>, vector<16xf32>,
        %get3A_207 = arith.constant 0 : i32
        %get3A_208 = tpu.memref_slice %arg15[%mul3A_197, %get3A_207] : memref<128x128xf32, #tpu.memory_space<vmem>> -> memref<1x128xf32, #tpu.memory_space<vmem>>
        %get3A_209 = tpu.memref_squeeze %get3A_208 : memref<1x128xf32, #tpu.memory_space<vmem>> -> memref<128xf32, #tpu.memory_space<vmem>>
        %get3A_210 = arith.constant 16 : index
        %get3A_211 = tpu.vector_load %get3A_209[%get3A_210] {strides = array<i32>} : memref<128xf32, #tpu.memory_space<vmem>>, vector<16xf32>,
        %get3A_212 = arith.constant 0 : i32
        %get3A_213 = tpu.memref_slice %arg15[%mul3A_197, %get3A_212] : memref<128x128xf32, #tpu.memory_space<vmem>> -> memref<1x128xf32, #tpu.memory_space<vmem>>
        %get3A_214 = tpu.memref_squeeze %get3A_213 : memref<1x128xf32, #tpu.memory_space<vmem>> -> memref<128xf32, #tpu.memory_space<vmem>>
        %get3A_215 = arith.constant 32 : index
        %get3A_216 = tpu.vector_load %get3A_214[%get3A_215] {strides = array<i32>} : memref<128xf32, #tpu.memory_space<vmem>>, vector<16xf32>,
        %get3A_217 = arith.constant 0 : i32
        %get3A_218 = tpu.memref_slice %arg15[%mul3A_197, %get3A_217] : memref<128x128xf32, #tpu.memory_space<vmem>> -> memref<1x128xf32, #tpu.memory_space<vmem>>
        %get3A_219 = tpu.memref_squeeze %get3A_218 : memref<1x128xf32, #tpu.memory_space<vmem>> -> memref<128xf32, #tpu.memory_space<vmem>>
        %get3A_220 = arith.constant 48 : index
        %get3A_221 = tpu.vector_load %get3A_219[%get3A_220] {strides = array<i32>} : memref<128xf32, #tpu.memory_space<vmem>>, vector<16xf32>,
        %get3A_222 = arith.constant 0 : i32
        %get3A_223 = tpu.memref_slice %arg15[%mul3A_197, %get3A_222] : memref<128x128xf32, #tpu.memory_space<vmem>> -> memref<1x128xf32, #tpu.memory_space<vmem>>
        %get3A_224 = tpu.memref_squeeze %get3A_223 : memref<1x128xf32, #tpu.memory_space<vmem>> -> memref<128xf32, #tpu.memory_space<vmem>>
        %get3A_225 = arith.constant 64 : index
        %get3A_226 = tpu.vector_load %get3A_224[%get3A_225] {strides = array<i32>} : memref<128xf32, #tpu.memory_space<vmem>>, vector<16xf32>,
        %get3A_227 = arith.constant 0 : i32
        %get3A_228 = tpu.memref_slice %arg15[%mul3A_197, %get3A_227] : memref<128x128xf32, #tpu.memory_space<vmem>> -> memref<1x128xf32, #tpu.memory_space<vmem>>
        %get3A_229 = tpu.memref_squeeze %get3A_228 : memref<1x128xf32, #tpu.memory_space<vmem>> -> memref<128xf32, #tpu.memory_space<vmem>>
        %get3A_230 = arith.constant 80 : index
        %get3A_231 = tpu.vector_load %get3A_229[%get3A_230] {strides = array<i32>} : memref<128xf32, #tpu.memory_space<vmem>>, vector<16xf32>,
        %get3A_232 = arith.constant 0 : i32
        %get3A_233 = tpu.memref_slice %arg15[%mul3A_197, %get3A_232] : memref<128x128xf32, #tpu.memory_space<vmem>> -> memref<1x128xf32, #tpu.memory_space<vmem>>
        %get3A_234 = tpu.memref_squeeze %get3A_233 : memref<1x128xf32, #tpu.memory_space<vmem>> -> memref<128xf32, #tpu.memory_space<vmem>>
        %get3A_235 = arith.constant 96 : index
        %get3A_236 = tpu.vector_load %get3A_234[%get3A_235] {strides = array<i32>} : memref<128xf32, #tpu.memory_space<vmem>>, vector<16xf32>,
        %get3A_237 = arith.constant 0 : i32
        %get3A_238 = tpu.memref_slice %arg15[%mul3A_197, %get3A_237] : memref<128x128xf32, #tpu.memory_space<vmem>> -> memref<1x128xf32, #tpu.memory_space<vmem>>
        %get3A_239 = tpu.memref_squeeze %get3A_238 : memref<1x128xf32, #tpu.memory_space<vmem>> -> memref<128xf32, #tpu.memory_space<vmem>>
        %get3A_240 = arith.constant 112 : index
        %get3A_241 = tpu.vector_load %get3A_239[%get3A_240] {strides = array<i32>} : memref<128xf32, #tpu.memory_space<vmem>>, vector<16xf32>,
        %get3A_242 = arith.constant 0 : i32
        %get3A_243 = tpu.memref_slice %arg15[%add3A_201, %get3A_242] : memref<128x128xf32, #tpu.memory_space<vmem>> -> memref<1x128xf32, #tpu.memory_space<vmem>>
        %get3A_244 = tpu.memref_squeeze %get3A_243 : memref<1x128xf32, #tpu.memory_space<vmem>> -> memref<128xf32, #tpu.memory_space<vmem>>
        %get3A_245 = arith.constant 0 : index
        %get3A_246 = tpu.vector_load %get3A_244[%get3A_245] {strides = array<i32>} : memref<128xf32, #tpu.memory_space<vmem>>, vector<16xf32>,
        %get3A_247 = arith.constant 0 : i32
        %get3A_248 = tpu.memref_slice %arg15[%add3A_201, %get3A_247] : memref<128x128xf32, #tpu.memory_space<vmem>> -> memref<1x128xf32, #tpu.memory_space<vmem>>
        %get3A_249 = tpu.memref_squeeze %get3A_248 : memref<1x128xf32, #tpu.memory_space<vmem>> -> memref<128xf32, #tpu.memory_space<vmem>>
        %get3A_250 = arith.constant 16 : index
        %get3A_251 = tpu.vector_load %get3A_249[%get3A_250] {strides = array<i32>} : memref<128xf32, #tpu.memory_space<vmem>>, vector<16xf32>,
        %get3A_252 = arith.constant 0 : i32
        %get3A_253 = tpu.memref_slice %arg15[%add3A_201, %get3A_252] : memref<128x128xf32, #tpu.memory_space<vmem>> -> memref<1x128xf32, #tpu.memory_space<vmem>>
        %get3A_254 = tpu.memref_squeeze %get3A_253 : memref<1x128xf32, #tpu.memory_space<vmem>> -> memref<128xf32, #tpu.memory_space<vmem>>
        %get3A_255 = arith.constant 32 : index
        %get3A_256 = tpu.vector_load %get3A_254[%get3A_255] {strides = array<i32>} : memref<128xf32, #tpu.memory_space<vmem>>, vector<16xf32>,
        %get3A_257 = arith.constant 0 : i32
        %get3A_258 = tpu.memref_slice %arg15[%add3A_201, %get3A_257] : memref<128x128xf32, #tpu.memory_space<vmem>> -> memref<1x128xf32, #tpu.memory_space<vmem>>
        %get3A_259 = tpu.memref_squeeze %get3A_258 : memref<1x128xf32, #tpu.memory_space<vmem>> -> memref<128xf32, #tpu.memory_space<vmem>>
        %get3A_260 = arith.constant 48 : index
        %get3A_261 = tpu.vector_load %get3A_259[%get3A_260] {strides = array<i32>} : memref<128xf32, #tpu.memory_space<vmem>>, vector<16xf32>,
        %get3A_262 = arith.constant 0 : i32
        %get3A_263 = tpu.memref_slice %arg15[%add3A_201, %get3A_262] : memref<128x128xf32, #tpu.memory_space<vmem>> -> memref<1x128xf32, #tpu.memory_space<vmem>>
        %get3A_264 = tpu.memref_squeeze %get3A_263 : memref<1x128xf32, #tpu.memory_space<vmem>> -> memref<128xf32, #tpu.memory_space<vmem>>
        %get3A_265 = arith.constant 64 : index
        %get3A_266 = tpu.vector_load %get3A_264[%get3A_265] {strides = array<i32>} : memref<128xf32, #tpu.memory_space<vmem>>, vector<16xf32>,
        %get3A_267 = arith.constant 0 : i32
        %get3A_268 = tpu.memref_slice %arg15[%add3A_201, %get3A_267] : memref<128x128xf32, #tpu.memory_space<vmem>> -> memref<1x128xf32, #tpu.memory_space<vmem>>
        %get3A_269 = tpu.memref_squeeze %get3A_268 : memref<1x128xf32, #tpu.memory_space<vmem>> -> memref<128xf32, #tpu.memory_space<vmem>>
        %get3A_270 = arith.constant 80 : index
        %get3A_271 = tpu.vector_load %get3A_269[%get3A_270] {strides = array<i32>} : memref<128xf32, #tpu.memory_space<vmem>>, vector<16xf32>,
        %get3A_272 = arith.constant 0 : i32
        %get3A_273 = tpu.memref_slice %arg15[%add3A_201, %get3A_272] : memref<128x128xf32, #tpu.memory_space<vmem>> -> memref<1x128xf32, #tpu.memory_space<vmem>>
        %get3A_274 = tpu.memref_squeeze %get3A_273 : memref<1x128xf32, #tpu.memory_space<vmem>> -> memref<128xf32, #tpu.memory_space<vmem>>
        %get3A_275 = arith.constant 96 : index
        %get3A_276 = tpu.vector_load %get3A_274[%get3A_275] {strides = array<i32>} : memref<128xf32, #tpu.memory_space<vmem>>, vector<16xf32>,
        %get3A_277 = arith.constant 0 : i32
        %get3A_278 = tpu.memref_slice %arg15[%add3A_201, %get3A_277] : memref<128x128xf32, #tpu.memory_space<vmem>> -> memref<1x128xf32, #tpu.memory_space<vmem>>
        %get3A_279 = tpu.memref_squeeze %get3A_278 : memref<1x128xf32, #tpu.memory_space<vmem>> -> memref<128xf32, #tpu.memory_space<vmem>>
        %get3A_280 = arith.constant 112 : index
        %get3A_281 = tpu.vector_load %get3A_279[%get3A_280] {strides = array<i32>} : memref<128xf32, #tpu.memory_space<vmem>>, vector<16xf32>,
        %mul3A_282 = vector.broadcast %squeeze3A_189 : f32 to vector<16xf32>
        %mul3A_283 = arith.mulf %get3A_206, %mul3A_282 : vector<16xf32>
        %swap3A = arith.constant 0 : i32
        %swap3A_284 = tpu.memref_slice %arg15[%mul3A_197, %swap3A] : memref<128x128xf32, #tpu.memory_space<vmem>> -> memref<1x128xf32, #tpu.memory_space<vmem>>
        %swap3A_285 = tpu.memref_squeeze %swap3A_284 : memref<1x128xf32, #tpu.memory_space<vmem>> -> memref<128xf32, #tpu.memory_space<vmem>>
        %swap3A_286 = arith.constant 0 : index
        %swap3A_287 = tpu.vector_load %swap3A_285[%swap3A_286] {strides = array<i32>} : memref<128xf32, #tpu.memory_space<vmem>>, vector<16xf32>,
        tpu.vector_store %swap3A_285[%swap3A_286], %mul3A_283 {strides = array<i32>} : memref<128xf32, #tpu.memory_space<vmem>>, vector<16xf32>,
        %mul3A_288 = vector.broadcast %squeeze3A_195 : f32 to vector<16xf32>
        %mul3A_289 = arith.mulf %get3A_246, %mul3A_288 : vector<16xf32>
        %swap3A_290 = arith.constant 0 : i32
        %swap3A_291 = tpu.memref_slice %arg15[%add3A_201, %swap3A_290] : memref<128x128xf32, #tpu.memory_space<vmem>> -> memref<1x128xf32, #tpu.memory_space<vmem>>
        %swap3A_292 = tpu.memref_squeeze %swap3A_291 : memref<1x128xf32, #tpu.memory_space<vmem>> -> memref<128xf32, #tpu.memory_space<vmem>>
        %swap3A_293 = arith.constant 0 : index
        %swap3A_294 = tpu.vector_load %swap3A_292[%swap3A_293] {strides = array<i32>} : memref<128xf32, #tpu.memory_space<vmem>>, vector<16xf32>,
        tpu.vector_store %swap3A_292[%swap3A_293], %mul3A_289 {strides = array<i32>} : memref<128xf32, #tpu.memory_space<vmem>>, vector<16xf32>,
        %mul3A_295 = vector.broadcast %squeeze3A_189 : f32 to vector<16xf32>
        %mul3A_296 = arith.mulf %get3A_211, %mul3A_295 : vector<16xf32>
        %swap3A_297 = arith.constant 0 : i32
        %swap3A_298 = tpu.memref_slice %arg15[%mul3A_197, %swap3A_297] : memref<128x128xf32, #tpu.memory_space<vmem>> -> memref<1x128xf32, #tpu.memory_space<vmem>>
        %swap3A_299 = tpu.memref_squeeze %swap3A_298 : memref<1x128xf32, #tpu.memory_space<vmem>> -> memref<128xf32, #tpu.memory_space<vmem>>
        %swap3A_300 = arith.constant 16 : index
        %swap3A_301 = tpu.vector_load %swap3A_299[%swap3A_300] {strides = array<i32>} : memref<128xf32, #tpu.memory_space<vmem>>, vector<16xf32>,
        tpu.vector_store %swap3A_299[%swap3A_300], %mul3A_296 {strides = array<i32>} : memref<128xf32, #tpu.memory_space<vmem>>, vector<16xf32>,
        %mul3A_302 = vector.broadcast %squeeze3A_195 : f32 to vector<16xf32>
        %mul3A_303 = arith.mulf %get3A_251, %mul3A_302 : vector<16xf32>
        %swap3A_304 = arith.constant 0 : i32
        %swap3A_305 = tpu.memref_slice %arg15[%add3A_201, %swap3A_304] : memref<128x128xf32, #tpu.memory_space<vmem>> -> memref<1x128xf32, #tpu.memory_space<vmem>>
        %swap3A_306 = tpu.memref_squeeze %swap3A_305 : memref<1x128xf32, #tpu.memory_space<vmem>> -> memref<128xf32, #tpu.memory_space<vmem>>
        %swap3A_307 = arith.constant 16 : index
        %swap3A_308 = tpu.vector_load %swap3A_306[%swap3A_307] {strides = array<i32>} : memref<128xf32, #tpu.memory_space<vmem>>, vector<16xf32>,
        tpu.vector_store %swap3A_306[%swap3A_307], %mul3A_303 {strides = array<i32>} : memref<128xf32, #tpu.memory_space<vmem>>, vector<16xf32>,
        %mul3A_309 = vector.broadcast %squeeze3A_189 : f32 to vector<16xf32>
        %mul3A_310 = arith.mulf %get3A_216, %mul3A_309 : vector<16xf32>
        %swap3A_311 = arith.constant 0 : i32
        %swap3A_312 = tpu.memref_slice %arg15[%mul3A_197, %swap3A_311] : memref<128x128xf32, #tpu.memory_space<vmem>> -> memref<1x128xf32, #tpu.memory_space<vmem>>
        %swap3A_313 = tpu.memref_squeeze %swap3A_312 : memref<1x128xf32, #tpu.memory_space<vmem>> -> memref<128xf32, #tpu.memory_space<vmem>>
        %swap3A_314 = arith.constant 32 : index
        %swap3A_315 = tpu.vector_load %swap3A_313[%swap3A_314] {strides = array<i32>} : memref<128xf32, #tpu.memory_space<vmem>>, vector<16xf32>,
        tpu.vector_store %swap3A_313[%swap3A_314], %mul3A_310 {strides = array<i32>} : memref<128xf32, #tpu.memory_space<vmem>>, vector<16xf32>,
        %mul3A_316 = vector.broadcast %squeeze3A_195 : f32 to vector<16xf32>
        %mul3A_317 = arith.mulf %get3A_256, %mul3A_316 : vector<16xf32>
        %swap3A_318 = arith.constant 0 : i32
        %swap3A_319 = tpu.memref_slice %arg15[%add3A_201, %swap3A_318] : memref<128x128xf32, #tpu.memory_space<vmem>> -> memref<1x128xf32, #tpu.memory_space<vmem>>
        %swap3A_320 = tpu.memref_squeeze %swap3A_319 : memref<1x128xf32, #tpu.memory_space<vmem>> -> memref<128xf32, #tpu.memory_space<vmem>>
        %swap3A_321 = arith.constant 32 : index
        %swap3A_322 = tpu.vector_load %swap3A_320[%swap3A_321] {strides = array<i32>} : memref<128xf32, #tpu.memory_space<vmem>>, vector<16xf32>,
        tpu.vector_store %swap3A_320[%swap3A_321], %mul3A_317 {strides = array<i32>} : memref<128xf32, #tpu.memory_space<vmem>>, vector<16xf32>,
        %mul3A_323 = vector.broadcast %squeeze3A_189 : f32 to vector<16xf32>
        %mul3A_324 = arith.mulf %get3A_221, %mul3A_323 : vector<16xf32>
        %swap3A_325 = arith.constant 0 : i32
        %swap3A_326 = tpu.memref_slice %arg15[%mul3A_197, %swap3A_325] : memref<128x128xf32, #tpu.memory_space<vmem>> -> memref<1x128xf32, #tpu.memory_space<vmem>>
        %swap3A_327 = tpu.memref_squeeze %swap3A_326 : memref<1x128xf32, #tpu.memory_space<vmem>> -> memref<128xf32, #tpu.memory_space<vmem>>
        %swap3A_328 = arith.constant 48 : index
        %swap3A_329 = tpu.vector_load %swap3A_327[%swap3A_328] {strides = array<i32>} : memref<128xf32, #tpu.memory_space<vmem>>, vector<16xf32>,
        tpu.vector_store %swap3A_327[%swap3A_328], %mul3A_324 {strides = array<i32>} : memref<128xf32, #tpu.memory_space<vmem>>, vector<16xf32>,
        %mul3A_330 = vector.broadcast %squeeze3A_195 : f32 to vector<16xf32>
        %mul3A_331 = arith.mulf %get3A_261, %mul3A_330 : vector<16xf32>
        %swap3A_332 = arith.constant 0 : i32
        %swap3A_333 = tpu.memref_slice %arg15[%add3A_201, %swap3A_332] : memref<128x128xf32, #tpu.memory_space<vmem>> -> memref<1x128xf32, #tpu.memory_space<vmem>>
        %swap3A_334 = tpu.memref_squeeze %swap3A_333 : memref<1x128xf32, #tpu.memory_space<vmem>> -> memref<128xf32, #tpu.memory_space<vmem>>
        %swap3A_335 = arith.constant 48 : index
        %swap3A_336 = tpu.vector_load %swap3A_334[%swap3A_335] {strides = array<i32>} : memref<128xf32, #tpu.memory_space<vmem>>, vector<16xf32>,
        tpu.vector_store %swap3A_334[%swap3A_335], %mul3A_331 {strides = array<i32>} : memref<128xf32, #tpu.memory_space<vmem>>, vector<16xf32>,
        %mul3A_337 = vector.broadcast %squeeze3A_189 : f32 to vector<16xf32>
        %mul3A_338 = arith.mulf %get3A_226, %mul3A_337 : vector<16xf32>
        %swap3A_339 = arith.constant 0 : i32
        %swap3A_340 = tpu.memref_slice %arg15[%mul3A_197, %swap3A_339] : memref<128x128xf32, #tpu.memory_space<vmem>> -> memref<1x128xf32, #tpu.memory_space<vmem>>
        %swap3A_341 = tpu.memref_squeeze %swap3A_340 : memref<1x128xf32, #tpu.memory_space<vmem>> -> memref<128xf32, #tpu.memory_space<vmem>>
        %swap3A_342 = arith.constant 64 : index
        %swap3A_343 = tpu.vector_load %swap3A_341[%swap3A_342] {strides = array<i32>} : memref<128xf32, #tpu.memory_space<vmem>>, vector<16xf32>,
        tpu.vector_store %swap3A_341[%swap3A_342], %mul3A_338 {strides = array<i32>} : memref<128xf32, #tpu.memory_space<vmem>>, vector<16xf32>,
        %mul3A_344 = vector.broadcast %squeeze3A_195 : f32 to vector<16xf32>
        %mul3A_345 = arith.mulf %get3A_266, %mul3A_344 : vector<16xf32>
        %swap3A_346 = arith.constant 0 : i32
        %swap3A_347 = tpu.memref_slice %arg15[%add3A_201, %swap3A_346] : memref<128x128xf32, #tpu.memory_space<vmem>> -> memref<1x128xf32, #tpu.memory_space<vmem>>
        %swap3A_348 = tpu.memref_squeeze %swap3A_347 : memref<1x128xf32, #tpu.memory_space<vmem>> -> memref<128xf32, #tpu.memory_space<vmem>>
        %swap3A_349 = arith.constant 64 : index
        %swap3A_350 = tpu.vector_load %swap3A_348[%swap3A_349] {strides = array<i32>} : memref<128xf32, #tpu.memory_space<vmem>>, vector<16xf32>,
        tpu.vector_store %swap3A_348[%swap3A_349], %mul3A_345 {strides = array<i32>} : memref<128xf32, #tpu.memory_space<vmem>>, vector<16xf32>,
        %mul3A_351 = vector.broadcast %squeeze3A_189 : f32 to vector<16xf32>
        %mul3A_352 = arith.mulf %get3A_231, %mul3A_351 : vector<16xf32>
        %swap3A_353 = arith.constant 0 : i32
        %swap3A_354 = tpu.memref_slice %arg15[%mul3A_197, %swap3A_353] : memref<128x128xf32, #tpu.memory_space<vmem>> -> memref<1x128xf32, #tpu.memory_space<vmem>>
        %swap3A_355 = tpu.memref_squeeze %swap3A_354 : memref<1x128xf32, #tpu.memory_space<vmem>> -> memref<128xf32, #tpu.memory_space<vmem>>
        %swap3A_356 = arith.constant 80 : index
        %swap3A_357 = tpu.vector_load %swap3A_355[%swap3A_356] {strides = array<i32>} : memref<128xf32, #tpu.memory_space<vmem>>, vector<16xf32>,
        tpu.vector_store %swap3A_355[%swap3A_356], %mul3A_352 {strides = array<i32>} : memref<128xf32, #tpu.memory_space<vmem>>, vector<16xf32>,
        %mul3A_358 = vector.broadcast %squeeze3A_195 : f32 to vector<16xf32>
        %mul3A_359 = arith.mulf %get3A_271, %mul3A_358 : vector<16xf32>
        %swap3A_360 = arith.constant 0 : i32
        %swap3A_361 = tpu.memref_slice %arg15[%add3A_201, %swap3A_360] : memref<128x128xf32, #tpu.memory_space<vmem>> -> memref<1x128xf32, #tpu.memory_space<vmem>>
        %swap3A_362 = tpu.memref_squeeze %swap3A_361 : memref<1x128xf32, #tpu.memory_space<vmem>> -> memref<128xf32, #tpu.memory_space<vmem>>
        %swap3A_363 = arith.constant 80 : index
        %swap3A_364 = tpu.vector_load %swap3A_362[%swap3A_363] {strides = array<i32>} : memref<128xf32, #tpu.memory_space<vmem>>, vector<16xf32>,
        tpu.vector_store %swap3A_362[%swap3A_363], %mul3A_359 {strides = array<i32>} : memref<128xf32, #tpu.memory_space<vmem>>, vector<16xf32>,
        %mul3A_365 = vector.broadcast %squeeze3A_189 : f32 to vector<16xf32>
        %mul3A_366 = arith.mulf %get3A_236, %mul3A_365 : vector<16xf32>
        %swap3A_367 = arith.constant 0 : i32
        %swap3A_368 = tpu.memref_slice %arg15[%mul3A_197, %swap3A_367] : memref<128x128xf32, #tpu.memory_space<vmem>> -> memref<1x128xf32, #tpu.memory_space<vmem>>
        %swap3A_369 = tpu.memref_squeeze %swap3A_368 : memref<1x128xf32, #tpu.memory_space<vmem>> -> memref<128xf32, #tpu.memory_space<vmem>>
        %swap3A_370 = arith.constant 96 : index
        %swap3A_371 = tpu.vector_load %swap3A_369[%swap3A_370] {strides = array<i32>} : memref<128xf32, #tpu.memory_space<vmem>>, vector<16xf32>,
        tpu.vector_store %swap3A_369[%swap3A_370], %mul3A_366 {strides = array<i32>} : memref<128xf32, #tpu.memory_space<vmem>>, vector<16xf32>,
        %mul3A_372 = vector.broadcast %squeeze3A_195 : f32 to vector<16xf32>
        %mul3A_373 = arith.mulf %get3A_276, %mul3A_372 : vector<16xf32>
        %swap3A_374 = arith.constant 0 : i32
        %swap3A_375 = tpu.memref_slice %arg15[%add3A_201, %swap3A_374] : memref<128x128xf32, #tpu.memory_space<vmem>> -> memref<1x128xf32, #tpu.memory_space<vmem>>
        %swap3A_376 = tpu.memref_squeeze %swap3A_375 : memref<1x128xf32, #tpu.memory_space<vmem>> -> memref<128xf32, #tpu.memory_space<vmem>>
        %swap3A_377 = arith.constant 96 : index
        %swap3A_378 = tpu.vector_load %swap3A_376[%swap3A_377] {strides = array<i32>} : memref<128xf32, #tpu.memory_space<vmem>>, vector<16xf32>,
        tpu.vector_store %swap3A_376[%swap3A_377], %mul3A_373 {strides = array<i32>} : memref<128xf32, #tpu.memory_space<vmem>>, vector<16xf32>,
        %mul3A_379 = vector.broadcast %squeeze3A_189 : f32 to vector<16xf32>
        %mul3A_380 = arith.mulf %get3A_241, %mul3A_379 : vector<16xf32>
        %swap3A_381 = arith.constant 0 : i32
        %swap3A_382 = tpu.memref_slice %arg15[%mul3A_197, %swap3A_381] : memref<128x128xf32, #tpu.memory_space<vmem>> -> memref<1x128xf32, #tpu.memory_space<vmem>>
        %swap3A_383 = tpu.memref_squeeze %swap3A_382 : memref<1x128xf32, #tpu.memory_space<vmem>> -> memref<128xf32, #tpu.memory_space<vmem>>
        %swap3A_384 = arith.constant 112 : index
        %swap3A_385 = tpu.vector_load %swap3A_383[%swap3A_384] {strides = array<i32>} : memref<128xf32, #tpu.memory_space<vmem>>, vector<16xf32>,
        tpu.vector_store %swap3A_383[%swap3A_384], %mul3A_380 {strides = array<i32>} : memref<128xf32, #tpu.memory_space<vmem>>, vector<16xf32>,
        %mul3A_386 = vector.broadcast %squeeze3A_195 : f32 to vector<16xf32>
        %mul3A_387 = arith.mulf %get3A_281, %mul3A_386 : vector<16xf32>
        %swap3A_388 = arith.constant 0 : i32
        %swap3A_389 = tpu.memref_slice %arg15[%add3A_201, %swap3A_388] : memref<128x128xf32, #tpu.memory_space<vmem>> -> memref<1x128xf32, #tpu.memory_space<vmem>>
        %swap3A_390 = tpu.memref_squeeze %swap3A_389 : memref<1x128xf32, #tpu.memory_space<vmem>> -> memref<128xf32, #tpu.memory_space<vmem>>
        %swap3A_391 = arith.constant 112 : index
        %swap3A_392 = tpu.vector_load %swap3A_390[%swap3A_391] {strides = array<i32>} : memref<128xf32, #tpu.memory_space<vmem>>, vector<16xf32>,
        tpu.vector_store %swap3A_390[%swap3A_391], %mul3A_387 {strides = array<i32>} : memref<128xf32, #tpu.memory_space<vmem>>, vector<16xf32>,
        %scan3A_393 = arith.constant 0 : i32
        scf.yield %scan3A_393 : i32
      }
      %scan3A_167 = arith.constant 64 : i32
      %dma_start3A_168 = arith.constant 0 : i32
      %dma_start3A_169 = tpu.memref_slice %arg14[%while3A_149, %dma_start3A_168] : memref<96x128xi32, #tpu.memory_space<vmem>> -> memref<1x128xi32, #tpu.memory_space<vmem>>
      %dma_start3A_170 = tpu.memref_squeeze %dma_start3A_169 : memref<1x128xi32, #tpu.memory_space<vmem>> -> memref<128xi32, #tpu.memory_space<vmem>>
      %dma_start3A_171 = arith.constant 0 : i32
      %dma_start3A_172 = arith.constant 0 : i32
      %dma_start3A_173 = tpu.memref_slice %arg13[%dma_start3A_171, %dma_start3A_172] : memref<5136x128xf32, #tpu.memory_space<vmem_shared>> -> memref<5136x128xf32, #tpu.memory_space<vmem_shared>>
      tpu.enqueue_indirect_dma source(%arg15 : memref<128x128xf32, #tpu.memory_space<vmem>>) target(%dma_start3A_173 : memref<5136x128xf32, #tpu.memory_space<vmem_shared>>) offsets(%dma_start3A_170 : memref<128xi32, #tpu.memory_space<vmem>>) semaphore(%arg21 : memref<!tpu.dma_semaphore, #tpu.memory_space<semaphore_mem>>) {add = true}
      %dma_wait3A_174 = arith.constant 0 : i32
      %dma_wait3A_175 = tpu.memref_slice %arg13[%mul3A_4, %dma_wait3A_174] : memref<5136x128xf32, #tpu.memory_space<vmem_shared>> -> memref<128x128xf32, #tpu.memory_space<vmem_shared>>
      %dma_wait3A_176 = arith.constant 0 : i32
      %dma_wait3A_177 = tpu.memref_slice %arg13[%mul3A_4, %dma_wait3A_176] : memref<5136x128xf32, #tpu.memory_space<vmem_shared>> -> memref<128x128xf32, #tpu.memory_space<vmem_shared>>
      tpu.wait_dma2 semaphore(%arg21 : memref<!tpu.dma_semaphore, #tpu.memory_space<semaphore_mem>>) src(%arg15 : memref<128x128xf32, #tpu.memory_space<vmem>>) dst(%dma_wait3A_177 : memref<128x128xf32, #tpu.memory_space<vmem_shared>>)
      %while3A_178 = arith.constant 0 : i32
      scf.yield %while3A_178 : i32
    }
    "tpu.region"() ({
      %run_scoped3A = tpu.sem_alloc : memref<!tpu.dma_semaphore, #tpu.memory_space<semaphore_mem>>
      %dma_start3A = arith.constant 0 : i32
      %dma_start3A_149 = tpu.memref_slice %arg8[%mul3A_2, %dma_start3A] : memref<10240x128xf32, #tpu.memory_space<hbm>> -> memref<320x128xf32, #tpu.memory_space<hbm>>
      %dma_start3A_150 = arith.constant 0 : i32
      %dma_start3A_151 = tpu.memref_slice %arg13[%mul3A_4, %dma_start3A_150] : memref<5136x128xf32, #tpu.memory_space<vmem_shared>> -> memref<320x128xf32, #tpu.memory_space<vmem_shared>>
      tpu.enqueue_dma source(%dma_start3A_151 : memref<320x128xf32, #tpu.memory_space<vmem_shared>>) target(%dma_start3A_149 : memref<320x128xf32, #tpu.memory_space<hbm>>) target_semaphore(%run_scoped3A : memref<!tpu.dma_semaphore, #tpu.memory_space<semaphore_mem>>)
      %dma_wait3A = arith.constant 0 : i32
      %dma_wait3A_152 = tpu.memref_slice %arg8[%mul3A_2, %dma_wait3A] : memref<10240x128xf32, #tpu.memory_space<hbm>> -> memref<320x128xf32, #tpu.memory_space<hbm>>
      %dma_wait3A_153 = arith.constant 0 : i32
      %dma_wait3A_154 = tpu.memref_slice %arg13[%mul3A_4, %dma_wait3A_153] : memref<5136x128xf32, #tpu.memory_space<vmem_shared>> -> memref<320x128xf32, #tpu.memory_space<vmem_shared>>
      tpu.wait_dma2 semaphore(%run_scoped3A : memref<!tpu.dma_semaphore, #tpu.memory_space<semaphore_mem>>) src(%dma_wait3A_154 : memref<320x128xf32, #tpu.memory_space<vmem_shared>>) dst(%dma_wait3A_152 : memref<320x128xf32, #tpu.memory_space<hbm>>)
      tpu.yield
    }) : () -> ()
    "tpu.region"() ({
      %run_scoped3A = tpu.sem_alloc : memref<!tpu.dma_semaphore, #tpu.memory_space<semaphore_mem>>
      %dma_start3A = arith.constant 0 : i32
      %dma_start3A_149 = tpu.memref_slice %arg19[%dma_start3A] : memref<352xf32, #tpu.memory_space<vmem>> -> memref<320xf32, #tpu.memory_space<vmem>>
      %dma_start3A_150 = tpu.memref_slice %arg9[%mul3A_2] : memref<10240xf32, #tpu.memory_space<hbm>> -> memref<320xf32, #tpu.memory_space<hbm>>
      %dma_start3A_151 = tpu.memref_slice %arg9[%mul3A_2] : memref<10240xf32, #tpu.memory_space<hbm>> -> memref<320xf32, #tpu.memory_space<hbm>>
      %dma_start3A_152 = arith.constant 0 : i32
      %dma_start3A_153 = tpu.memref_slice %arg19[%dma_start3A_152] : memref<352xf32, #tpu.memory_space<vmem>> -> memref<320xf32, #tpu.memory_space<vmem>>
      tpu.enqueue_dma source(%dma_start3A_153 : memref<320xf32, #tpu.memory_space<vmem>>) target(%dma_start3A_151 : memref<320xf32, #tpu.memory_space<hbm>>) target_semaphore(%run_scoped3A : memref<!tpu.dma_semaphore, #tpu.memory_space<semaphore_mem>>)
      %dma_wait3A = arith.constant 0 : i32
      %dma_wait3A_154 = tpu.memref_slice %arg19[%dma_wait3A] : memref<352xf32, #tpu.memory_space<vmem>> -> memref<320xf32, #tpu.memory_space<vmem>>
      %dma_wait3A_155 = tpu.memref_slice %arg9[%mul3A_2] : memref<10240xf32, #tpu.memory_space<hbm>> -> memref<320xf32, #tpu.memory_space<hbm>>
      %dma_wait3A_156 = tpu.memref_slice %arg9[%mul3A_2] : memref<10240xf32, #tpu.memory_space<hbm>> -> memref<320xf32, #tpu.memory_space<hbm>>
      %dma_wait3A_157 = arith.constant 0 : i32
      %dma_wait3A_158 = tpu.memref_slice %arg19[%dma_wait3A_157] : memref<352xf32, #tpu.memory_space<vmem>> -> memref<320xf32, #tpu.memory_space<vmem>>
      tpu.wait_dma2 semaphore(%run_scoped3A : memref<!tpu.dma_semaphore, #tpu.memory_space<semaphore_mem>>) src(%dma_wait3A_158 : memref<320xf32, #tpu.memory_space<vmem>>) dst(%dma_wait3A_156 : memref<320xf32, #tpu.memory_space<hbm>>)
      tpu.yield
    }) : () -> ()
    return
  }
}

module attributes {stable_mosaic.version = 14 : i64} {
  func.func @_tc_ps(%arg0: memref<10240x128xf32, #tpu.memory_space<vmem>>, %arg1: memref<1x256xf32, #tpu.memory_space<vmem>>, %arg2: memref<10240xf32, #tpu.memory_space<vmem>>) attributes {dimension_semantics = [], scalar_prefetch = 0 : i64, scratch_operands = 0 : i64, tpu.core_type = #tpu.core_type<tc>} {
    %get3A = arith.constant 0 : index
    %get3A_0 = arith.constant 128 : index
    %get3A_1 = vector.load %arg1[%get3A, %get3A_0] : memref<1x256xf32, #tpu.memory_space<vmem>>, vector<1x128xf32>
    %get3A_2 = vector.shape_cast %get3A_1 : vector<1x128xf32> to vector<128xf32>
    %get3A_3 = arith.constant 0 : index
    %get3A_4 = arith.constant 0 : index
    %get3A_5 = vector.load %arg0[%get3A_3, %get3A_4] : memref<10240x128xf32, #tpu.memory_space<vmem>>, vector<10240x128xf32>
    %broadcast_in_dim3A = vector.shape_cast %get3A_2 : vector<128xf32> to vector<1x128xf32>
    %mul3A = vector.broadcast %broadcast_in_dim3A : vector<1x128xf32> to vector<10240x128xf32>
    %mul3A_6 = arith.mulf %get3A_5, %mul3A : vector<10240x128xf32>
    %reduce_sum3A = arith.constant dense<0.000000e+00> : vector<10240xf32>
    %reduce_sum3A_7 = vector.multi_reduction <add>, %mul3A_6, %reduce_sum3A [1] : vector<10240x128xf32> to vector<10240xf32>
    %swap3A = arith.constant 0 : index
    %swap3A_8 = vector.load %arg2[%swap3A] : memref<10240xf32, #tpu.memory_space<vmem>>, vector<10240xf32>
    tpu.vector_store %arg2[%swap3A], %reduce_sum3A_7 {strides = array<i32>} : memref<10240xf32, #tpu.memory_space<vmem>>, vector<10240xf32>,
    return
  }
}

module attributes {stable_mosaic.version = 14 : i64} {
  func.func @_tc_qd(%arg0: memref<10240x128xf32, #tpu.memory_space<vmem>>, %arg1: memref<128x128xf32, #tpu.memory_space<vmem>>, %arg2: memref<1x256xf32, #tpu.memory_space<vmem>>, %arg3: memref<128xf32, #tpu.memory_space<vmem>>, %arg4: memref<1xf32, #tpu.memory_space<vmem>>, %arg5: memref<10240xf32, #tpu.memory_space<vmem>>) attributes {dimension_semantics = [], scalar_prefetch = 0 : i64, scratch_operands = 0 : i64, tpu.core_type = #tpu.core_type<tc>} {
    %get3A = arith.constant 0 : index
    %get3A_0 = arith.constant 0 : index
    %get3A_1 = vector.load %arg2[%get3A, %get3A_0] : memref<1x256xf32, #tpu.memory_space<vmem>>, vector<1x128xf32>
    %get3A_2 = vector.shape_cast %get3A_1 : vector<1x128xf32> to vector<128xf32>
    %broadcast_in_dim3A = vector.shape_cast %get3A_2 : vector<128xf32> to vector<128x1xf32>
    %get3A_3 = arith.constant 0 : index
    %get3A_4 = arith.constant 0 : index
    %get3A_5 = vector.load %arg1[%get3A_3, %get3A_4] : memref<128x128xf32, #tpu.memory_space<vmem>>, vector<128x128xf32>
    %mul3A = vector.broadcast %broadcast_in_dim3A : vector<128x1xf32> to vector<128x128xf32>
    %mul3A_6 = arith.mulf %mul3A, %get3A_5 : vector<128x128xf32>
    %reduce_sum3A = arith.constant dense<0.000000e+00> : vector<128xf32>
    %reduce_sum3A_7 = vector.multi_reduction <add>, %mul3A_6, %reduce_sum3A [0] : vector<128x128xf32> to vector<128xf32>
    %get3A_8 = arith.constant 0 : index
    %get3A_9 = vector.load %arg3[%get3A_8] : memref<128xf32, #tpu.memory_space<vmem>>, vector<128xf32>
    %mul3A_10 = arith.mulf %get3A_9, %get3A_2 : vector<128xf32>
    %reduce_sum3A_11 = vector.shape_cast %mul3A_10 : vector<128xf32> to vector<1x128xf32>
    %reduce_sum3A_12 = arith.constant dense<0.000000e+00> : vector<1xf32>
    %reduce_sum3A_13 = vector.multi_reduction <add>, %reduce_sum3A_11, %reduce_sum3A_12 [1] : vector<1x128xf32> to vector<1xf32>
    %reduce_sum3A_14 = vector.shape_cast %reduce_sum3A_13 : vector<1xf32> to vector<1x1xf32>
    %reduce_sum3A_15 = vector.extract %reduce_sum3A_14[0, 0] : f32 from vector<1x1xf32>
    %get3A_16 = arith.constant 0 : index
    %get3A_17 = vector.load %arg4[%get3A_16] : memref<1xf32, #tpu.memory_space<vmem>>, vector<1xf32>
    %get3A_18 = vector.extract %get3A_17[0] : f32 from vector<1xf32>
    %add3A = arith.addf %reduce_sum3A_15, %get3A_18 : f32
    %get3A_19 = arith.constant 0 : index
    %get3A_20 = arith.constant 0 : index
    %get3A_21 = vector.load %arg0[%get3A_19, %get3A_20] : memref<10240x128xf32, #tpu.memory_space<vmem>>, vector<10240x128xf32>
    %broadcast_in_dim3A_22 = vector.shape_cast %reduce_sum3A_7 : vector<128xf32> to vector<1x128xf32>
    %mul3A_23 = vector.broadcast %broadcast_in_dim3A_22 : vector<1x128xf32> to vector<10240x128xf32>
    %mul3A_24 = arith.mulf %get3A_21, %mul3A_23 : vector<10240x128xf32>
    %reduce_sum3A_25 = arith.constant dense<0.000000e+00> : vector<10240xf32>
    %reduce_sum3A_26 = vector.multi_reduction <add>, %mul3A_24, %reduce_sum3A_25 [1] : vector<10240x128xf32> to vector<10240xf32>
    %add3A_27 = vector.broadcast %add3A : f32 to vector<10240xf32>
    %add3A_28 = arith.addf %reduce_sum3A_26, %add3A_27 : vector<10240xf32>
    %swap3A = arith.constant 0 : index
    %swap3A_29 = vector.load %arg5[%swap3A] : memref<10240xf32, #tpu.memory_space<vmem>>, vector<10240xf32>
    tpu.vector_store %arg5[%swap3A], %add3A_28 {strides = array<i32>} : memref<10240xf32, #tpu.memory_space<vmem>>, vector<10240xf32>,
    return
  }
}

module attributes {stable_mosaic.version = 14 : i64} {
  func.func @_tc_abc(%arg0: memref<10240x128xf32, #tpu.memory_space<vmem>>, %arg1: memref<10240xf32, #tpu.memory_space<vmem>>, %arg2: memref<1x128xf32, #tpu.memory_space<vmem>>, %arg3: memref<1xf32, #tpu.memory_space<vmem>>, %arg4: memref<1x128xf32, #tpu.memory_space<vmem>>, %arg5: memref<1x128xf32, #tpu.memory_space<vmem>>, %arg6: memref<1xf32, #tpu.memory_space<vmem>>, %arg7: memref<10240xf32, #tpu.memory_space<vmem>>, %arg8: memref<10240xf32, #tpu.memory_space<vmem>>) attributes {dimension_semantics = [], scalar_prefetch = 0 : i64, scratch_operands = 0 : i64, tpu.core_type = #tpu.core_type<tc>} {
    %get3A = arith.constant 0 : index
    %get3A_0 = arith.constant 0 : index
    %get3A_1 = vector.load %arg0[%get3A, %get3A_0] : memref<10240x128xf32, #tpu.memory_space<vmem>>, vector<10240x128xf32>
    %get3A_2 = arith.constant 0 : index
    %get3A_3 = arith.constant 0 : index
    %get3A_4 = vector.load %arg2[%get3A_2, %get3A_3] : memref<1x128xf32, #tpu.memory_space<vmem>>, vector<1x128xf32>
    %get3A_5 = vector.shape_cast %get3A_4 : vector<1x128xf32> to vector<128xf32>
    %broadcast_in_dim3A = vector.shape_cast %get3A_5 : vector<128xf32> to vector<1x128xf32>
    %mul3A = vector.broadcast %broadcast_in_dim3A : vector<1x128xf32> to vector<10240x128xf32>
    %mul3A_6 = arith.mulf %get3A_1, %mul3A : vector<10240x128xf32>
    %reduce_sum3A = arith.constant dense<0.000000e+00> : vector<10240xf32>
    %reduce_sum3A_7 = vector.multi_reduction <add>, %mul3A_6, %reduce_sum3A [1] : vector<10240x128xf32> to vector<10240xf32>
    %get3A_8 = arith.constant 0 : index
    %get3A_9 = vector.load %arg3[%get3A_8] : memref<1xf32, #tpu.memory_space<vmem>>, vector<1xf32>
    %get3A_10 = vector.extract %get3A_9[0] : f32 from vector<1xf32>
    %add3A = vector.broadcast %get3A_10 : f32 to vector<10240xf32>
    %add3A_11 = arith.addf %reduce_sum3A_7, %add3A : vector<10240xf32>
    %swap3A = arith.constant 0 : index
    %swap3A_12 = vector.load %arg7[%swap3A] : memref<10240xf32, #tpu.memory_space<vmem>>, vector<10240xf32>
    tpu.vector_store %arg7[%swap3A], %add3A_11 {strides = array<i32>} : memref<10240xf32, #tpu.memory_space<vmem>>, vector<10240xf32>,
    %get3A_13 = arith.constant 0 : index
    %get3A_14 = arith.constant 0 : index
    %get3A_15 = vector.load %arg4[%get3A_13, %get3A_14] : memref<1x128xf32, #tpu.memory_space<vmem>>, vector<1x128xf32>
    %get3A_16 = vector.shape_cast %get3A_15 : vector<1x128xf32> to vector<128xf32>
    %broadcast_in_dim3A_17 = vector.shape_cast %get3A_16 : vector<128xf32> to vector<1x128xf32>
    %mul3A_18 = vector.broadcast %broadcast_in_dim3A_17 : vector<1x128xf32> to vector<10240x128xf32>
    %mul3A_19 = arith.mulf %get3A_1, %mul3A_18 : vector<10240x128xf32>
    %reduce_sum3A_20 = arith.constant dense<0.000000e+00> : vector<10240xf32>
    %reduce_sum3A_21 = vector.multi_reduction <add>, %mul3A_19, %reduce_sum3A_20 [1] : vector<10240x128xf32> to vector<10240xf32>
    %get3A_22 = arith.constant 0 : index
    %get3A_23 = arith.constant 0 : index
    %get3A_24 = vector.load %arg5[%get3A_22, %get3A_23] : memref<1x128xf32, #tpu.memory_space<vmem>>, vector<1x128xf32>
    %get3A_25 = vector.shape_cast %get3A_24 : vector<1x128xf32> to vector<128xf32>
    %broadcast_in_dim3A_26 = vector.shape_cast %get3A_25 : vector<128xf32> to vector<1x128xf32>
    %mul3A_27 = vector.broadcast %broadcast_in_dim3A_26 : vector<1x128xf32> to vector<10240x128xf32>
    %mul3A_28 = arith.mulf %get3A_1, %mul3A_27 : vector<10240x128xf32>
    %reduce_sum3A_29 = arith.constant dense<0.000000e+00> : vector<10240xf32>
    %reduce_sum3A_30 = vector.multi_reduction <add>, %mul3A_28, %reduce_sum3A_29 [1] : vector<10240x128xf32> to vector<10240xf32>
    %get3A_31 = arith.constant 0 : index
    %get3A_32 = vector.load %arg6[%get3A_31] : memref<1xf32, #tpu.memory_space<vmem>>, vector<1xf32>
    %get3A_33 = vector.extract %get3A_32[0] : f32 from vector<1xf32>
    %add3A_34 = vector.broadcast %get3A_33 : f32 to vector<10240xf32>
    %add3A_35 = arith.addf %reduce_sum3A_30, %add3A_34 : vector<10240xf32>
    %get3A_36 = arith.constant 0 : index
    %get3A_37 = vector.load %arg1[%get3A_36] : memref<10240xf32, #tpu.memory_space<vmem>>, vector<10240xf32>
    %mul3A_38 = arith.mulf %get3A_37, %reduce_sum3A_21 : vector<10240xf32>
    %sub3A = arith.subf %add3A_35, %mul3A_38 : vector<10240xf32>
    %swap3A_39 = arith.constant 0 : index
    %swap3A_40 = vector.load %arg8[%swap3A_39] : memref<10240xf32, #tpu.memory_space<vmem>>, vector<10240xf32>
    tpu.vector_store %arg8[%swap3A_39], %sub3A {strides = array<i32>} : memref<10240xf32, #tpu.memory_space<vmem>>, vector<10240xf32>,
    return
  }
}

module attributes {stable_mosaic.version = 14 : i64} {
  func.func @_tc_fin(%arg0: memref<10240x128xf32, #tpu.memory_space<vmem>>, %arg1: memref<10240xf32, #tpu.memory_space<vmem>>, %arg2: memref<10240xf32, #tpu.memory_space<vmem>>, %arg3: memref<10240x128xf32, #tpu.memory_space<vmem>>, %arg4: memref<10240xf32, #tpu.memory_space<vmem>>) attributes {dimension_semantics = [], scalar_prefetch = 0 : i64, scratch_operands = 0 : i64, tpu.core_type = #tpu.core_type<tc>} {
    %get3A = arith.constant 0 : index
    %get3A_0 = vector.load %arg1[%get3A] : memref<10240xf32, #tpu.memory_space<vmem>>, vector<10240xf32>
    %get3A_1 = arith.constant 0 : index
    %get3A_2 = vector.load %arg2[%get3A_1] : memref<10240xf32, #tpu.memory_space<vmem>>, vector<10240xf32>
    %add3A = arith.addf %get3A_0, %get3A_2 : vector<10240xf32>
    %logistic3A = arith.negf %add3A : vector<10240xf32>
    %logistic3A_3 = math.exp %logistic3A : vector<10240xf32>
    %logistic3A_4 = arith.constant 1.000000e+00 : f32
    %logistic3A_5 = vector.broadcast %logistic3A_4 : f32 to vector<10240xf32>
    %logistic3A_6 = arith.addf %logistic3A_5, %logistic3A_3 : vector<10240xf32>
    %logistic3A_7 = arith.divf %logistic3A_5, %logistic3A_6 : vector<10240xf32>
    %swap3A = arith.constant 0 : index
    %swap3A_8 = vector.load %arg4[%swap3A] : memref<10240xf32, #tpu.memory_space<vmem>>, vector<10240xf32>
    tpu.vector_store %arg4[%swap3A], %logistic3A_7 {strides = array<i32>} : memref<10240xf32, #tpu.memory_space<vmem>>, vector<10240xf32>,
    %get3A_9 = arith.constant 0 : index
    %get3A_10 = arith.constant 0 : index
    %get3A_11 = vector.load %arg0[%get3A_9, %get3A_10] : memref<10240x128xf32, #tpu.memory_space<vmem>>, vector<10240x128xf32>
    %broadcast_in_dim3A = vector.shape_cast %logistic3A_7 : vector<10240xf32> to vector<10240x1xf32>
    %mul3A = vector.broadcast %broadcast_in_dim3A : vector<10240x1xf32> to vector<10240x128xf32>
    %mul3A_12 = arith.mulf %get3A_11, %mul3A : vector<10240x128xf32>
    %swap3A_13 = arith.constant 0 : index
    %swap3A_14 = arith.constant 0 : index
    %swap3A_15 = vector.load %arg3[%swap3A_13, %swap3A_14] : memref<10240x128xf32, #tpu.memory_space<vmem>>, vector<10240x128xf32>
    tpu.vector_store %arg3[%swap3A_13, %swap3A_14], %mul3A_12 {strides = array<i32>} : memref<10240x128xf32, #tpu.memory_space<vmem>>, vector<10240x128xf32>,
    return
  }
}

</mosaic_0001>

<sc_bundles>
// kernel: kernel.12.cloned.1.call-start
scs
__scs_entry_jumppad:
0x0: {  	(pc) =	sbr.rel $0x88, $3  }
0x1: {  	(tag) =	ssettag $0x0;
	lr =	simm.s32 $0x1  }
0x2: {  	[smem:$0x3F96] =	sst lr;
	_ =	strace $0xD0000000  }
0x3: {  	_ = 	snop  }
0x4: {  	_ = 	snop  }
0x5: {  	_ = 	snop  }
0x6: {  	_ = 	snop  }
0x7: {  	_ = 	snop  }
__scs_overlays_trampoline_lowered:
0x8: {  	[smem:$0x3FA5] =	sst s0  }
0x9: {  	[smem:$0x3FA6] =	sst s1  }
0xa: {  	[smem:$0x3FA7] =	sst s2  }
0xb: {  	[smem:$0x3FA8] =	sst s3  }
0xc: {  	[smem:$0x3FA9] =	sst s4  }
0xd: {  	[smem:$0x3FAA] =	sst s5  }
0xe: {  	[smem:$0x3FAB] =	sst s6  }
0xf: {  	[smem:$0x3FAC] =	sst s7  }
0x10: {  	[smem:$0x3FAD] =	sst s8  }
0x11: {  	[smem:$0x3FAE] =	sst s9;
	s0 =	simm.s32 @!p0 $0x0  }
0x12: {  	s1 =	sld [smem:$0x3F94];
	s0 =	simm.s32 @p0 $0x1  }
0x13: {  	[smem:$0x3FAF] =	sst s0;
	s0 =	simm.s32 @!p1 $0x0  }
0x14: {  	s2 =	sld [smem:$0x3F93];
	s0 =	simm.s32 @p1 $0x1  }
0x15: {  	[smem:$0x3FB0] =	sst s0;
	s0 =	simm.s32 @!p2 $0x0  }
0x16: {  	s3 =	sld [smem:$0x3FDB];
	s0 =	simm.s32 @p2 $0x1  }
0x17: {  	s4 =	simm.s32 $0x1BF5;
	[smem:$0x3FB2] =	sst s0  }
0x18: {  	s0 =	sld [smem:$0x3F95];
	_ =	swait.ge [sflag:s4], $0x0  }
0x19: {  	s7 =	sld [smem:$0x3F96]  }
0x1a: {  	s8 =	sadd.s32 $0xFFFFE003, lr  }
0x1b: {  	s9 =	sadd.s32 $0xFFFFFEF7, lr;
	s5 =	simm.s32 $0xFFFFFFFF;
	p2 =	slt.u32 s8, $0xFFFFF086  }
0x1c: {  	p1 =	slt.u32 s9, $0xF7A;
	s5 =	simm.s32 @!p2 $0x0  }
0x1d: {  	s5 =	simm.s32 @p1 $0x1;
	p0 =	seq.s32 s7, s2  }
0x1e: {  	s7 =	smul.u32 @!p0 $0xF7A, s2;
	p2 =	seq.s32 @!p0 s5, $0x0  }
0x1f: {  	s9 =	smul.u32 $0xF7A, s1;
	s8 =	simm.s32 @!p0 $0x1BF5;
	p2 =	por !p2, p0  }
0x20: {  	[sflag:s8] =	ssyncset.s32 @!p0 $0xFFFFF086;
	s6 =	sadd.s32 @!p0 s3, s7;
	s7 =	simm.s32 @!p0 $0x108  }
0x21: {  	s3 =	sadd.s32 s3, s9;
	s6 =	sadd.s32 @!p0 $0x88, s6;
	s7 =	simm.s32 @p2 $0x1082  }
0x22: {  	[simem:s7], [sflag:s8] =	dma.local @!p0 [hbm:s6], $0xF7A  }
0x23: {  	s9 =	sor.u32 $0xD0000000, s2;
	s6 =	simm.s32 $0x108;
	_ =	swait.ge @!p0 [sflag:s8], $0x0  }
0x24: {  	s3 =	sadd.s32 $0x88, s3;
	s6 =	simm.s32 @!p1 $0x1082;
	[sflag:s4] =	ssyncset.s32 $0xFFFFF086  }
0x25: {  	[simem:s6], [sflag:s4] =	dma.local [hbm:s3], $0xF7A  }
0x26: {  	[smem:$0x3F96] =	sst s1;
	(tag) =	ssettag s2;
	_ =	strace s9  }
0x27: {  	s1 =	sld [smem:$0x3FA6]  }
0x28: {  	s2 =	sld [smem:$0x3FA7]  }
0x29: {  	s4 =	sld [smem:$0x3FA9]  }
0x2a: {  	p0 =	seq.s32 s5, $0x0;
	s5 =	sld [smem:$0x3FAA]  }
0x2b: {  	s6 =	sld [smem:$0x3FAB]  }
0x2c: {  	s7 =	sld [smem:$0x3FAC]  }
0x2d: {  	s3 =	simm.s32 $0x108;
	s8 =	sld [smem:$0x3FAD]  }
0x2e: {  	s3 =	simm.s32 @!p0 $0x1082;
	s9 =	sld [smem:$0x3FAE]  }
0x2f: {  	lr =	sadd.s32 s0, s3;
	s0 =	sld [smem:$0x3FA5]  }
0x30: {  	s3 =	sld [smem:$0x3FA8]  }
0x31: {  	[smem:$0x3FB1] =	sst s10  }
0x32: {  	s10 =	sld [smem:$0x3FAF];
	_ =	sdelay $0x3  }
0x33: {  	p0 =	seq.s32 s10, $0x1;
	s10 =	sld [smem:$0x3FB1];
	_ =	sdelay $0x3  }
0x34: {  	[smem:$0x3FB1] =	sst s10  }
0x35: {  	s10 =	sld [smem:$0x3FB0];
	_ =	sdelay $0x3  }
0x36: {  	p1 =	seq.s32 s10, $0x1;
	s10 =	sld [smem:$0x3FB1];
	_ =	sdelay $0x3  }
0x37: {  	[smem:$0x3FB1] =	sst s10  }
0x38: {  	s10 =	sld [smem:$0x3FB2]  }
0x39: {  	_ = 	snop;
	(pc) =	sbr.ind lr, $3  }
0x3a: {  	_ = 	snop  }
0x3b: {  	_ = 	snop  }
0x3c: {  	p2 =	seq.s32 s10, $0x1;
	s10 =	sld [smem:$0x3FB1]  }
0x3d: {  	_ =	shalt  }
0x3e: {  	_ =	shalt  }
0x3f: {  	_ =	shalt  }
0x40: {  	_ =	shalt  }
0x41: {  	_ =	shalt  }
0x42: {  	_ =	shalt  }
0x43: {  	_ =	shalt  }
0x44: {  	_ =	shalt  }
0x45: {  	_ =	shalt  }
0x46: {  	_ =	shalt  }
0x47: {  	_ =	shalt  }
0x48: {  	_ =	shalt  }
0x49: {  	_ =	shalt  }
0x4a: {  	_ =	shalt  }
0x4b: {  	_ =	shalt  }
0x4c: {  	_ =	shalt  }
0x4d: {  	_ =	shalt  }
0x4e: {  	_ =	shalt  }
0x4f: {  	_ =	shalt  }
0x50: {  	_ =	shalt  }
0x51: {  	_ =	shalt  }
0x52: {  	_ =	shalt  }
0x53: {  	_ =	shalt  }
0x54: {  	_ =	shalt  }
0x55: {  	_ =	shalt  }
0x56: {  	_ =	shalt  }
0x57: {  	_ =	shalt  }
0x58: {  	_ =	shalt  }
0x59: {  	_ =	shalt  }
0x5a: {  	_ =	shalt  }
0x5b: {  	_ =	shalt  }
0x5c: {  	_ =	shalt  }
0x5d: {  	_ =	shalt  }
0x5e: {  	_ =	shalt  }
0x5f: {  	_ =	shalt  }
0x60: {  	_ =	shalt  }
0x61: {  	_ =	shalt  }
0x62: {  	_ =	shalt  }
0x63: {  	_ =	shalt  }
0x64: {  	_ =	shalt  }
0x65: {  	_ =	shalt  }
0x66: {  	_ =	shalt  }
0x67: {  	_ =	shalt  }
0x68: {  	_ =	shalt  }
0x69: {  	_ =	shalt  }
0x6a: {  	_ =	shalt  }
0x6b: {  	_ =	shalt  }
0x6c: {  	_ =	shalt  }
0x6d: {  	_ =	shalt  }
0x6e: {  	_ =	shalt  }
0x6f: {  	_ =	shalt  }
0x70: {  	_ =	shalt  }
0x71: {  	_ =	shalt  }
0x72: {  	_ =	shalt  }
0x73: {  	_ =	shalt  }
0x74: {  	_ =	shalt  }
0x75: {  	_ =	shalt  }
0x76: {  	_ =	shalt  }
0x77: {  	_ =	shalt  }
0x78: {  	_ =	shalt  }
0x79: {  	_ =	shalt  }
0x7a: {  	_ =	shalt  }
0x7b: {  	_ =	shalt  }
0x7c: {  	_ =	shalt  }
0x7d: {  	_ =	shalt  }
0x7e: {  	_ =	shalt  }
0x7f: {  	_ =	shalt  }
0x80: {  	_ =	shalt  }
0x81: {  	_ =	shalt  }
0x82: {  	_ =	shalt  }
0x83: {  	_ =	shalt  }
0x84: {  	_ =	shalt  }
0x85: {  	_ =	shalt  }
0x86: {  	_ =	shalt  }
0x87: {  	_ =	shalt  }
.Lfunc_end0:
.L_simem_size_0:
called_computation.1_lowered:
.L_overlay_start_0:
0x88: {  	s2 =	sld [smem:$0x3FD9]  }
0x89: {  	s3 =	sld [smem:$0x3FFE];
	_ =	sdelay $0x1  }
0x8a: {  	s1 =	srdreg.scid  }
0x8b: {  	s0 =	sand.u32 $0x1, s1  }
0x8c: {  	s14 =	sshll.u32 s0, $0xA;
	s2 =	sadd.s32 s3, s2  }
0x8d: {  	s2 =	sadd.s32 s2, s14  }
0x8e: {  	[smem:$0x3FBD] =	sst s2  }
0x8f: {  	_ = 	snop  }
0x90: {  	s2 =	sld [smem:$0x3FD0];
	_ =	sdelay $0x2  }
0x91: {  	s15 =	simm.s32 $0xA;
	s4 =	simm.s32 $0x10  }
0x92: {  	[smem:s4], [sflag:s15] =	dma.local [hbm:s2], $0x1  }
0x93: {  	_ =	swait.eq [sflag:s15], $0x1  }
0x94: {  	[sflag:s15] =	ssyncset.done $0x0  }
0x95: {  	s16 =	sld [smem:$0x10];
	[sflag:s15] =	ssyncadd.s32 $0xFFFFFFFF  }
0x96: {  	s17 =	sld [smem:$0x11];
	(tm) =	ssettm $0x1  }
0x97: {  	s18 =	sld [smem:$0x3FFB];
	_ =	sdelay $0x3  }
0x98: {  	_ =	strace s18  }
0x99: {  	s4 =	sld [smem:$0x3FFC];
	_ =	sdelay $0x3  }
0x9a: {  	_ =	strace s4  }
0x9b: {  	s4 =	sld [smem:$0x3FFD];
	_ =	sdelay $0x3  }
0x9c: {  	_ =	strace s4  }
0x9d: {  	_ =	strace $0x8FFFFFFF  }
0x9e: {  	s19 =	sld [smem:$0x3FDB];
	_ =	sdelay $0x1  }
0x9f: {  	s5 =	simm.s32 $_scs_section_size  }
0xa0: {  	s6 =	simm.s32 $_size__tile_overlayer_lowered;
	s7 =	simm.s32 $_tile_overlayer_lowered  }
0xa1: {  	s22 =	simm.s32 $0x1BFF;
	s21 =	sshll.u32 s7, $0x1;
	s4 =	sadd.s32 s5, s19  }
0xa2: {  	s8 =	simm.s32 $0x0;
	s20 =	sshll.u32 s6, $0x1;
	s6 =	sadd.s32 s21, s4  }
0xa3: {  	[timem:s8], [sflag:s22] =	dma.local [hbm:s6], s20  }
0xa4: {  	_ =	swait.ge [sflag:s22], s20  }
0xa5: {  	s5 =	ssub.s32 $0x0, s20;
	[sflag:s22] =	ssyncset.done $0x0  }
0xa6: {  	[sflag:s22] =	ssyncadd.s32 s5;
	_ =	sdelay $0x1  }
0xa7: {  	s23 =	simm.s32 $0x1B8B  }
0xa8: {  	_ =	swait.ge [sflag:s23], $0x1  }
0xa9: {  	[sflag:s23] =	ssyncset.done $0x0  }
0xaa: {  	s25 =	simm.s32 $0x1B8E;
	s24 =	sld [smem:$0x3FFE];
	[sflag:s23] =	ssyncadd.s32 $0xFFFFFFFF  }
0xab: {  	s26 =	simm.s32 $execute0_lowered;
	[smem:$0x3FD2] =	sst s25  }
0xac: {  	s6 =	sshll.u32 s26, $0x1;
	_ =	strace $0x80000049;
	[dreg:$0x1] =	wrdreg $0xFFFFFFFF  }
0xad: {  	s28 =	simm.s32 $_size_execute0_lowered;
	s4 =	sadd.s32 s4, s6;
	[dreg:$0x0] =	wrdreg $0x0  }
0xae: {  	s6 =	sshll.u32 s28, $0x1;
	[dreg:$0x2] =	wrdreg s4  }
0xaf: {  	[dreg:$0x3] =	wrdreg s6  }
0xb0: {  	[dreg:$0x4] =	wrdreg $0xC0  }
0xb1: {  	_ =	task [dreg:s8], $0x5FFFF  }
0xb2: {  	[dreg:$0x1] =	wrdreg $0xFFFFFFFF  }
0xb3: {  	[dreg:$0x0] =	wrdreg $0x60  }
0xb4: {  	[dreg:$0x2] =	wrdreg s24  }
0xb5: {  	[dreg:$0x3] =	wrdreg s16  }
0xb6: {  	[dreg:$0x4] =	wrdreg s17  }
0xb7: {  	[dreg:$0x5] =	wrdreg $0x90000  }
0xb8: {  	[dreg:$0x6] =	wrdreg $0x9  }
0xb9: {  	_ =	task.clear_ibuf [dreg:s8], $0x7FFFF;
	_ =	strace $0x90000049  }
0xba: {  	s29 =	simm.s32 $0x9;
	_ =	strace $0x8000004B  }
0xbb: {  	_ =	swait.ge [sflag:s29], $0x1  }
0xbc: {  	[sflag:s29] =	ssyncadd.s32 $0xFFFFFFFF  }
0xbd: {  	_ =	strace $0x9000004B  }
0xbe: {  	_ =	sfence  }
0xbf: {  	s30 =	sld [smem:$0x0];
	_ =	sdelay $0x2  }
0xc0: {  	s31 =	sshll.u32 s1, $0xD;
	s1 =	sshrl.u32 s1, $0x2  }
0xc1: {  	s3 =	sand.u32 $0x4000, s31;
	s1 =	sadd.s32 s1, s30  }
0xc2: {  	s0 =	sor.u32 s3, s0;
	s1 =	sshll.u32 s1, $0x11  }
0xc3: {  	s0 =	sor.u32 s1, s0  }
0xc4: {  	s0 =	sadd.s32 $0x8F2B, s0  }
0xc5: {  	[sflag:s0] =	ssyncadd.remote.s32 $0x1  }
0xc6: {  	_ =	sfence.sel $0xFFFF  }
0xc7: {  	[dreg:$0x0] =	wrdreg $0xFFFFFFFF;
	(pc) =	sbr.abs _section_cstart, $3  }
0xc8: {  	[dreg:$0x1] =	wrdreg $0xFFFFFFFF  }
0xc9: {  	_ =	task.clear_ibuf [dreg:s8], $0x2FFFF;
	_ =	strace $0x9FFFFFFF  }
0xca: {  	(tm) =	ssettm $0x7FFFFFFF  }
0xcb: {  	_ =	shalt  }
tec
execute0_lowered:
.L_overlay_start_1:
0x0: {  	(tag) =	ssettag $0x1  }
0x1: {  	s0 =	rddreg [dreg:$0x0];
	s1 =	srdreg.scid  }
0x2: {  	s2 =	rddreg [dreg:$0x1];
	s14 =	stileid.u32  }
0x3: {  	s3 =	rddreg [dreg:$0x3];
	s16 =	simm.s32 $0x80;
	s17 =	simm.s32 $0x400  }
0x4: {  	s18 =	simm.s32 $0x2;
	s21 =	simm.s32 $0x1A080;
	s22 =	simm.s32 $0x1C880  }
0x5: {  	s23 =	simm.s32 $0x1;
	s24 =	simm.s32 $0x1CA00;
	s25 =	simm.s32 $0x1CB80  }
0x6: {  	s28 =	simm.s32 $0x0;
	s1 =	sand.u32 $0x1, s1;
	s12 =	smul.u32 $0x28200, s14  }
0x7: {  	s5 =	sshll.u32 s14, $0x7;
	s30 =	smul.u32 $0x141, s14;
	s4 =	sshll.u32 s1, $0x4  }
0x8: {  	s9 =	sand.u32 $0x380, s5;
	s5 =	sadd.s32 $0x3400, s0;
	s1 =	ssub.s32 $0x2, s1  }
0x9: {  	s6 =	sor.u32 s14, s4;
	s4 =	simm.s32 $0x0;
	s29 =	sshrl.u32 s1, $0x1  }
0xa: {  	s31 =	sshrl.u32 s12, $0x2;
	s7 =	sshrl.u32 s6, $0x3;
	s26 =	smul.u32 $0x1400, s6  }
0xb: {  	[smem:$0x7FF] =	sst s4;
	s6 =	smul.u32 $0x28, s6;
	s1 =	ssub.s32 s1, s29  }
0xc: {  	s8 =	smul.u32 $0x18000, s7;
	_ =	strace $0x8000004A;
	s7 =	sshll.u32 s7, $0xA  }
0xd: {  	s15 =	smax.u32 s1, $0x1;
	s7 =	sor.u32 s9, s7;
	s13 =	sadd.s32 s26, s0  }
0xe: {  	s26 =	simm.s32 $0x16080;
	s8 =	sor.u32 s9, s8;
	s7 =	sshrl.u32 s7, $0x3  }
.Ltmp0:
0xf: {  	s9 =	sadd.s32 s31, s3;
	s13 =	sadd.s32 $0x2BA00, s13;
	(pc) =	sbr.rel .LBB2_1-.Ltmp0, $4  }
0x10: {  	s8 =	sshrl.u32 s8, $0x3;
	s11 =	sadd.s32 s7, s0;
	s12 =	sadd.s32 $0x8000, s9  }
0x11: {  	s10 =	sadd.s32 s8, s0;
	s0 =	sadd.s32 s6, s0;
	s2 =	sadd.s32 s2, s8  }
0x12: {  	v1 =	vimm.f32 $0.0e+00;
	s8 =	sadd.s32 $0x73000, s11;
	s11 =	sadd.s32 $0x4000, s9;
	[dreg:$0x5] =	wrdreg s2  }
0x13: {  	v2 =	vlaneseq.u32;
	v3 =	vimm.f32 $1.000000000e+00;
	v0 =	vmov s30;
	s7 =	sadd.s32 $0x67000, s10;
	s10 =	sadd.s32 $0x2B400, s0;
	s14 =	sadd.s32 $0x53A00, s0  }
.LBB2_23:
0x14: {  	s0 =	stileid.u32  }
0x15: {  	s0 =	sshll.u32 s0, $0x6  }
0x16: {  	s1 =	sshrl.u32 s9, $0x3;
	s0 =	sor.u32 $0x1C02, s0  }
0x17: {  	[hbm:s13], [sflag:s0] =	dma.local [spmem:s1], $0x1400  }
0x18: {  	s28 =	sadd.s32 $0x1, s28;
	_ =	swait.ge [sflag:s18], $0x1400  }
0x19: {  	p0 =	sne.s32 s28, s15;
	[sflag:s18] =	ssyncset.done $0x0  }
.Ltmp1:
0x1a: {  	[sflag:s18] =	ssyncadd.s32 $0xFFFFEC00;
	(pc) =	sbr.rel @!p0 .LBB2_24-.Ltmp1, $4  }
0x1b: {  	[hbm4b:s14+s4] =	stream.linear.scatter [tilespmem:s25], [sflag:$0x2], $0x140, $0x38;
	[tilespmem:$0x1CD80] =	vst v63  }
0x1c: {  	_ =	swait.ge [sflag:s18], $0x140  }
0x1d: {  	[sflag:s18] =	ssyncset.done $0x0  }
0x1e: {  	[sflag:s18] =	ssyncadd.s32 $0xFFFFFEC0  }
.LBB2_1:
0x1f: {  	s0 =	rddreg [dreg:$0x5]  }
0x20: {  	[tilespmem:s4], [sflag:$0x2] =	stream.strided.gather [hbm4b:s0+s16], $0x3000, s17, s16, $0x38;
	[tilespmem:$0x1CD80] =	vst v63  }
0x21: {  	_ =	swait.ge [sflag:s18], $0x3000  }
0x22: {  	[sflag:s18] =	ssyncset.done $0x0  }
0x23: {  	s6 =	simm.s32 $0x3000;
	[sflag:s18] =	ssyncadd.s32 $0xFFFFD000  }
0x24: {  	[tilespmem:s6], [sflag:$0x2] =	stream.strided.gather [hbm4b:s7+s16], $0x3000, s17, s16, $0x38;
	[tilespmem:$0x1CD80] =	vst v63  }
0x25: {  	_ =	swait.ge [sflag:s18], $0x3000  }
0x26: {  	[sflag:s18] =	ssyncset.done $0x0  }
0x27: {  	s19 =	simm.s32 $0x1CD00;
	[sflag:s18] =	ssyncadd.s32 $0xFFFFD000  }
0x28: {  	[tilespmem:s19], [sflag:$0x2] =	stream.linear.gather [hbm4b:s8+s4], $0x80, $0x38;
	[tilespmem:$0x1CD80] =	vst v63  }
0x29: {  	_ =	swait.ge [sflag:s18], $0x80  }
0x2a: {  	[sflag:s18] =	ssyncset.done $0x0  }
0x2b: {  	[sflag:s18] =	ssyncadd.s32 $0xFFFFFF80  }
0x2c: {  	s20 =	rddreg [dreg:$0x2]  }
0x2d: {  	v4 =	vld [tilespmem:$0x1CD00];
	[tilespmem:s21], [sflag:$0x2] =	stream.linear.gather [hbm4b:s20+s4], $0x2800, $0x38  }
0x2e: {  	_ =	swait.ge [sflag:s18], $0x2800  }
0x2f: {  	[sflag:s18] =	ssyncset.done $0x0  }
0x30: {  	[sflag:s18] =	ssyncadd.s32 $0xFFFFD800  }
0x31: {  	[tilespmem:s22], [sflag:$0x2] =	stream.linear.gather [hbm4b:s10+s4], $0x140, $0x38;
	[tilespmem:$0x1CD80] =	vst v63  }
0x32: {  	_ =	swait.ge [sflag:s18], $0x140  }
0x33: {  	[sflag:s18] =	ssyncset.done $0x0  }
0x34: {  	[sflag:s18] =	ssyncadd.s32 $0xFFFFFEC0  }
0x35: {  	[tilespmem:$0x1CA00] =	vst v1  }
0x36: {  	[tilespmem:$0x1CB80] =	vst v1  }
0x37: {  	[tilespmem:$0x1CA10] =	vst v1  }
0x38: {  	[tilespmem:$0x1CB90] =	vst v1  }
0x39: {  	[tilespmem:$0x1CA20] =	vst v1  }
0x3a: {  	[tilespmem:$0x1CBA0] =	vst v1  }
0x3b: {  	[tilespmem:$0x1CA30] =	vst v1  }
0x3c: {  	[tilespmem:$0x1CBB0] =	vst v1  }
0x3d: {  	[tilespmem:$0x1CA40] =	vst v1  }
0x3e: {  	[tilespmem:$0x1CBC0] =	vst v1  }
0x3f: {  	[tilespmem:$0x1CA50] =	vst v1  }
0x40: {  	[tilespmem:$0x1CBD0] =	vst v1  }
0x41: {  	[tilespmem:$0x1CA60] =	vst v1  }
0x42: {  	[tilespmem:$0x1CBE0] =	vst v1  }
0x43: {  	[tilespmem:$0x1CA70] =	vst v1  }
0x44: {  	(v2sf) =	vpush v4, $0x0;
	[tilespmem:$0x1CBF0] =	vst v1  }
0x45: {  	[tilespmem:$0x1CA80] =	vst v1  }
0x46: {  	[tilespmem:$0x1CC00] =	vst v1  }
0x47: {  	[tilespmem:$0x1CA90] =	vst v1  }
0x48: {  	[tilespmem:$0x1CC10] =	vst v1  }
0x49: {  	[tilespmem:$0x1CAA0] =	vst v1  }
0x4a: {  	[tilespmem:$0x1CC20] =	vst v1  }
0x4b: {  	[tilespmem:$0x1CAB0] =	vst v1  }
0x4c: {  	[tilespmem:$0x1CC30] =	vst v1  }
0x4d: {  	[tilespmem:$0x1CAC0] =	vst v1  }
0x4e: {  	[tilespmem:$0x1CC40] =	vst v1  }
0x4f: {  	[tilespmem:$0x1CAD0] =	vst v1  }
0x50: {  	[tilespmem:$0x1CC50] =	vst v1  }
0x51: {  	[tilespmem:$0x1CAE0] =	vst v1  }
0x52: {  	[tilespmem:$0x1CC60] =	vst v1  }
0x53: {  	[tilespmem:$0x1CAF0] =	vst v1;
	s29 =	spop (v2sf)  }
0x54: {  	[tilespmem:$0x1CC70] =	vst v1;
	s30 =	sadd.s32 $0xF, s29  }
0x55: {  	[tilespmem:$0x1CB00] =	vst v1;
	s1 =	sand.u32 $0xF, s30  }
0x56: {  	[tilespmem:$0x1CC80] =	vst v1;
	s31 =	sshra.s32 s30, $0x1F;
	p1 =	slt.s32 s30, $0x1;
	p0 =	sne.s32 s1, $0x0  }
0x57: {  	[tilespmem:$0x1CB10] =	vst v1;
	s1 =	sshrl.u32 s31, $0x1C;
	p0 =	por !p1, !p0  }
0x58: {  	[tilespmem:$0x1CC90] =	vst v1;
	s0 =	sadd.s32 s1, s30;
	s1 =	simm.s32 $0x1;
	p0 =	por !p0, !p0  }
0x59: {  	[tilespmem:$0x1CB20] =	vst v1;
	s0 =	sshra.s32 s0, $0x4;
	s1 =	simm.s32 @!p0 $0x0  }
0x5a: {  	[tilespmem:$0x1CCA0] =	vst v1;
	s1 =	ssub.s32 s0, s1  }
0x5b: {  	[tilespmem:$0x1CB30] =	vst v1;
	p0 =	slt.s32 s1, $0x1  }
.Ltmp2:
0x5c: {  	[tilespmem:$0x1CCB0] =	vst v1;
	(pc) =	sbr.rel @p0 .LBB2_10-.Ltmp2, $4  }
0x5d: {  	[tilespmem:$0x1CB40] =	vst v1  }
0x5e: {  	[tilespmem:$0x1CCC0] =	vst v1  }
0x5f: {  	[tilespmem:$0x1CB50] =	vst v1  }
0x60: {  	[tilespmem:$0x1CCD0] =	vst v1  }
0x61: {  	s2 =	simm.s32 $0x3000  }
0x62: {  	s19 =	simm.s32 $0x0;
	v5 =	vld [tilespmem:s2+$0x0]  }
0x63: {  	v6 =	vld [tilespmem:s19+$0x0];
	_ =	sdelay $0x6  }
0x64: {  	v7 =	vld.idx.msk [tilespmem:v5+s22+$0x0], $0xffff  }
0x65: {  	v6 =	vld.idx.msk [tilespmem:v6+s21+$0x0], $0xffff;
	_ =	sdelay $0x4  }
0x66: {  	v6 =	vadd.f32 v6, v7;
	_ =	sdelay $0x1  }
0x67: {  	v7 =	vmul.f32 $2.000000030e-01, v6  }
0x68: {  	vm0 =	vgt.f32 v6, $0.0e+00  }
0x69: {  	v6 =	vsel vm0, v6, v7  }
0x6a: {  	v6 =	vmul.f32 $1.442695020e+00, v6;
	_ =	sdelay $0x1  }
0x6b: {  	(erf) = vpow2.f32 v6;
	_ =	sdelay $0x2  }
0x6c: {  	v4 =	vbroadcast v4, $0x0  }
0x6d: {  	v6 =	vor.u32 s19, v2  }
0x6e: {  	vm0 =	vlt.s32 v6, v4  }
0x6f: {  	p0 =	sne.s32 s1, $0x1  }
.Ltmp3:
0x70: {  	_ = 	snop;
	(pc) =	sbr.rel @!p0 .LBB2_4-.Ltmp3, $4  }
0x71: {  	_ = 	snop  }
0x72: {  	s30 =	simm.s32 $0x6000;
	v6 =	vpop (erf)  }
0x73: {  	s20 =	sadd.s32 $0xFFFFFFFF, s1;
	[tilespmem:s30+$0x0] =	vst v6  }
0x74: {  	s31 =	simm.s32 $0x10;
	s0 =	simm.s32 $0x3000;
	s6 =	simm.s32 $0x6000;
	[tilespmem:v5+s24+$0x0] =	vst.idx.add.f32.msk vm0, v6  }
.LBB2_3:
0x75: {  	[tilespmem:v5+s25+$0x0] =	vst.idx.add.f32.msk vm0, v3;
	s0 =	sadd.s32 $0x10, s0;
	s19 =	sadd.s32 $0x10, s19;
	s6 =	sadd.s32 $0x10, s6  }
0x76: {  	p1 =	sne.s32 s20, $0x1;
	s20 =	sadd.s32 $0xFFFFFFFF, s20;
	v5 =	vld [tilespmem:s0+$0x0]  }
0x77: {  	v6 =	vld [tilespmem:s19+$0x0];
	_ =	sdelay $0x6  }
0x78: {  	v7 =	vld.idx.msk [tilespmem:v5+s22+$0x0], $0xffff  }
0x79: {  	v6 =	vld.idx.msk [tilespmem:v6+s21+$0x0], $0xffff;
	_ =	sdelay $0x5  }
0x7a: {  	v6 =	vadd.f32 v6, v7;
	_ =	sdelay $0x1  }
0x7b: {  	v7 =	vmul.f32 $2.000000030e-01, v6  }
0x7c: {  	vm0 =	vgt.f32 v6, $0.0e+00  }
0x7d: {  	v6 =	vsel vm0, v6, v7  }
0x7e: {  	v6 =	vmul.f32 $1.442695020e+00, v6;
	_ =	sdelay $0x1  }
0x7f: {  	(erf) = vpow2.f32 v6;
	_ =	sdelay $0x3  }
0x80: {  	v6 =	vor.u32 s31, v2  }
0x81: {  	vm0 =	vlt.s32 v6, v4;
	_ =	sdelay $0x1  }
.Ltmp4:
0x82: {  	(pc) =	sbr.rel @p1 .LBB2_3-.Ltmp4, $4  }
0x83: {  	_ = 	snop  }
0x84: {  	v6 =	vpop (erf)  }
0x85: {  	[tilespmem:s6+$0x0] =	vst v6  }
0x86: {  	s31 =	sadd.s32 $0x10, s31;
	[tilespmem:v5+s24+$0x0] =	vst.idx.add.f32.msk vm0, v6  }
.LBB2_4:
0x87: {  	_ =	sdelay $0x1  }
.Ltmp5:
0x88: {  	_ = 	snop;
	(pc) =	sbr.rel @!p0 .LBB2_5-.Ltmp5, $3  }
0x89: {  	_ =	sdelay $0x1  }
0x8a: {  	[tilespmem:v5+s25+$0x0] =	vst.idx.add.f32.msk vm0, v3  }
0x8b: {  	s0 =	sadd.s32 $0xFFFFFFFF, s1;
	p1 =	por $0x0, $0x0;
	v4 =	vld [tilespmem:s2+$0x0]  }
0x8c: {  	_ =	sdelay $0x7  }
0x8d: {  	v4 =	vld.idx.msk [tilespmem:v4+s24+$0x0], $0xffff;
	_ =	sdelay $0x4  }
0x8e: {  	v4 =	vadd.f32 $1.000000020e-16, v4;
	_ =	sdelay $0x1  }
0x8f: {  	(erf) = vrcp.f32 v4;
	_ =	sdelay $0x4  }
0x90: {  	v4 =	vld [tilespmem:s30+$0x0];
	_ =	sdelay $0x2  }
0x91: {  	p0 =	sne.s32 s0, $0x1  }
.Ltmp6:
0x92: {  	v5 =	vpop (erf);
	(pc) =	sbr.rel @!p0 .LBB2_7-.Ltmp6, $3  }
0x93: {  	v4 =	vmul.f32 v5, v4;
	_ =	sdelay $0x1  }
0x94: {  	s1 =	simm.s32 $0x3010;
	[tilespmem:s30+$0x0] =	vst v4  }
0x95: {  	s2 =	sadd.s32 $0xFFFFFFFF, s0;
	p1 =	por $0x1, $0x1;
	s0 =	simm.s32 $0x6000;
	v4 =	vld [tilespmem:s1+$0x0]  }
.LBB2_8:
0x96: {  	p0 =	sne.s32 s2, $0x1;
	_ =	sdelay $0x6  }
0x97: {  	v4 =	vld.idx.msk [tilespmem:v4+s24+$0x0], $0xffff;
	_ =	sdelay $0x5  }
0x98: {  	v4 =	vadd.f32 $1.000000020e-16, v4;
	_ =	sdelay $0x1  }
0x99: {  	(erf) = vrcp.f32 v4;
	_ =	sdelay $0x3  }
0x9a: {  	s0 =	sadd.s32 $0x10, s0  }
0x9b: {  	v4 =	vld [tilespmem:s0+$0x0];
	_ =	sdelay $0x3  }
.Ltmp7:
0x9c: {  	v5 =	vpop (erf);
	(pc) =	sbr.rel @p0 .LBB2_8-.Ltmp7, $3  }
0x9d: {  	v4 =	vmul.f32 v5, v4;
	_ =	sdelay $0x1  }
0x9e: {  	s1 =	sadd.s32 $0x10, s1;
	[tilespmem:s0+$0x0] =	vst v4  }
0x9f: {  	s2 =	sadd.s32 $0xFFFFFFFF, s2;
	v4 =	vld [tilespmem:s1+$0x0]  }
.LBB2_9:
0xa0: {  	_ =	sdelay $0x7  }
0xa1: {  	v4 =	vld.idx.msk [tilespmem:v4+s24+$0x0], $0xffff;
	_ =	sdelay $0x4  }
0xa2: {  	v4 =	vadd.f32 $1.000000020e-16, v4;
	_ =	sdelay $0x1  }
0xa3: {  	(erf) = vrcp.f32 v4;
	_ =	sdelay $0x2  }
0xa4: {  	s0 =	sadd.s32 @p1 $0x10, s0  }
0xa5: {  	s30 =	smov.u32 @p1 s0  }
0xa6: {  	v4 =	vld [tilespmem:s30+$0x0];
	_ =	sdelay $0x3  }
0xa7: {  	v5 =	vpop (erf)  }
0xa8: {  	v4 =	vmul.f32 v5, v4;
	_ =	sdelay $0x1  }
0xa9: {  	[tilespmem:s30+$0x0] =	vst v4  }
.LBB2_10:
0xaa: {  	s0 =	simm.s32 $0x0;
	s1 =	simm.s32 $0x200  }
.LBB2_11:
0xab: {  	p0 =	sne.s32 s1, $0xFE00;
	[tilespmem:s0+$0x160F0] =	vst v1  }
0xac: {  	[tilespmem:s0+$0x16080] =	vst v1  }
0xad: {  	[tilespmem:s0+$0x16090] =	vst v1  }
.Ltmp8:
0xae: {  	[tilespmem:s0+$0x160A0] =	vst v1;
	(pc) =	sbr.rel @p0 .LBB2_11-.Ltmp8, $4  }
0xaf: {  	[tilespmem:s0+$0x160B0] =	vst v1  }
0xb0: {  	[tilespmem:s0+$0x160C0] =	vst v1  }
0xb1: {  	[tilespmem:s0+$0x160D0] =	vst v1  }
0xb2: {  	[tilespmem:s0+$0x160E0] =	vst v1;
	s0 =	sshra.s32 s1, $0x2;
	s1 =	sadd.s32 $0x200, s1  }
0xb3: {  	[tilespmem:s0+$0x160F0] =	vst v1  }
0xb4: {  	[tilespmem:s0+$0x16080] =	vst v1  }
0xb5: {  	[tilespmem:s0+$0x16090] =	vst v1  }
0xb6: {  	[tilespmem:s0+$0x160A0] =	vst v1  }
0xb7: {  	[tilespmem:s0+$0x160B0] =	vst v1  }
0xb8: {  	[tilespmem:s0+$0x160C0] =	vst v1  }
0xb9: {  	[tilespmem:s0+$0x160D0] =	vst v1  }
0xba: {  	s1 =	sadd.s32 $0x7F, s29;
	[tilespmem:s0+$0x160E0] =	vst v1  }
0xbb: {  	[spmem:s9] =	stream.linear.scatter [tilespmem:s26], [sflag:$0x2], $0x4000, $0x38;
	[tilespmem:$0x1CD80] =	vst v63  }
0xbc: {  	s20 =	sshra.s32 s1, $0x1F;
	s2 =	sand.u32 $0x7F, s1;
	p0 =	slt.s32 s1, $0x1  }
0xbd: {  	s0 =	sshrl.u32 s20, $0x19;
	_ =	swait.ge [sflag:s18], $0x4000;
	p1 =	sne.s32 s2, $0x0  }
0xbe: {  	[sflag:s18] =	ssyncset.done $0x0;
	s0 =	sadd.s32 s0, s1;
	p0 =	por !p0, !p1  }
0xbf: {  	s1 =	simm.s32 $0x1;
	[sflag:s18] =	ssyncadd.s32 $0xFFFFC000;
	p0 =	por !p0, !p0  }
0xc0: {  	[spmem:s11] =	stream.linear.scatter [tilespmem:s26], [sflag:$0x2], $0x4000, $0x38;
	[tilespmem:$0x1CD80] =	vst v63  }
0xc1: {  	s0 =	sshra.s32 s0, $0x7;
	s1 =	simm.s32 @!p0 $0x0  }
0xc2: {  	s29 =	ssub.s32 s0, s1  }
0xc3: {  	s0 =	sadd.s32 $0x1, s29  }
0xc4: {  	s30 =	sand.u32 $0x1, s0  }
0xc5: {  	p5 =	slt.s32 s29, $0x0;
	p6 =	seq.s32 s30, $0x1  }
0xc6: {  	s31 =	sshrl.u32 s0, $0x1F;
	p0 =	por !p5, !p6  }
0xc7: {  	s1 =	simm.s32 $0x1;
	s0 =	sadd.s32 s31, s0;
	p0 =	por !p0, !p0  }
0xc8: {  	s0 =	sshra.s32 s0, $0x1;
	s1 =	simm.s32 @!p0 $0x0  }
0xc9: {  	_ =	swait.ge [sflag:s18], $0x4000;
	s0 =	ssub.s32 s0, s1  }
0xca: {  	[sflag:s18] =	ssyncset.done $0x0;
	p0 =	slt.s32 s0, $0x1  }
.Ltmp9:
0xcb: {  	[sflag:s18] =	ssyncadd.s32 $0xFFFFC000;
	(pc) =	sbr.rel @p0 .LBB2_19-.Ltmp9, $4  }
0xcc: {  	[spmem:s12] =	stream.linear.scatter [tilespmem:s26], [sflag:$0x2], $0x2080, $0x38;
	[tilespmem:$0x1CD80] =	vst v63  }
0xcd: {  	_ =	swait.ge [sflag:s18], $0x2080  }
0xce: {  	[sflag:s18] =	ssyncset.done $0x0  }
0xcf: {  	[sflag:s18] =	ssyncadd.s32 $0xFFFFDF80  }
0xd0: {  	s1 =	sshll.u32 s0, $0x4  }
0xd1: {  	p1 =	seq.s32 s1, $0x1  }
.Ltmp10:
0xd2: {  	_ = 	snop;
	(pc) =	sbr.rel @p1 .LBB2_14-.Ltmp10, $3  }
0xd3: {  	_ =	sdelay $0x1  }
0xd4: {  	s0 =	simm.s32 $0x0  }
0xd5: {  	s6 =	simm.s32 $0x0;
	p0 =	por $0x0, $0x0;
	s2 =	sadd.s32 $0xFFFFFFFF, s1  }
0xd6: {  	v4 =	vld [tilespmem:s6+$0x3000]  }
0xd7: {  	p1 =	seq.s32 s2, $0x1  }
.Ltmp11:
0xd8: {  	_ = 	snop;
	(pc) =	sbr.rel @p1 .LBB2_16-.Ltmp11, $4  }
0xd9: {  	s1 =	sand.u32 $0xFFFFFE00, s0  }
0xda: {  	s31 =	sand.u32 $0x70, s0;
	s1 =	sshra.s32 s1, $0x2  }
0xdb: {  	s6 =	simm.s32 $0x10;
	s19 =	sadd.s32 $0xFFFFFFFF, s2;
	s20 =	sor.u32 s31, s1;
	v4 =	vadd.s32 v0, v4  }
0xdc: {  	p0 =	por $0x1, $0x1;
	s2 =	simm.s32 $0x0;
	s1 =	simm.s32 $0x40;
	[tilespmem:s20+$0x13080] =	vst v4  }
.LBB2_17:
0xdd: {  	p1 =	seq.s32 s19, $0x1;
	v4 =	vld [tilespmem:s6+$0x3000];
	_ =	sdelay $0x1  }
.Ltmp12:
0xde: {  	(pc) =	sbr.rel @!p1 .LBB2_17-.Ltmp12, $4  }
0xdf: {  	s6 =	sand.u32 $0xFFFFFE00, s1;
	s2 =	sadd.s32 $0x10, s2  }
0xe0: {  	s20 =	sand.u32 $0x70, s2;
	s6 =	sshra.s32 s6, $0x2  }
0xe1: {  	s1 =	sadd.s32 $0x40, s1;
	s20 =	sor.u32 s20, s6;
	v4 =	vadd.s32 v0, v4  }
0xe2: {  	s19 =	sadd.s32 $0xFFFFFFFF, s19;
	s6 =	sshra.s32 s1, $0x2;
	[tilespmem:s20+$0x13080] =	vst v4  }
.LBB2_18:
0xe3: {  	v4 =	vld [tilespmem:s6+$0x3000];
	_ =	sdelay $0x1  }
0xe4: {  	s2 =	sadd.s32 @p0 $0x10, s2  }
0xe5: {  	s1 =	sand.u32 $0xFFFFFE00, s1;
	s0 =	smov.u32 @p0 s2  }
0xe6: {  	s1 =	sshra.s32 s1, $0x2;
	s0 =	sand.u32 $0x70, s0  }
0xe7: {  	s0 =	sor.u32 s0, s1;
	v4 =	vadd.s32 v0, v4  }
0xe8: {  	[tilespmem:s0+$0x13080] =	vst v4  }
.LBB2_19:
0xe9: {  	p0 =	sgt.s32 s29, $0x0  }
.Ltmp13:
0xea: {  	_ = 	snop;
	(pc) =	sbr.rel @!p0 .LBB2_23-.Ltmp13, $2  }
0xeb: {  	_ =	sdelay $0x2  }
0xec: {  	s30 =	simm.s32 $0x0;
	s31 =	simm.s32 $0x6000  }
.LBB2_20:
0xed: {  	s0 =	sshll.u32 s30, $0x9  }
0xee: {  	s0 =	sshra.s32 s0, $0x2  }
0xef: {  	[tilespmem:s26], [sflag:$0x1] =	stream.indirect.gather [hbm4b:s5+s16], $0x80, s0, s16, $0xb8;
	[tilespmem:$0x1CD80] =	vst v63  }
0xf0: {  	_ =	swait.ge [sflag:s23], $0x4000  }
0xf1: {  	[sflag:s23] =	ssyncset.done $0x0  }
0xf2: {  	s2 =	simm.s32 $0x16100;
	[sflag:s23] =	ssyncadd.s32 $0xFFFFC000  }
0xf3: {  	s20 =	sadd.s32 $0x0, s31;
	v5 =	vld [tilespmem:s2+$0xFFFFFF80]  }
0xf4: {  	v6 =	vld.msk [tilespmem:s20+$0x0 ss:$0x0], $0xffff  }
0xf5: {  	v7 =	vld [tilespmem:s2+$0xFFFFFF90]  }
0xf6: {  	v8 =	vld [tilespmem:s2+$0xFFFFFFA0]  }
0xf7: {  	v9 =	vld [tilespmem:s2+$0xFFFFFFB0]  }
0xf8: {  	v11 =	vld [tilespmem:s2+$0xFFFFFFD0]  }
0xf9: {  	v10 =	vld [tilespmem:s2+$0xFFFFFFC0]  }
0xfa: {  	v4 =	vld [tilespmem:s2+$0xFFFFFFF0];
	v7 =	vmul.f32 v7, v6  }
0xfb: {  	v12 =	vld [tilespmem:s2+$0xFFFFFFE0];
	v8 =	vmul.f32 v8, v6  }
0xfc: {  	v13 =	vld.msk [tilespmem:s20+$0x1 ss:$0x0], $0xffff;
	v9 =	vmul.f32 v9, v6;
	[tilespmem:s2+$0xFFFFFF90] =	vst v7  }
0xfd: {  	v63 =	vld [tilespmem:s2+$0x20];
	v11 =	vmul.f32 v11, v6;
	[tilespmem:s2+$0xFFFFFFA0] =	vst v8  }
0xfe: {  	v5 =	vmul.f32 v5, v6;
	v7 =	vmul.f32 v10, v6;
	v10 =	vld [tilespmem:s2+$0x0];
	[tilespmem:s2+$0xFFFFFFB0] =	vst v9  }
0xff: {  	v8 =	vld [tilespmem:s2+$0x10];
	[tilespmem:s2+$0xFFFFFFD0] =	vst v11  }
0x100: {  	v4 =	vmul.f32 v4, v6;
	v9 =	vmul.f32 v12, v6;
	v6 =	vld [tilespmem:s2+$0x40];
	[tilespmem:s2+$0xFFFFFF80] =	vst v5  }
0x101: {  	[tilespmem:s2+$0xFFFFFFC0] =	vst v7;
	v7 =	vld [tilespmem:s2+$0x30]  }
0x102: {  	v5 =	vmul.f32 v63, v13;
	[tilespmem:s2+$0xFFFFFFE0] =	vst v9;
	v9 =	vld [tilespmem:s2+$0x50]  }
0x103: {  	[tilespmem:s2+$0xFFFFFFF0] =	vst v4;
	v11 =	vld [tilespmem:s2+$0x60];
	v10 =	vmul.f32 v10, v13  }
0x104: {  	[tilespmem:s2+$0x20] =	vst v5;
	v4 =	vmul.f32 v8, v13;
	v8 =	vld [tilespmem:s2+$0x70]  }
0x105: {  	v6 =	vmul.f32 v6, v13;
	[tilespmem:s2+$0x0] =	vst v10  }
0x106: {  	s1 =	simm.s32 $0x16200;
	v7 =	vmul.f32 v7, v13;
	[tilespmem:s2+$0x10] =	vst v4  }
0x107: {  	v5 =	vld [tilespmem:s1+$0xFFFFFF80];
	v9 =	vmul.f32 v9, v13;
	[tilespmem:s2+$0x40] =	vst v6  }
0x108: {  	v10 =	vmul.f32 v11, v13;
	v4 =	vld [tilespmem:s1+$0xFFFFFFF0];
	[tilespmem:s2+$0x30] =	vst v7  }
0x109: {  	v6 =	vld [tilespmem:s1+$0xFFFFFFE0];
	[tilespmem:s2+$0x50] =	vst v9;
	v8 =	vmul.f32 v8, v13  }
0x10a: {  	s19 =	sshll.u32 s30, $0x7;
	s0 =	simm.s32 $0x2;
	s20 =	simm.s32 $0x10;
	v7 =	vld [tilespmem:s1+$0xFFFFFFC0];
	[tilespmem:s2+$0x60] =	vst v10  }
.LBB2_21:
0x10b: {  	p0 =	sne.s32 s20, $0x1F8;
	s0 =	sadd.s32 s0, s31;
	v9 =	vld [tilespmem:s1+$0xFFFFFFA0];
	[tilespmem:s2+$0x70] =	vst v8;
	s2 =	smov.u32 s1  }
0x10c: {  	v8 =	vld.msk [tilespmem:s0+$0x0 ss:$0x0], $0xffff  }
0x10d: {  	v10 =	vld [tilespmem:s1+$0xFFFFFF90]  }
0x10e: {  	v11 =	vld [tilespmem:s1+$0xFFFFFFB0]  }
0x10f: {  	v12 =	vld [tilespmem:s1+$0xFFFFFFD0]  }
0x110: {  	v13 =	vld [tilespmem:s1+$0x70]  }
0x111: {  	v14 =	vld [tilespmem:s1+$0x50]  }
0x112: {  	v9 =	vmul.f32 v9, v8;
	v15 =	vld [tilespmem:s1+$0x30];
	v10 =	vmul.f32 v10, v8  }
0x113: {  	v7 =	vmul.f32 v7, v8;
	v16 =	vld [tilespmem:s1+$0x10];
	v11 =	vmul.f32 v11, v8  }
0x114: {  	v6 =	vmul.f32 v6, v8;
	v17 =	vld.msk [tilespmem:s0+$0x1 ss:$0x0], $0xffff;
	[tilespmem:s1+$0xFFFFFF90] =	vst v10;
	v10 =	vmul.f32 v12, v8  }
0x115: {  	v5 =	vmul.f32 v5, v8;
	v4 =	vmul.f32 v4, v8;
	v12 =	vld [tilespmem:s1+$0x0];
	[tilespmem:s1+$0xFFFFFFA0] =	vst v9  }
0x116: {  	v8 =	vld [tilespmem:s1+$0x20];
	[tilespmem:s1+$0xFFFFFFB0] =	vst v11  }
0x117: {  	v9 =	vld [tilespmem:s1+$0x40];
	[tilespmem:s1+$0xFFFFFFC0] =	vst v7  }
0x118: {  	v7 =	vld [tilespmem:s1+$0x60];
	[tilespmem:s1+$0xFFFFFFD0] =	vst v10  }
0x119: {  	[tilespmem:s1+$0xFFFFFFE0] =	vst v6  }
0x11a: {  	v10 =	vmul.f32 v16, v17;
	v6 =	vmul.f32 v12, v17;
	[tilespmem:s1+$0xFFFFFFF0] =	vst v4  }
0x11b: {  	[tilespmem:s1+$0xFFFFFF80] =	vst v5;
	v4 =	vmul.f32 v8, v17;
	v5 =	vmul.f32 v15, v17  }
0x11c: {  	[tilespmem:s1+$0x0] =	vst v6;
	v6 =	vmul.f32 v9, v17;
	v9 =	vmul.f32 v14, v17  }
0x11d: {  	v8 =	vmul.f32 v13, v17;
	[tilespmem:s1+$0x10] =	vst v10;
	v10 =	vmul.f32 v7, v17  }
.Ltmp14:
0x11e: {  	s1 =	sadd.s32 $0x100, s1;
	[tilespmem:s2+$0x20] =	vst v4;
	(pc) =	sbr.rel @p0 .LBB2_21-.Ltmp14, $4  }
0x11f: {  	v4 =	vld [tilespmem:s1+$0xFFFFFFF0];
	[tilespmem:s2+$0x30] =	vst v5  }
0x120: {  	v5 =	vld [tilespmem:s1+$0xFFFFFF80];
	[tilespmem:s2+$0x40] =	vst v6  }
0x121: {  	v6 =	vld [tilespmem:s1+$0xFFFFFFE0];
	[tilespmem:s2+$0x50] =	vst v9  }
0x122: {  	s0 =	sshra.s32 s20, $0x2;
	s20 =	sadd.s32 $0x8, s20;
	v7 =	vld [tilespmem:s1+$0xFFFFFFC0];
	[tilespmem:s2+$0x60] =	vst v10  }
0x123: {  	s0 =	sadd.s32 s0, s31;
	[tilespmem:s2+$0x70] =	vst v8;
	v9 =	vld [tilespmem:s1+$0xFFFFFF90]  }
0x124: {  	v8 =	vld.msk [tilespmem:s0+$0x0 ss:$0x0], $0xffff  }
0x125: {  	v10 =	vld [tilespmem:s1+$0xFFFFFFA0]  }
0x126: {  	v11 =	vld [tilespmem:s1+$0xFFFFFFB0];
	_ =	sdelay $0x1  }
0x127: {  	v12 =	vld [tilespmem:s1+$0xFFFFFFD0]  }
0x128: {  	v9 =	vmul.f32 v9, v8  }
0x129: {  	v10 =	vmul.f32 v10, v8  }
0x12a: {  	v13 =	vld.msk [tilespmem:s0+$0x1 ss:$0x0], $0xffff;
	v11 =	vmul.f32 v11, v8;
	[tilespmem:s1+$0xFFFFFF90] =	vst v9  }
0x12b: {  	v62 =	vld [tilespmem:s1+$0x40];
	v7 =	vmul.f32 v7, v8;
	[tilespmem:s1+$0xFFFFFFA0] =	vst v10  }
0x12c: {  	v58 =	vld [tilespmem:s1+$0x0];
	v12 =	vmul.f32 v12, v8;
	[tilespmem:s1+$0xFFFFFFB0] =	vst v11  }
0x12d: {  	v59 =	vld [tilespmem:s1+$0x10];
	v6 =	vmul.f32 v6, v8;
	[tilespmem:s1+$0xFFFFFFC0] =	vst v7  }
0x12e: {  	v60 =	vld [tilespmem:s1+$0x20];
	v4 =	vmul.f32 v4, v8;
	[tilespmem:s1+$0xFFFFFFD0] =	vst v12  }
0x12f: {  	v61 =	vld [tilespmem:s1+$0x30];
	v5 =	vmul.f32 v5, v8;
	[tilespmem:s1+$0xFFFFFFE0] =	vst v6  }
0x130: {  	v63 =	vld [tilespmem:s1+$0x50];
	v8 =	vmul.f32 v62, v13;
	[tilespmem:s1+$0xFFFFFFF0] =	vst v4  }
0x131: {  	v9 =	vmul.f32 v58, v13;
	v4 =	vld [tilespmem:s1+$0x60];
	[tilespmem:s1+$0xFFFFFF80] =	vst v5  }
0x132: {  	v10 =	vmul.f32 v59, v13;
	v5 =	vld [tilespmem:s1+$0x70];
	[tilespmem:s1+$0x40] =	vst v8  }
0x133: {  	v11 =	vmul.f32 v60, v13;
	[tilespmem:s1+$0x0] =	vst v9  }
0x134: {  	v7 =	vmul.f32 v61, v13;
	[tilespmem:s1+$0x10] =	vst v10  }
0x135: {  	v6 =	vmul.f32 v63, v13;
	[tilespmem:s1+$0x20] =	vst v11  }
0x136: {  	[tilespmem:s1+$0x30] =	vst v7;
	v4 =	vmul.f32 v4, v13  }
0x137: {  	[tilespmem:s1+$0x50] =	vst v6;
	v5 =	vmul.f32 v5, v13  }
0x138: {  	s30 =	sadd.s32 $0x1, s30;
	[tilespmem:s1+$0x60] =	vst v4  }
0x139: {  	s20 =	sadd.s32 $0x13080, s19;
	p0 =	sne.s32 s30, s29;
	[tilespmem:s1+$0x70] =	vst v5  }
0x13a: {  	[spmem:s3] =	stream.indirect.scatter.add.f32 [tilespmem:s26], [sflag:$0x1], $0x80, s20, s16, $0xb8;
	[tilespmem:$0x1CD80] =	vst v63  }
.Ltmp15:
0x13b: {  	_ = 	snop;
	(pc) =	sbr.rel @p0 .LBB2_20-.Ltmp15, $4  }
.Ltmp16:
0x13c: {  	_ = 	snop;
	(pc) =	sbr.rel @!p0 .LBB2_23-.Ltmp16, $4  }
0x13d: {  	_ =	swait.ge [sflag:s23], $0x4000  }
0x13e: {  	[sflag:s23] =	ssyncset.done $0x0  }
0x13f: {  	s31 =	sadd.s32 $0x80, s31;
	[sflag:s23] =	ssyncadd.s32 $0xFFFFC000  }
0x140: {  	_ = 	snop  }
.LBB2_5:
.Ltmp17:
0x141: {  	(pc) =	sbr.rel .LBB2_9-.Ltmp17, $2  }
0x142: {  	_ =	sdelay $0x2  }
0x143: {  	s0 =	simm.s32 $0x6000  }
.LBB2_14:
.Ltmp18:
0x144: {  	(pc) =	sbr.rel .LBB2_18-.Ltmp18, $2  }
0x145: {  	_ =	sdelay $0x2  }
0x146: {  	s1 =	simm.s32 $0x0;
	s2 =	simm.s32 $0x0  }
.LBB2_7:
.Ltmp19:
0x147: {  	(pc) =	sbr.rel .LBB2_9-.Ltmp19, $2  }
0x148: {  	_ =	sdelay $0x2  }
0x149: {  	s0 =	simm.s32 $0x6000  }
.LBB2_16:
.Ltmp20:
0x14a: {  	(pc) =	sbr.rel .LBB2_18-.Ltmp20, $2  }
0x14b: {  	_ =	sdelay $0x2  }
0x14c: {  	s2 =	simm.s32 $0x0  }
.LBB2_24:
0x14d: {  	_ =	sfence.sel $0x180000  }
0x14e: {  	[bflag:$0x0] =	sbarrier.arrive $0xFFFF  }
0x14f: {  	_ =	strace $0x9000004A  }
0x150: {  	s0 =	stileid.u32;
	[bflag:$0x2] =	sbarrier.arrive $0xFFFF  }
0x151: {  	p0 =	sne.s32 s0, $0x0;
	s0 =	rddreg [dreg:$0x4]  }
0x152: {  	s0 =	sadd.s32 @!p0 $0x100000, s0  }
0x153: {  	[sflag:s0] =	ssyncadd.tile.s32 @!p0 $0x1;
	_ =	shalt  }
.Lfunc_end2:
_tile_overlayer_lowered:
.L_overlay_start_2:
0x154: {  	(tag) =	ssettag $0x2  }
0x155: {  	s0 =	rddreg [dreg:$0x0];
	s2 =	stileid.u32  }
0x156: {  	s1 =	rddreg [dreg:$0x1];
	p0 =	sne.s32 s2, $0x0  }
0x157: {  	s3 =	rddreg [dreg:$0x2];
	[bflag:$0x3] =	sbarrier.arrive $0xFFFF;
	s2 =	simm.s32 @!p0 $0x1C02  }
0x158: {  	[timem:s3], [sflag:s2] =	dma.local @!p0 [hbm:s0], s1  }
0x159: {  	s0 =	simm.s32 @!p0 $0x2  }
0x15a: {  	_ =	swait.ge @!p0 [sflag:s0], s1  }
0x15b: {  	s1 =	ssub.s32 @!p0 $0x0, s1;
	[sflag:s0] =	ssyncset.done @!p0 $0x0  }
0x15c: {  	[sflag:s0] =	ssyncadd.s32 @!p0 s1  }
0x15d: {  	[bflag:$0x3] =	sbarrier.arrive $0xFFFF  }
0x15e: {  	_ =	shalt  }

// kernel: kernel.15.cloned.1.call-start
scs
__scs_entry_jumppad:
0x0: {  	(pc) =	sbr.rel $0x88, $3  }
0x1: {  	(tag) =	ssettag $0x0;
	lr =	simm.s32 $0x1  }
0x2: {  	[smem:$0x3F96] =	sst lr;
	_ =	strace $0xD0000000  }
0x3: {  	_ = 	snop  }
0x4: {  	_ = 	snop  }
0x5: {  	_ = 	snop  }
0x6: {  	_ = 	snop  }
0x7: {  	_ = 	snop  }
__scs_overlays_trampoline_lowered:
0x8: {  	[smem:$0x3FA5] =	sst s0  }
0x9: {  	[smem:$0x3FA6] =	sst s1  }
0xa: {  	[smem:$0x3FA7] =	sst s2  }
0xb: {  	[smem:$0x3FA8] =	sst s3  }
0xc: {  	[smem:$0x3FA9] =	sst s4  }
0xd: {  	[smem:$0x3FAA] =	sst s5  }
0xe: {  	[smem:$0x3FAB] =	sst s6  }
0xf: {  	[smem:$0x3FAC] =	sst s7  }
0x10: {  	[smem:$0x3FAD] =	sst s8  }
0x11: {  	[smem:$0x3FAE] =	sst s9;
	s0 =	simm.s32 @!p0 $0x0  }
0x12: {  	s1 =	sld [smem:$0x3F94];
	s0 =	simm.s32 @p0 $0x1  }
0x13: {  	[smem:$0x3FAF] =	sst s0;
	s0 =	simm.s32 @!p1 $0x0  }
0x14: {  	s2 =	sld [smem:$0x3F93];
	s0 =	simm.s32 @p1 $0x1  }
0x15: {  	[smem:$0x3FB0] =	sst s0;
	s0 =	simm.s32 @!p2 $0x0  }
0x16: {  	s3 =	sld [smem:$0x3FDB];
	s0 =	simm.s32 @p2 $0x1  }
0x17: {  	s4 =	simm.s32 $0x1BF5;
	[smem:$0x3FB2] =	sst s0  }
0x18: {  	s0 =	sld [smem:$0x3F95];
	_ =	swait.ge [sflag:s4], $0x0  }
0x19: {  	s7 =	sld [smem:$0x3F96]  }
0x1a: {  	s8 =	sadd.s32 $0xFFFFE003, lr  }
0x1b: {  	s9 =	sadd.s32 $0xFFFFFEF7, lr;
	s5 =	simm.s32 $0xFFFFFFFF;
	p2 =	slt.u32 s8, $0xFFFFF086  }
0x1c: {  	p1 =	slt.u32 s9, $0xF7A;
	s5 =	simm.s32 @!p2 $0x0  }
0x1d: {  	s5 =	simm.s32 @p1 $0x1;
	p0 =	seq.s32 s7, s2  }
0x1e: {  	s7 =	smul.u32 @!p0 $0xF7A, s2;
	p2 =	seq.s32 @!p0 s5, $0x0  }
0x1f: {  	s9 =	smul.u32 $0xF7A, s1;
	s8 =	simm.s32 @!p0 $0x1BF5;
	p2 =	por !p2, p0  }
0x20: {  	[sflag:s8] =	ssyncset.s32 @!p0 $0xFFFFF086;
	s6 =	sadd.s32 @!p0 s3, s7;
	s7 =	simm.s32 @!p0 $0x108  }
0x21: {  	s3 =	sadd.s32 s3, s9;
	s6 =	sadd.s32 @!p0 $0x88, s6;
	s7 =	simm.s32 @p2 $0x1082  }
0x22: {  	[simem:s7], [sflag:s8] =	dma.local @!p0 [hbm:s6], $0xF7A  }
0x23: {  	s9 =	sor.u32 $0xD0000000, s2;
	s6 =	simm.s32 $0x108;
	_ =	swait.ge @!p0 [sflag:s8], $0x0  }
0x24: {  	s3 =	sadd.s32 $0x88, s3;
	s6 =	simm.s32 @!p1 $0x1082;
	[sflag:s4] =	ssyncset.s32 $0xFFFFF086  }
0x25: {  	[simem:s6], [sflag:s4] =	dma.local [hbm:s3], $0xF7A  }
0x26: {  	[smem:$0x3F96] =	sst s1;
	(tag) =	ssettag s2;
	_ =	strace s9  }
0x27: {  	s1 =	sld [smem:$0x3FA6]  }
0x28: {  	s2 =	sld [smem:$0x3FA7]  }
0x29: {  	s4 =	sld [smem:$0x3FA9]  }
0x2a: {  	p0 =	seq.s32 s5, $0x0;
	s5 =	sld [smem:$0x3FAA]  }
0x2b: {  	s6 =	sld [smem:$0x3FAB]  }
0x2c: {  	s7 =	sld [smem:$0x3FAC]  }
0x2d: {  	s3 =	simm.s32 $0x108;
	s8 =	sld [smem:$0x3FAD]  }
0x2e: {  	s3 =	simm.s32 @!p0 $0x1082;
	s9 =	sld [smem:$0x3FAE]  }
0x2f: {  	lr =	sadd.s32 s0, s3;
	s0 =	sld [smem:$0x3FA5]  }
0x30: {  	s3 =	sld [smem:$0x3FA8]  }
0x31: {  	[smem:$0x3FB1] =	sst s10  }
0x32: {  	s10 =	sld [smem:$0x3FAF];
	_ =	sdelay $0x3  }
0x33: {  	p0 =	seq.s32 s10, $0x1;
	s10 =	sld [smem:$0x3FB1];
	_ =	sdelay $0x3  }
0x34: {  	[smem:$0x3FB1] =	sst s10  }
0x35: {  	s10 =	sld [smem:$0x3FB0];
	_ =	sdelay $0x3  }
0x36: {  	p1 =	seq.s32 s10, $0x1;
	s10 =	sld [smem:$0x3FB1];
	_ =	sdelay $0x3  }
0x37: {  	[smem:$0x3FB1] =	sst s10  }
0x38: {  	s10 =	sld [smem:$0x3FB2]  }
0x39: {  	_ = 	snop;
	(pc) =	sbr.ind lr, $3  }
0x3a: {  	_ = 	snop  }
0x3b: {  	_ = 	snop  }
0x3c: {  	p2 =	seq.s32 s10, $0x1;
	s10 =	sld [smem:$0x3FB1]  }
0x3d: {  	_ =	shalt  }
0x3e: {  	_ =	shalt  }
0x3f: {  	_ =	shalt  }
0x40: {  	_ =	shalt  }
0x41: {  	_ =	shalt  }
0x42: {  	_ =	shalt  }
0x43: {  	_ =	shalt  }
0x44: {  	_ =	shalt  }
0x45: {  	_ =	shalt  }
0x46: {  	_ =	shalt  }
0x47: {  	_ =	shalt  }
0x48: {  	_ =	shalt  }
0x49: {  	_ =	shalt  }
0x4a: {  	_ =	shalt  }
0x4b: {  	_ =	shalt  }
0x4c: {  	_ =	shalt  }
0x4d: {  	_ =	shalt  }
0x4e: {  	_ =	shalt  }
0x4f: {  	_ =	shalt  }
0x50: {  	_ =	shalt  }
0x51: {  	_ =	shalt  }
0x52: {  	_ =	shalt  }
0x53: {  	_ =	shalt  }
0x54: {  	_ =	shalt  }
0x55: {  	_ =	shalt  }
0x56: {  	_ =	shalt  }
0x57: {  	_ =	shalt  }
0x58: {  	_ =	shalt  }
0x59: {  	_ =	shalt  }
0x5a: {  	_ =	shalt  }
0x5b: {  	_ =	shalt  }
0x5c: {  	_ =	shalt  }
0x5d: {  	_ =	shalt  }
0x5e: {  	_ =	shalt  }
0x5f: {  	_ =	shalt  }
0x60: {  	_ =	shalt  }
0x61: {  	_ =	shalt  }
0x62: {  	_ =	shalt  }
0x63: {  	_ =	shalt  }
0x64: {  	_ =	shalt  }
0x65: {  	_ =	shalt  }
0x66: {  	_ =	shalt  }
0x67: {  	_ =	shalt  }
0x68: {  	_ =	shalt  }
0x69: {  	_ =	shalt  }
0x6a: {  	_ =	shalt  }
0x6b: {  	_ =	shalt  }
0x6c: {  	_ =	shalt  }
0x6d: {  	_ =	shalt  }
0x6e: {  	_ =	shalt  }
0x6f: {  	_ =	shalt  }
0x70: {  	_ =	shalt  }
0x71: {  	_ =	shalt  }
0x72: {  	_ =	shalt  }
0x73: {  	_ =	shalt  }
0x74: {  	_ =	shalt  }
0x75: {  	_ =	shalt  }
0x76: {  	_ =	shalt  }
0x77: {  	_ =	shalt  }
0x78: {  	_ =	shalt  }
0x79: {  	_ =	shalt  }
0x7a: {  	_ =	shalt  }
0x7b: {  	_ =	shalt  }
0x7c: {  	_ =	shalt  }
0x7d: {  	_ =	shalt  }
0x7e: {  	_ =	shalt  }
0x7f: {  	_ =	shalt  }
0x80: {  	_ =	shalt  }
0x81: {  	_ =	shalt  }
0x82: {  	_ =	shalt  }
0x83: {  	_ =	shalt  }
0x84: {  	_ =	shalt  }
0x85: {  	_ =	shalt  }
0x86: {  	_ =	shalt  }
0x87: {  	_ =	shalt  }
.Lfunc_end0:
.L_simem_size_0:
called_computation.2_lowered:
.L_overlay_start_0:
0x88: {  	s2 =	sld [smem:$0x3FD9]  }
0x89: {  	s3 =	sld [smem:$0x3FFE];
	_ =	sdelay $0x1  }
0x8a: {  	s1 =	srdreg.scid  }
0x8b: {  	s0 =	sand.u32 $0x1, s1  }
0x8c: {  	s14 =	sshll.u32 s0, $0xA;
	s2 =	sadd.s32 s3, s2  }
0x8d: {  	s2 =	sadd.s32 s2, s14  }
0x8e: {  	[smem:$0x3FBD] =	sst s2  }
0x8f: {  	_ = 	snop  }
0x90: {  	s2 =	sld [smem:$0x3FD0];
	_ =	sdelay $0x2  }
0x91: {  	s15 =	simm.s32 $0xA;
	s4 =	simm.s32 $0x10  }
0x92: {  	[smem:s4], [sflag:s15] =	dma.local [hbm:s2], $0x1  }
0x93: {  	_ =	swait.eq [sflag:s15], $0x1  }
0x94: {  	[sflag:s15] =	ssyncset.done $0x0  }
0x95: {  	s16 =	sld [smem:$0x10];
	[sflag:s15] =	ssyncadd.s32 $0xFFFFFFFF  }
0x96: {  	s17 =	sld [smem:$0x11];
	(tm) =	ssettm $0x1  }
0x97: {  	s18 =	sld [smem:$0x3FFB];
	_ =	sdelay $0x3  }
0x98: {  	_ =	strace s18  }
0x99: {  	s4 =	sld [smem:$0x3FFC];
	_ =	sdelay $0x3  }
0x9a: {  	_ =	strace s4  }
0x9b: {  	s4 =	sld [smem:$0x3FFD];
	_ =	sdelay $0x3  }
0x9c: {  	_ =	strace s4  }
0x9d: {  	_ =	strace $0x8FFFFFFF  }
0x9e: {  	s19 =	sld [smem:$0x3FDB];
	_ =	sdelay $0x1  }
0x9f: {  	s5 =	simm.s32 $_scs_section_size  }
0xa0: {  	s6 =	simm.s32 $_size__tile_overlayer_lowered;
	s7 =	simm.s32 $_tile_overlayer_lowered  }
0xa1: {  	s22 =	simm.s32 $0x1BFF;
	s21 =	sshll.u32 s7, $0x1;
	s4 =	sadd.s32 s5, s19  }
0xa2: {  	s8 =	simm.s32 $0x0;
	s20 =	sshll.u32 s6, $0x1;
	s6 =	sadd.s32 s21, s4  }
0xa3: {  	[timem:s8], [sflag:s22] =	dma.local [hbm:s6], s20  }
0xa4: {  	_ =	swait.ge [sflag:s22], s20  }
0xa5: {  	s5 =	ssub.s32 $0x0, s20;
	[sflag:s22] =	ssyncset.done $0x0  }
0xa6: {  	[sflag:s22] =	ssyncadd.s32 s5;
	_ =	sdelay $0x1  }
0xa7: {  	s23 =	simm.s32 $0x1B8B  }
0xa8: {  	_ =	swait.ge [sflag:s23], $0x1  }
0xa9: {  	[sflag:s23] =	ssyncset.done $0x0  }
0xaa: {  	s25 =	simm.s32 $0x1B8E;
	s24 =	sld [smem:$0x3FFE];
	[sflag:s23] =	ssyncadd.s32 $0xFFFFFFFF  }
0xab: {  	s26 =	simm.s32 $execute0_lowered;
	[smem:$0x3FD2] =	sst s25  }
0xac: {  	s6 =	sshll.u32 s26, $0x1;
	_ =	strace $0x8000004C;
	[dreg:$0x1] =	wrdreg $0xFFFFFFFF  }
0xad: {  	s28 =	simm.s32 $_size_execute0_lowered;
	s4 =	sadd.s32 s4, s6;
	[dreg:$0x0] =	wrdreg $0x0  }
0xae: {  	s6 =	sshll.u32 s28, $0x1;
	[dreg:$0x2] =	wrdreg s4  }
0xaf: {  	[dreg:$0x3] =	wrdreg s6  }
0xb0: {  	[dreg:$0x4] =	wrdreg $0xC0  }
0xb1: {  	_ =	task [dreg:s8], $0x5FFFF  }
0xb2: {  	[dreg:$0x1] =	wrdreg $0xFFFFFFFF  }
0xb3: {  	[dreg:$0x0] =	wrdreg $0x60  }
0xb4: {  	[dreg:$0x2] =	wrdreg s17  }
0xb5: {  	[dreg:$0x3] =	wrdreg s16  }
0xb6: {  	[dreg:$0x4] =	wrdreg s24  }
0xb7: {  	[dreg:$0x5] =	wrdreg $0x9  }
0xb8: {  	_ =	task.clear_ibuf [dreg:s8], $0x6FFFF;
	_ =	strace $0x9000004C  }
0xb9: {  	s29 =	simm.s32 $0x9;
	_ =	strace $0x8000004E  }
0xba: {  	_ =	swait.ge [sflag:s29], $0x1  }
0xbb: {  	[sflag:s29] =	ssyncadd.s32 $0xFFFFFFFF  }
0xbc: {  	_ =	strace $0x9000004E  }
0xbd: {  	_ =	sfence  }
0xbe: {  	s30 =	sld [smem:$0x0];
	_ =	sdelay $0x2  }
0xbf: {  	s31 =	sshll.u32 s1, $0xD;
	s1 =	sshrl.u32 s1, $0x2  }
0xc0: {  	s3 =	sand.u32 $0x4000, s31;
	s1 =	sadd.s32 s1, s30  }
0xc1: {  	s0 =	sor.u32 s3, s0;
	s1 =	sshll.u32 s1, $0x11  }
0xc2: {  	s0 =	sor.u32 s1, s0  }
0xc3: {  	s0 =	sadd.s32 $0x8F2B, s0  }
0xc4: {  	[sflag:s0] =	ssyncadd.remote.s32 $0x1  }
0xc5: {  	_ =	sfence.sel $0xFFFF  }
0xc6: {  	[dreg:$0x0] =	wrdreg $0xFFFFFFFF;
	(pc) =	sbr.abs _section_cstart, $3  }
0xc7: {  	[dreg:$0x1] =	wrdreg $0xFFFFFFFF  }
0xc8: {  	_ =	task.clear_ibuf [dreg:s8], $0x2FFFF;
	_ =	strace $0x9FFFFFFF  }
0xc9: {  	(tm) =	ssettm $0x7FFFFFFF  }
tec
execute0_lowered:
.L_overlay_start_1:
0x0: {  	(tag) =	ssettag $0x1  }
0x1: {  	s1 =	rddreg [dreg:$0x0]  }
0x2: {  	s0 =	srdreg.scid;
	s6 =	rddreg [dreg:$0x1]  }
0x3: {  	s8 =	rddreg [dreg:$0x2];
	s3 =	simm.s32 $0x0;
	s12 =	simm.s32 $0x3000  }
0x4: {  	s13 =	simm.s32 $0x8980;
	s14 =	simm.s32 $0x6000;
	s15 =	simm.s32 $0x8800  }
0x5: {  	s16 =	simm.s32 $0x0;
	s4 =	sand.u32 $0x1, s0;
	s0 =	stileid.u32  }
0x6: {  	[smem:$0x7FF] =	sst s3;
	s2 =	sshll.u32 s4, $0x4;
	s9 =	sshll.u32 s0, $0x7  }
0x7: {  	s4 =	ssub.s32 $0x2, s4;
	s5 =	sor.u32 s0, s2;
	s2 =	rddreg [dreg:$0x3]  }
0x8: {  	s9 =	sand.u32 $0x380, s9;
	_ =	strace $0x8000004D;
	s7 =	sshrl.u32 s5, $0x3  }
0x9: {  	s11 =	sshrl.u32 s4, $0x1;
	s10 =	smul.u32 $0x18000, s7;
	s7 =	sshll.u32 s7, $0xA  }
0xa: {  	s5 =	smul.u32 $0x28, s5;
	s11 =	ssub.s32 s4, s11;
	s7 =	sor.u32 s9, s7  }
.Ltmp0:
0xb: {  	s10 =	sor.u32 s9, s10;
	s7 =	sshrl.u32 s7, $0x3;
	(pc) =	sbr.rel .LBB2_1-.Ltmp0, $4  }
0xc: {  	s9 =	simm.s32 $0x80;
	s10 =	sshrl.u32 s10, $0x3;
	s7 =	sadd.s32 s7, s8  }
0xd: {  	s31 =	sadd.s32 s10, s8;
	s8 =	sadd.s32 s5, s8;
	s4 =	sadd.s32 s6, s10  }
0xe: {  	s6 =	sadd.s32 $0x73000, s7;
	s10 =	simm.s32 $0x400;
	s5 =	sadd.s32 $0x67000, s31  }
0xf: {  	v0 =	vimm.f32 $0.0e+00;
	v1 =	vlaneseq.u32;
	s7 =	sadd.s32 $0x3400, s8;
	s8 =	smax.u32 s11, $0x1;
	s11 =	simm.s32 $0x1  }
.LBB2_3:
0x10: {  	s19 =	simm.s32 $0x3000;
	s20 =	simm.s32 $0x0  }
.LBB2_7:
0x11: {  	s19 =	sadd.s32 @p0 $0x10, s19  }
0x12: {  	s18 =	smov.u32 @p0 s19;
	s19 =	sadd.s32 @p0 $0x10, s20  }
0x13: {  	v4 =	vld [tilespmem:s18+$0x0];
	s17 =	smov.u32 @p0 s19  }
0x14: {  	v5 =	vor.u32 s17, v1  }
0x15: {  	vm0 =	vlt.s32 v5, v2  }
0x16: {  	v2 =	vld.idx.msk [tilespmem:v3+s14+$0x0], $0xffff;
	_ =	sdelay $0x4  }
0x17: {  	[tilespmem:v4+s15+$0x0] =	vst.idx.add.f32.msk vm0, v2  }
.LBB2_8:
0x18: {  	s16 =	sadd.s32 $0x1, s16  }
0x19: {  	p0 =	sne.s32 s16, s8  }
.Ltmp1:
0x1a: {  	_ = 	snop;
	(pc) =	sbr.rel @!p0 .LBB2_9-.Ltmp1, $4  }
0x1b: {  	[hbm4b:s7+s3] =	stream.linear.scatter [tilespmem:s15], [sflag:$0x1], $0x140, $0x38;
	[tilespmem:$0x8A00] =	vst v63  }
0x1c: {  	_ =	swait.ge [sflag:s11], $0x140  }
0x1d: {  	[sflag:s11] =	ssyncset.done $0x0  }
0x1e: {  	[sflag:s11] =	ssyncadd.s32 $0xFFFFFEC0  }
.LBB2_1:
0x1f: {  	[tilespmem:s3], [sflag:$0x1] =	stream.strided.gather [hbm4b:s4+s9], $0x3000, s10, s9, $0x38;
	[tilespmem:$0x8A00] =	vst v63  }
0x20: {  	_ =	swait.ge [sflag:s11], $0x3000  }
0x21: {  	[sflag:s11] =	ssyncset.done $0x0  }
0x22: {  	[sflag:s11] =	ssyncadd.s32 $0xFFFFD000  }
0x23: {  	[tilespmem:s12], [sflag:$0x1] =	stream.strided.gather [hbm4b:s5+s9], $0x3000, s10, s9, $0x38;
	[tilespmem:$0x8A00] =	vst v63  }
0x24: {  	_ =	swait.ge [sflag:s11], $0x3000  }
0x25: {  	[sflag:s11] =	ssyncset.done $0x0  }
0x26: {  	[sflag:s11] =	ssyncadd.s32 $0xFFFFD000  }
0x27: {  	[tilespmem:s13], [sflag:$0x1] =	stream.linear.gather [hbm4b:s6+s3], $0x80, $0x38;
	[tilespmem:$0x8A00] =	vst v63  }
0x28: {  	_ =	swait.ge [sflag:s11], $0x80  }
0x29: {  	[sflag:s11] =	ssyncset.done $0x0  }
0x2a: {  	[sflag:s11] =	ssyncadd.s32 $0xFFFFFF80  }
0x2b: {  	v2 =	vld [tilespmem:$0x8980];
	_ =	sdelay $0x2  }
0x2c: {  	[tilespmem:s14], [sflag:$0x1] =	stream.linear.gather [hbm4b:s1+s3], $0x2800, $0x38;
	[tilespmem:$0x8A00] =	vst v63  }
0x2d: {  	_ =	swait.ge [sflag:s11], $0x2800  }
0x2e: {  	(v2sf) =	vpush v2, $0x0;
	_ =	sdelay $0x4  }
0x2f: {  	[sflag:s11] =	ssyncset.done $0x0  }
0x30: {  	[sflag:s11] =	ssyncadd.s32 $0xFFFFD800  }
0x31: {  	[tilespmem:$0x8800] =	vst v0  }
0x32: {  	[tilespmem:$0x8810] =	vst v0  }
0x33: {  	[tilespmem:$0x8820] =	vst v0  }
0x34: {  	[tilespmem:$0x8830] =	vst v0  }
0x35: {  	[tilespmem:$0x8840] =	vst v0  }
0x36: {  	[tilespmem:$0x8850] =	vst v0  }
0x37: {  	[tilespmem:$0x8860] =	vst v0  }
0x38: {  	[tilespmem:$0x8870] =	vst v0  }
0x39: {  	[tilespmem:$0x8880] =	vst v0;
	s17 =	spop (v2sf)  }
0x3a: {  	[tilespmem:$0x8890] =	vst v0;
	s17 =	sadd.s32 $0xF, s17  }
0x3b: {  	[tilespmem:$0x88A0] =	vst v0;
	s18 =	sand.u32 $0xF, s17  }
0x3c: {  	[tilespmem:$0x88B0] =	vst v0;
	s31 =	sshra.s32 s17, $0x1F;
	p1 =	slt.s32 s17, $0x1;
	p0 =	sne.s32 s18, $0x0  }
0x3d: {  	[tilespmem:$0x88C0] =	vst v0;
	s18 =	sshrl.u32 s31, $0x1C;
	p0 =	por !p1, !p0  }
0x3e: {  	[tilespmem:$0x88D0] =	vst v0;
	s17 =	sadd.s32 s18, s17;
	s18 =	simm.s32 $0x1;
	p0 =	por !p0, !p0  }
0x3f: {  	[tilespmem:$0x88E0] =	vst v0;
	s17 =	sshra.s32 s17, $0x4;
	s18 =	simm.s32 @!p0 $0x0  }
0x40: {  	[tilespmem:$0x88F0] =	vst v0;
	s19 =	ssub.s32 s17, s18  }
0x41: {  	[tilespmem:$0x8900] =	vst v0;
	p0 =	slt.s32 s19, $0x1  }
.Ltmp2:
0x42: {  	[tilespmem:$0x8910] =	vst v0;
	(pc) =	sbr.rel @p0 .LBB2_8-.Ltmp2, $4  }
0x43: {  	[tilespmem:$0x8920] =	vst v0  }
0x44: {  	[tilespmem:$0x8930] =	vst v0  }
0x45: {  	[tilespmem:$0x8940] =	vst v0  }
0x46: {  	[tilespmem:$0x8950] =	vst v0  }
0x47: {  	p1 =	sne.s32 s19, $0x1  }
.Ltmp3:
0x48: {  	_ = 	snop;
	(pc) =	sbr.rel @!p1 .LBB2_3-.Ltmp3, $3  }
0x49: {  	s17 =	simm.s32 $0x0  }
0x4a: {  	v3 =	vld [tilespmem:s17+$0x0];
	_ =	sdelay $0x1  }
0x4b: {  	v2 =	vbroadcast v2, $0x0;
	s18 =	simm.s32 $0x3000;
	s19 =	sadd.s32 $0xFFFFFFFF, s19;
	p0 =	por $0x0, $0x0  }
0x4c: {  	_ =	sdelay $0x2  }
0x4d: {  	v4 =	vld [tilespmem:s18+$0x0]  }
0x4e: {  	v5 =	vor.u32 s17, v1  }
0x4f: {  	vm0 =	vlt.s32 v5, v2  }
0x50: {  	v3 =	vld.idx.msk [tilespmem:v3+s14+$0x0], $0xffff;
	_ =	sdelay $0x2  }
0x51: {  	p1 =	sne.s32 s19, $0x1  }
.Ltmp4:
0x52: {  	_ = 	snop;
	(pc) =	sbr.rel @!p1 .LBB2_5-.Ltmp4, $4  }
0x53: {  	s21 =	simm.s32 $0x10;
	[tilespmem:v4+s15+$0x0] =	vst.idx.add.f32.msk vm0, v3  }
0x54: {  	v3 =	vld [tilespmem:s21+$0x0]  }
0x55: {  	s22 =	sadd.s32 $0xFFFFFFFF, s19  }
0x56: {  	p0 =	por $0x1, $0x1;
	s19 =	simm.s32 $0x3000;
	s20 =	simm.s32 $0x0  }
.LBB2_6:
0x57: {  	p1 =	sne.s32 s22, $0x1;
	_ =	sdelay $0x3  }
0x58: {  	s19 =	sadd.s32 $0x10, s19  }
0x59: {  	s20 =	sadd.s32 $0x10, s20;
	v4 =	vld [tilespmem:s19+$0x0]  }
0x5a: {  	v5 =	vor.u32 s20, v1  }
0x5b: {  	vm0 =	vlt.s32 v5, v2;
	v3 =	vld.idx.msk [tilespmem:v3+s14+$0x0], $0xffff;
	_ =	sdelay $0x2  }
.Ltmp5:
0x5c: {  	(pc) =	sbr.rel @p1 .LBB2_6-.Ltmp5, $3  }
0x5d: {  	_ =	sdelay $0x1  }
0x5e: {  	s21 =	sadd.s32 $0x10, s21;
	[tilespmem:v4+s15+$0x0] =	vst.idx.add.f32.msk vm0, v3  }
0x5f: {  	s22 =	sadd.s32 $0xFFFFFFFF, s22;
	v3 =	vld [tilespmem:s21+$0x0]  }
.Ltmp6:
0x60: {  	_ = 	snop;
	(pc) =	sbr.rel .LBB2_7-.Ltmp6, $1  }
0x61: {  	_ =	sdelay $0x3  }
.LBB2_5:
.Ltmp7:
0x62: {  	(pc) =	sbr.rel .LBB2_7-.Ltmp7, $2  }
0x63: {  	_ =	sdelay $0x2  }
0x64: {  	s19 =	simm.s32 $0x3000;
	s20 =	simm.s32 $0x0  }
.LBB2_9:
0x65: {  	_ =	sfence.sel $0x180000  }
0x66: {  	[bflag:$0x0] =	sbarrier.arrive $0xFFFF  }
0x67: {  	p0 =	sne.s32 s0, $0x0;
	_ =	strace $0x9000004D  }
0x68: {  	s0 =	sadd.s32 @!p0 $0x100000, s2;
	[bflag:$0x2] =	sbarrier.arrive $0xFFFF  }
0x69: {  	[sflag:s0] =	ssyncadd.tile.s32 @!p0 $0x1;
	_ =	shalt  }
.Lfunc_end2:
_tile_overlayer_lowered:
.L_overlay_start_2:
0x6a: {  	(tag) =	ssettag $0x2  }
0x6b: {  	s0 =	rddreg [dreg:$0x0];
	s2 =	stileid.u32  }
0x6c: {  	s1 =	rddreg [dreg:$0x1];
	p0 =	sne.s32 s2, $0x0  }
0x6d: {  	s3 =	rddreg [dreg:$0x2];
	[bflag:$0x3] =	sbarrier.arrive $0xFFFF;
	s2 =	simm.s32 @!p0 $0x1C01  }
0x6e: {  	[timem:s3], [sflag:s2] =	dma.local @!p0 [hbm:s0], s1  }
0x6f: {  	s0 =	simm.s32 @!p0 $0x1  }
0x70: {  	_ =	swait.ge @!p0 [sflag:s0], s1  }
0x71: {  	s1 =	ssub.s32 @!p0 $0x0, s1;
	[sflag:s0] =	ssyncset.done @!p0 $0x0  }
0x72: {  	[sflag:s0] =	ssyncadd.s32 @!p0 s1  }
0x73: {  	[bflag:$0x3] =	sbarrier.arrive $0xFFFF  }
0x74: {  	_ =	shalt  }

// kernel: kernel.9.cloned.1.call-start
scs
__scs_entry_jumppad:
0x0: {  	(pc) =	sbr.rel $0x88, $3  }
0x1: {  	(tag) =	ssettag $0x0;
	lr =	simm.s32 $0x1  }
0x2: {  	[smem:$0x3F96] =	sst lr;
	_ =	strace $0xD0000000  }
0x3: {  	_ = 	snop  }
0x4: {  	_ = 	snop  }
0x5: {  	_ = 	snop  }
0x6: {  	_ = 	snop  }
0x7: {  	_ = 	snop  }
__scs_overlays_trampoline_lowered:
0x8: {  	[smem:$0x3FA5] =	sst s0  }
0x9: {  	[smem:$0x3FA6] =	sst s1  }
0xa: {  	[smem:$0x3FA7] =	sst s2  }
0xb: {  	[smem:$0x3FA8] =	sst s3  }
0xc: {  	[smem:$0x3FA9] =	sst s4  }
0xd: {  	[smem:$0x3FAA] =	sst s5  }
0xe: {  	[smem:$0x3FAB] =	sst s6  }
0xf: {  	[smem:$0x3FAC] =	sst s7  }
0x10: {  	[smem:$0x3FAD] =	sst s8  }
0x11: {  	[smem:$0x3FAE] =	sst s9;
	s0 =	simm.s32 @!p0 $0x0  }
0x12: {  	s1 =	sld [smem:$0x3F94];
	s0 =	simm.s32 @p0 $0x1  }
0x13: {  	[smem:$0x3FAF] =	sst s0;
	s0 =	simm.s32 @!p1 $0x0  }
0x14: {  	s2 =	sld [smem:$0x3F93];
	s0 =	simm.s32 @p1 $0x1  }
0x15: {  	[smem:$0x3FB0] =	sst s0;
	s0 =	simm.s32 @!p2 $0x0  }
0x16: {  	s3 =	sld [smem:$0x3FDB];
	s0 =	simm.s32 @p2 $0x1  }
0x17: {  	s4 =	simm.s32 $0x1BF5;
	[smem:$0x3FB2] =	sst s0  }
0x18: {  	s0 =	sld [smem:$0x3F95];
	_ =	swait.ge [sflag:s4], $0x0  }
0x19: {  	s7 =	sld [smem:$0x3F96]  }
0x1a: {  	s8 =	sadd.s32 $0xFFFFE003, lr  }
0x1b: {  	s9 =	sadd.s32 $0xFFFFFEF7, lr;
	s5 =	simm.s32 $0xFFFFFFFF;
	p2 =	slt.u32 s8, $0xFFFFF086  }
0x1c: {  	p1 =	slt.u32 s9, $0xF7A;
	s5 =	simm.s32 @!p2 $0x0  }
0x1d: {  	s5 =	simm.s32 @p1 $0x1;
	p0 =	seq.s32 s7, s2  }
0x1e: {  	s7 =	smul.u32 @!p0 $0xF7A, s2;
	p2 =	seq.s32 @!p0 s5, $0x0  }
0x1f: {  	s9 =	smul.u32 $0xF7A, s1;
	s8 =	simm.s32 @!p0 $0x1BF5;
	p2 =	por !p2, p0  }
0x20: {  	[sflag:s8] =	ssyncset.s32 @!p0 $0xFFFFF086;
	s6 =	sadd.s32 @!p0 s3, s7;
	s7 =	simm.s32 @!p0 $0x108  }
0x21: {  	s3 =	sadd.s32 s3, s9;
	s6 =	sadd.s32 @!p0 $0x88, s6;
	s7 =	simm.s32 @p2 $0x1082  }
0x22: {  	[simem:s7], [sflag:s8] =	dma.local @!p0 [hbm:s6], $0xF7A  }
0x23: {  	s9 =	sor.u32 $0xD0000000, s2;
	s6 =	simm.s32 $0x108;
	_ =	swait.ge @!p0 [sflag:s8], $0x0  }
0x24: {  	s3 =	sadd.s32 $0x88, s3;
	s6 =	simm.s32 @!p1 $0x1082;
	[sflag:s4] =	ssyncset.s32 $0xFFFFF086  }
0x25: {  	[simem:s6], [sflag:s4] =	dma.local [hbm:s3], $0xF7A  }
0x26: {  	[smem:$0x3F96] =	sst s1;
	(tag) =	ssettag s2;
	_ =	strace s9  }
0x27: {  	s1 =	sld [smem:$0x3FA6]  }
0x28: {  	s2 =	sld [smem:$0x3FA7]  }
0x29: {  	s4 =	sld [smem:$0x3FA9]  }
0x2a: {  	p0 =	seq.s32 s5, $0x0;
	s5 =	sld [smem:$0x3FAA]  }
0x2b: {  	s6 =	sld [smem:$0x3FAB]  }
0x2c: {  	s7 =	sld [smem:$0x3FAC]  }
0x2d: {  	s3 =	simm.s32 $0x108;
	s8 =	sld [smem:$0x3FAD]  }
0x2e: {  	s3 =	simm.s32 @!p0 $0x1082;
	s9 =	sld [smem:$0x3FAE]  }
0x2f: {  	lr =	sadd.s32 s0, s3;
	s0 =	sld [smem:$0x3FA5]  }
0x30: {  	s3 =	sld [smem:$0x3FA8]  }
0x31: {  	[smem:$0x3FB1] =	sst s10  }
0x32: {  	s10 =	sld [smem:$0x3FAF];
	_ =	sdelay $0x3  }
0x33: {  	p0 =	seq.s32 s10, $0x1;
	s10 =	sld [smem:$0x3FB1];
	_ =	sdelay $0x3  }
0x34: {  	[smem:$0x3FB1] =	sst s10  }
0x35: {  	s10 =	sld [smem:$0x3FB0];
	_ =	sdelay $0x3  }
0x36: {  	p1 =	seq.s32 s10, $0x1;
	s10 =	sld [smem:$0x3FB1];
	_ =	sdelay $0x3  }
0x37: {  	[smem:$0x3FB1] =	sst s10  }
0x38: {  	s10 =	sld [smem:$0x3FB2]  }
0x39: {  	_ = 	snop;
	(pc) =	sbr.ind lr, $3  }
0x3a: {  	_ = 	snop  }
0x3b: {  	_ = 	snop  }
0x3c: {  	p2 =	seq.s32 s10, $0x1;
	s10 =	sld [smem:$0x3FB1]  }
0x3d: {  	_ =	shalt  }
0x3e: {  	_ =	shalt  }
0x3f: {  	_ =	shalt  }
0x40: {  	_ =	shalt  }
0x41: {  	_ =	shalt  }
0x42: {  	_ =	shalt  }
0x43: {  	_ =	shalt  }
0x44: {  	_ =	shalt  }
0x45: {  	_ =	shalt  }
0x46: {  	_ =	shalt  }
0x47: {  	_ =	shalt  }
0x48: {  	_ =	shalt  }
0x49: {  	_ =	shalt  }
0x4a: {  	_ =	shalt  }
0x4b: {  	_ =	shalt  }
0x4c: {  	_ =	shalt  }
0x4d: {  	_ =	shalt  }
0x4e: {  	_ =	shalt  }
0x4f: {  	_ =	shalt  }
0x50: {  	_ =	shalt  }
0x51: {  	_ =	shalt  }
0x52: {  	_ =	shalt  }
0x53: {  	_ =	shalt  }
0x54: {  	_ =	shalt  }
0x55: {  	_ =	shalt  }
0x56: {  	_ =	shalt  }
0x57: {  	_ =	shalt  }
0x58: {  	_ =	shalt  }
0x59: {  	_ =	shalt  }
0x5a: {  	_ =	shalt  }
0x5b: {  	_ =	shalt  }
0x5c: {  	_ =	shalt  }
0x5d: {  	_ =	shalt  }
0x5e: {  	_ =	shalt  }
0x5f: {  	_ =	shalt  }
0x60: {  	_ =	shalt  }
0x61: {  	_ =	shalt  }
0x62: {  	_ =	shalt  }
0x63: {  	_ =	shalt  }
0x64: {  	_ =	shalt  }
0x65: {  	_ =	shalt  }
0x66: {  	_ =	shalt  }
0x67: {  	_ =	shalt  }
0x68: {  	_ =	shalt  }
0x69: {  	_ =	shalt  }
0x6a: {  	_ =	shalt  }
0x6b: {  	_ =	shalt  }
0x6c: {  	_ =	shalt  }
0x6d: {  	_ =	shalt  }
0x6e: {  	_ =	shalt  }
0x6f: {  	_ =	shalt  }
0x70: {  	_ =	shalt  }
0x71: {  	_ =	shalt  }
0x72: {  	_ =	shalt  }
0x73: {  	_ =	shalt  }
0x74: {  	_ =	shalt  }
0x75: {  	_ =	shalt  }
0x76: {  	_ =	shalt  }
0x77: {  	_ =	shalt  }
0x78: {  	_ =	shalt  }
0x79: {  	_ =	shalt  }
0x7a: {  	_ =	shalt  }
0x7b: {  	_ =	shalt  }
0x7c: {  	_ =	shalt  }
0x7d: {  	_ =	shalt  }
0x7e: {  	_ =	shalt  }
0x7f: {  	_ =	shalt  }
0x80: {  	_ =	shalt  }
0x81: {  	_ =	shalt  }
0x82: {  	_ =	shalt  }
0x83: {  	_ =	shalt  }
0x84: {  	_ =	shalt  }
0x85: {  	_ =	shalt  }
0x86: {  	_ =	shalt  }
0x87: {  	_ =	shalt  }
.Lfunc_end0:
.L_simem_size_0:
called_computation_lowered:
.L_overlay_start_0:
0x88: {  	s2 =	sld [smem:$0x3FD9]  }
0x89: {  	s3 =	sld [smem:$0x3FFE];
	_ =	sdelay $0x1  }
0x8a: {  	s1 =	srdreg.scid  }
0x8b: {  	s0 =	sand.u32 $0x1, s1  }
0x8c: {  	s14 =	sshll.u32 s0, $0xA;
	s2 =	sadd.s32 s3, s2  }
0x8d: {  	s2 =	sadd.s32 s2, s14  }
0x8e: {  	[smem:$0x3FBD] =	sst s2  }
0x8f: {  	_ = 	snop  }
0x90: {  	s2 =	sld [smem:$0x3FD0];
	_ =	sdelay $0x2  }
0x91: {  	s15 =	simm.s32 $0xA;
	s4 =	simm.s32 $0x10  }
0x92: {  	[smem:s4], [sflag:s15] =	dma.local [hbm:s2], $0x1  }
0x93: {  	_ =	swait.eq [sflag:s15], $0x1  }
0x94: {  	[sflag:s15] =	ssyncset.done $0x0  }
0x95: {  	[sflag:s15] =	ssyncadd.s32 $0xFFFFFFFF  }
0x96: {  	s16 =	sld [smem:$0x10];
	(tm) =	ssettm $0x1  }
0x97: {  	s17 =	sld [smem:$0x3FFB];
	_ =	sdelay $0x3  }
0x98: {  	_ =	strace s17  }
0x99: {  	s3 =	sld [smem:$0x3FFC];
	_ =	sdelay $0x3  }
0x9a: {  	_ =	strace s3  }
0x9b: {  	s3 =	sld [smem:$0x3FFD];
	_ =	sdelay $0x3  }
0x9c: {  	_ =	strace s3  }
0x9d: {  	_ =	strace $0x8FFFFFFF  }
0x9e: {  	s18 =	sld [smem:$0x3FDB];
	_ =	sdelay $0x1  }
0x9f: {  	s19 =	simm.s32 $_scs_section_size  }
0xa0: {  	s5 =	simm.s32 $_size__tile_overlayer_lowered;
	s6 =	simm.s32 $_tile_overlayer_lowered  }
0xa1: {  	s22 =	simm.s32 $0x1BFF;
	s21 =	sshll.u32 s6, $0x1;
	s3 =	sadd.s32 s19, s18  }
0xa2: {  	s7 =	simm.s32 $0x0;
	s20 =	sshll.u32 s5, $0x1;
	s5 =	sadd.s32 s21, s3  }
0xa3: {  	[timem:s7], [sflag:s22] =	dma.local [hbm:s5], s20  }
0xa4: {  	_ =	swait.ge [sflag:s22], s20  }
0xa5: {  	s4 =	ssub.s32 $0x0, s20;
	[sflag:s22] =	ssyncset.done $0x0  }
0xa6: {  	[sflag:s22] =	ssyncadd.s32 s4;
	_ =	sdelay $0x1  }
0xa7: {  	s23 =	simm.s32 $0x1B8B  }
0xa8: {  	_ =	swait.ge [sflag:s23], $0x1  }
0xa9: {  	[sflag:s23] =	ssyncset.done $0x0  }
0xaa: {  	s25 =	simm.s32 $0x1B8E;
	s24 =	sld [smem:$0x3FFE];
	[sflag:s23] =	ssyncadd.s32 $0xFFFFFFFF  }
0xab: {  	s26 =	simm.s32 $execute0_lowered;
	[smem:$0x3FD2] =	sst s25  }
0xac: {  	s5 =	sshll.u32 s26, $0x1;
	_ =	strace $0x80000046;
	[dreg:$0x1] =	wrdreg $0xFFFFFFFF  }
0xad: {  	s28 =	simm.s32 $_size_execute0_lowered;
	s3 =	sadd.s32 s3, s5;
	[dreg:$0x0] =	wrdreg $0x0  }
0xae: {  	s5 =	sshll.u32 s28, $0x1;
	[dreg:$0x2] =	wrdreg s3  }
0xaf: {  	[dreg:$0x3] =	wrdreg s5  }
0xb0: {  	[dreg:$0x4] =	wrdreg $0xC0  }
0xb1: {  	_ =	task [dreg:s7], $0x5FFFF  }
0xb2: {  	[dreg:$0x1] =	wrdreg $0xFFFFFFFF  }
0xb3: {  	[dreg:$0x0] =	wrdreg $0x60  }
0xb4: {  	[dreg:$0x2] =	wrdreg s24  }
0xb5: {  	[dreg:$0x3] =	wrdreg s16  }
0xb6: {  	[dreg:$0x4] =	wrdreg $0x9  }
0xb7: {  	_ =	task.clear_ibuf [dreg:s7], $0x5FFFF;
	_ =	strace $0x90000046  }
0xb8: {  	s29 =	simm.s32 $0x9;
	_ =	strace $0x80000048  }
0xb9: {  	_ =	swait.ge [sflag:s29], $0x1  }
0xba: {  	[sflag:s29] =	ssyncadd.s32 $0xFFFFFFFF  }
0xbb: {  	_ =	strace $0x90000048  }
0xbc: {  	_ =	sfence  }
0xbd: {  	s30 =	sld [smem:$0x0];
	_ =	sdelay $0x2  }
0xbe: {  	s31 =	sshll.u32 s1, $0xD;
	s1 =	sshrl.u32 s1, $0x2  }
0xbf: {  	s3 =	sand.u32 $0x4000, s31;
	s1 =	sadd.s32 s1, s30  }
0xc0: {  	s0 =	sor.u32 s3, s0;
	s1 =	sshll.u32 s1, $0x11  }
0xc1: {  	s0 =	sor.u32 s1, s0  }
0xc2: {  	s0 =	sadd.s32 $0x8F2B, s0  }
0xc3: {  	[sflag:s0] =	ssyncadd.remote.s32 $0x1  }
0xc4: {  	_ =	sfence.sel $0xFFFF  }
0xc5: {  	[dreg:$0x0] =	wrdreg $0xFFFFFFFF;
	(pc) =	sbr.abs _section_cstart, $3  }
0xc6: {  	[dreg:$0x1] =	wrdreg $0xFFFFFFFF  }
0xc7: {  	_ =	task.clear_ibuf [dreg:s7], $0x2FFFF;
	_ =	strace $0x9FFFFFFF  }
0xc8: {  	(tm) =	ssettm $0x7FFFFFFF  }
0xc9: {  	_ =	shalt  }
tec
execute0_lowered:
.L_overlay_start_1:
0x0: {  	(tag) =	ssettag $0x1  }
0x1: {  	s1 =	rddreg [dreg:$0x0]  }
0x2: {  	s0 =	srdreg.scid;
	s2 =	rddreg [dreg:$0x1]  }
0x3: {  	s4 =	stileid.u32;
	s5 =	simm.s32 $0x0;
	s12 =	simm.s32 $0x1E800  }
0x4: {  	s13 =	simm.s32 $0x3;
	s14 =	simm.s32 $0x1F000;
	s15 =	simm.s32 $0x3000  }
0x5: {  	s17 =	simm.s32 $0x80;
	s18 =	simm.s32 $0x400;
	s19 =	simm.s32 $0x1  }
0x6: {  	s22 =	simm.s32 $0x1C800;
	s23 =	simm.s32 $0x2;
	s24 =	simm.s32 $0x6000  }
0x7: {  	s25 =	simm.s32 $0x0;
	s0 =	sand.u32 $0x1, s0;
	[smem:$0x7FF] =	sst s5  }
0x8: {  	s5 =	sadd.s32 $0x35200, s1;
	s3 =	sshll.u32 s0, $0x4;
	_ =	strace $0x80000047  }
0x9: {  	s0 =	ssub.s32 $0x2, s0;
	s6 =	sor.u32 s4, s3;
	s4 =	sshll.u32 s4, $0x7  }
0xa: {  	s3 =	sadd.s32 $0x3400, s1;
	s30 =	sshrl.u32 s0, $0x1;
	s9 =	smul.u32 $0x1400, s6  }
0xb: {  	s7 =	sshrl.u32 s6, $0x3;
	s10 =	sand.u32 $0x380, s4;
	s20 =	smul.u32 $0x140, s6  }
0xc: {  	s4 =	sadd.s32 $0x2B400, s1;
	s8 =	smul.u32 $0x18000, s7;
	s7 =	sshll.u32 s7, $0xA  }
0xd: {  	s0 =	ssub.s32 s0, s30;
	s11 =	sadd.s32 s9, s1;
	s7 =	sor.u32 s10, s7  }
0xe: {  	s31 =	ssub.s32 $0x2710, s20;
	s21 =	sadd.s32 $0x140, s20;
	v0 =	vmov s20;
	s20 =	simm.s32 $0x40  }
0xf: {  	s8 =	sor.u32 s10, s8;
	s29 =	sshrl.u32 s7, $0x3;
	s6 =	smin.u32 s31, $0x140  }
0x10: {  	s10 =	sadd.s32 $0x3F000, s11;
	s11 =	smax.u32 s0, $0x1;
	s8 =	sshrl.u32 s8, $0x3  }
0x11: {  	v2 =	vimm.s32 $0x0;
	v1 =	vmov s21;
	s21 =	simm.s32 $0x1A800;
	s28 =	sadd.s32 s8, s1;
	s1 =	sadd.s32 s29, s1  }
0x12: {  	v3 =	vlaneseq.u32;
	v4 =	vimm.s32 $0x140;
	v5 =	vimm.f32 $-1.000000020e+30;
	s8 =	sadd.s32 s2, s8;
	s7 =	sadd.s32 $0x73000, s1;
	s9 =	sadd.s32 $0x67000, s28  }
.LBB2_1:
0x13: {  	s0 =	simm.s32 $0x0  }
.LBB2_2:
0x14: {  	p0 =	sne.s32 s0, $0xBFC0  }
.Ltmp0:
0x15: {  	_ = 	snop;
	(pc) =	sbr.rel @p0 .LBB2_2-.Ltmp0, $4  }
0x16: {  	_ = 	snop  }
0x17: {  	s1 =	sshra.s32 s0, $0x2  }
0x18: {  	[tilespmem:s1+$0x0] =	vst v2  }
0x19: {  	s0 =	sadd.s32 $0x40, s0;
	[tilespmem:s1+$0x3000] =	vst v2  }
0x1a: {  	s26 =	simm.s32 $0x0  }
0x1b: {  	v6 =	vor.u32 s26, v3  }
0x1c: {  	v7 =	vadd.s32 v0, v6  }
0x1d: {  	s0 =	simm.s32 $0x3000;
	[tilespmem:s26+$0x0] =	vst v7  }
0x1e: {  	s1 =	simm.s32 $0x10;
	s2 =	simm.s32 $0x0;
	[tilespmem:s0+$0x0] =	vst v6  }
.LBB2_4:
0x1f: {  	p0 =	sne.s32 s1, $0x130  }
.Ltmp1:
0x20: {  	_ = 	snop;
	(pc) =	sbr.rel @p0 .LBB2_4-.Ltmp1, $4  }
0x21: {  	v6 =	vor.u32 s1, v3  }
0x22: {  	s2 =	sadd.s32 $0x10, s2;
	v7 =	vadd.s32 v0, v6  }
0x23: {  	s0 =	sadd.s32 $0x10, s0;
	[tilespmem:s2+$0x0] =	vst v7  }
0x24: {  	s1 =	sadd.s32 $0x10, s1;
	[tilespmem:s0+$0x0] =	vst v6  }
0x25: {  	s28 =	smov.u32 s6  }
.LBB2_6:
0x26: {  	s0 =	sshll.u32 s26, $0x8  }
0x27: {  	s2 =	simm.s32 $0x0;
	s1 =	sadd.s32 s4, s0  }
0x28: {  	[tilespmem:s12], [sflag:$0x3] =	stream.linear.gather [hbm4b:s1+s2], $0x800, $0x38;
	[tilespmem:$0x1F880] =	vst v63  }
0x29: {  	_ =	swait.ge [sflag:s13], $0x800  }
0x2a: {  	[sflag:s13] =	ssyncset.done $0x0  }
0x2b: {  	s0 =	sadd.s32 s5, s0;
	[sflag:s13] =	ssyncadd.s32 $0xFFFFF800  }
0x2c: {  	[tilespmem:s14], [sflag:$0x3] =	stream.linear.gather [hbm4b:s0+s2], $0x800, $0x38;
	[tilespmem:$0x1F880] =	vst v63  }
0x2d: {  	_ =	swait.ge [sflag:s13], $0x800  }
0x2e: {  	[sflag:s13] =	ssyncset.done $0x0  }
0x2f: {  	s31 =	simm.s32 $0x0;
	[sflag:s13] =	ssyncadd.s32 $0xFFFFF800  }
0x30: {  	v6 =	vld [tilespmem:s31+$0x1E800];
	_ =	sdelay $0x1  }
0x31: {  	v7 =	vld [tilespmem:s31+$0x1E810];
	_ =	sdelay $0x2  }
0x32: {  	vm0 =	vge.s32 v6, v0;
	vm1 =	vlt.s32 v6, v1  }
0x33: {  	vm2 =	vmand vm0, vm1  }
0x34: {  	vm0 =	vge.s32 v7, v0;
	vm1 =	vlt.s32 v7, v1;
	v8 =	vmpcnt.ones.xlane vm2  }
0x35: {  	vm1 =	vmand vm0, vm1  }
0x36: {  	v9 =	vmpcnt.ones.xlane vm1;
	(v2sf) =	vpush v8, $0x0;
	_ =	sdelay $0x1  }
0x37: {  	(v2sf) =	vpush v9, $0x0;
	_ =	sdelay $0x2  }
0x38: {  	v8 =	vld [tilespmem:s31+$0x1E820]  }
0x39: {  	v62 =	vld [tilespmem:s31+$0x1E830]  }
0x3a: {  	v10 =	vld [tilespmem:s31+$0x1F000];
	_ =	sdelay $0x2  }
0x3b: {  	p0 =	slt.s32 s28, $0x2FF0;
	s1 =	smov.u32 s28;
	vm0 =	vlt.s32 v8, v1;
	vm3 =	vge.s32 v8, v0  }
0x3c: {  	s1 =	simm.s32 @!p0 $0x2FF0;
	vm4 =	vlt.s32 v62, v1;
	vm3 =	vmand vm3, vm0  }
0x3d: {  	v6 =	vsub.s32 v6, v0;
	[tilespmem:s1+$0x0] =	vst.msk vm2, v10;
	vm0 =	vge.s32 v62, v0;
	v11 =	vmpcnt.ones.xlane vm3  }
0x3e: {  	[tilespmem:s1+$0x3000] =	vst.msk vm2, v6;
	vm0 =	vmand vm0, vm4  }
0x3f: {  	v6 =	vld [tilespmem:s31+$0x1F010];
	v63 =	vmpcnt.ones.xlane vm0;
	(v2sf) =	vpush v11, $0x0  }
0x40: {  	s16 =	spop (v2sf)  }
0x41: {  	(v2sf) =	vpush v63, $0x0;
	s1 =	sadd.s32 s28, s16  }
0x42: {  	s28 =	spop (v2sf);
	p0 =	slt.s32 s1, $0x2FF0  }
0x43: {  	s2 =	sadd.s32 s28, s1;
	s1 =	simm.s32 @!p0 $0x2FF0  }
0x44: {  	[tilespmem:s1+$0x0] =	vst.msk vm1, v6;
	v6 =	vsub.s32 v7, v0  }
0x45: {  	[tilespmem:s1+$0x3000] =	vst.msk vm1, v6  }
0x46: {  	v6 =	vld [tilespmem:s31+$0x1F020];
	_ =	sdelay $0x2  }
0x47: {  	p0 =	slt.s32 s2, $0x2FF0;
	s1 =	smov.u32 s2  }
0x48: {  	s1 =	simm.s32 @!p0 $0x2FF0  }
0x49: {  	[tilespmem:s1+$0x0] =	vst.msk vm3, v6;
	v6 =	vsub.s32 v8, v0  }
0x4a: {  	[tilespmem:s1+$0x3000] =	vst.msk vm3, v6  }
0x4b: {  	v6 =	vld [tilespmem:s31+$0x1F030]  }
0x4c: {  	s30 =	spop (v2sf)  }
0x4d: {  	s29 =	sadd.s32 s30, s2  }
0x4e: {  	p0 =	slt.s32 s29, $0x2FF0;
	s31 =	spop (v2sf)  }
0x4f: {  	s0 =	sadd.s32 s31, s29;
	s29 =	simm.s32 @!p0 $0x2FF0  }
0x50: {  	s2 =	simm.s32 $0x200;
	s1 =	simm.s32 $0x100;
	p1 =	slt.s32 s0, $0x2FF0;
	[tilespmem:s29+$0x0] =	vst.msk vm0, v6;
	v6 =	vsub.s32 v62, v0  }
.LBB2_7:
0x51: {  	p0 =	sne.s32 s2, $0x1F00  }
0x52: {  	s28 =	sshra.s32 s1, $0x2;
	[tilespmem:s29+$0x3000] =	vst.msk vm0, v6;
	s1 =	smov.u32 s2;
	s2 =	sadd.s32 $0x100, s2  }
0x53: {  	v6 =	vld [tilespmem:s28+$0x1E800]  }
0x54: {  	v7 =	vld [tilespmem:s28+$0x1E810]  }
0x55: {  	v8 =	vld [tilespmem:s28+$0x1E820];
	_ =	sdelay $0x2  }
0x56: {  	vm0 =	vge.s32 v6, v0;
	vm1 =	vlt.s32 v6, v1  }
0x57: {  	vm3 =	vmand vm0, vm1;
	vm0 =	vge.s32 v7, v0;
	vm1 =	vlt.s32 v7, v1  }
0x58: {  	vm1 =	vmand vm0, vm1;
	vm0 =	vlt.s32 v8, v1;
	v9 =	vmpcnt.ones.xlane vm3  }
0x59: {  	vm2 =	vge.s32 v8, v0;
	v10 =	vmpcnt.ones.xlane vm1  }
0x5a: {  	(v2sf) =	vpush v9, $0x0  }
0x5b: {  	(v2sf) =	vpush v10, $0x0;
	_ =	sdelay $0x4  }
0x5c: {  	v9 =	vld [tilespmem:s28+$0x1E830]  }
0x5d: {  	v10 =	vld [tilespmem:s28+$0x1F000];
	_ =	sdelay $0x2  }
0x5e: {  	s29 =	smov.u32 s0  }
0x5f: {  	s29 =	simm.s32 @!p1 $0x2FF0;
	vm2 =	vmand vm2, vm0;
	vm0 =	vge.s32 v9, v0;
	vm4 =	vlt.s32 v9, v1  }
0x60: {  	v6 =	vsub.s32 v6, v0;
	v11 =	vmpcnt.ones.xlane vm2;
	vm0 =	vmand vm0, vm4;
	[tilespmem:s29+$0x0] =	vst.msk vm3, v10  }
0x61: {  	v10 =	vmpcnt.ones.xlane vm0;
	[tilespmem:s29+$0x3000] =	vst.msk vm3, v6  }
0x62: {  	v6 =	vld [tilespmem:s28+$0x1F010];
	(v2sf) =	vpush v11, $0x0  }
0x63: {  	s29 =	spop (v2sf);
	(v2sf) =	vpush v10, $0x0  }
0x64: {  	s0 =	sadd.s32 s0, s29;
	s29 =	spop (v2sf)  }
0x65: {  	s29 =	sadd.s32 s29, s0;
	p1 =	slt.s32 s0, $0x2FF0  }
0x66: {  	s0 =	simm.s32 @!p1 $0x2FF0;
	p1 =	slt.s32 s29, $0x2FF0  }
0x67: {  	[tilespmem:s0+$0x0] =	vst.msk vm1, v6;
	v6 =	vsub.s32 v7, v0  }
0x68: {  	[tilespmem:s0+$0x3000] =	vst.msk vm1, v6  }
0x69: {  	v6 =	vld [tilespmem:s28+$0x1F020];
	_ =	sdelay $0x2  }
0x6a: {  	s0 =	smov.u32 s29  }
0x6b: {  	s0 =	simm.s32 @!p1 $0x2FF0  }
0x6c: {  	[tilespmem:s0+$0x0] =	vst.msk vm2, v6;
	v6 =	vsub.s32 v8, v0  }
0x6d: {  	[tilespmem:s0+$0x3000] =	vst.msk vm2, v6  }
0x6e: {  	v6 =	vld [tilespmem:s28+$0x1F030]  }
.Ltmp2:
0x6f: {  	s0 =	spop (v2sf);
	(pc) =	sbr.rel @p0 .LBB2_7-.Ltmp2, $4  }
0x70: {  	s29 =	sadd.s32 s0, s29;
	s0 =	spop (v2sf)  }
0x71: {  	p2 =	slt.s32 s29, $0x2FF0;
	s0 =	sadd.s32 s0, s29  }
0x72: {  	p1 =	slt.s32 s0, $0x2FF0;
	s29 =	simm.s32 @!p2 $0x2FF0  }
0x73: {  	[tilespmem:s29+$0x0] =	vst.msk vm0, v6;
	v6 =	vsub.s32 v9, v0  }
0x74: {  	s1 =	sshra.s32 s1, $0x2;
	[tilespmem:s29+$0x3000] =	vst.msk vm0, v6  }
0x75: {  	v6 =	vld [tilespmem:s1+$0x1E800];
	_ =	sdelay $0x3  }
0x76: {  	v7 =	vld [tilespmem:s1+$0x1E810]  }
0x77: {  	vm12 =	vge.s32 v6, v0;
	vm1 =	vlt.s32 v6, v1  }
0x78: {  	vm1 =	vmand vm12, vm1  }
0x79: {  	v8 =	vmpcnt.ones.xlane vm1;
	_ =	sdelay $0x1  }
0x7a: {  	vm13 =	vge.s32 v7, v0;
	vm2 =	vlt.s32 v7, v1;
	(v2sf) =	vpush v8, $0x0  }
0x7b: {  	vm2 =	vmand vm13, vm2  }
0x7c: {  	v9 =	vmpcnt.ones.xlane vm2;
	_ =	sdelay $0x1  }
0x7d: {  	v61 =	vld [tilespmem:s1+$0x1E820];
	(v2sf) =	vpush v9, $0x0;
	_ =	sdelay $0x1  }
0x7e: {  	v62 =	vld [tilespmem:s1+$0x1E830];
	_ =	sdelay $0x2  }
0x7f: {  	v10 =	vld [tilespmem:s1+$0x1F000];
	vm14 =	vlt.s32 v61, v1;
	vm3 =	vge.s32 v61, v0  }
0x80: {  	vm3 =	vmand vm3, vm14  }
0x81: {  	vm15 =	vge.s32 v62, v0;
	vm4 =	vlt.s32 v62, v1;
	v11 =	vmpcnt.ones.xlane vm3  }
0x82: {  	s2 =	smov.u32 s0;
	vm0 =	vmand vm15, vm4  }
0x83: {  	s2 =	simm.s32 @!p1 $0x2FF0;
	v63 =	vmpcnt.ones.xlane vm0;
	(v2sf) =	vpush v11, $0x0  }
0x84: {  	v6 =	vsub.s32 v6, v0;
	[tilespmem:s2+$0x0] =	vst.msk vm1, v10  }
0x85: {  	[tilespmem:s2+$0x3000] =	vst.msk vm1, v6;
	s16 =	spop (v2sf);
	(v2sf) =	vpush v63, $0x0  }
0x86: {  	v6 =	vld [tilespmem:s1+$0x1F010];
	_ =	sdelay $0x1  }
0x87: {  	s0 =	sadd.s32 s0, s16  }
0x88: {  	s29 =	spop (v2sf);
	p0 =	slt.s32 s0, $0x2FF0  }
0x89: {  	s2 =	sadd.s32 s29, s0;
	s0 =	simm.s32 @!p0 $0x2FF0  }
0x8a: {  	[tilespmem:s0+$0x0] =	vst.msk vm2, v6;
	v6 =	vsub.s32 v7, v0  }
0x8b: {  	[tilespmem:s0+$0x3000] =	vst.msk vm2, v6  }
0x8c: {  	v6 =	vld [tilespmem:s1+$0x1F020];
	_ =	sdelay $0x2  }
0x8d: {  	p0 =	slt.s32 s2, $0x2FF0;
	s0 =	smov.u32 s2  }
0x8e: {  	s0 =	simm.s32 @!p0 $0x2FF0  }
0x8f: {  	s30 =	spop (v2sf);
	[tilespmem:s0+$0x0] =	vst.msk vm3, v6;
	v6 =	vsub.s32 v61, v0  }
0x90: {  	[tilespmem:s0+$0x3000] =	vst.msk vm3, v6;
	s0 =	sadd.s32 s30, s2  }
0x91: {  	s26 =	sadd.s32 $0x1, s26;
	v6 =	vld [tilespmem:s1+$0x1F030];
	p0 =	slt.s32 s0, $0x2FF0;
	s31 =	spop (v2sf)  }
0x92: {  	s28 =	sadd.s32 s31, s0;
	s0 =	simm.s32 @!p0 $0x2FF0;
	p0 =	sne.s32 s26, $0x9D  }
.Ltmp3:
0x93: {  	_ = 	snop;
	(pc) =	sbr.rel @p0 .LBB2_6-.Ltmp3, $3  }
0x94: {  	_ =	sdelay $0x1  }
0x95: {  	[tilespmem:s0+$0x0] =	vst.msk vm0, v6;
	v6 =	vsub.s32 v62, v0  }
0x96: {  	[tilespmem:s0+$0x3000] =	vst.msk vm0, v6  }
0x97: {  	p0 =	slt.s32 s28, $0x2E80;
	s0 =	smov.u32 s28  }
0x98: {  	s0 =	simm.s32 @!p0 $0x2E80  }
0x99: {  	s1 =	sand.u32 $0xF, s0  }
0x9a: {  	p6 =	slt.s32 s28, $0x1;
	p1 =	sne.s32 s1, $0x0  }
0x9b: {  	s31 =	sshra.s32 s0, $0x1F;
	p0 =	por !p6, !p1  }
0x9c: {  	s2 =	simm.s32 $0xFFFFFFFF;
	s1 =	sshrl.u32 s31, $0x1C;
	p0 =	por !p0, !p0  }
0x9d: {  	s1 =	sadd.s32 s1, s0;
	s2 =	simm.s32 @!p0 $0x0  }
0x9e: {  	s1 =	sand.u32 $0xFFFFFFF0, s1;
	s2 =	sshll.u32 s2, $0x4  }
0x9f: {  	s1 =	sadd.s32 s2, s1  }
0xa0: {  	s2 =	sadd.s32 $0x0, s1  }
0xa1: {  	v6 =	vmov s0;
	v7 =	vor.u32 s2, v3  }
0xa2: {  	s2 =	simm.s32 $0x10;
	vm0 =	vge.s32 v7, v6  }
.LBB2_10:
0xa3: {  	p0 =	sne.s32 s2, $0x100  }
.Ltmp4:
0xa4: {  	_ = 	snop;
	(pc) =	sbr.rel @p0 .LBB2_10-.Ltmp4, $4  }
0xa5: {  	_ = 	snop  }
0xa6: {  	s26 =	sadd.s32 s2, s1;
	s2 =	sadd.s32 $0x10, s2  }
0xa7: {  	v8 =	vor.u32 s26, v3  }
0xa8: {  	[tilespmem:v7+s15+$0x0] =	vst.idx.msk vm0, v4;
	vm0 =	vge.s32 v8, v6;
	v7 =	vmov v8  }
0xa9: {  	_ =	sdelay $0x4  }
0xaa: {  	[tilespmem:v7+s15+$0x0] =	vst.idx.msk vm0, v4  }
0xab: {  	s1 =	simm.s32 $0x0;
	s2 =	simm.s32 $0x1F800;
	[tilespmem:$0x1F800] =	vst v6  }
0xac: {  	[hbm4b:s7+s1] =	stream.linear.scatter [tilespmem:s2], [sflag:$0x3], $0x80, $0x38;
	[tilespmem:$0x1F880] =	vst v63  }
0xad: {  	_ =	swait.ge [sflag:s13], $0x80  }
0xae: {  	[sflag:s13] =	ssyncset.done $0x0  }
0xaf: {  	[sflag:s13] =	ssyncadd.s32 $0xFFFFFF80  }
0xb0: {  	[hbm4b:s8+s17] =	stream.strided.scatter [tilespmem:s1], [sflag:$0x3], $0x3000, s18, s17, $0x38;
	[tilespmem:$0x1F880] =	vst v63  }
0xb1: {  	_ =	swait.ge [sflag:s13], $0x3000  }
0xb2: {  	[sflag:s13] =	ssyncset.done $0x0  }
0xb3: {  	[sflag:s13] =	ssyncadd.s32 $0xFFFFD000  }
0xb4: {  	[hbm4b:s9+s17] =	stream.strided.scatter [tilespmem:s15], [sflag:$0x3], $0x3000, s18, s17, $0x38;
	[tilespmem:$0x1F880] =	vst v63  }
0xb5: {  	_ =	swait.ge [sflag:s13], $0x3000  }
0xb6: {  	[sflag:s13] =	ssyncset.done $0x0  }
0xb7: {  	s2 =	simm.s32 $0x200;
	s1 =	simm.s32 $0x0;
	[sflag:s13] =	ssyncadd.s32 $0xFFFFD000  }
.LBB2_12:
0xb8: {  	p0 =	sne.s32 s2, $0x28000;
	[tilespmem:s1+$0x10470] =	vst v5  }
0xb9: {  	[tilespmem:s1+$0x6000] =	vst v5  }
0xba: {  	[tilespmem:s1+$0x10400] =	vst v5  }
0xbb: {  	[tilespmem:s1+$0x6010] =	vst v5  }
0xbc: {  	[tilespmem:s1+$0x10410] =	vst v5  }
0xbd: {  	[tilespmem:s1+$0x6020] =	vst v5  }
0xbe: {  	[tilespmem:s1+$0x10420] =	vst v5  }
0xbf: {  	[tilespmem:s1+$0x6030] =	vst v5  }
0xc0: {  	[tilespmem:s1+$0x10430] =	vst v5  }
0xc1: {  	[tilespmem:s1+$0x6040] =	vst v5  }
0xc2: {  	[tilespmem:s1+$0x10440] =	vst v5  }
.Ltmp5:
0xc3: {  	[tilespmem:s1+$0x6050] =	vst v5;
	(pc) =	sbr.rel @p0 .LBB2_12-.Ltmp5, $4  }
0xc4: {  	[tilespmem:s1+$0x10450] =	vst v5  }
0xc5: {  	[tilespmem:s1+$0x6060] =	vst v5  }
0xc6: {  	[tilespmem:s1+$0x10460] =	vst v5  }
0xc7: {  	[tilespmem:s1+$0x6070] =	vst v5;
	s1 =	sshra.s32 s2, $0x2;
	s2 =	sadd.s32 $0x200, s2  }
0xc8: {  	s0 =	sadd.s32 $0x3F, s0  }
0xc9: {  	s2 =	sand.u32 $0x3F, s0  }
0xca: {  	p0 =	slt.s32 s28, $0xFFFFFFC2;
	s26 =	sshra.s32 s0, $0x1F;
	p1 =	sne.s32 s2, $0x0  }
0xcb: {  	[tilespmem:s1+$0x10470] =	vst v5;
	s29 =	sshrl.u32 s26, $0x1A;
	p0 =	por !p0, !p1  }
0xcc: {  	[tilespmem:s1+$0x6000] =	vst v5;
	s2 =	simm.s32 $0x1;
	s0 =	sadd.s32 s29, s0;
	p0 =	por !p0, !p0  }
0xcd: {  	[tilespmem:s1+$0x10400] =	vst v5;
	s0 =	sshra.s32 s0, $0x6;
	s2 =	simm.s32 @!p0 $0x0  }
0xce: {  	[tilespmem:s1+$0x6010] =	vst v5;
	s0 =	ssub.s32 s0, s2  }
0xcf: {  	[tilespmem:s1+$0x10410] =	vst v5;
	s2 =	sadd.s32 $0x1, s0  }
0xd0: {  	[tilespmem:s1+$0x6020] =	vst v5;
	s30 =	sand.u32 $0x1, s2  }
0xd1: {  	[tilespmem:s1+$0x10420] =	vst v5;
	p5 =	slt.s32 s0, $0x0;
	p6 =	seq.s32 s30, $0x1  }
0xd2: {  	[tilespmem:s1+$0x6030] =	vst v5;
	s31 =	sshrl.u32 s2, $0x1F;
	p0 =	por !p5, !p6  }
0xd3: {  	[tilespmem:s1+$0x10430] =	vst v5;
	s0 =	sadd.s32 s31, s2;
	s2 =	simm.s32 $0x1;
	p0 =	por !p0, !p0  }
0xd4: {  	[tilespmem:s1+$0x6040] =	vst v5;
	s0 =	sshra.s32 s0, $0x1;
	s2 =	simm.s32 @!p0 $0x0  }
0xd5: {  	[tilespmem:s1+$0x10440] =	vst v5;
	s26 =	ssub.s32 s0, s2  }
0xd6: {  	[tilespmem:s1+$0x6050] =	vst v5;
	p0 =	slt.s32 s26, $0x1  }
.Ltmp6:
0xd7: {  	[tilespmem:s1+$0x10450] =	vst v5;
	(pc) =	sbr.rel @p0 .LBB2_20-.Ltmp6, $4  }
0xd8: {  	[tilespmem:s1+$0x6060] =	vst v5  }
0xd9: {  	[tilespmem:s1+$0x10460] =	vst v5  }
0xda: {  	[tilespmem:s1+$0x6070] =	vst v5;
	s28 =	simm.s32 $0x0  }
0xdb: {  	[tilespmem:s21], [sflag:$0x1] =	stream.indirect.gather [hbm4b:s3+s20], $0x80, s28, s20, $0xb8;
	[tilespmem:$0x1F880] =	vst v63  }
0xdc: {  	s29 =	simm.s32 $0x3000;
	s30 =	simm.s32 $0x3041  }
.LBB2_15:
0xdd: {  	s0 =	sshll.u32 s28, $0x7  }
0xde: {  	v6 =	vmov s29;
	s0 =	sor.u32 $0x40, s0  }
0xdf: {  	[tilespmem:s22], [sflag:$0x2] =	stream.indirect.gather [hbm4b:s3+s20], $0x80, s0, s20, $0xb8;
	[tilespmem:$0x1F880] =	vst v63  }
0xe0: {  	_ =	swait.ge [sflag:s19], $0x2000  }
0xe1: {  	[sflag:s19] =	ssyncset.done $0x0  }
0xe2: {  	s1 =	simm.s32 $0x0;
	[sflag:s19] =	ssyncadd.s32 $0xFFFFE000  }
0xe3: {  	v7 =	vld.idx.msk [tilespmem:v6+s1+$0x0 ss:$0x1], $0xffff;
	_ =	sdelay $0x4  }
0xe4: {  	(v2sf) =	vpush v7, $0x0  }
0xe5: {  	s31 =	simm.s32 $0x1A880;
	v8 =	vld.idx.msk [tilespmem:v6+s1+$0x1 ss:$0x1], $0xffff  }
0xe6: {  	v10 =	vld [tilespmem:s31+$0x50]  }
0xe7: {  	v20 =	vld [tilespmem:s31+$0x40]  }
0xe8: {  	v21 =	vld [tilespmem:s31+$0x20]  }
0xe9: {  	v9 =	vld [tilespmem:s31+$0xFFFFFFF0]  }
0xea: {  	v11 =	vld [tilespmem:s31+$0xFFFFFFE0];
	(v2sf) =	vpush v8, $0x0  }
0xeb: {  	v12 =	vld [tilespmem:s31+$0xFFFFFFD0]  }
0xec: {  	v23 =	vld [tilespmem:s31+$0xFFFFFFC0]  }
0xed: {  	v22 =	vld [tilespmem:s31+$0xFFFFFFB0]  }
0xee: {  	v19 =	vld [tilespmem:s31+$0x10]  }
0xef: {  	v24 =	vld [tilespmem:s31+$0xFFFFFF90]  }
0xf0: {  	v25 =	vld [tilespmem:s31+$0x30]  }
0xf1: {  	v17 =	vld [tilespmem:s31+$0x0]  }
0xf2: {  	v18 =	vld [tilespmem:s31+$0xFFFFFF80]  }
0xf3: {  	v26 =	vld [tilespmem:s31+$0xFFFFFFA0];
	s2 =	spop (v2sf)  }
0xf4: {  	v7 =	vld [tilespmem:s31+$0x70];
	s0 =	sshll.u32 s2, $0x9  }
0xf5: {  	v8 =	vld [tilespmem:s31+$0x60];
	s1 =	sshra.s32 s0, $0x2  }
0xf6: {  	v13 =	vld [tilespmem:s1+$0x6070]  }
0xf7: {  	v27 =	vld [tilespmem:s1+$0x6020]  }
0xf8: {  	v30 =	vld [tilespmem:s1+$0x6000]  }
0xf9: {  	s2 =	spop (v2sf);
	v32 =	vld [tilespmem:s1+$0x6010]  }
0xfa: {  	s16 =	sshll.u32 s2, $0x9;
	v35 =	vld [tilespmem:s1+$0x6040]  }
0xfb: {  	s2 =	sshra.s32 s16, $0x2;
	v62 =	vld [tilespmem:s1+$0x6030]  }
0xfc: {  	v14 =	vld [tilespmem:s2+$0x10470]  }
0xfd: {  	v15 =	vld [tilespmem:s2+$0x10460]  }
0xfe: {  	v16 =	vld [tilespmem:s2+$0x10450]  }
0xff: {  	v33 =	vld [tilespmem:s2+$0x10400]  }
0x100: {  	v28 =	vld [tilespmem:s2+$0x10430]  }
0x101: {  	v31 =	vld [tilespmem:s2+$0x10410]  }
0x102: {  	v29 =	vld [tilespmem:s2+$0x10420]  }
0x103: {  	v34 =	vld [tilespmem:s2+$0x10440];
	v18 =	vmax.f32 v30, v18  }
0x104: {  	[tilespmem:s1+$0x6000] =	vst v18;
	v18 =	vld [tilespmem:s1+$0x6050];
	v33 =	vmax.f32 v33, v17  }
0x105: {  	v24 =	vmax.f32 v32, v24;
	v17 =	vld [tilespmem:s1+$0x6060];
	[tilespmem:s2+$0x10400] =	vst v33  }
0x106: {  	v19 =	vmax.f32 v31, v19;
	[tilespmem:s1+$0x6010] =	vst v24  }
0x107: {  	v63 =	vmax.f32 v27, v26;
	[tilespmem:s2+$0x10410] =	vst v19  }
0x108: {  	v22 =	vmax.f32 v62, v22;
	v21 =	vmax.f32 v29, v21;
	[tilespmem:s1+$0x6020] =	vst v63  }
0x109: {  	s0 =	simm.s32 $0x8;
	v20 =	vmax.f32 v34, v20;
	v19 =	vmax.f32 v28, v25;
	[tilespmem:s2+$0x10420] =	vst v21;
	v21 =	vmax.f32 v35, v23  }
.LBB2_16:
0x10a: {  	p0 =	sne.s32 s0, $0xF8  }
0x10b: {  	[tilespmem:s1+$0x6030] =	vst v22;
	s31 =	sadd.s32 $0x100, s31;
	s16 =	smov.u32 s0;
	s0 =	sadd.s32 $0x8, s0  }
0x10c: {  	v12 =	vmax.f32 v18, v12;
	[tilespmem:s2+$0x10430] =	vst v19  }
0x10d: {  	[tilespmem:s1+$0x6040] =	vst v21  }
0x10e: {  	v10 =	vmax.f32 v16, v10;
	[tilespmem:s2+$0x10440] =	vst v20  }
0x10f: {  	v11 =	vmax.f32 v17, v11;
	[tilespmem:s1+$0x6050] =	vst v12  }
0x110: {  	v8 =	vmax.f32 v15, v8;
	[tilespmem:s2+$0x10450] =	vst v10  }
0x111: {  	v9 =	vmax.f32 v13, v9;
	[tilespmem:s1+$0x6060] =	vst v11  }
0x112: {  	v7 =	vmax.f32 v14, v7;
	[tilespmem:s2+$0x10460] =	vst v8  }
0x113: {  	[tilespmem:s1+$0x6070] =	vst v9  }
0x114: {  	s1 =	sshra.s32 s16, $0x2;
	[tilespmem:s2+$0x10470] =	vst v7  }
0x115: {  	v7 =	vld.idx.msk [tilespmem:v6+s1+$0x0 ss:$0x1], $0xffff  }
0x116: {  	v8 =	vld.idx.msk [tilespmem:v6+s1+$0x1 ss:$0x1], $0xffff;
	_ =	sdelay $0x4  }
0x117: {  	(v2sf) =	vpush v7, $0x0  }
0x118: {  	(v2sf) =	vpush v8, $0x0  }
0x119: {  	v7 =	vld [tilespmem:s31+$0x70]  }
0x11a: {  	v8 =	vld [tilespmem:s31+$0x60]  }
0x11b: {  	v10 =	vld [tilespmem:s31+$0x50]  }
0x11c: {  	v20 =	vld [tilespmem:s31+$0x40]  }
0x11d: {  	v21 =	vld [tilespmem:s31+$0x20]  }
0x11e: {  	v9 =	vld [tilespmem:s31+$0xFFFFFFF0]  }
0x11f: {  	v11 =	vld [tilespmem:s31+$0xFFFFFFE0]  }
0x120: {  	v12 =	vld [tilespmem:s31+$0xFFFFFFD0]  }
0x121: {  	v23 =	vld [tilespmem:s31+$0xFFFFFFC0]  }
0x122: {  	v22 =	vld [tilespmem:s31+$0xFFFFFFB0]  }
0x123: {  	v24 =	vld [tilespmem:s31+$0x10]  }
0x124: {  	v25 =	vld [tilespmem:s31+$0xFFFFFF90]  }
0x125: {  	v17 =	vld [tilespmem:s31+$0x30]  }
0x126: {  	v26 =	vld [tilespmem:s31+$0x0];
	s1 =	spop (v2sf)  }
0x127: {  	s1 =	sshll.u32 s1, $0x9;
	v18 =	vld [tilespmem:s31+$0xFFFFFF80];
	s2 =	spop (v2sf)  }
0x128: {  	s1 =	sshra.s32 s1, $0x2;
	v19 =	vld [tilespmem:s31+$0xFFFFFFA0];
	s2 =	sshll.u32 s2, $0x9  }
0x129: {  	v13 =	vld [tilespmem:s1+$0x6070];
	s2 =	sshra.s32 s2, $0x2  }
0x12a: {  	v27 =	vld [tilespmem:s1+$0x6020]  }
0x12b: {  	v14 =	vld [tilespmem:s2+$0x10470]  }
0x12c: {  	v15 =	vld [tilespmem:s2+$0x10460]  }
0x12d: {  	v16 =	vld [tilespmem:s2+$0x10450]  }
0x12e: {  	v28 =	vld [tilespmem:s2+$0x10430]  }
0x12f: {  	v29 =	vld [tilespmem:s2+$0x10420]  }
0x130: {  	v30 =	vld [tilespmem:s1+$0x6000]  }
0x131: {  	v31 =	vld [tilespmem:s2+$0x10410]  }
0x132: {  	v27 =	vmax.f32 v27, v19;
	v32 =	vld [tilespmem:s1+$0x6010]  }
0x133: {  	v33 =	vld [tilespmem:s2+$0x10400]  }
0x134: {  	v34 =	vld [tilespmem:s2+$0x10440]  }
0x135: {  	v35 =	vld [tilespmem:s1+$0x6040];
	v18 =	vmax.f32 v30, v18  }
0x136: {  	v30 =	vld [tilespmem:s1+$0x6030];
	[tilespmem:s1+$0x6000] =	vst v18  }
0x137: {  	v19 =	vmax.f32 v28, v17;
	v18 =	vld [tilespmem:s1+$0x6050]  }
0x138: {  	v25 =	vmax.f32 v32, v25;
	v17 =	vld [tilespmem:s1+$0x6060];
	v26 =	vmax.f32 v33, v26  }
.Ltmp7:
0x139: {  	v24 =	vmax.f32 v31, v24;
	[tilespmem:s2+$0x10400] =	vst v26;
	(pc) =	sbr.rel @p0 .LBB2_16-.Ltmp7, $4  }
0x13a: {  	[tilespmem:s1+$0x6010] =	vst v25  }
0x13b: {  	v21 =	vmax.f32 v29, v21;
	v20 =	vmax.f32 v34, v20;
	[tilespmem:s2+$0x10410] =	vst v24;
	v22 =	vmax.f32 v30, v22  }
0x13c: {  	[tilespmem:s1+$0x6020] =	vst v27  }
0x13d: {  	[tilespmem:s2+$0x10420] =	vst v21;
	v21 =	vmax.f32 v35, v23  }
0x13e: {  	[tilespmem:s1+$0x6030] =	vst v22  }
0x13f: {  	[tilespmem:s2+$0x10430] =	vst v19  }
0x140: {  	[tilespmem:s1+$0x6040] =	vst v21  }
0x141: {  	v6 =	vmax.f32 v18, v12;
	[tilespmem:s2+$0x10440] =	vst v20  }
0x142: {  	v10 =	vmax.f32 v16, v10;
	[tilespmem:s1+$0x6050] =	vst v6  }
0x143: {  	v6 =	vmax.f32 v17, v11;
	[tilespmem:s2+$0x10450] =	vst v10  }
0x144: {  	v8 =	vmax.f32 v15, v8;
	[tilespmem:s1+$0x6060] =	vst v6  }
0x145: {  	s0 =	sshll.u32 s28, $0x9;
	v6 =	vmax.f32 v13, v9;
	[tilespmem:s2+$0x10460] =	vst v8  }
0x146: {  	v7 =	vmax.f32 v14, v7;
	s0 =	sshra.s32 s0, $0x2;
	[tilespmem:s1+$0x6070] =	vst v6  }
0x147: {  	s0 =	sadd.s32 $0x80, s0;
	v6 =	vmov s30;
	[tilespmem:s2+$0x10470] =	vst v7  }
0x148: {  	[tilespmem:s21], [sflag:$0x1] =	stream.indirect.gather [hbm4b:s3+s20], $0x80, s0, s20, $0xb8;
	[tilespmem:$0x1F880] =	vst v63  }
0x149: {  	_ =	swait.ge [sflag:s23], $0x2000  }
0x14a: {  	[sflag:s23] =	ssyncset.done $0x0  }
0x14b: {  	s1 =	simm.s32 $0x0;
	[sflag:s23] =	ssyncadd.s32 $0xFFFFE000  }
0x14c: {  	v7 =	vld.idx.msk [tilespmem:v6+s1+$0xFFFFFFFF ss:$0x1], $0xffff;
	_ =	sdelay $0x4  }
0x14d: {  	(v2sf) =	vpush v7, $0x0  }
0x14e: {  	s31 =	simm.s32 $0x1C880;
	v8 =	vld.idx.msk [tilespmem:v6+s1+$0x0 ss:$0x1], $0xffff  }
0x14f: {  	v10 =	vld [tilespmem:s31+$0x50]  }
0x150: {  	v20 =	vld [tilespmem:s31+$0x40]  }
0x151: {  	v21 =	vld [tilespmem:s31+$0x20]  }
0x152: {  	v9 =	vld [tilespmem:s31+$0xFFFFFFF0]  }
0x153: {  	v11 =	vld [tilespmem:s31+$0xFFFFFFE0];
	(v2sf) =	vpush v8, $0x0  }
0x154: {  	v12 =	vld [tilespmem:s31+$0xFFFFFFD0]  }
0x155: {  	v23 =	vld [tilespmem:s31+$0xFFFFFFC0]  }
0x156: {  	v22 =	vld [tilespmem:s31+$0xFFFFFFB0]  }
0x157: {  	v19 =	vld [tilespmem:s31+$0x10]  }
0x158: {  	v24 =	vld [tilespmem:s31+$0xFFFFFF90]  }
0x159: {  	v25 =	vld [tilespmem:s31+$0x30]  }
0x15a: {  	v17 =	vld [tilespmem:s31+$0x0]  }
0x15b: {  	v18 =	vld [tilespmem:s31+$0xFFFFFF80]  }
0x15c: {  	v26 =	vld [tilespmem:s31+$0xFFFFFFA0];
	s2 =	spop (v2sf)  }
0x15d: {  	v7 =	vld [tilespmem:s31+$0x70];
	s0 =	sshll.u32 s2, $0x9  }
0x15e: {  	v8 =	vld [tilespmem:s31+$0x60];
	s1 =	sshra.s32 s0, $0x2  }
0x15f: {  	v13 =	vld [tilespmem:s1+$0x6070]  }
0x160: {  	v27 =	vld [tilespmem:s1+$0x6020]  }
0x161: {  	v30 =	vld [tilespmem:s1+$0x6000]  }
0x162: {  	s16 =	spop (v2sf);
	v32 =	vld [tilespmem:s1+$0x6010]  }
0x163: {  	s16 =	sshll.u32 s16, $0x9;
	v35 =	vld [tilespmem:s1+$0x6040]  }
0x164: {  	s2 =	sshra.s32 s16, $0x2;
	v62 =	vld [tilespmem:s1+$0x6030]  }
0x165: {  	v14 =	vld [tilespmem:s2+$0x10470]  }
0x166: {  	v15 =	vld [tilespmem:s2+$0x10460]  }
0x167: {  	v16 =	vld [tilespmem:s2+$0x10450]  }
0x168: {  	v33 =	vld [tilespmem:s2+$0x10400]  }
0x169: {  	v28 =	vld [tilespmem:s2+$0x10430]  }
0x16a: {  	v31 =	vld [tilespmem:s2+$0x10410]  }
0x16b: {  	v29 =	vld [tilespmem:s2+$0x10420]  }
0x16c: {  	v34 =	vld [tilespmem:s2+$0x10440];
	v18 =	vmax.f32 v30, v18  }
0x16d: {  	[tilespmem:s1+$0x6000] =	vst v18;
	v18 =	vld [tilespmem:s1+$0x6050];
	v33 =	vmax.f32 v33, v17  }
0x16e: {  	v24 =	vmax.f32 v32, v24;
	v17 =	vld [tilespmem:s1+$0x6060];
	[tilespmem:s2+$0x10400] =	vst v33  }
0x16f: {  	v19 =	vmax.f32 v31, v19;
	[tilespmem:s1+$0x6010] =	vst v24  }
0x170: {  	v63 =	vmax.f32 v27, v26;
	[tilespmem:s2+$0x10410] =	vst v19  }
0x171: {  	v22 =	vmax.f32 v62, v22;
	v21 =	vmax.f32 v29, v21;
	[tilespmem:s1+$0x6020] =	vst v63  }
0x172: {  	s0 =	simm.s32 $0x8;
	v20 =	vmax.f32 v34, v20;
	v19 =	vmax.f32 v28, v25;
	[tilespmem:s2+$0x10420] =	vst v21;
	v21 =	vmax.f32 v35, v23  }
.LBB2_18:
0x173: {  	p0 =	sne.s32 s0, $0xF8  }
0x174: {  	[tilespmem:s1+$0x6030] =	vst v22;
	s31 =	sadd.s32 $0x100, s31;
	s16 =	smov.u32 s0;
	s0 =	sadd.s32 $0x8, s0  }
0x175: {  	v12 =	vmax.f32 v18, v12;
	[tilespmem:s2+$0x10430] =	vst v19  }
0x176: {  	[tilespmem:s1+$0x6040] =	vst v21  }
0x177: {  	v10 =	vmax.f32 v16, v10;
	[tilespmem:s2+$0x10440] =	vst v20  }
0x178: {  	v11 =	vmax.f32 v17, v11;
	[tilespmem:s1+$0x6050] =	vst v12  }
0x179: {  	v8 =	vmax.f32 v15, v8;
	[tilespmem:s2+$0x10450] =	vst v10  }
0x17a: {  	v9 =	vmax.f32 v13, v9;
	[tilespmem:s1+$0x6060] =	vst v11  }
0x17b: {  	v7 =	vmax.f32 v14, v7;
	[tilespmem:s2+$0x10460] =	vst v8  }
0x17c: {  	[tilespmem:s1+$0x6070] =	vst v9  }
0x17d: {  	s1 =	sshra.s32 s16, $0x2;
	[tilespmem:s2+$0x10470] =	vst v7  }
0x17e: {  	v7 =	vld.idx.msk [tilespmem:v6+s1+$0xFFFFFFFF ss:$0x1], $0xffff  }
0x17f: {  	v8 =	vld.idx.msk [tilespmem:v6+s1+$0x0 ss:$0x1], $0xffff;
	_ =	sdelay $0x4  }
0x180: {  	(v2sf) =	vpush v7, $0x0  }
0x181: {  	(v2sf) =	vpush v8, $0x0  }
0x182: {  	v7 =	vld [tilespmem:s31+$0x70]  }
0x183: {  	v8 =	vld [tilespmem:s31+$0x60]  }
0x184: {  	v10 =	vld [tilespmem:s31+$0x50]  }
0x185: {  	v20 =	vld [tilespmem:s31+$0x40]  }
0x186: {  	v21 =	vld [tilespmem:s31+$0x20]  }
0x187: {  	v9 =	vld [tilespmem:s31+$0xFFFFFFF0]  }
0x188: {  	v11 =	vld [tilespmem:s31+$0xFFFFFFE0]  }
0x189: {  	v12 =	vld [tilespmem:s31+$0xFFFFFFD0]  }
0x18a: {  	v23 =	vld [tilespmem:s31+$0xFFFFFFC0]  }
0x18b: {  	v22 =	vld [tilespmem:s31+$0xFFFFFFB0]  }
0x18c: {  	v24 =	vld [tilespmem:s31+$0x10]  }
0x18d: {  	v25 =	vld [tilespmem:s31+$0xFFFFFF90]  }
0x18e: {  	v17 =	vld [tilespmem:s31+$0x30]  }
0x18f: {  	v26 =	vld [tilespmem:s31+$0x0];
	s1 =	spop (v2sf)  }
0x190: {  	s1 =	sshll.u32 s1, $0x9;
	v18 =	vld [tilespmem:s31+$0xFFFFFF80];
	s2 =	spop (v2sf)  }
0x191: {  	s1 =	sshra.s32 s1, $0x2;
	v19 =	vld [tilespmem:s31+$0xFFFFFFA0];
	s2 =	sshll.u32 s2, $0x9  }
0x192: {  	v13 =	vld [tilespmem:s1+$0x6070];
	s2 =	sshra.s32 s2, $0x2  }
0x193: {  	v27 =	vld [tilespmem:s1+$0x6020]  }
0x194: {  	v14 =	vld [tilespmem:s2+$0x10470]  }
0x195: {  	v15 =	vld [tilespmem:s2+$0x10460]  }
0x196: {  	v16 =	vld [tilespmem:s2+$0x10450]  }
0x197: {  	v28 =	vld [tilespmem:s2+$0x10430]  }
0x198: {  	v29 =	vld [tilespmem:s2+$0x10420]  }
0x199: {  	v30 =	vld [tilespmem:s1+$0x6000]  }
0x19a: {  	v31 =	vld [tilespmem:s2+$0x10410]  }
0x19b: {  	v27 =	vmax.f32 v27, v19;
	v32 =	vld [tilespmem:s1+$0x6010]  }
0x19c: {  	v33 =	vld [tilespmem:s2+$0x10400]  }
0x19d: {  	v34 =	vld [tilespmem:s2+$0x10440]  }
0x19e: {  	v35 =	vld [tilespmem:s1+$0x6040];
	v18 =	vmax.f32 v30, v18  }
0x19f: {  	v30 =	vld [tilespmem:s1+$0x6030];
	[tilespmem:s1+$0x6000] =	vst v18  }
0x1a0: {  	v19 =	vmax.f32 v28, v17;
	v18 =	vld [tilespmem:s1+$0x6050]  }
0x1a1: {  	v25 =	vmax.f32 v32, v25;
	v17 =	vld [tilespmem:s1+$0x6060];
	v26 =	vmax.f32 v33, v26  }
.Ltmp8:
0x1a2: {  	v24 =	vmax.f32 v31, v24;
	[tilespmem:s2+$0x10400] =	vst v26;
	(pc) =	sbr.rel @p0 .LBB2_18-.Ltmp8, $4  }
0x1a3: {  	[tilespmem:s1+$0x6010] =	vst v25  }
0x1a4: {  	v21 =	vmax.f32 v29, v21;
	v20 =	vmax.f32 v34, v20;
	[tilespmem:s2+$0x10410] =	vst v24;
	v22 =	vmax.f32 v30, v22  }
0x1a5: {  	[tilespmem:s1+$0x6020] =	vst v27  }
0x1a6: {  	[tilespmem:s2+$0x10420] =	vst v21;
	v21 =	vmax.f32 v35, v23  }
0x1a7: {  	[tilespmem:s1+$0x6030] =	vst v22  }
0x1a8: {  	[tilespmem:s2+$0x10430] =	vst v19  }
0x1a9: {  	[tilespmem:s1+$0x6040] =	vst v21  }
0x1aa: {  	v6 =	vmax.f32 v18, v12;
	s28 =	sadd.s32 $0x1, s28;
	[tilespmem:s2+$0x10440] =	vst v20  }
0x1ab: {  	v10 =	vmax.f32 v16, v10;
	p0 =	sne.s32 s28, s26;
	[tilespmem:s1+$0x6050] =	vst v6  }
.Ltmp9:
0x1ac: {  	v6 =	vmax.f32 v17, v11;
	[tilespmem:s2+$0x10450] =	vst v10;
	(pc) =	sbr.rel @p0 .LBB2_15-.Ltmp9, $4  }
0x1ad: {  	v8 =	vmax.f32 v15, v8;
	[tilespmem:s1+$0x6060] =	vst v6  }
0x1ae: {  	v6 =	vmax.f32 v13, v9;
	[tilespmem:s2+$0x10460] =	vst v8  }
0x1af: {  	v7 =	vmax.f32 v14, v7;
	[tilespmem:s1+$0x6070] =	vst v6  }
0x1b0: {  	s29 =	sadd.s32 $0x80, s29;
	s30 =	sadd.s32 $0x80, s30;
	[tilespmem:s2+$0x10470] =	vst v7  }
.LBB2_20:
0x1b1: {  	_ =	swait.ge [sflag:s19], $0x2000  }
0x1b2: {  	[sflag:s19] =	ssyncset.done $0x0  }
0x1b3: {  	s0 =	simm.s32 $0x0;
	[sflag:s19] =	ssyncadd.s32 $0xFFFFE000  }
0x1b4: {  	v12 =	vld [tilespmem:s0+$0x10400]  }
0x1b5: {  	v14 =	vld [tilespmem:s0+$0x10410]  }
0x1b6: {  	v11 =	vld [tilespmem:s0+$0x10420]  }
0x1b7: {  	v10 =	vld [tilespmem:s0+$0x10430]  }
0x1b8: {  	v9 =	vld [tilespmem:s0+$0x10440]  }
0x1b9: {  	v8 =	vld [tilespmem:s0+$0x10450]  }
0x1ba: {  	v7 =	vld [tilespmem:s0+$0x10460]  }
0x1bb: {  	v6 =	vld [tilespmem:s0+$0x10470]  }
0x1bc: {  	v17 =	vld [tilespmem:s0+$0x6000]  }
0x1bd: {  	v18 =	vld [tilespmem:s0+$0x6010]  }
0x1be: {  	v16 =	vld [tilespmem:s0+$0x6020]  }
0x1bf: {  	v15 =	vld [tilespmem:s0+$0x6030]  }
0x1c0: {  	v13 =	vld [tilespmem:s0+$0x6040]  }
0x1c1: {  	v17 =	vmax.f32 v17, v12;
	v12 =	vld [tilespmem:s0+$0x6050]  }
0x1c2: {  	s1 =	simm.s32 $0x200;
	[tilespmem:s0+$0x6000] =	vst v17;
	v17 =	vmax.f32 v18, v14;
	v14 =	vld [tilespmem:s0+$0x6060]  }
.LBB2_21:
0x1c3: {  	s2 =	sshra.s32 s1, $0x2;
	p0 =	sne.s32 s1, $0x27E00;
	[tilespmem:s0+$0x6010] =	vst v17;
	v11 =	vmax.f32 v16, v11;
	v16 =	vld [tilespmem:s0+$0x6070]  }
0x1c4: {  	v17 =	vld [tilespmem:s2+$0x10400];
	[tilespmem:s0+$0x6020] =	vst v11;
	v10 =	vmax.f32 v15, v10  }
0x1c5: {  	v18 =	vld [tilespmem:s2+$0x10410];
	[tilespmem:s0+$0x6030] =	vst v10;
	v9 =	vmax.f32 v13, v9  }
0x1c6: {  	v11 =	vld [tilespmem:s2+$0x10420];
	[tilespmem:s0+$0x6040] =	vst v9;
	v8 =	vmax.f32 v12, v8  }
0x1c7: {  	v10 =	vld [tilespmem:s2+$0x10430];
	[tilespmem:s0+$0x6050] =	vst v8;
	v7 =	vmax.f32 v14, v7  }
0x1c8: {  	v9 =	vld [tilespmem:s2+$0x10440];
	[tilespmem:s0+$0x6060] =	vst v7;
	v6 =	vmax.f32 v16, v6  }
0x1c9: {  	v8 =	vld [tilespmem:s2+$0x10450];
	[tilespmem:s0+$0x6070] =	vst v6;
	s0 =	smov.u32 s2  }
0x1ca: {  	v7 =	vld [tilespmem:s0+$0x10460]  }
0x1cb: {  	v6 =	vld [tilespmem:s0+$0x10470]  }
0x1cc: {  	v12 =	vld [tilespmem:s0+$0x6000]  }
0x1cd: {  	v14 =	vld [tilespmem:s0+$0x6010]  }
.Ltmp10:
0x1ce: {  	v16 =	vld [tilespmem:s0+$0x6020];
	(pc) =	sbr.rel @p0 .LBB2_21-.Ltmp10, $4  }
0x1cf: {  	v15 =	vld [tilespmem:s0+$0x6030]  }
0x1d0: {  	v13 =	vld [tilespmem:s0+$0x6040]  }
0x1d1: {  	v17 =	vmax.f32 v12, v17;
	v12 =	vld [tilespmem:s0+$0x6050]  }
0x1d2: {  	s1 =	sadd.s32 $0x200, s1;
	[tilespmem:s0+$0x6000] =	vst v17;
	v17 =	vmax.f32 v14, v18;
	v14 =	vld [tilespmem:s0+$0x6060]  }
0x1d3: {  	[tilespmem:s0+$0x6010] =	vst v17;
	v11 =	vmax.f32 v16, v11;
	v63 =	vld [tilespmem:s0+$0x6070]  }
0x1d4: {  	[tilespmem:s0+$0x6020] =	vst v11;
	v10 =	vmax.f32 v15, v10  }
0x1d5: {  	[tilespmem:s0+$0x6030] =	vst v10;
	v9 =	vmax.f32 v13, v9  }
0x1d6: {  	[tilespmem:s0+$0x6040] =	vst v9;
	v8 =	vmax.f32 v12, v8  }
0x1d7: {  	s25 =	sadd.s32 $0x1, s25;
	[tilespmem:s0+$0x6050] =	vst v8;
	v7 =	vmax.f32 v14, v7  }
0x1d8: {  	p0 =	sne.s32 s25, s11;
	[tilespmem:s0+$0x6060] =	vst v7;
	v6 =	vmax.f32 v63, v6  }
.Ltmp11:
0x1d9: {  	s31 =	simm.s32 $0x0;
	[tilespmem:s0+$0x6070] =	vst v6;
	(pc) =	sbr.rel @p0 .LBB2_1-.Ltmp11, $4  }
0x1da: {  	[hbm4b:s10+s31] =	stream.linear.scatter [tilespmem:s24], [sflag:$0x3], $0xA000, $0x38;
	[tilespmem:$0x1F880] =	vst v63  }
0x1db: {  	_ =	swait.ge [sflag:s13], $0xA000  }
0x1dc: {  	[sflag:s13] =	ssyncset.done $0x0  }
0x1dd: {  	[sflag:s13] =	ssyncadd.s32 $0xFFFF6000  }
0x1de: {  	_ =	sfence.sel $0x180000  }
0x1df: {  	[bflag:$0x0] =	sbarrier.arrive $0xFFFF  }
0x1e0: {  	_ =	strace $0x90000047  }
0x1e1: {  	s0 =	stileid.u32;
	[bflag:$0x2] =	sbarrier.arrive $0xFFFF  }
0x1e2: {  	p0 =	sne.s32 s0, $0x0;
	s0 =	rddreg [dreg:$0x2]  }
0x1e3: {  	s0 =	sadd.s32 @!p0 $0x100000, s0  }
0x1e4: {  	[sflag:s0] =	ssyncadd.tile.s32 @!p0 $0x1;
	_ =	shalt  }
.Lfunc_end2:
_tile_overlayer_lowered:
.L_overlay_start_2:
0x1e5: {  	(tag) =	ssettag $0x2  }
0x1e6: {  	s0 =	rddreg [dreg:$0x0];
	s2 =	stileid.u32  }
0x1e7: {  	s1 =	rddreg [dreg:$0x1];
	p0 =	sne.s32 s2, $0x0  }
0x1e8: {  	s3 =	rddreg [dreg:$0x2];
	[bflag:$0x3] =	sbarrier.arrive $0xFFFF;
	s2 =	simm.s32 @!p0 $0x1C03  }
0x1e9: {  	[timem:s3], [sflag:s2] =	dma.local @!p0 [hbm:s0], s1  }
0x1ea: {  	s0 =	simm.s32 @!p0 $0x3  }
0x1eb: {  	_ =	swait.ge @!p0 [sflag:s0], s1  }
0x1ec: {  	s1 =	ssub.s32 @!p0 $0x0, s1;
	[sflag:s0] =	ssyncset.done @!p0 $0x0  }
0x1ed: {  	[sflag:s0] =	ssyncadd.s32 @!p0 s1  }
0x1ee: {  	[bflag:$0x3] =	sbarrier.arrive $0xFFFF  }
0x1ef: {  	_ =	shalt  }

</sc_bundles>
